<compile_context>
chip_gen: v7x
topology: tpu7x:2x2x1
jax: 0.10.2.dev20260603
libtpu: 0.0.44.dev20260713+nightly
codegen_flags: <defaults>
</compile_context>

<pallas_src>
import jax
import jax.numpy as jnp
from jax import lax
from jax.experimental import pallas as pl
from jax.experimental.pallas import tpu as pltpu
from jax.experimental.pallas import tpu_sc as plsc

N = 100000
D = 128
NUM_GRAPHS = 64
NUM_CLASS = 2

NC = 2
NS = 16
NW = NC * NS
NV = D // 16

CH = 128
GRP = 3
GROUPS = 260
FULL_CHUNKS = N // CH
TAIL = N - FULL_CHUNKS * CH
K_ITERS = (GROUPS + NW - 1) // NW
ACC_ROWS = 128
SEG_PAD = 72
NPAD = 784 * 128


def _sc_body(x_hbm, batch_hbm, part_out, xbuf, ibufA, ibufB, acc, idbuf,
             mixbuf, pos, acc_sh, xsemA, xsemB, isemA, isemB):
  sid = lax.axis_index("s")
  cid = lax.axis_index("c")
  wid = sid * NC + cid

  zero16 = jnp.zeros((16,), jnp.float32)
  lanes = lax.iota(jnp.int32, 16)

  def init_row(r, _):
    for v in range(NV):
      acc[r, pl.ds(16 * v, 16)] = zero16
    return 0
  lax.fori_loop(0, ACC_ROWS, init_row, 0)

  for j in range(CH // 16):
    vals = lanes + 16 * j
    idbuf[0, pl.ds(16 * j, 16)] = jnp.where(vals < SEG_PAD, vals,
                                            NUM_GRAPHS)
  pos[0] = 0

  @pl.when(sid == 0)
  def _():
    pltpu.sync_copy(acc.at[pl.ds(0, SEG_PAD)], acc_sh)

  plsc.subcore_barrier()

  def start_gather(g, b):
    xsem = xsemA if b == 0 else xsemB
    isem = isemA if b == 0 else isemB
    group = wid + NW * g

    @pl.when(group < GROUPS)
    def _():
      base = group * (GRP * CH)
      ibuf = ibufA if b == 0 else ibufB
      pltpu.async_copy(x_hbm.at[pl.ds(base, GRP * CH)], xbuf.at[b], xsem)
      pltpu.async_copy(batch_hbm.at[pl.ds(base, GRP * CH)], ibuf, isem)

  def sum_rows(b, lo, hi, unroll):
    def rbody(r, carry):
      return tuple(carry[v] + xbuf[b, r, pl.ds(16 * v, 16)]
                   for v in range(NV))
    return lax.fori_loop(lo, hi, rbody, (zero16,) * NV, unroll=unroll)

  def consume(g, b):
    xsem = xsemA if b == 0 else xsemB
    isem = isemA if b == 0 else isemB
    group = wid + NW * g

    @pl.when(group < GROUPS)
    def _():
      ibuf = ibufA if b == 0 else ibufB
      pltpu.make_async_copy(x_hbm.at[pl.ds(0, GRP * CH)], xbuf.at[b],
                            xsem).wait()
      pltpu.make_async_copy(batch_hbm.at[pl.ds(0, GRP * CH)], ibuf,
                            isem).wait()
      for c in range(GRP):
        smn = ibuf[pl.ds(c * CH, 16)][0]
        smx = ibuf[pl.ds(c * CH + CH - 16, 16)][15]

        @pl.when(smn == smx)
        def _():
          sm = sum_rows(b, c * CH, (c + 1) * CH, unroll=4)
          for v in range(NV):
            sl = pl.ds(16 * v, 16)
            acc[smn, sl] = acc[smn, sl] + sm[v]

        @pl.when(smn != smx)
        def _():
          cnt = pos[0]
          pos[cnt + 1] = group * (GRP * CH) + c * CH
          pos[0] = cnt + 1

  start_gather(0, 0)

  def pair_body(kk, _):
    g0 = 2 * kk
    start_gather(g0 + 1, 1)
    consume(g0, 0)
    start_gather(g0 + 2, 0)
    consume(g0 + 1, 1)
    return 0

  lax.fori_loop(0, (K_ITERS + 1) // 2, pair_body, 0)

  def mixed_body(m, _):
    base = pl.multiple_of(pos[m + 1], CH)
    pltpu.sync_copy(x_hbm.at[pl.ds(base, CH)], xbuf.at[0, pl.ds(0, CH)])
    pltpu.sync_copy(batch_hbm.at[pl.ds(base, CH)], mixbuf.at[0])
    pltpu.sync_copy(xbuf.at[0, pl.ds(0, CH)], acc_sh.at[mixbuf.at[0]],
                    add=True)
    return 0

  lax.fori_loop(0, pos[0], mixed_body, 0)

  @pl.when(wid == NW - 1)
  def _():
    base = GROUPS * (GRP * CH)
    pltpu.sync_copy(x_hbm.at[pl.ds(base, CH)], xbuf.at[0, pl.ds(0, CH)])
    pltpu.sync_copy(batch_hbm.at[pl.ds(base, CH)], mixbuf.at[0])
    pltpu.sync_copy(xbuf.at[0, pl.ds(0, CH)], acc_sh.at[mixbuf.at[0]],
                    add=True)

    tbase = FULL_CHUNKS * CH
    pltpu.sync_copy(x_hbm.at[pl.ds(tbase, TAIL)],
                    xbuf.at[0, pl.ds(0, TAIL)])
    pltpu.sync_copy(batch_hbm.at[pl.ds(tbase, TAIL)],
                    mixbuf.at[0, pl.ds(0, TAIL)])
    dummy = jnp.full((16,), NUM_GRAPHS, jnp.int32)
    for j in range((CH - TAIL) // 16):
      mixbuf[0, pl.ds(TAIL + 16 * j, 16)] = dummy
    pltpu.sync_copy(xbuf.at[0, pl.ds(0, CH)], acc_sh.at[mixbuf.at[0]],
                    add=True)

  pltpu.sync_copy(acc.at[pl.ds(0, CH)], acc_sh.at[idbuf.at[0]], add=True)
  plsc.subcore_barrier()

  @pl.when(sid == 0)
  def _():
    pltpu.sync_copy(acc_sh, part_out.at[cid])


@jax.jit
def _sc_segment_sums(x, batch32):
  mesh = plsc.VectorSubcoreMesh(core_axis_name="c", subcore_axis_name="s")
  f = pl.kernel(
      _sc_body,
      out_type=jax.ShapeDtypeStruct((NC, SEG_PAD, D), jnp.float32),
      mesh=mesh,
      scratch_types=[
          pltpu.VMEM((2, GRP * CH, D), jnp.float32),
          pltpu.VMEM((GRP * CH,), jnp.int32),
          pltpu.VMEM((GRP * CH,), jnp.int32),
          pltpu.VMEM((ACC_ROWS, D), jnp.float32),
          pltpu.VMEM((8, CH), jnp.int32),
          pltpu.VMEM((8, CH), jnp.int32),
          pltpu.SMEM((40,), jnp.int32),
          pltpu.VMEM_SHARED((SEG_PAD, D), jnp.float32),
          pltpu.SemaphoreType.DMA,
          pltpu.SemaphoreType.DMA,
          pltpu.SemaphoreType.DMA,
          pltpu.SemaphoreType.DMA,
      ],
  )
  return f(x, batch32)


def _tc_counts_body(b2_ref, out_ref):
  b2 = b2_ref[...]
  for g in range(NUM_GRAPHS):
    s = jnp.sum((b2 == g).astype(jnp.float32))
    out_ref[pl.ds(g, 1), :] = jnp.zeros((1, D), jnp.float32) + s


@jax.jit
def _tc_counts(b2):
  return pl.pallas_call(
      _tc_counts_body,
      out_shape=jax.ShapeDtypeStruct((NUM_GRAPHS, D), jnp.float32),
  )(b2)


def _tc_body(part_ref, cnt_ref, w_ref, b_ref, out_ref):
  sums = jnp.sum(part_ref[...], axis=0)[:NUM_GRAPHS]
  counts = cnt_ref[...][:, 0]
  pooled = sums / jnp.maximum(counts, 1.0)[:, None]
  out_ref[...] = (
      jnp.dot(pooled, w_ref[...].T, preferred_element_type=jnp.float32)
      + b_ref[...]
  )


@jax.jit
def _tc_finish(part, cnt, W, b2d):
  return pl.pallas_call(
      _tc_body,
      out_shape=jax.ShapeDtypeStruct((NUM_GRAPHS, NUM_CLASS), jnp.float32),
  )(part, cnt, W, b2d)


def kernel(x, batch, W, b):
  batch32 = batch.astype(jnp.int32)
  part = _sc_segment_sums(x, batch32)
  bpad = jnp.pad(batch32, (0, NPAD - N),
                 constant_values=NUM_GRAPHS).reshape(-1, 128)
  cnt = _tc_counts(bpad)
  return _tc_finish(part, cnt, W, b.reshape(1, NUM_CLASS))

# --- scband reference (transcript-rebuilt; emitter-appended) ---
"""Pipeline reference for scband-graph-transformer-78305843740939 (READ-ONLY COPY).

The authoritative reference and input builder live on the scoring server;
editing this copy changes nothing except your own understanding.
"""

import jax, jax.numpy as jnp
import numpy as np

N = 100000
D = 128
NUM_GRAPHS = 64
NUM_CLASS = 2


def setup_inputs(seed: int = 0) -> dict:
    key = jax.random.key(seed)
    k1, k2, k3, k4 = jax.random.split(key, 4)
    x = jax.random.normal(k1, (N, D), dtype=jnp.float32)
    batch = jnp.sort(jax.random.randint(k2, (N,), 0, NUM_GRAPHS, dtype=jnp.int64))
    # classifier params (nn.Linear(hidden_dim, num_class))
    W = jax.random.normal(k3, (NUM_CLASS, D), dtype=jnp.float32) * (1.0 / np.sqrt(D))
    b = jax.random.normal(k4, (NUM_CLASS,), dtype=jnp.float32) * 0.01
    return {"x": x, "batch": batch, "W": W, "b": b}


def global_mean_pool(x, batch, num_segments):
    sums = jax.ops.segment_sum(x, batch, num_segments=num_segments)
    counts = jax.ops.segment_sum(jnp.ones((x.shape[0],), dtype=x.dtype), batch,
                                 num_segments=num_segments)
    counts = jnp.maximum(counts, 1.0)
    return sums / counts[:, None]


def reference(x, batch, W, b):
    # node_feature_encoder = Identity; encoder layers are identity ops
    pooled = global_mean_pool(x, batch, NUM_GRAPHS)  # [num_graphs, D]
    logits = pooled @ W.T + b  # [num_graphs, num_class]
    return logits

if __name__ == "__main__":
    import jax
    _d = setup_inputs()
    print(jax.jit(kernel)(*tuple(_d.values())))

</pallas_src>

<mosaic_0001>
#map = affine_map<(d0, d1) -> (0, 0)>
#map1 = affine_map<(d0, d1) -> (0)>
#map2 = affine_map<(d0, d1) -> (0, 0, 0)>
module attributes {stable_mosaic.version = 14 : i64} {
  func.func @_sc_body(%arg0: i32, %arg1: i32, %arg2: memref<100000x128xf32, #tpu.memory_space<hbm>>, %arg3: memref<100000xi32, #tpu.memory_space<hbm>>, %arg4: memref<2x72x128xf32, #tpu.memory_space<hbm>>, %arg5: memref<2x384x128xf32, #tpu.memory_space<vmem>>, %arg6: memref<384xi32, #tpu.memory_space<vmem>>, %arg7: memref<384xi32, #tpu.memory_space<vmem>>, %arg8: memref<128x128xf32, #tpu.memory_space<vmem>>, %arg9: memref<8x128xi32, #tpu.memory_space<vmem>>, %arg10: memref<8x128xi32, #tpu.memory_space<vmem>>, %arg11: memref<40xi32, #tpu.memory_space<smem>>, %arg12: memref<72x128xf32, #tpu.memory_space<vmem_shared>>, %arg13: memref<!tpu.dma_semaphore, #tpu.memory_space<semaphore_mem>>, %arg14: memref<!tpu.dma_semaphore, #tpu.memory_space<semaphore_mem>>, %arg15: memref<!tpu.dma_semaphore, #tpu.memory_space<semaphore_mem>>, %arg16: memref<!tpu.dma_semaphore, #tpu.memory_space<semaphore_mem>>) attributes {dimension_semantics = [#tpu.dimension_semantics<core_parallel>, #tpu.dimension_semantics<subcore_parallel>], iteration_bounds = array<i64: 2, 16>, scalar_prefetch = 0 : i64, scratch_operands = 12 : i64, tpu.core_type = #tpu.core_type<sc_vector_subcore>, window_params = [{transform_indices = #map}, {transform_indices = #map1}, {transform_indices = #map2}]} {
    %mul3A = arith.constant 2 : i32
    %mul3A_0 = arith.muli %arg1, %mul3A : i32
    %add3A = arith.addi %mul3A_0, %arg0 : i32
    %broadcast_in_dim3A = arith.constant 0.000000e+00 : f32
    %broadcast_in_dim3A_1 = vector.broadcast %broadcast_in_dim3A : f32 to vector<16xf32>
    %iota3A = tpu.iota {dimensions = array<i32: 0>} : vector<16xi32>
    %scan3A = arith.constant 0 : i32
    %scan3A_2 = arith.constant 0 : i32
    %scan3A_3 = arith.constant 128 : i32
    %scan3A_4 = arith.addi %scan3A_2, %scan3A_3 : i32
    %scan3A_5 = arith.constant 1 : i32
    %scan3A_6 = scf.for %scan3A_168 = %scan3A_2 to %scan3A_4 step %scan3A_5 iter_args(%scan3A_169 = %scan3A) -> (i32)  : i32 {
      %swap3A_170 = arith.index_cast %scan3A_168 : i32 to index
      %swap3A_171 = arith.constant 0 : index
      %swap3A_172 = tpu.vector_load %arg8[%swap3A_170, %swap3A_171] {strides = array<i32>} : memref<128x128xf32, #tpu.memory_space<vmem>>, vector<1x16xf32>,
      %swap3A_173 = vector.shape_cast %swap3A_172 : vector<1x16xf32> to vector<16xf32>
      %swap3A_174 = vector.shape_cast %broadcast_in_dim3A_1 : vector<16xf32> to vector<1x16xf32>
      tpu.vector_store %arg8[%swap3A_170, %swap3A_171], %swap3A_174 {strides = array<i32>} : memref<128x128xf32, #tpu.memory_space<vmem>>, vector<1x16xf32>,
      %swap3A_175 = arith.index_cast %scan3A_168 : i32 to index
      %swap3A_176 = arith.constant 16 : index
      %swap3A_177 = tpu.vector_load %arg8[%swap3A_175, %swap3A_176] {strides = array<i32>} : memref<128x128xf32, #tpu.memory_space<vmem>>, vector<1x16xf32>,
      %swap3A_178 = vector.shape_cast %swap3A_177 : vector<1x16xf32> to vector<16xf32>
      %swap3A_179 = vector.shape_cast %broadcast_in_dim3A_1 : vector<16xf32> to vector<1x16xf32>
      tpu.vector_store %arg8[%swap3A_175, %swap3A_176], %swap3A_179 {strides = array<i32>} : memref<128x128xf32, #tpu.memory_space<vmem>>, vector<1x16xf32>,
      %swap3A_180 = arith.index_cast %scan3A_168 : i32 to index
      %swap3A_181 = arith.constant 32 : index
      %swap3A_182 = tpu.vector_load %arg8[%swap3A_180, %swap3A_181] {strides = array<i32>} : memref<128x128xf32, #tpu.memory_space<vmem>>, vector<1x16xf32>,
      %swap3A_183 = vector.shape_cast %swap3A_182 : vector<1x16xf32> to vector<16xf32>
      %swap3A_184 = vector.shape_cast %broadcast_in_dim3A_1 : vector<16xf32> to vector<1x16xf32>
      tpu.vector_store %arg8[%swap3A_180, %swap3A_181], %swap3A_184 {strides = array<i32>} : memref<128x128xf32, #tpu.memory_space<vmem>>, vector<1x16xf32>,
      %swap3A_185 = arith.index_cast %scan3A_168 : i32 to index
      %swap3A_186 = arith.constant 48 : index
      %swap3A_187 = tpu.vector_load %arg8[%swap3A_185, %swap3A_186] {strides = array<i32>} : memref<128x128xf32, #tpu.memory_space<vmem>>, vector<1x16xf32>,
      %swap3A_188 = vector.shape_cast %swap3A_187 : vector<1x16xf32> to vector<16xf32>
      %swap3A_189 = vector.shape_cast %broadcast_in_dim3A_1 : vector<16xf32> to vector<1x16xf32>
      tpu.vector_store %arg8[%swap3A_185, %swap3A_186], %swap3A_189 {strides = array<i32>} : memref<128x128xf32, #tpu.memory_space<vmem>>, vector<1x16xf32>,
      %swap3A_190 = arith.index_cast %scan3A_168 : i32 to index
      %swap3A_191 = arith.constant 64 : index
      %swap3A_192 = tpu.vector_load %arg8[%swap3A_190, %swap3A_191] {strides = array<i32>} : memref<128x128xf32, #tpu.memory_space<vmem>>, vector<1x16xf32>,
      %swap3A_193 = vector.shape_cast %swap3A_192 : vector<1x16xf32> to vector<16xf32>
      %swap3A_194 = vector.shape_cast %broadcast_in_dim3A_1 : vector<16xf32> to vector<1x16xf32>
      tpu.vector_store %arg8[%swap3A_190, %swap3A_191], %swap3A_194 {strides = array<i32>} : memref<128x128xf32, #tpu.memory_space<vmem>>, vector<1x16xf32>,
      %swap3A_195 = arith.index_cast %scan3A_168 : i32 to index
      %swap3A_196 = arith.constant 80 : index
      %swap3A_197 = tpu.vector_load %arg8[%swap3A_195, %swap3A_196] {strides = array<i32>} : memref<128x128xf32, #tpu.memory_space<vmem>>, vector<1x16xf32>,
      %swap3A_198 = vector.shape_cast %swap3A_197 : vector<1x16xf32> to vector<16xf32>
      %swap3A_199 = vector.shape_cast %broadcast_in_dim3A_1 : vector<16xf32> to vector<1x16xf32>
      tpu.vector_store %arg8[%swap3A_195, %swap3A_196], %swap3A_199 {strides = array<i32>} : memref<128x128xf32, #tpu.memory_space<vmem>>, vector<1x16xf32>,
      %swap3A_200 = arith.index_cast %scan3A_168 : i32 to index
      %swap3A_201 = arith.constant 96 : index
      %swap3A_202 = tpu.vector_load %arg8[%swap3A_200, %swap3A_201] {strides = array<i32>} : memref<128x128xf32, #tpu.memory_space<vmem>>, vector<1x16xf32>,
      %swap3A_203 = vector.shape_cast %swap3A_202 : vector<1x16xf32> to vector<16xf32>
      %swap3A_204 = vector.shape_cast %broadcast_in_dim3A_1 : vector<16xf32> to vector<1x16xf32>
      tpu.vector_store %arg8[%swap3A_200, %swap3A_201], %swap3A_204 {strides = array<i32>} : memref<128x128xf32, #tpu.memory_space<vmem>>, vector<1x16xf32>,
      %swap3A_205 = arith.index_cast %scan3A_168 : i32 to index
      %swap3A_206 = arith.constant 112 : index
      %swap3A_207 = tpu.vector_load %arg8[%swap3A_205, %swap3A_206] {strides = array<i32>} : memref<128x128xf32, #tpu.memory_space<vmem>>, vector<1x16xf32>,
      %swap3A_208 = vector.shape_cast %swap3A_207 : vector<1x16xf32> to vector<16xf32>
      %swap3A_209 = vector.shape_cast %broadcast_in_dim3A_1 : vector<16xf32> to vector<1x16xf32>
      tpu.vector_store %arg8[%swap3A_205, %swap3A_206], %swap3A_209 {strides = array<i32>} : memref<128x128xf32, #tpu.memory_space<vmem>>, vector<1x16xf32>,
      %scan3A_210 = arith.constant 0 : i32
      scf.yield %scan3A_210 : i32
    }
    %scan3A_7 = arith.constant 128 : i32
    %add3A_8 = arith.constant 0 : i32
    %add3A_9 = vector.broadcast %add3A_8 : i32 to vector<16xi32>
    %add3A_10 = arith.addi %iota3A, %add3A_9 : vector<16xi32>
    %lt3A = arith.constant 72 : i32
    %lt3A_11 = vector.broadcast %lt3A : i32 to vector<16xi32>
    %lt3A_12 = arith.cmpi slt, %add3A_10, %lt3A_11 : vector<16xi32>
    %jit3A = arith.constant 64 : i32
    %broadcast_in_dim3A_13 = vector.broadcast %jit3A : i32 to vector<16xi32>
    %select_n3A = arith.select %lt3A_12, %add3A_10, %broadcast_in_dim3A_13 : vector<16xi1>, vector<16xi32>
    %swap3A = arith.constant 0 : i32
    %swap3A_14 = arith.index_cast %swap3A : i32 to index
    %swap3A_15 = arith.constant 0 : index
    %swap3A_16 = tpu.vector_load %arg9[%swap3A_14, %swap3A_15] {strides = array<i32>} : memref<8x128xi32, #tpu.memory_space<vmem>>, vector<1x16xi32>,
    %swap3A_17 = vector.shape_cast %swap3A_16 : vector<1x16xi32> to vector<16xi32>
    %swap3A_18 = vector.shape_cast %select_n3A : vector<16xi32> to vector<1x16xi32>
    tpu.vector_store %arg9[%swap3A_14, %swap3A_15], %swap3A_18 {strides = array<i32>} : memref<8x128xi32, #tpu.memory_space<vmem>>, vector<1x16xi32>,
    %add3A_19 = arith.constant 16 : i32
    %add3A_20 = vector.broadcast %add3A_19 : i32 to vector<16xi32>
    %add3A_21 = arith.addi %iota3A, %add3A_20 : vector<16xi32>
    %lt3A_22 = arith.constant 72 : i32
    %lt3A_23 = vector.broadcast %lt3A_22 : i32 to vector<16xi32>
    %lt3A_24 = arith.cmpi slt, %add3A_21, %lt3A_23 : vector<16xi32>
    %jit3A_25 = arith.constant 64 : i32
    %broadcast_in_dim3A_26 = vector.broadcast %jit3A_25 : i32 to vector<16xi32>
    %select_n3A_27 = arith.select %lt3A_24, %add3A_21, %broadcast_in_dim3A_26 : vector<16xi1>, vector<16xi32>
    %swap3A_28 = arith.constant 0 : i32
    %swap3A_29 = arith.index_cast %swap3A_28 : i32 to index
    %swap3A_30 = arith.constant 16 : index
    %swap3A_31 = tpu.vector_load %arg9[%swap3A_29, %swap3A_30] {strides = array<i32>} : memref<8x128xi32, #tpu.memory_space<vmem>>, vector<1x16xi32>,
    %swap3A_32 = vector.shape_cast %swap3A_31 : vector<1x16xi32> to vector<16xi32>
    %swap3A_33 = vector.shape_cast %select_n3A_27 : vector<16xi32> to vector<1x16xi32>
    tpu.vector_store %arg9[%swap3A_29, %swap3A_30], %swap3A_33 {strides = array<i32>} : memref<8x128xi32, #tpu.memory_space<vmem>>, vector<1x16xi32>,
    %add3A_34 = arith.constant 32 : i32
    %add3A_35 = vector.broadcast %add3A_34 : i32 to vector<16xi32>
    %add3A_36 = arith.addi %iota3A, %add3A_35 : vector<16xi32>
    %lt3A_37 = arith.constant 72 : i32
    %lt3A_38 = vector.broadcast %lt3A_37 : i32 to vector<16xi32>
    %lt3A_39 = arith.cmpi slt, %add3A_36, %lt3A_38 : vector<16xi32>
    %jit3A_40 = arith.constant 64 : i32
    %broadcast_in_dim3A_41 = vector.broadcast %jit3A_40 : i32 to vector<16xi32>
    %select_n3A_42 = arith.select %lt3A_39, %add3A_36, %broadcast_in_dim3A_41 : vector<16xi1>, vector<16xi32>
    %swap3A_43 = arith.constant 0 : i32
    %swap3A_44 = arith.index_cast %swap3A_43 : i32 to index
    %swap3A_45 = arith.constant 32 : index
    %swap3A_46 = tpu.vector_load %arg9[%swap3A_44, %swap3A_45] {strides = array<i32>} : memref<8x128xi32, #tpu.memory_space<vmem>>, vector<1x16xi32>,
    %swap3A_47 = vector.shape_cast %swap3A_46 : vector<1x16xi32> to vector<16xi32>
    %swap3A_48 = vector.shape_cast %select_n3A_42 : vector<16xi32> to vector<1x16xi32>
    tpu.vector_store %arg9[%swap3A_44, %swap3A_45], %swap3A_48 {strides = array<i32>} : memref<8x128xi32, #tpu.memory_space<vmem>>, vector<1x16xi32>,
    %add3A_49 = arith.constant 48 : i32
    %add3A_50 = vector.broadcast %add3A_49 : i32 to vector<16xi32>
    %add3A_51 = arith.addi %iota3A, %add3A_50 : vector<16xi32>
    %lt3A_52 = arith.constant 72 : i32
    %lt3A_53 = vector.broadcast %lt3A_52 : i32 to vector<16xi32>
    %lt3A_54 = arith.cmpi slt, %add3A_51, %lt3A_53 : vector<16xi32>
    %jit3A_55 = arith.constant 64 : i32
    %broadcast_in_dim3A_56 = vector.broadcast %jit3A_55 : i32 to vector<16xi32>
    %select_n3A_57 = arith.select %lt3A_54, %add3A_51, %broadcast_in_dim3A_56 : vector<16xi1>, vector<16xi32>
    %swap3A_58 = arith.constant 0 : i32
    %swap3A_59 = arith.index_cast %swap3A_58 : i32 to index
    %swap3A_60 = arith.constant 48 : index
    %swap3A_61 = tpu.vector_load %arg9[%swap3A_59, %swap3A_60] {strides = array<i32>} : memref<8x128xi32, #tpu.memory_space<vmem>>, vector<1x16xi32>,
    %swap3A_62 = vector.shape_cast %swap3A_61 : vector<1x16xi32> to vector<16xi32>
    %swap3A_63 = vector.shape_cast %select_n3A_57 : vector<16xi32> to vector<1x16xi32>
    tpu.vector_store %arg9[%swap3A_59, %swap3A_60], %swap3A_63 {strides = array<i32>} : memref<8x128xi32, #tpu.memory_space<vmem>>, vector<1x16xi32>,
    %add3A_64 = arith.constant 64 : i32
    %add3A_65 = vector.broadcast %add3A_64 : i32 to vector<16xi32>
    %add3A_66 = arith.addi %iota3A, %add3A_65 : vector<16xi32>
    %lt3A_67 = arith.constant 72 : i32
    %lt3A_68 = vector.broadcast %lt3A_67 : i32 to vector<16xi32>
    %lt3A_69 = arith.cmpi slt, %add3A_66, %lt3A_68 : vector<16xi32>
    %jit3A_70 = arith.constant 64 : i32
    %broadcast_in_dim3A_71 = vector.broadcast %jit3A_70 : i32 to vector<16xi32>
    %select_n3A_72 = arith.select %lt3A_69, %add3A_66, %broadcast_in_dim3A_71 : vector<16xi1>, vector<16xi32>
    %swap3A_73 = arith.constant 0 : i32
    %swap3A_74 = arith.index_cast %swap3A_73 : i32 to index
    %swap3A_75 = arith.constant 64 : index
    %swap3A_76 = tpu.vector_load %arg9[%swap3A_74, %swap3A_75] {strides = array<i32>} : memref<8x128xi32, #tpu.memory_space<vmem>>, vector<1x16xi32>,
    %swap3A_77 = vector.shape_cast %swap3A_76 : vector<1x16xi32> to vector<16xi32>
    %swap3A_78 = vector.shape_cast %select_n3A_72 : vector<16xi32> to vector<1x16xi32>
    tpu.vector_store %arg9[%swap3A_74, %swap3A_75], %swap3A_78 {strides = array<i32>} : memref<8x128xi32, #tpu.memory_space<vmem>>, vector<1x16xi32>,
    %add3A_79 = arith.constant 80 : i32
    %add3A_80 = vector.broadcast %add3A_79 : i32 to vector<16xi32>
    %add3A_81 = arith.addi %iota3A, %add3A_80 : vector<16xi32>
    %lt3A_82 = arith.constant 72 : i32
    %lt3A_83 = vector.broadcast %lt3A_82 : i32 to vector<16xi32>
    %lt3A_84 = arith.cmpi slt, %add3A_81, %lt3A_83 : vector<16xi32>
    %jit3A_85 = arith.constant 64 : i32
    %broadcast_in_dim3A_86 = vector.broadcast %jit3A_85 : i32 to vector<16xi32>
    %select_n3A_87 = arith.select %lt3A_84, %add3A_81, %broadcast_in_dim3A_86 : vector<16xi1>, vector<16xi32>
    %swap3A_88 = arith.constant 0 : i32
    %swap3A_89 = arith.index_cast %swap3A_88 : i32 to index
    %swap3A_90 = arith.constant 80 : index
    %swap3A_91 = tpu.vector_load %arg9[%swap3A_89, %swap3A_90] {strides = array<i32>} : memref<8x128xi32, #tpu.memory_space<vmem>>, vector<1x16xi32>,
    %swap3A_92 = vector.shape_cast %swap3A_91 : vector<1x16xi32> to vector<16xi32>
    %swap3A_93 = vector.shape_cast %select_n3A_87 : vector<16xi32> to vector<1x16xi32>
    tpu.vector_store %arg9[%swap3A_89, %swap3A_90], %swap3A_93 {strides = array<i32>} : memref<8x128xi32, #tpu.memory_space<vmem>>, vector<1x16xi32>,
    %add3A_94 = arith.constant 96 : i32
    %add3A_95 = vector.broadcast %add3A_94 : i32 to vector<16xi32>
    %add3A_96 = arith.addi %iota3A, %add3A_95 : vector<16xi32>
    %lt3A_97 = arith.constant 72 : i32
    %lt3A_98 = vector.broadcast %lt3A_97 : i32 to vector<16xi32>
    %lt3A_99 = arith.cmpi slt, %add3A_96, %lt3A_98 : vector<16xi32>
    %jit3A_100 = arith.constant 64 : i32
    %broadcast_in_dim3A_101 = vector.broadcast %jit3A_100 : i32 to vector<16xi32>
    %select_n3A_102 = arith.select %lt3A_99, %add3A_96, %broadcast_in_dim3A_101 : vector<16xi1>, vector<16xi32>
    %swap3A_103 = arith.constant 0 : i32
    %swap3A_104 = arith.index_cast %swap3A_103 : i32 to index
    %swap3A_105 = arith.constant 96 : index
    %swap3A_106 = tpu.vector_load %arg9[%swap3A_104, %swap3A_105] {strides = array<i32>} : memref<8x128xi32, #tpu.memory_space<vmem>>, vector<1x16xi32>,
    %swap3A_107 = vector.shape_cast %swap3A_106 : vector<1x16xi32> to vector<16xi32>
    %swap3A_108 = vector.shape_cast %select_n3A_102 : vector<16xi32> to vector<1x16xi32>
    tpu.vector_store %arg9[%swap3A_104, %swap3A_105], %swap3A_108 {strides = array<i32>} : memref<8x128xi32, #tpu.memory_space<vmem>>, vector<1x16xi32>,
    %add3A_109 = arith.constant 112 : i32
    %add3A_110 = vector.broadcast %add3A_109 : i32 to vector<16xi32>
    %add3A_111 = arith.addi %iota3A, %add3A_110 : vector<16xi32>
    %lt3A_112 = arith.constant 72 : i32
    %lt3A_113 = vector.broadcast %lt3A_112 : i32 to vector<16xi32>
    %lt3A_114 = arith.cmpi slt, %add3A_111, %lt3A_113 : vector<16xi32>
    %jit3A_115 = arith.constant 64 : i32
    %broadcast_in_dim3A_116 = vector.broadcast %jit3A_115 : i32 to vector<16xi32>
    %select_n3A_117 = arith.select %lt3A_114, %add3A_111, %broadcast_in_dim3A_116 : vector<16xi1>, vector<16xi32>
    %swap3A_118 = arith.constant 0 : i32
    %swap3A_119 = arith.index_cast %swap3A_118 : i32 to index
    %swap3A_120 = arith.constant 112 : index
    %swap3A_121 = tpu.vector_load %arg9[%swap3A_119, %swap3A_120] {strides = array<i32>} : memref<8x128xi32, #tpu.memory_space<vmem>>, vector<1x16xi32>,
    %swap3A_122 = vector.shape_cast %swap3A_121 : vector<1x16xi32> to vector<16xi32>
    %swap3A_123 = vector.shape_cast %select_n3A_117 : vector<16xi32> to vector<1x16xi32>
    tpu.vector_store %arg9[%swap3A_119, %swap3A_120], %swap3A_123 {strides = array<i32>} : memref<8x128xi32, #tpu.memory_space<vmem>>, vector<1x16xi32>,
    %swap3A_124 = arith.constant 0 : i32
    %swap3A_125 = arith.constant 0 : i32
    %swap3A_126 = arith.index_cast %swap3A_125 : i32 to index
    %swap3A_127 = memref.load %arg11[%swap3A_126] : memref<40xi32, #tpu.memory_space<smem>>
    memref.store %swap3A_124, %arg11[%swap3A_126] : memref<40xi32, #tpu.memory_space<smem>>
    %eq3A = arith.constant 0 : i32
    %eq3A_128 = arith.cmpi eq, %arg1, %eq3A : i32
    %convert_element_type3A = arith.extui %eq3A_128 : i1 to i32
    %cond3A = arith.constant 0 : i32
    %cond3A_129 = arith.cmpi ne, %convert_element_type3A, %cond3A : i32
    scf.if %cond3A_129 {
      "tpu.region"() ({
        %run_scoped3A_168 = tpu.sem_alloc : memref<!tpu.dma_semaphore, #tpu.memory_space<semaphore_mem>>
        %dma_start3A = arith.constant 0 : i32
        %dma_start3A_169 = arith.constant 0 : i32
        %dma_start3A_170 = tpu.memref_slice %arg8[%dma_start3A, %dma_start3A_169] : memref<128x128xf32, #tpu.memory_space<vmem>> -> memref<72x128xf32, #tpu.memory_space<vmem>>
        %dma_start3A_171 = arith.constant 0 : i32
        %dma_start3A_172 = arith.constant 0 : i32
        %dma_start3A_173 = tpu.memref_slice %arg8[%dma_start3A_171, %dma_start3A_172] : memref<128x128xf32, #tpu.memory_space<vmem>> -> memref<72x128xf32, #tpu.memory_space<vmem>>
        tpu.enqueue_dma source(%dma_start3A_173 : memref<72x128xf32, #tpu.memory_space<vmem>>) target(%arg12 : memref<72x128xf32, #tpu.memory_space<vmem_shared>>) target_semaphore(%run_scoped3A_168 : memref<!tpu.dma_semaphore, #tpu.memory_space<semaphore_mem>>)
        %dma_wait3A = arith.constant 0 : i32
        %dma_wait3A_174 = arith.constant 0 : i32
        %dma_wait3A_175 = tpu.memref_slice %arg8[%dma_wait3A, %dma_wait3A_174] : memref<128x128xf32, #tpu.memory_space<vmem>> -> memref<72x128xf32, #tpu.memory_space<vmem>>
        %dma_wait3A_176 = arith.constant 0 : i32
        %dma_wait3A_177 = arith.constant 0 : i32
        %dma_wait3A_178 = tpu.memref_slice %arg8[%dma_wait3A_176, %dma_wait3A_177] : memref<128x128xf32, #tpu.memory_space<vmem>> -> memref<72x128xf32, #tpu.memory_space<vmem>>
        tpu.wait_dma2 semaphore(%run_scoped3A_168 : memref<!tpu.dma_semaphore, #tpu.memory_space<semaphore_mem>>) src(%dma_wait3A_178 : memref<72x128xf32, #tpu.memory_space<vmem>>) dst(%arg12 : memref<72x128xf32, #tpu.memory_space<vmem_shared>>)
        tpu.yield
      }) : () -> ()
    } else {
    }
    %barrier3A = arith.constant 0 : index
    tpu.barrier barrier_id(%barrier3A)
    %add3A_130 = arith.constant 0 : i32
    %add3A_131 = arith.addi %add3A, %add3A_130 : i32
    %lt3A_132 = arith.constant 260 : i32
    %lt3A_133 = arith.cmpi slt, %add3A_131, %lt3A_132 : i32
    %convert_element_type3A_134 = arith.extui %lt3A_133 : i1 to i32
    %cond3A_135 = arith.constant 0 : i32
    %cond3A_136 = arith.cmpi ne, %convert_element_type3A_134, %cond3A_135 : i32
    scf.if %cond3A_136 {
      %mul3A_168 = arith.constant 384 : i32
      %mul3A_169 = arith.muli %add3A_131, %mul3A_168 : i32
      %dma_start3A = arith.constant 0 : i32
      %dma_start3A_170 = arith.constant 0 : i32
      %dma_start3A_171 = arith.constant 0 : i32
      %dma_start3A_172 = tpu.memref_slice %arg5[%dma_start3A, %dma_start3A_170, %dma_start3A_171] : memref<2x384x128xf32, #tpu.memory_space<vmem>> -> memref<1x384x128xf32, #tpu.memory_space<vmem>>
      %dma_start3A_173 = tpu.memref_squeeze %dma_start3A_172 : memref<1x384x128xf32, #tpu.memory_space<vmem>> -> memref<384x128xf32, #tpu.memory_space<vmem>>
      %dma_start3A_174 = arith.constant 0 : i32
      %dma_start3A_175 = tpu.memref_slice %arg2[%mul3A_169, %dma_start3A_174] : memref<100000x128xf32, #tpu.memory_space<hbm>> -> memref<384x128xf32, #tpu.memory_space<hbm>>
      %dma_start3A_176 = arith.constant 0 : i32
      %dma_start3A_177 = arith.constant 0 : i32
      %dma_start3A_178 = tpu.memref_slice %arg5[%dma_start3A, %dma_start3A_176, %dma_start3A_177] : memref<2x384x128xf32, #tpu.memory_space<vmem>> -> memref<1x384x128xf32, #tpu.memory_space<vmem>>
      %dma_start3A_179 = tpu.memref_squeeze %dma_start3A_178 : memref<1x384x128xf32, #tpu.memory_space<vmem>> -> memref<384x128xf32, #tpu.memory_space<vmem>>
      %dma_start3A_180 = arith.constant 0 : i32
      %dma_start3A_181 = tpu.memref_slice %arg2[%mul3A_169, %dma_start3A_180] : memref<100000x128xf32, #tpu.memory_space<hbm>> -> memref<384x128xf32, #tpu.memory_space<hbm>>
      tpu.enqueue_dma source(%dma_start3A_181 : memref<384x128xf32, #tpu.memory_space<hbm>>) target(%dma_start3A_179 : memref<384x128xf32, #tpu.memory_space<vmem>>) target_semaphore(%arg13 : memref<!tpu.dma_semaphore, #tpu.memory_space<semaphore_mem>>)
      %dma_start3A_182 = tpu.memref_slice %arg3[%mul3A_169] : memref<100000xi32, #tpu.memory_space<hbm>> -> memref<384xi32, #tpu.memory_space<hbm>>
      %dma_start3A_183 = tpu.memref_slice %arg3[%mul3A_169] : memref<100000xi32, #tpu.memory_space<hbm>> -> memref<384xi32, #tpu.memory_space<hbm>>
      tpu.enqueue_dma source(%dma_start3A_183 : memref<384xi32, #tpu.memory_space<hbm>>) target(%arg6 : memref<384xi32, #tpu.memory_space<vmem>>) target_semaphore(%arg15 : memref<!tpu.dma_semaphore, #tpu.memory_space<semaphore_mem>>)
    } else {
    }
    %scan3A_137 = arith.constant 0 : i32
    %scan3A_138 = arith.constant 0 : i32
    %scan3A_139 = arith.constant 5 : i32
    %scan3A_140 = arith.addi %scan3A_138, %scan3A_139 : i32
    %scan3A_141 = arith.constant 1 : i32
    %scan3A_142 = scf.for %scan3A_168 = %scan3A_138 to %scan3A_140 step %scan3A_141 iter_args(%scan3A_169 = %scan3A_137) -> (i32)  : i32 {
      %mul3A_170 = arith.constant 2 : i32
      %mul3A_171 = arith.muli %mul3A_170, %scan3A_168 : i32
      %add3A_172 = arith.constant 1 : i32
      %add3A_173 = arith.addi %mul3A_171, %add3A_172 : i32
      %mul3A_174 = arith.constant 32 : i32
      %mul3A_175 = arith.muli %mul3A_174, %add3A_173 : i32
      %add3A_176 = arith.addi %add3A, %mul3A_175 : i32
      %lt3A_177 = arith.constant 260 : i32
      %lt3A_178 = arith.cmpi slt, %add3A_176, %lt3A_177 : i32
      %convert_element_type3A_179 = arith.extui %lt3A_178 : i1 to i32
      %cond3A_180 = arith.constant 0 : i32
      %cond3A_181 = arith.cmpi ne, %convert_element_type3A_179, %cond3A_180 : i32
      scf.if %cond3A_181 {
        %mul3A_211 = arith.constant 384 : i32
        %mul3A_212 = arith.muli %add3A_176, %mul3A_211 : i32
        %dma_start3A = arith.constant 1 : i32
        %dma_start3A_213 = arith.constant 0 : i32
        %dma_start3A_214 = arith.constant 0 : i32
        %dma_start3A_215 = tpu.memref_slice %arg5[%dma_start3A, %dma_start3A_213, %dma_start3A_214] : memref<2x384x128xf32, #tpu.memory_space<vmem>> -> memref<1x384x128xf32, #tpu.memory_space<vmem>>
        %dma_start3A_216 = tpu.memref_squeeze %dma_start3A_215 : memref<1x384x128xf32, #tpu.memory_space<vmem>> -> memref<384x128xf32, #tpu.memory_space<vmem>>
        %dma_start3A_217 = arith.constant 0 : i32
        %dma_start3A_218 = tpu.memref_slice %arg2[%mul3A_212, %dma_start3A_217] : memref<100000x128xf32, #tpu.memory_space<hbm>> -> memref<384x128xf32, #tpu.memory_space<hbm>>
        %dma_start3A_219 = arith.constant 0 : i32
        %dma_start3A_220 = arith.constant 0 : i32
        %dma_start3A_221 = tpu.memref_slice %arg5[%dma_start3A, %dma_start3A_219, %dma_start3A_220] : memref<2x384x128xf32, #tpu.memory_space<vmem>> -> memref<1x384x128xf32, #tpu.memory_space<vmem>>
        %dma_start3A_222 = tpu.memref_squeeze %dma_start3A_221 : memref<1x384x128xf32, #tpu.memory_space<vmem>> -> memref<384x128xf32, #tpu.memory_space<vmem>>
        %dma_start3A_223 = arith.constant 0 : i32
        %dma_start3A_224 = tpu.memref_slice %arg2[%mul3A_212, %dma_start3A_223] : memref<100000x128xf32, #tpu.memory_space<hbm>> -> memref<384x128xf32, #tpu.memory_space<hbm>>
        tpu.enqueue_dma source(%dma_start3A_224 : memref<384x128xf32, #tpu.memory_space<hbm>>) target(%dma_start3A_222 : memref<384x128xf32, #tpu.memory_space<vmem>>) target_semaphore(%arg14 : memref<!tpu.dma_semaphore, #tpu.memory_space<semaphore_mem>>)
        %dma_start3A_225 = tpu.memref_slice %arg3[%mul3A_212] : memref<100000xi32, #tpu.memory_space<hbm>> -> memref<384xi32, #tpu.memory_space<hbm>>
        %dma_start3A_226 = tpu.memref_slice %arg3[%mul3A_212] : memref<100000xi32, #tpu.memory_space<hbm>> -> memref<384xi32, #tpu.memory_space<hbm>>
        tpu.enqueue_dma source(%dma_start3A_226 : memref<384xi32, #tpu.memory_space<hbm>>) target(%arg7 : memref<384xi32, #tpu.memory_space<vmem>>) target_semaphore(%arg16 : memref<!tpu.dma_semaphore, #tpu.memory_space<semaphore_mem>>)
      } else {
      }
      %mul3A_182 = arith.constant 32 : i32
      %mul3A_183 = arith.muli %mul3A_182, %mul3A_171 : i32
      %add3A_184 = arith.addi %add3A, %mul3A_183 : i32
      %lt3A_185 = arith.constant 260 : i32
      %lt3A_186 = arith.cmpi slt, %add3A_184, %lt3A_185 : i32
      %convert_element_type3A_187 = arith.extui %lt3A_186 : i1 to i32
      %cond3A_188 = arith.constant 0 : i32
      %cond3A_189 = arith.cmpi ne, %convert_element_type3A_187, %cond3A_188 : i32
      scf.if %cond3A_189 {
        %dma_wait3A = arith.constant 0 : i32
        %dma_wait3A_211 = arith.constant 0 : i32
        %dma_wait3A_212 = arith.constant 0 : i32
        %dma_wait3A_213 = tpu.memref_slice %arg5[%dma_wait3A, %dma_wait3A_211, %dma_wait3A_212] : memref<2x384x128xf32, #tpu.memory_space<vmem>> -> memref<1x384x128xf32, #tpu.memory_space<vmem>>
        %dma_wait3A_214 = tpu.memref_squeeze %dma_wait3A_213 : memref<1x384x128xf32, #tpu.memory_space<vmem>> -> memref<384x128xf32, #tpu.memory_space<vmem>>
        %dma_wait3A_215 = arith.constant 0 : i32
        %dma_wait3A_216 = arith.constant 0 : i32
        %dma_wait3A_217 = tpu.memref_slice %arg2[%dma_wait3A_215, %dma_wait3A_216] : memref<100000x128xf32, #tpu.memory_space<hbm>> -> memref<384x128xf32, #tpu.memory_space<hbm>>
        %dma_wait3A_218 = arith.constant 0 : i32
        %dma_wait3A_219 = arith.constant 0 : i32
        %dma_wait3A_220 = tpu.memref_slice %arg5[%dma_wait3A, %dma_wait3A_218, %dma_wait3A_219] : memref<2x384x128xf32, #tpu.memory_space<vmem>> -> memref<1x384x128xf32, #tpu.memory_space<vmem>>
        %dma_wait3A_221 = tpu.memref_squeeze %dma_wait3A_220 : memref<1x384x128xf32, #tpu.memory_space<vmem>> -> memref<384x128xf32, #tpu.memory_space<vmem>>
        %dma_wait3A_222 = arith.constant 0 : i32
        %dma_wait3A_223 = arith.constant 0 : i32
        %dma_wait3A_224 = tpu.memref_slice %arg2[%dma_wait3A_222, %dma_wait3A_223] : memref<100000x128xf32, #tpu.memory_space<hbm>> -> memref<384x128xf32, #tpu.memory_space<hbm>>
        tpu.wait_dma2 semaphore(%arg13 : memref<!tpu.dma_semaphore, #tpu.memory_space<semaphore_mem>>) src(%dma_wait3A_224 : memref<384x128xf32, #tpu.memory_space<hbm>>) dst(%dma_wait3A_221 : memref<384x128xf32, #tpu.memory_space<vmem>>)
        %dma_wait3A_225 = arith.constant 0 : i32
        %dma_wait3A_226 = tpu.memref_slice %arg3[%dma_wait3A_225] : memref<100000xi32, #tpu.memory_space<hbm>> -> memref<384xi32, #tpu.memory_space<hbm>>
        %dma_wait3A_227 = arith.constant 0 : i32
        %dma_wait3A_228 = tpu.memref_slice %arg3[%dma_wait3A_227] : memref<100000xi32, #tpu.memory_space<hbm>> -> memref<384xi32, #tpu.memory_space<hbm>>
        tpu.wait_dma2 semaphore(%arg15 : memref<!tpu.dma_semaphore, #tpu.memory_space<semaphore_mem>>) src(%dma_wait3A_228 : memref<384xi32, #tpu.memory_space<hbm>>) dst(%arg6 : memref<384xi32, #tpu.memory_space<vmem>>)
        %get3A_229 = arith.constant 0 : index
        %get3A_230 = tpu.vector_load %arg6[%get3A_229] {strides = array<i32>} : memref<384xi32, #tpu.memory_space<vmem>>, vector<16xi32>,
        %get3A_231 = vector.shape_cast %get3A_230 : vector<16xi32> to vector<16xi32>
        %slice3A = vector.extract_strided_slice %get3A_231 {offsets = [0], sizes = [1], strides = [1]} : vector<16xi32> to vector<1xi32>
        %squeeze3A = vector.extract %slice3A[0] : i32 from vector<1xi32>
        %get3A_232 = arith.constant 112 : index
        %get3A_233 = tpu.vector_load %arg6[%get3A_232] {strides = array<i32>} : memref<384xi32, #tpu.memory_space<vmem>>, vector<16xi32>,
        %get3A_234 = vector.shape_cast %get3A_233 : vector<16xi32> to vector<16xi32>
        %slice3A_235 = vector.extract_strided_slice %get3A_234 {offsets = [15], sizes = [1], strides = [1]} : vector<16xi32> to vector<1xi32>
        %squeeze3A_236 = vector.extract %slice3A_235[0] : i32 from vector<1xi32>
        %eq3A_237 = arith.cmpi eq, %squeeze3A, %squeeze3A_236 : i32
        %convert_element_type3A_238 = arith.extui %eq3A_237 : i1 to i32
        %cond3A_239 = arith.constant 0 : i32
        %cond3A_240 = arith.cmpi ne, %convert_element_type3A_238, %cond3A_239 : i32
        scf.if %cond3A_240 {
          %scan3A_280 = arith.constant 0 : i32
          %scan3A_281 = arith.constant 128 : i32
          %scan3A_282 = arith.addi %scan3A_280, %scan3A_281 : i32
          %scan3A_283 = arith.constant 4 : i32
          %scan3A_284:8 = scf.for %scan3A_366 = %scan3A_280 to %scan3A_282 step %scan3A_283 iter_args(%scan3A_367 = %broadcast_in_dim3A_1, %scan3A_368 = %broadcast_in_dim3A_1, %scan3A_369 = %broadcast_in_dim3A_1, %scan3A_370 = %broadcast_in_dim3A_1, %scan3A_371 = %broadcast_in_dim3A_1, %scan3A_372 = %broadcast_in_dim3A_1, %scan3A_373 = %broadcast_in_dim3A_1, %scan3A_374 = %broadcast_in_dim3A_1) -> (vector<16xf32>, vector<16xf32>, vector<16xf32>, vector<16xf32>, vector<16xf32>, vector<16xf32>, vector<16xf32>, vector<16xf32>)  : i32 {
            %get3A_375 = arith.constant 0 : i32
            %get3A_376 = arith.index_cast %get3A_375 : i32 to index
            %get3A_377 = arith.index_cast %scan3A_366 : i32 to index
            %get3A_378 = arith.constant 0 : index
            %get3A_379 = tpu.vector_load %arg5[%get3A_376, %get3A_377, %get3A_378] {strides = array<i32>} : memref<2x384x128xf32, #tpu.memory_space<vmem>>, vector<1x1x16xf32>,
            %get3A_380 = vector.shape_cast %get3A_379 : vector<1x1x16xf32> to vector<16xf32>
            %add3A_381 = arith.addf %scan3A_367, %get3A_380 : vector<16xf32>
            %get3A_382 = arith.constant 0 : i32
            %get3A_383 = arith.index_cast %get3A_382 : i32 to index
            %get3A_384 = arith.index_cast %scan3A_366 : i32 to index
            %get3A_385 = arith.constant 16 : index
            %get3A_386 = tpu.vector_load %arg5[%get3A_383, %get3A_384, %get3A_385] {strides = array<i32>} : memref<2x384x128xf32, #tpu.memory_space<vmem>>, vector<1x1x16xf32>,
            %get3A_387 = vector.shape_cast %get3A_386 : vector<1x1x16xf32> to vector<16xf32>
            %add3A_388 = arith.addf %scan3A_368, %get3A_387 : vector<16xf32>
            %get3A_389 = arith.constant 0 : i32
            %get3A_390 = arith.index_cast %get3A_389 : i32 to index
            %get3A_391 = arith.index_cast %scan3A_366 : i32 to index
            %get3A_392 = arith.constant 32 : index
            %get3A_393 = tpu.vector_load %arg5[%get3A_390, %get3A_391, %get3A_392] {strides = array<i32>} : memref<2x384x128xf32, #tpu.memory_space<vmem>>, vector<1x1x16xf32>,
            %get3A_394 = vector.shape_cast %get3A_393 : vector<1x1x16xf32> to vector<16xf32>
            %add3A_395 = arith.addf %scan3A_369, %get3A_394 : vector<16xf32>
            %get3A_396 = arith.constant 0 : i32
            %get3A_397 = arith.index_cast %get3A_396 : i32 to index
            %get3A_398 = arith.index_cast %scan3A_366 : i32 to index
            %get3A_399 = arith.constant 48 : index
            %get3A_400 = tpu.vector_load %arg5[%get3A_397, %get3A_398, %get3A_399] {strides = array<i32>} : memref<2x384x128xf32, #tpu.memory_space<vmem>>, vector<1x1x16xf32>,
            %get3A_401 = vector.shape_cast %get3A_400 : vector<1x1x16xf32> to vector<16xf32>
            %add3A_402 = arith.addf %scan3A_370, %get3A_401 : vector<16xf32>
            %get3A_403 = arith.constant 0 : i32
            %get3A_404 = arith.index_cast %get3A_403 : i32 to index
            %get3A_405 = arith.index_cast %scan3A_366 : i32 to index
            %get3A_406 = arith.constant 64 : index
            %get3A_407 = tpu.vector_load %arg5[%get3A_404, %get3A_405, %get3A_406] {strides = array<i32>} : memref<2x384x128xf32, #tpu.memory_space<vmem>>, vector<1x1x16xf32>,
            %get3A_408 = vector.shape_cast %get3A_407 : vector<1x1x16xf32> to vector<16xf32>
            %add3A_409 = arith.addf %scan3A_371, %get3A_408 : vector<16xf32>
            %get3A_410 = arith.constant 0 : i32
            %get3A_411 = arith.index_cast %get3A_410 : i32 to index
            %get3A_412 = arith.index_cast %scan3A_366 : i32 to index
            %get3A_413 = arith.constant 80 : index
            %get3A_414 = tpu.vector_load %arg5[%get3A_411, %get3A_412, %get3A_413] {strides = array<i32>} : memref<2x384x128xf32, #tpu.memory_space<vmem>>, vector<1x1x16xf32>,
            %get3A_415 = vector.shape_cast %get3A_414 : vector<1x1x16xf32> to vector<16xf32>
            %add3A_416 = arith.addf %scan3A_372, %get3A_415 : vector<16xf32>
            %get3A_417 = arith.constant 0 : i32
            %get3A_418 = arith.index_cast %get3A_417 : i32 to index
            %get3A_419 = arith.index_cast %scan3A_366 : i32 to index
            %get3A_420 = arith.constant 96 : index
            %get3A_421 = tpu.vector_load %arg5[%get3A_418, %get3A_419, %get3A_420] {strides = array<i32>} : memref<2x384x128xf32, #tpu.memory_space<vmem>>, vector<1x1x16xf32>,
            %get3A_422 = vector.shape_cast %get3A_421 : vector<1x1x16xf32> to vector<16xf32>
            %add3A_423 = arith.addf %scan3A_373, %get3A_422 : vector<16xf32>
            %get3A_424 = arith.constant 0 : i32
            %get3A_425 = arith.index_cast %get3A_424 : i32 to index
            %get3A_426 = arith.index_cast %scan3A_366 : i32 to index
            %get3A_427 = arith.constant 112 : index
            %get3A_428 = tpu.vector_load %arg5[%get3A_425, %get3A_426, %get3A_427] {strides = array<i32>} : memref<2x384x128xf32, #tpu.memory_space<vmem>>, vector<1x1x16xf32>,
            %get3A_429 = vector.shape_cast %get3A_428 : vector<1x1x16xf32> to vector<16xf32>
            %add3A_430 = arith.addf %scan3A_374, %get3A_429 : vector<16xf32>
            %scan3A_431 = arith.constant 1 : i32
            %scan3A_432 = arith.addi %scan3A_366, %scan3A_431 : i32
            %get3A_433 = arith.constant 0 : i32
            %get3A_434 = arith.index_cast %get3A_433 : i32 to index
            %get3A_435 = arith.index_cast %scan3A_432 : i32 to index
            %get3A_436 = arith.constant 0 : index
            %get3A_437 = tpu.vector_load %arg5[%get3A_434, %get3A_435, %get3A_436] {strides = array<i32>} : memref<2x384x128xf32, #tpu.memory_space<vmem>>, vector<1x1x16xf32>,
            %get3A_438 = vector.shape_cast %get3A_437 : vector<1x1x16xf32> to vector<16xf32>
            %add3A_439 = arith.addf %add3A_381, %get3A_438 : vector<16xf32>
            %get3A_440 = arith.constant 0 : i32
            %get3A_441 = arith.index_cast %get3A_440 : i32 to index
            %get3A_442 = arith.index_cast %scan3A_432 : i32 to index
            %get3A_443 = arith.constant 16 : index
            %get3A_444 = tpu.vector_load %arg5[%get3A_441, %get3A_442, %get3A_443] {strides = array<i32>} : memref<2x384x128xf32, #tpu.memory_space<vmem>>, vector<1x1x16xf32>,
            %get3A_445 = vector.shape_cast %get3A_444 : vector<1x1x16xf32> to vector<16xf32>
            %add3A_446 = arith.addf %add3A_388, %get3A_445 : vector<16xf32>
            %get3A_447 = arith.constant 0 : i32
            %get3A_448 = arith.index_cast %get3A_447 : i32 to index
            %get3A_449 = arith.index_cast %scan3A_432 : i32 to index
            %get3A_450 = arith.constant 32 : index
            %get3A_451 = tpu.vector_load %arg5[%get3A_448, %get3A_449, %get3A_450] {strides = array<i32>} : memref<2x384x128xf32, #tpu.memory_space<vmem>>, vector<1x1x16xf32>,
            %get3A_452 = vector.shape_cast %get3A_451 : vector<1x1x16xf32> to vector<16xf32>
            %add3A_453 = arith.addf %add3A_395, %get3A_452 : vector<16xf32>
            %get3A_454 = arith.constant 0 : i32
            %get3A_455 = arith.index_cast %get3A_454 : i32 to index
            %get3A_456 = arith.index_cast %scan3A_432 : i32 to index
            %get3A_457 = arith.constant 48 : index
            %get3A_458 = tpu.vector_load %arg5[%get3A_455, %get3A_456, %get3A_457] {strides = array<i32>} : memref<2x384x128xf32, #tpu.memory_space<vmem>>, vector<1x1x16xf32>,
            %get3A_459 = vector.shape_cast %get3A_458 : vector<1x1x16xf32> to vector<16xf32>
            %add3A_460 = arith.addf %add3A_402, %get3A_459 : vector<16xf32>
            %get3A_461 = arith.constant 0 : i32
            %get3A_462 = arith.index_cast %get3A_461 : i32 to index
            %get3A_463 = arith.index_cast %scan3A_432 : i32 to index
            %get3A_464 = arith.constant 64 : index
            %get3A_465 = tpu.vector_load %arg5[%get3A_462, %get3A_463, %get3A_464] {strides = array<i32>} : memref<2x384x128xf32, #tpu.memory_space<vmem>>, vector<1x1x16xf32>,
            %get3A_466 = vector.shape_cast %get3A_465 : vector<1x1x16xf32> to vector<16xf32>
            %add3A_467 = arith.addf %add3A_409, %get3A_466 : vector<16xf32>
            %get3A_468 = arith.constant 0 : i32
            %get3A_469 = arith.index_cast %get3A_468 : i32 to index
            %get3A_470 = arith.index_cast %scan3A_432 : i32 to index
            %get3A_471 = arith.constant 80 : index
            %get3A_472 = tpu.vector_load %arg5[%get3A_469, %get3A_470, %get3A_471] {strides = array<i32>} : memref<2x384x128xf32, #tpu.memory_space<vmem>>, vector<1x1x16xf32>,
            %get3A_473 = vector.shape_cast %get3A_472 : vector<1x1x16xf32> to vector<16xf32>
            %add3A_474 = arith.addf %add3A_416, %get3A_473 : vector<16xf32>
            %get3A_475 = arith.constant 0 : i32
            %get3A_476 = arith.index_cast %get3A_475 : i32 to index
            %get3A_477 = arith.index_cast %scan3A_432 : i32 to index
            %get3A_478 = arith.constant 96 : index
            %get3A_479 = tpu.vector_load %arg5[%get3A_476, %get3A_477, %get3A_478] {strides = array<i32>} : memref<2x384x128xf32, #tpu.memory_space<vmem>>, vector<1x1x16xf32>,
            %get3A_480 = vector.shape_cast %get3A_479 : vector<1x1x16xf32> to vector<16xf32>
            %add3A_481 = arith.addf %add3A_423, %get3A_480 : vector<16xf32>
            %get3A_482 = arith.constant 0 : i32
            %get3A_483 = arith.index_cast %get3A_482 : i32 to index
            %get3A_484 = arith.index_cast %scan3A_432 : i32 to index
            %get3A_485 = arith.constant 112 : index
            %get3A_486 = tpu.vector_load %arg5[%get3A_483, %get3A_484, %get3A_485] {strides = array<i32>} : memref<2x384x128xf32, #tpu.memory_space<vmem>>, vector<1x1x16xf32>,
            %get3A_487 = vector.shape_cast %get3A_486 : vector<1x1x16xf32> to vector<16xf32>
            %add3A_488 = arith.addf %add3A_430, %get3A_487 : vector<16xf32>
            %scan3A_489 = arith.constant 2 : i32
            %scan3A_490 = arith.addi %scan3A_366, %scan3A_489 : i32
            %get3A_491 = arith.constant 0 : i32
            %get3A_492 = arith.index_cast %get3A_491 : i32 to index
            %get3A_493 = arith.index_cast %scan3A_490 : i32 to index
            %get3A_494 = arith.constant 0 : index
            %get3A_495 = tpu.vector_load %arg5[%get3A_492, %get3A_493, %get3A_494] {strides = array<i32>} : memref<2x384x128xf32, #tpu.memory_space<vmem>>, vector<1x1x16xf32>,
            %get3A_496 = vector.shape_cast %get3A_495 : vector<1x1x16xf32> to vector<16xf32>
            %add3A_497 = arith.addf %add3A_439, %get3A_496 : vector<16xf32>
            %get3A_498 = arith.constant 0 : i32
            %get3A_499 = arith.index_cast %get3A_498 : i32 to index
            %get3A_500 = arith.index_cast %scan3A_490 : i32 to index
            %get3A_501 = arith.constant 16 : index
            %get3A_502 = tpu.vector_load %arg5[%get3A_499, %get3A_500, %get3A_501] {strides = array<i32>} : memref<2x384x128xf32, #tpu.memory_space<vmem>>, vector<1x1x16xf32>,
            %get3A_503 = vector.shape_cast %get3A_502 : vector<1x1x16xf32> to vector<16xf32>
            %add3A_504 = arith.addf %add3A_446, %get3A_503 : vector<16xf32>
            %get3A_505 = arith.constant 0 : i32
            %get3A_506 = arith.index_cast %get3A_505 : i32 to index
            %get3A_507 = arith.index_cast %scan3A_490 : i32 to index
            %get3A_508 = arith.constant 32 : index
            %get3A_509 = tpu.vector_load %arg5[%get3A_506, %get3A_507, %get3A_508] {strides = array<i32>} : memref<2x384x128xf32, #tpu.memory_space<vmem>>, vector<1x1x16xf32>,
            %get3A_510 = vector.shape_cast %get3A_509 : vector<1x1x16xf32> to vector<16xf32>
            %add3A_511 = arith.addf %add3A_453, %get3A_510 : vector<16xf32>
            %get3A_512 = arith.constant 0 : i32
            %get3A_513 = arith.index_cast %get3A_512 : i32 to index
            %get3A_514 = arith.index_cast %scan3A_490 : i32 to index
            %get3A_515 = arith.constant 48 : index
            %get3A_516 = tpu.vector_load %arg5[%get3A_513, %get3A_514, %get3A_515] {strides = array<i32>} : memref<2x384x128xf32, #tpu.memory_space<vmem>>, vector<1x1x16xf32>,
            %get3A_517 = vector.shape_cast %get3A_516 : vector<1x1x16xf32> to vector<16xf32>
            %add3A_518 = arith.addf %add3A_460, %get3A_517 : vector<16xf32>
            %get3A_519 = arith.constant 0 : i32
            %get3A_520 = arith.index_cast %get3A_519 : i32 to index
            %get3A_521 = arith.index_cast %scan3A_490 : i32 to index
            %get3A_522 = arith.constant 64 : index
            %get3A_523 = tpu.vector_load %arg5[%get3A_520, %get3A_521, %get3A_522] {strides = array<i32>} : memref<2x384x128xf32, #tpu.memory_space<vmem>>, vector<1x1x16xf32>,
            %get3A_524 = vector.shape_cast %get3A_523 : vector<1x1x16xf32> to vector<16xf32>
            %add3A_525 = arith.addf %add3A_467, %get3A_524 : vector<16xf32>
            %get3A_526 = arith.constant 0 : i32
            %get3A_527 = arith.index_cast %get3A_526 : i32 to index
            %get3A_528 = arith.index_cast %scan3A_490 : i32 to index
            %get3A_529 = arith.constant 80 : index
            %get3A_530 = tpu.vector_load %arg5[%get3A_527, %get3A_528, %get3A_529] {strides = array<i32>} : memref<2x384x128xf32, #tpu.memory_space<vmem>>, vector<1x1x16xf32>,
            %get3A_531 = vector.shape_cast %get3A_530 : vector<1x1x16xf32> to vector<16xf32>
            %add3A_532 = arith.addf %add3A_474, %get3A_531 : vector<16xf32>
            %get3A_533 = arith.constant 0 : i32
            %get3A_534 = arith.index_cast %get3A_533 : i32 to index
            %get3A_535 = arith.index_cast %scan3A_490 : i32 to index
            %get3A_536 = arith.constant 96 : index
            %get3A_537 = tpu.vector_load %arg5[%get3A_534, %get3A_535, %get3A_536] {strides = array<i32>} : memref<2x384x128xf32, #tpu.memory_space<vmem>>, vector<1x1x16xf32>,
            %get3A_538 = vector.shape_cast %get3A_537 : vector<1x1x16xf32> to vector<16xf32>
            %add3A_539 = arith.addf %add3A_481, %get3A_538 : vector<16xf32>
            %get3A_540 = arith.constant 0 : i32
            %get3A_541 = arith.index_cast %get3A_540 : i32 to index
            %get3A_542 = arith.index_cast %scan3A_490 : i32 to index
            %get3A_543 = arith.constant 112 : index
            %get3A_544 = tpu.vector_load %arg5[%get3A_541, %get3A_542, %get3A_543] {strides = array<i32>} : memref<2x384x128xf32, #tpu.memory_space<vmem>>, vector<1x1x16xf32>,
            %get3A_545 = vector.shape_cast %get3A_544 : vector<1x1x16xf32> to vector<16xf32>
            %add3A_546 = arith.addf %add3A_488, %get3A_545 : vector<16xf32>
            %scan3A_547 = arith.constant 3 : i32
            %scan3A_548 = arith.addi %scan3A_366, %scan3A_547 : i32
            %get3A_549 = arith.constant 0 : i32
            %get3A_550 = arith.index_cast %get3A_549 : i32 to index
            %get3A_551 = arith.index_cast %scan3A_548 : i32 to index
            %get3A_552 = arith.constant 0 : index
            %get3A_553 = tpu.vector_load %arg5[%get3A_550, %get3A_551, %get3A_552] {strides = array<i32>} : memref<2x384x128xf32, #tpu.memory_space<vmem>>, vector<1x1x16xf32>,
            %get3A_554 = vector.shape_cast %get3A_553 : vector<1x1x16xf32> to vector<16xf32>
            %add3A_555 = arith.addf %add3A_497, %get3A_554 : vector<16xf32>
            %get3A_556 = arith.constant 0 : i32
            %get3A_557 = arith.index_cast %get3A_556 : i32 to index
            %get3A_558 = arith.index_cast %scan3A_548 : i32 to index
            %get3A_559 = arith.constant 16 : index
            %get3A_560 = tpu.vector_load %arg5[%get3A_557, %get3A_558, %get3A_559] {strides = array<i32>} : memref<2x384x128xf32, #tpu.memory_space<vmem>>, vector<1x1x16xf32>,
            %get3A_561 = vector.shape_cast %get3A_560 : vector<1x1x16xf32> to vector<16xf32>
            %add3A_562 = arith.addf %add3A_504, %get3A_561 : vector<16xf32>
            %get3A_563 = arith.constant 0 : i32
            %get3A_564 = arith.index_cast %get3A_563 : i32 to index
            %get3A_565 = arith.index_cast %scan3A_548 : i32 to index
            %get3A_566 = arith.constant 32 : index
            %get3A_567 = tpu.vector_load %arg5[%get3A_564, %get3A_565, %get3A_566] {strides = array<i32>} : memref<2x384x128xf32, #tpu.memory_space<vmem>>, vector<1x1x16xf32>,
            %get3A_568 = vector.shape_cast %get3A_567 : vector<1x1x16xf32> to vector<16xf32>
            %add3A_569 = arith.addf %add3A_511, %get3A_568 : vector<16xf32>
            %get3A_570 = arith.constant 0 : i32
            %get3A_571 = arith.index_cast %get3A_570 : i32 to index
            %get3A_572 = arith.index_cast %scan3A_548 : i32 to index
            %get3A_573 = arith.constant 48 : index
            %get3A_574 = tpu.vector_load %arg5[%get3A_571, %get3A_572, %get3A_573] {strides = array<i32>} : memref<2x384x128xf32, #tpu.memory_space<vmem>>, vector<1x1x16xf32>,
            %get3A_575 = vector.shape_cast %get3A_574 : vector<1x1x16xf32> to vector<16xf32>
            %add3A_576 = arith.addf %add3A_518, %get3A_575 : vector<16xf32>
            %get3A_577 = arith.constant 0 : i32
            %get3A_578 = arith.index_cast %get3A_577 : i32 to index
            %get3A_579 = arith.index_cast %scan3A_548 : i32 to index
            %get3A_580 = arith.constant 64 : index
            %get3A_581 = tpu.vector_load %arg5[%get3A_578, %get3A_579, %get3A_580] {strides = array<i32>} : memref<2x384x128xf32, #tpu.memory_space<vmem>>, vector<1x1x16xf32>,
            %get3A_582 = vector.shape_cast %get3A_581 : vector<1x1x16xf32> to vector<16xf32>
            %add3A_583 = arith.addf %add3A_525, %get3A_582 : vector<16xf32>
            %get3A_584 = arith.constant 0 : i32
            %get3A_585 = arith.index_cast %get3A_584 : i32 to index
            %get3A_586 = arith.index_cast %scan3A_548 : i32 to index
            %get3A_587 = arith.constant 80 : index
            %get3A_588 = tpu.vector_load %arg5[%get3A_585, %get3A_586, %get3A_587] {strides = array<i32>} : memref<2x384x128xf32, #tpu.memory_space<vmem>>, vector<1x1x16xf32>,
            %get3A_589 = vector.shape_cast %get3A_588 : vector<1x1x16xf32> to vector<16xf32>
            %add3A_590 = arith.addf %add3A_532, %get3A_589 : vector<16xf32>
            %get3A_591 = arith.constant 0 : i32
            %get3A_592 = arith.index_cast %get3A_591 : i32 to index
            %get3A_593 = arith.index_cast %scan3A_548 : i32 to index
            %get3A_594 = arith.constant 96 : index
            %get3A_595 = tpu.vector_load %arg5[%get3A_592, %get3A_593, %get3A_594] {strides = array<i32>} : memref<2x384x128xf32, #tpu.memory_space<vmem>>, vector<1x1x16xf32>,
            %get3A_596 = vector.shape_cast %get3A_595 : vector<1x1x16xf32> to vector<16xf32>
            %add3A_597 = arith.addf %add3A_539, %get3A_596 : vector<16xf32>
            %get3A_598 = arith.constant 0 : i32
            %get3A_599 = arith.index_cast %get3A_598 : i32 to index
            %get3A_600 = arith.index_cast %scan3A_548 : i32 to index
            %get3A_601 = arith.constant 112 : index
            %get3A_602 = tpu.vector_load %arg5[%get3A_599, %get3A_600, %get3A_601] {strides = array<i32>} : memref<2x384x128xf32, #tpu.memory_space<vmem>>, vector<1x1x16xf32>,
            %get3A_603 = vector.shape_cast %get3A_602 : vector<1x1x16xf32> to vector<16xf32>
            %add3A_604 = arith.addf %add3A_546, %get3A_603 : vector<16xf32>
            scf.yield %add3A_555, %add3A_562, %add3A_569, %add3A_576, %add3A_583, %add3A_590, %add3A_597, %add3A_604 : vector<16xf32>, vector<16xf32>, vector<16xf32>, vector<16xf32>, vector<16xf32>, vector<16xf32>, vector<16xf32>, vector<16xf32>
          }
          %scan3A_285 = arith.constant 128 : i32
          %get3A_286 = arith.index_cast %squeeze3A : i32 to index
          %get3A_287 = arith.constant 0 : index
          %get3A_288 = tpu.vector_load %arg8[%get3A_286, %get3A_287] {strides = array<i32>} : memref<128x128xf32, #tpu.memory_space<vmem>>, vector<1x16xf32>,
          %get3A_289 = vector.shape_cast %get3A_288 : vector<1x16xf32> to vector<16xf32>
          %add3A_290 = arith.addf %get3A_289, %scan3A_284#0 : vector<16xf32>
          %swap3A_291 = arith.index_cast %squeeze3A : i32 to index
          %swap3A_292 = arith.constant 0 : index
          %swap3A_293 = tpu.vector_load %arg8[%swap3A_291, %swap3A_292] {strides = array<i32>} : memref<128x128xf32, #tpu.memory_space<vmem>>, vector<1x16xf32>,
          %swap3A_294 = vector.shape_cast %swap3A_293 : vector<1x16xf32> to vector<16xf32>
          %swap3A_295 = vector.shape_cast %add3A_290 : vector<16xf32> to vector<1x16xf32>
          tpu.vector_store %arg8[%swap3A_291, %swap3A_292], %swap3A_295 {strides = array<i32>} : memref<128x128xf32, #tpu.memory_space<vmem>>, vector<1x16xf32>,
          %get3A_296 = arith.index_cast %squeeze3A : i32 to index
          %get3A_297 = arith.constant 16 : index
          %get3A_298 = tpu.vector_load %arg8[%get3A_296, %get3A_297] {strides = array<i32>} : memref<128x128xf32, #tpu.memory_space<vmem>>, vector<1x16xf32>,
          %get3A_299 = vector.shape_cast %get3A_298 : vector<1x16xf32> to vector<16xf32>
          %add3A_300 = arith.addf %get3A_299, %scan3A_284#1 : vector<16xf32>
          %swap3A_301 = arith.index_cast %squeeze3A : i32 to index
          %swap3A_302 = arith.constant 16 : index
          %swap3A_303 = tpu.vector_load %arg8[%swap3A_301, %swap3A_302] {strides = array<i32>} : memref<128x128xf32, #tpu.memory_space<vmem>>, vector<1x16xf32>,
          %swap3A_304 = vector.shape_cast %swap3A_303 : vector<1x16xf32> to vector<16xf32>
          %swap3A_305 = vector.shape_cast %add3A_300 : vector<16xf32> to vector<1x16xf32>
          tpu.vector_store %arg8[%swap3A_301, %swap3A_302], %swap3A_305 {strides = array<i32>} : memref<128x128xf32, #tpu.memory_space<vmem>>, vector<1x16xf32>,
          %get3A_306 = arith.index_cast %squeeze3A : i32 to index
          %get3A_307 = arith.constant 32 : index
          %get3A_308 = tpu.vector_load %arg8[%get3A_306, %get3A_307] {strides = array<i32>} : memref<128x128xf32, #tpu.memory_space<vmem>>, vector<1x16xf32>,
          %get3A_309 = vector.shape_cast %get3A_308 : vector<1x16xf32> to vector<16xf32>
          %add3A_310 = arith.addf %get3A_309, %scan3A_284#2 : vector<16xf32>
          %swap3A_311 = arith.index_cast %squeeze3A : i32 to index
          %swap3A_312 = arith.constant 32 : index
          %swap3A_313 = tpu.vector_load %arg8[%swap3A_311, %swap3A_312] {strides = array<i32>} : memref<128x128xf32, #tpu.memory_space<vmem>>, vector<1x16xf32>,
          %swap3A_314 = vector.shape_cast %swap3A_313 : vector<1x16xf32> to vector<16xf32>
          %swap3A_315 = vector.shape_cast %add3A_310 : vector<16xf32> to vector<1x16xf32>
          tpu.vector_store %arg8[%swap3A_311, %swap3A_312], %swap3A_315 {strides = array<i32>} : memref<128x128xf32, #tpu.memory_space<vmem>>, vector<1x16xf32>,
          %get3A_316 = arith.index_cast %squeeze3A : i32 to index
          %get3A_317 = arith.constant 48 : index
          %get3A_318 = tpu.vector_load %arg8[%get3A_316, %get3A_317] {strides = array<i32>} : memref<128x128xf32, #tpu.memory_space<vmem>>, vector<1x16xf32>,
          %get3A_319 = vector.shape_cast %get3A_318 : vector<1x16xf32> to vector<16xf32>
          %add3A_320 = arith.addf %get3A_319, %scan3A_284#3 : vector<16xf32>
          %swap3A_321 = arith.index_cast %squeeze3A : i32 to index
          %swap3A_322 = arith.constant 48 : index
          %swap3A_323 = tpu.vector_load %arg8[%swap3A_321, %swap3A_322] {strides = array<i32>} : memref<128x128xf32, #tpu.memory_space<vmem>>, vector<1x16xf32>,
          %swap3A_324 = vector.shape_cast %swap3A_323 : vector<1x16xf32> to vector<16xf32>
          %swap3A_325 = vector.shape_cast %add3A_320 : vector<16xf32> to vector<1x16xf32>
          tpu.vector_store %arg8[%swap3A_321, %swap3A_322], %swap3A_325 {strides = array<i32>} : memref<128x128xf32, #tpu.memory_space<vmem>>, vector<1x16xf32>,
          %get3A_326 = arith.index_cast %squeeze3A : i32 to index
          %get3A_327 = arith.constant 64 : index
          %get3A_328 = tpu.vector_load %arg8[%get3A_326, %get3A_327] {strides = array<i32>} : memref<128x128xf32, #tpu.memory_space<vmem>>, vector<1x16xf32>,
          %get3A_329 = vector.shape_cast %get3A_328 : vector<1x16xf32> to vector<16xf32>
          %add3A_330 = arith.addf %get3A_329, %scan3A_284#4 : vector<16xf32>
          %swap3A_331 = arith.index_cast %squeeze3A : i32 to index
          %swap3A_332 = arith.constant 64 : index
          %swap3A_333 = tpu.vector_load %arg8[%swap3A_331, %swap3A_332] {strides = array<i32>} : memref<128x128xf32, #tpu.memory_space<vmem>>, vector<1x16xf32>,
          %swap3A_334 = vector.shape_cast %swap3A_333 : vector<1x16xf32> to vector<16xf32>
          %swap3A_335 = vector.shape_cast %add3A_330 : vector<16xf32> to vector<1x16xf32>
          tpu.vector_store %arg8[%swap3A_331, %swap3A_332], %swap3A_335 {strides = array<i32>} : memref<128x128xf32, #tpu.memory_space<vmem>>, vector<1x16xf32>,
          %get3A_336 = arith.index_cast %squeeze3A : i32 to index
          %get3A_337 = arith.constant 80 : index
          %get3A_338 = tpu.vector_load %arg8[%get3A_336, %get3A_337] {strides = array<i32>} : memref<128x128xf32, #tpu.memory_space<vmem>>, vector<1x16xf32>,
          %get3A_339 = vector.shape_cast %get3A_338 : vector<1x16xf32> to vector<16xf32>
          %add3A_340 = arith.addf %get3A_339, %scan3A_284#5 : vector<16xf32>
          %swap3A_341 = arith.index_cast %squeeze3A : i32 to index
          %swap3A_342 = arith.constant 80 : index
          %swap3A_343 = tpu.vector_load %arg8[%swap3A_341, %swap3A_342] {strides = array<i32>} : memref<128x128xf32, #tpu.memory_space<vmem>>, vector<1x16xf32>,
          %swap3A_344 = vector.shape_cast %swap3A_343 : vector<1x16xf32> to vector<16xf32>
          %swap3A_345 = vector.shape_cast %add3A_340 : vector<16xf32> to vector<1x16xf32>
          tpu.vector_store %arg8[%swap3A_341, %swap3A_342], %swap3A_345 {strides = array<i32>} : memref<128x128xf32, #tpu.memory_space<vmem>>, vector<1x16xf32>,
          %get3A_346 = arith.index_cast %squeeze3A : i32 to index
          %get3A_347 = arith.constant 96 : index
          %get3A_348 = tpu.vector_load %arg8[%get3A_346, %get3A_347] {strides = array<i32>} : memref<128x128xf32, #tpu.memory_space<vmem>>, vector<1x16xf32>,
          %get3A_349 = vector.shape_cast %get3A_348 : vector<1x16xf32> to vector<16xf32>
          %add3A_350 = arith.addf %get3A_349, %scan3A_284#6 : vector<16xf32>
          %swap3A_351 = arith.index_cast %squeeze3A : i32 to index
          %swap3A_352 = arith.constant 96 : index
          %swap3A_353 = tpu.vector_load %arg8[%swap3A_351, %swap3A_352] {strides = array<i32>} : memref<128x128xf32, #tpu.memory_space<vmem>>, vector<1x16xf32>,
          %swap3A_354 = vector.shape_cast %swap3A_353 : vector<1x16xf32> to vector<16xf32>
          %swap3A_355 = vector.shape_cast %add3A_350 : vector<16xf32> to vector<1x16xf32>
          tpu.vector_store %arg8[%swap3A_351, %swap3A_352], %swap3A_355 {strides = array<i32>} : memref<128x128xf32, #tpu.memory_space<vmem>>, vector<1x16xf32>,
          %get3A_356 = arith.index_cast %squeeze3A : i32 to index
          %get3A_357 = arith.constant 112 : index
          %get3A_358 = tpu.vector_load %arg8[%get3A_356, %get3A_357] {strides = array<i32>} : memref<128x128xf32, #tpu.memory_space<vmem>>, vector<1x16xf32>,
          %get3A_359 = vector.shape_cast %get3A_358 : vector<1x16xf32> to vector<16xf32>
          %add3A_360 = arith.addf %get3A_359, %scan3A_284#7 : vector<16xf32>
          %swap3A_361 = arith.index_cast %squeeze3A : i32 to index
          %swap3A_362 = arith.constant 112 : index
          %swap3A_363 = tpu.vector_load %arg8[%swap3A_361, %swap3A_362] {strides = array<i32>} : memref<128x128xf32, #tpu.memory_space<vmem>>, vector<1x16xf32>,
          %swap3A_364 = vector.shape_cast %swap3A_363 : vector<1x16xf32> to vector<16xf32>
          %swap3A_365 = vector.shape_cast %add3A_360 : vector<16xf32> to vector<1x16xf32>
          tpu.vector_store %arg8[%swap3A_361, %swap3A_362], %swap3A_365 {strides = array<i32>} : memref<128x128xf32, #tpu.memory_space<vmem>>, vector<1x16xf32>,
        } else {
        }
        %ne3A = arith.cmpi ne, %squeeze3A, %squeeze3A_236 : i32
        %convert_element_type3A_241 = arith.extui %ne3A : i1 to i32
        %cond3A_242 = arith.constant 0 : i32
        %cond3A_243 = arith.cmpi ne, %convert_element_type3A_241, %cond3A_242 : i32
        scf.if %cond3A_243 {
          %get3A_280 = arith.constant 0 : i32
          %get3A_281 = arith.index_cast %get3A_280 : i32 to index
          %get3A_282 = memref.load %arg11[%get3A_281] : memref<40xi32, #tpu.memory_space<smem>>
          %mul3A_283 = arith.constant 384 : i32
          %mul3A_284 = arith.muli %add3A_184, %mul3A_283 : i32
          %add3A_285 = arith.constant 0 : i32
          %add3A_286 = arith.addi %mul3A_284, %add3A_285 : i32
          %add3A_287 = arith.constant 1 : i32
          %add3A_288 = arith.addi %get3A_282, %add3A_287 : i32
          %swap3A_289 = arith.index_cast %add3A_288 : i32 to index
          %swap3A_290 = memref.load %arg11[%swap3A_289] : memref<40xi32, #tpu.memory_space<smem>>
          memref.store %add3A_286, %arg11[%swap3A_289] : memref<40xi32, #tpu.memory_space<smem>>
          %add3A_291 = arith.constant 1 : i32
          %add3A_292 = arith.addi %get3A_282, %add3A_291 : i32
          %swap3A_293 = arith.constant 0 : i32
          %swap3A_294 = arith.index_cast %swap3A_293 : i32 to index
          %swap3A_295 = memref.load %arg11[%swap3A_294] : memref<40xi32, #tpu.memory_space<smem>>
          memref.store %add3A_292, %arg11[%swap3A_294] : memref<40xi32, #tpu.memory_space<smem>>
        } else {
        }
        %get3A_244 = arith.constant 128 : index
        %get3A_245 = tpu.vector_load %arg6[%get3A_244] {strides = array<i32>} : memref<384xi32, #tpu.memory_space<vmem>>, vector<16xi32>,
        %get3A_246 = vector.shape_cast %get3A_245 : vector<16xi32> to vector<16xi32>
        %slice3A_247 = vector.extract_strided_slice %get3A_246 {offsets = [0], sizes = [1], strides = [1]} : vector<16xi32> to vector<1xi32>
        %squeeze3A_248 = vector.extract %slice3A_247[0] : i32 from vector<1xi32>
        %get3A_249 = arith.constant 240 : index
        %get3A_250 = tpu.vector_load %arg6[%get3A_249] {strides = array<i32>} : memref<384xi32, #tpu.memory_space<vmem>>, vector<16xi32>,
        %get3A_251 = vector.shape_cast %get3A_250 : vector<16xi32> to vector<16xi32>
        %slice3A_252 = vector.extract_strided_slice %get3A_251 {offsets = [15], sizes = [1], strides = [1]} : vector<16xi32> to vector<1xi32>
        %squeeze3A_253 = vector.extract %slice3A_252[0] : i32 from vector<1xi32>
        %eq3A_254 = arith.cmpi eq, %squeeze3A_248, %squeeze3A_253 : i32
        %convert_element_type3A_255 = arith.extui %eq3A_254 : i1 to i32
        %cond3A_256 = arith.constant 0 : i32
        %cond3A_257 = arith.cmpi ne, %convert_element_type3A_255, %cond3A_256 : i32
        scf.if %cond3A_257 {
          %scan3A_280 = arith.constant 128 : i32
          %scan3A_281 = arith.constant 128 : i32
          %scan3A_282 = arith.addi %scan3A_280, %scan3A_281 : i32
          %scan3A_283 = arith.constant 4 : i32
          %scan3A_284:8 = scf.for %scan3A_366 = %scan3A_280 to %scan3A_282 step %scan3A_283 iter_args(%scan3A_367 = %broadcast_in_dim3A_1, %scan3A_368 = %broadcast_in_dim3A_1, %scan3A_369 = %broadcast_in_dim3A_1, %scan3A_370 = %broadcast_in_dim3A_1, %scan3A_371 = %broadcast_in_dim3A_1, %scan3A_372 = %broadcast_in_dim3A_1, %scan3A_373 = %broadcast_in_dim3A_1, %scan3A_374 = %broadcast_in_dim3A_1) -> (vector<16xf32>, vector<16xf32>, vector<16xf32>, vector<16xf32>, vector<16xf32>, vector<16xf32>, vector<16xf32>, vector<16xf32>)  : i32 {
            %get3A_375 = arith.constant 0 : i32
            %get3A_376 = arith.index_cast %get3A_375 : i32 to index
            %get3A_377 = arith.index_cast %scan3A_366 : i32 to index
            %get3A_378 = arith.constant 0 : index
            %get3A_379 = tpu.vector_load %arg5[%get3A_376, %get3A_377, %get3A_378] {strides = array<i32>} : memref<2x384x128xf32, #tpu.memory_space<vmem>>, vector<1x1x16xf32>,
            %get3A_380 = vector.shape_cast %get3A_379 : vector<1x1x16xf32> to vector<16xf32>
            %add3A_381 = arith.addf %scan3A_367, %get3A_380 : vector<16xf32>
            %get3A_382 = arith.constant 0 : i32
            %get3A_383 = arith.index_cast %get3A_382 : i32 to index
            %get3A_384 = arith.index_cast %scan3A_366 : i32 to index
            %get3A_385 = arith.constant 16 : index
            %get3A_386 = tpu.vector_load %arg5[%get3A_383, %get3A_384, %get3A_385] {strides = array<i32>} : memref<2x384x128xf32, #tpu.memory_space<vmem>>, vector<1x1x16xf32>,
            %get3A_387 = vector.shape_cast %get3A_386 : vector<1x1x16xf32> to vector<16xf32>
            %add3A_388 = arith.addf %scan3A_368, %get3A_387 : vector<16xf32>
            %get3A_389 = arith.constant 0 : i32
            %get3A_390 = arith.index_cast %get3A_389 : i32 to index
            %get3A_391 = arith.index_cast %scan3A_366 : i32 to index
            %get3A_392 = arith.constant 32 : index
            %get3A_393 = tpu.vector_load %arg5[%get3A_390, %get3A_391, %get3A_392] {strides = array<i32>} : memref<2x384x128xf32, #tpu.memory_space<vmem>>, vector<1x1x16xf32>,
            %get3A_394 = vector.shape_cast %get3A_393 : vector<1x1x16xf32> to vector<16xf32>
            %add3A_395 = arith.addf %scan3A_369, %get3A_394 : vector<16xf32>
            %get3A_396 = arith.constant 0 : i32
            %get3A_397 = arith.index_cast %get3A_396 : i32 to index
            %get3A_398 = arith.index_cast %scan3A_366 : i32 to index
            %get3A_399 = arith.constant 48 : index
            %get3A_400 = tpu.vector_load %arg5[%get3A_397, %get3A_398, %get3A_399] {strides = array<i32>} : memref<2x384x128xf32, #tpu.memory_space<vmem>>, vector<1x1x16xf32>,
            %get3A_401 = vector.shape_cast %get3A_400 : vector<1x1x16xf32> to vector<16xf32>
            %add3A_402 = arith.addf %scan3A_370, %get3A_401 : vector<16xf32>
            %get3A_403 = arith.constant 0 : i32
            %get3A_404 = arith.index_cast %get3A_403 : i32 to index
            %get3A_405 = arith.index_cast %scan3A_366 : i32 to index
            %get3A_406 = arith.constant 64 : index
            %get3A_407 = tpu.vector_load %arg5[%get3A_404, %get3A_405, %get3A_406] {strides = array<i32>} : memref<2x384x128xf32, #tpu.memory_space<vmem>>, vector<1x1x16xf32>,
            %get3A_408 = vector.shape_cast %get3A_407 : vector<1x1x16xf32> to vector<16xf32>
            %add3A_409 = arith.addf %scan3A_371, %get3A_408 : vector<16xf32>
            %get3A_410 = arith.constant 0 : i32
            %get3A_411 = arith.index_cast %get3A_410 : i32 to index
            %get3A_412 = arith.index_cast %scan3A_366 : i32 to index
            %get3A_413 = arith.constant 80 : index
            %get3A_414 = tpu.vector_load %arg5[%get3A_411, %get3A_412, %get3A_413] {strides = array<i32>} : memref<2x384x128xf32, #tpu.memory_space<vmem>>, vector<1x1x16xf32>,
            %get3A_415 = vector.shape_cast %get3A_414 : vector<1x1x16xf32> to vector<16xf32>
            %add3A_416 = arith.addf %scan3A_372, %get3A_415 : vector<16xf32>
            %get3A_417 = arith.constant 0 : i32
            %get3A_418 = arith.index_cast %get3A_417 : i32 to index
            %get3A_419 = arith.index_cast %scan3A_366 : i32 to index
            %get3A_420 = arith.constant 96 : index
            %get3A_421 = tpu.vector_load %arg5[%get3A_418, %get3A_419, %get3A_420] {strides = array<i32>} : memref<2x384x128xf32, #tpu.memory_space<vmem>>, vector<1x1x16xf32>,
            %get3A_422 = vector.shape_cast %get3A_421 : vector<1x1x16xf32> to vector<16xf32>
            %add3A_423 = arith.addf %scan3A_373, %get3A_422 : vector<16xf32>
            %get3A_424 = arith.constant 0 : i32
            %get3A_425 = arith.index_cast %get3A_424 : i32 to index
            %get3A_426 = arith.index_cast %scan3A_366 : i32 to index
            %get3A_427 = arith.constant 112 : index
            %get3A_428 = tpu.vector_load %arg5[%get3A_425, %get3A_426, %get3A_427] {strides = array<i32>} : memref<2x384x128xf32, #tpu.memory_space<vmem>>, vector<1x1x16xf32>,
            %get3A_429 = vector.shape_cast %get3A_428 : vector<1x1x16xf32> to vector<16xf32>
            %add3A_430 = arith.addf %scan3A_374, %get3A_429 : vector<16xf32>
            %scan3A_431 = arith.constant 1 : i32
            %scan3A_432 = arith.addi %scan3A_366, %scan3A_431 : i32
            %get3A_433 = arith.constant 0 : i32
            %get3A_434 = arith.index_cast %get3A_433 : i32 to index
            %get3A_435 = arith.index_cast %scan3A_432 : i32 to index
            %get3A_436 = arith.constant 0 : index
            %get3A_437 = tpu.vector_load %arg5[%get3A_434, %get3A_435, %get3A_436] {strides = array<i32>} : memref<2x384x128xf32, #tpu.memory_space<vmem>>, vector<1x1x16xf32>,
            %get3A_438 = vector.shape_cast %get3A_437 : vector<1x1x16xf32> to vector<16xf32>
            %add3A_439 = arith.addf %add3A_381, %get3A_438 : vector<16xf32>
            %get3A_440 = arith.constant 0 : i32
            %get3A_441 = arith.index_cast %get3A_440 : i32 to index
            %get3A_442 = arith.index_cast %scan3A_432 : i32 to index
            %get3A_443 = arith.constant 16 : index
            %get3A_444 = tpu.vector_load %arg5[%get3A_441, %get3A_442, %get3A_443] {strides = array<i32>} : memref<2x384x128xf32, #tpu.memory_space<vmem>>, vector<1x1x16xf32>,
            %get3A_445 = vector.shape_cast %get3A_444 : vector<1x1x16xf32> to vector<16xf32>
            %add3A_446 = arith.addf %add3A_388, %get3A_445 : vector<16xf32>
            %get3A_447 = arith.constant 0 : i32
            %get3A_448 = arith.index_cast %get3A_447 : i32 to index
            %get3A_449 = arith.index_cast %scan3A_432 : i32 to index
            %get3A_450 = arith.constant 32 : index
            %get3A_451 = tpu.vector_load %arg5[%get3A_448, %get3A_449, %get3A_450] {strides = array<i32>} : memref<2x384x128xf32, #tpu.memory_space<vmem>>, vector<1x1x16xf32>,
            %get3A_452 = vector.shape_cast %get3A_451 : vector<1x1x16xf32> to vector<16xf32>
            %add3A_453 = arith.addf %add3A_395, %get3A_452 : vector<16xf32>
            %get3A_454 = arith.constant 0 : i32
            %get3A_455 = arith.index_cast %get3A_454 : i32 to index
            %get3A_456 = arith.index_cast %scan3A_432 : i32 to index
            %get3A_457 = arith.constant 48 : index
            %get3A_458 = tpu.vector_load %arg5[%get3A_455, %get3A_456, %get3A_457] {strides = array<i32>} : memref<2x384x128xf32, #tpu.memory_space<vmem>>, vector<1x1x16xf32>,
            %get3A_459 = vector.shape_cast %get3A_458 : vector<1x1x16xf32> to vector<16xf32>
            %add3A_460 = arith.addf %add3A_402, %get3A_459 : vector<16xf32>
            %get3A_461 = arith.constant 0 : i32
            %get3A_462 = arith.index_cast %get3A_461 : i32 to index
            %get3A_463 = arith.index_cast %scan3A_432 : i32 to index
            %get3A_464 = arith.constant 64 : index
            %get3A_465 = tpu.vector_load %arg5[%get3A_462, %get3A_463, %get3A_464] {strides = array<i32>} : memref<2x384x128xf32, #tpu.memory_space<vmem>>, vector<1x1x16xf32>,
            %get3A_466 = vector.shape_cast %get3A_465 : vector<1x1x16xf32> to vector<16xf32>
            %add3A_467 = arith.addf %add3A_409, %get3A_466 : vector<16xf32>
            %get3A_468 = arith.constant 0 : i32
            %get3A_469 = arith.index_cast %get3A_468 : i32 to index
            %get3A_470 = arith.index_cast %scan3A_432 : i32 to index
            %get3A_471 = arith.constant 80 : index
            %get3A_472 = tpu.vector_load %arg5[%get3A_469, %get3A_470, %get3A_471] {strides = array<i32>} : memref<2x384x128xf32, #tpu.memory_space<vmem>>, vector<1x1x16xf32>,
            %get3A_473 = vector.shape_cast %get3A_472 : vector<1x1x16xf32> to vector<16xf32>
            %add3A_474 = arith.addf %add3A_416, %get3A_473 : vector<16xf32>
            %get3A_475 = arith.constant 0 : i32
            %get3A_476 = arith.index_cast %get3A_475 : i32 to index
            %get3A_477 = arith.index_cast %scan3A_432 : i32 to index
            %get3A_478 = arith.constant 96 : index
            %get3A_479 = tpu.vector_load %arg5[%get3A_476, %get3A_477, %get3A_478] {strides = array<i32>} : memref<2x384x128xf32, #tpu.memory_space<vmem>>, vector<1x1x16xf32>,
            %get3A_480 = vector.shape_cast %get3A_479 : vector<1x1x16xf32> to vector<16xf32>
            %add3A_481 = arith.addf %add3A_423, %get3A_480 : vector<16xf32>
            %get3A_482 = arith.constant 0 : i32
            %get3A_483 = arith.index_cast %get3A_482 : i32 to index
            %get3A_484 = arith.index_cast %scan3A_432 : i32 to index
            %get3A_485 = arith.constant 112 : index
            %get3A_486 = tpu.vector_load %arg5[%get3A_483, %get3A_484, %get3A_485] {strides = array<i32>} : memref<2x384x128xf32, #tpu.memory_space<vmem>>, vector<1x1x16xf32>,
            %get3A_487 = vector.shape_cast %get3A_486 : vector<1x1x16xf32> to vector<16xf32>
            %add3A_488 = arith.addf %add3A_430, %get3A_487 : vector<16xf32>
            %scan3A_489 = arith.constant 2 : i32
            %scan3A_490 = arith.addi %scan3A_366, %scan3A_489 : i32
            %get3A_491 = arith.constant 0 : i32
            %get3A_492 = arith.index_cast %get3A_491 : i32 to index
            %get3A_493 = arith.index_cast %scan3A_490 : i32 to index
            %get3A_494 = arith.constant 0 : index
            %get3A_495 = tpu.vector_load %arg5[%get3A_492, %get3A_493, %get3A_494] {strides = array<i32>} : memref<2x384x128xf32, #tpu.memory_space<vmem>>, vector<1x1x16xf32>,
            %get3A_496 = vector.shape_cast %get3A_495 : vector<1x1x16xf32> to vector<16xf32>
            %add3A_497 = arith.addf %add3A_439, %get3A_496 : vector<16xf32>
            %get3A_498 = arith.constant 0 : i32
            %get3A_499 = arith.index_cast %get3A_498 : i32 to index
            %get3A_500 = arith.index_cast %scan3A_490 : i32 to index
            %get3A_501 = arith.constant 16 : index
            %get3A_502 = tpu.vector_load %arg5[%get3A_499, %get3A_500, %get3A_501] {strides = array<i32>} : memref<2x384x128xf32, #tpu.memory_space<vmem>>, vector<1x1x16xf32>,
            %get3A_503 = vector.shape_cast %get3A_502 : vector<1x1x16xf32> to vector<16xf32>
            %add3A_504 = arith.addf %add3A_446, %get3A_503 : vector<16xf32>
            %get3A_505 = arith.constant 0 : i32
            %get3A_506 = arith.index_cast %get3A_505 : i32 to index
            %get3A_507 = arith.index_cast %scan3A_490 : i32 to index
            %get3A_508 = arith.constant 32 : index
            %get3A_509 = tpu.vector_load %arg5[%get3A_506, %get3A_507, %get3A_508] {strides = array<i32>} : memref<2x384x128xf32, #tpu.memory_space<vmem>>, vector<1x1x16xf32>,
            %get3A_510 = vector.shape_cast %get3A_509 : vector<1x1x16xf32> to vector<16xf32>
            %add3A_511 = arith.addf %add3A_453, %get3A_510 : vector<16xf32>
            %get3A_512 = arith.constant 0 : i32
            %get3A_513 = arith.index_cast %get3A_512 : i32 to index
            %get3A_514 = arith.index_cast %scan3A_490 : i32 to index
            %get3A_515 = arith.constant 48 : index
            %get3A_516 = tpu.vector_load %arg5[%get3A_513, %get3A_514, %get3A_515] {strides = array<i32>} : memref<2x384x128xf32, #tpu.memory_space<vmem>>, vector<1x1x16xf32>,
            %get3A_517 = vector.shape_cast %get3A_516 : vector<1x1x16xf32> to vector<16xf32>
            %add3A_518 = arith.addf %add3A_460, %get3A_517 : vector<16xf32>
            %get3A_519 = arith.constant 0 : i32
            %get3A_520 = arith.index_cast %get3A_519 : i32 to index
            %get3A_521 = arith.index_cast %scan3A_490 : i32 to index
            %get3A_522 = arith.constant 64 : index
            %get3A_523 = tpu.vector_load %arg5[%get3A_520, %get3A_521, %get3A_522] {strides = array<i32>} : memref<2x384x128xf32, #tpu.memory_space<vmem>>, vector<1x1x16xf32>,
            %get3A_524 = vector.shape_cast %get3A_523 : vector<1x1x16xf32> to vector<16xf32>
            %add3A_525 = arith.addf %add3A_467, %get3A_524 : vector<16xf32>
            %get3A_526 = arith.constant 0 : i32
            %get3A_527 = arith.index_cast %get3A_526 : i32 to index
            %get3A_528 = arith.index_cast %scan3A_490 : i32 to index
            %get3A_529 = arith.constant 80 : index
            %get3A_530 = tpu.vector_load %arg5[%get3A_527, %get3A_528, %get3A_529] {strides = array<i32>} : memref<2x384x128xf32, #tpu.memory_space<vmem>>, vector<1x1x16xf32>,
            %get3A_531 = vector.shape_cast %get3A_530 : vector<1x1x16xf32> to vector<16xf32>
            %add3A_532 = arith.addf %add3A_474, %get3A_531 : vector<16xf32>
            %get3A_533 = arith.constant 0 : i32
            %get3A_534 = arith.index_cast %get3A_533 : i32 to index
            %get3A_535 = arith.index_cast %scan3A_490 : i32 to index
            %get3A_536 = arith.constant 96 : index
            %get3A_537 = tpu.vector_load %arg5[%get3A_534, %get3A_535, %get3A_536] {strides = array<i32>} : memref<2x384x128xf32, #tpu.memory_space<vmem>>, vector<1x1x16xf32>,
            %get3A_538 = vector.shape_cast %get3A_537 : vector<1x1x16xf32> to vector<16xf32>
            %add3A_539 = arith.addf %add3A_481, %get3A_538 : vector<16xf32>
            %get3A_540 = arith.constant 0 : i32
            %get3A_541 = arith.index_cast %get3A_540 : i32 to index
            %get3A_542 = arith.index_cast %scan3A_490 : i32 to index
            %get3A_543 = arith.constant 112 : index
            %get3A_544 = tpu.vector_load %arg5[%get3A_541, %get3A_542, %get3A_543] {strides = array<i32>} : memref<2x384x128xf32, #tpu.memory_space<vmem>>, vector<1x1x16xf32>,
            %get3A_545 = vector.shape_cast %get3A_544 : vector<1x1x16xf32> to vector<16xf32>
            %add3A_546 = arith.addf %add3A_488, %get3A_545 : vector<16xf32>
            %scan3A_547 = arith.constant 3 : i32
            %scan3A_548 = arith.addi %scan3A_366, %scan3A_547 : i32
            %get3A_549 = arith.constant 0 : i32
            %get3A_550 = arith.index_cast %get3A_549 : i32 to index
            %get3A_551 = arith.index_cast %scan3A_548 : i32 to index
            %get3A_552 = arith.constant 0 : index
            %get3A_553 = tpu.vector_load %arg5[%get3A_550, %get3A_551, %get3A_552] {strides = array<i32>} : memref<2x384x128xf32, #tpu.memory_space<vmem>>, vector<1x1x16xf32>,
            %get3A_554 = vector.shape_cast %get3A_553 : vector<1x1x16xf32> to vector<16xf32>
            %add3A_555 = arith.addf %add3A_497, %get3A_554 : vector<16xf32>
            %get3A_556 = arith.constant 0 : i32
            %get3A_557 = arith.index_cast %get3A_556 : i32 to index
            %get3A_558 = arith.index_cast %scan3A_548 : i32 to index
            %get3A_559 = arith.constant 16 : index
            %get3A_560 = tpu.vector_load %arg5[%get3A_557, %get3A_558, %get3A_559] {strides = array<i32>} : memref<2x384x128xf32, #tpu.memory_space<vmem>>, vector<1x1x16xf32>,
            %get3A_561 = vector.shape_cast %get3A_560 : vector<1x1x16xf32> to vector<16xf32>
            %add3A_562 = arith.addf %add3A_504, %get3A_561 : vector<16xf32>
            %get3A_563 = arith.constant 0 : i32
            %get3A_564 = arith.index_cast %get3A_563 : i32 to index
            %get3A_565 = arith.index_cast %scan3A_548 : i32 to index
            %get3A_566 = arith.constant 32 : index
            %get3A_567 = tpu.vector_load %arg5[%get3A_564, %get3A_565, %get3A_566] {strides = array<i32>} : memref<2x384x128xf32, #tpu.memory_space<vmem>>, vector<1x1x16xf32>,
            %get3A_568 = vector.shape_cast %get3A_567 : vector<1x1x16xf32> to vector<16xf32>
            %add3A_569 = arith.addf %add3A_511, %get3A_568 : vector<16xf32>
            %get3A_570 = arith.constant 0 : i32
            %get3A_571 = arith.index_cast %get3A_570 : i32 to index
            %get3A_572 = arith.index_cast %scan3A_548 : i32 to index
            %get3A_573 = arith.constant 48 : index
            %get3A_574 = tpu.vector_load %arg5[%get3A_571, %get3A_572, %get3A_573] {strides = array<i32>} : memref<2x384x128xf32, #tpu.memory_space<vmem>>, vector<1x1x16xf32>,
            %get3A_575 = vector.shape_cast %get3A_574 : vector<1x1x16xf32> to vector<16xf32>
            %add3A_576 = arith.addf %add3A_518, %get3A_575 : vector<16xf32>
            %get3A_577 = arith.constant 0 : i32
            %get3A_578 = arith.index_cast %get3A_577 : i32 to index
            %get3A_579 = arith.index_cast %scan3A_548 : i32 to index
            %get3A_580 = arith.constant 64 : index
            %get3A_581 = tpu.vector_load %arg5[%get3A_578, %get3A_579, %get3A_580] {strides = array<i32>} : memref<2x384x128xf32, #tpu.memory_space<vmem>>, vector<1x1x16xf32>,
            %get3A_582 = vector.shape_cast %get3A_581 : vector<1x1x16xf32> to vector<16xf32>
            %add3A_583 = arith.addf %add3A_525, %get3A_582 : vector<16xf32>
            %get3A_584 = arith.constant 0 : i32
            %get3A_585 = arith.index_cast %get3A_584 : i32 to index
            %get3A_586 = arith.index_cast %scan3A_548 : i32 to index
            %get3A_587 = arith.constant 80 : index
            %get3A_588 = tpu.vector_load %arg5[%get3A_585, %get3A_586, %get3A_587] {strides = array<i32>} : memref<2x384x128xf32, #tpu.memory_space<vmem>>, vector<1x1x16xf32>,
            %get3A_589 = vector.shape_cast %get3A_588 : vector<1x1x16xf32> to vector<16xf32>
            %add3A_590 = arith.addf %add3A_532, %get3A_589 : vector<16xf32>
            %get3A_591 = arith.constant 0 : i32
            %get3A_592 = arith.index_cast %get3A_591 : i32 to index
            %get3A_593 = arith.index_cast %scan3A_548 : i32 to index
            %get3A_594 = arith.constant 96 : index
            %get3A_595 = tpu.vector_load %arg5[%get3A_592, %get3A_593, %get3A_594] {strides = array<i32>} : memref<2x384x128xf32, #tpu.memory_space<vmem>>, vector<1x1x16xf32>,
            %get3A_596 = vector.shape_cast %get3A_595 : vector<1x1x16xf32> to vector<16xf32>
            %add3A_597 = arith.addf %add3A_539, %get3A_596 : vector<16xf32>
            %get3A_598 = arith.constant 0 : i32
            %get3A_599 = arith.index_cast %get3A_598 : i32 to index
            %get3A_600 = arith.index_cast %scan3A_548 : i32 to index
            %get3A_601 = arith.constant 112 : index
            %get3A_602 = tpu.vector_load %arg5[%get3A_599, %get3A_600, %get3A_601] {strides = array<i32>} : memref<2x384x128xf32, #tpu.memory_space<vmem>>, vector<1x1x16xf32>,
            %get3A_603 = vector.shape_cast %get3A_602 : vector<1x1x16xf32> to vector<16xf32>
            %add3A_604 = arith.addf %add3A_546, %get3A_603 : vector<16xf32>
            scf.yield %add3A_555, %add3A_562, %add3A_569, %add3A_576, %add3A_583, %add3A_590, %add3A_597, %add3A_604 : vector<16xf32>, vector<16xf32>, vector<16xf32>, vector<16xf32>, vector<16xf32>, vector<16xf32>, vector<16xf32>, vector<16xf32>
          }
          %scan3A_285 = arith.constant 128 : i32
          %get3A_286 = arith.index_cast %squeeze3A_248 : i32 to index
          %get3A_287 = arith.constant 0 : index
          %get3A_288 = tpu.vector_load %arg8[%get3A_286, %get3A_287] {strides = array<i32>} : memref<128x128xf32, #tpu.memory_space<vmem>>, vector<1x16xf32>,
          %get3A_289 = vector.shape_cast %get3A_288 : vector<1x16xf32> to vector<16xf32>
          %add3A_290 = arith.addf %get3A_289, %scan3A_284#0 : vector<16xf32>
          %swap3A_291 = arith.index_cast %squeeze3A_248 : i32 to index
          %swap3A_292 = arith.constant 0 : index
          %swap3A_293 = tpu.vector_load %arg8[%swap3A_291, %swap3A_292] {strides = array<i32>} : memref<128x128xf32, #tpu.memory_space<vmem>>, vector<1x16xf32>,
          %swap3A_294 = vector.shape_cast %swap3A_293 : vector<1x16xf32> to vector<16xf32>
          %swap3A_295 = vector.shape_cast %add3A_290 : vector<16xf32> to vector<1x16xf32>
          tpu.vector_store %arg8[%swap3A_291, %swap3A_292], %swap3A_295 {strides = array<i32>} : memref<128x128xf32, #tpu.memory_space<vmem>>, vector<1x16xf32>,
          %get3A_296 = arith.index_cast %squeeze3A_248 : i32 to index
          %get3A_297 = arith.constant 16 : index
          %get3A_298 = tpu.vector_load %arg8[%get3A_296, %get3A_297] {strides = array<i32>} : memref<128x128xf32, #tpu.memory_space<vmem>>, vector<1x16xf32>,
          %get3A_299 = vector.shape_cast %get3A_298 : vector<1x16xf32> to vector<16xf32>
          %add3A_300 = arith.addf %get3A_299, %scan3A_284#1 : vector<16xf32>
          %swap3A_301 = arith.index_cast %squeeze3A_248 : i32 to index
          %swap3A_302 = arith.constant 16 : index
          %swap3A_303 = tpu.vector_load %arg8[%swap3A_301, %swap3A_302] {strides = array<i32>} : memref<128x128xf32, #tpu.memory_space<vmem>>, vector<1x16xf32>,
          %swap3A_304 = vector.shape_cast %swap3A_303 : vector<1x16xf32> to vector<16xf32>
          %swap3A_305 = vector.shape_cast %add3A_300 : vector<16xf32> to vector<1x16xf32>
          tpu.vector_store %arg8[%swap3A_301, %swap3A_302], %swap3A_305 {strides = array<i32>} : memref<128x128xf32, #tpu.memory_space<vmem>>, vector<1x16xf32>,
          %get3A_306 = arith.index_cast %squeeze3A_248 : i32 to index
          %get3A_307 = arith.constant 32 : index
          %get3A_308 = tpu.vector_load %arg8[%get3A_306, %get3A_307] {strides = array<i32>} : memref<128x128xf32, #tpu.memory_space<vmem>>, vector<1x16xf32>,
          %get3A_309 = vector.shape_cast %get3A_308 : vector<1x16xf32> to vector<16xf32>
          %add3A_310 = arith.addf %get3A_309, %scan3A_284#2 : vector<16xf32>
          %swap3A_311 = arith.index_cast %squeeze3A_248 : i32 to index
          %swap3A_312 = arith.constant 32 : index
          %swap3A_313 = tpu.vector_load %arg8[%swap3A_311, %swap3A_312] {strides = array<i32>} : memref<128x128xf32, #tpu.memory_space<vmem>>, vector<1x16xf32>,
          %swap3A_314 = vector.shape_cast %swap3A_313 : vector<1x16xf32> to vector<16xf32>
          %swap3A_315 = vector.shape_cast %add3A_310 : vector<16xf32> to vector<1x16xf32>
          tpu.vector_store %arg8[%swap3A_311, %swap3A_312], %swap3A_315 {strides = array<i32>} : memref<128x128xf32, #tpu.memory_space<vmem>>, vector<1x16xf32>,
          %get3A_316 = arith.index_cast %squeeze3A_248 : i32 to index
          %get3A_317 = arith.constant 48 : index
          %get3A_318 = tpu.vector_load %arg8[%get3A_316, %get3A_317] {strides = array<i32>} : memref<128x128xf32, #tpu.memory_space<vmem>>, vector<1x16xf32>,
          %get3A_319 = vector.shape_cast %get3A_318 : vector<1x16xf32> to vector<16xf32>
          %add3A_320 = arith.addf %get3A_319, %scan3A_284#3 : vector<16xf32>
          %swap3A_321 = arith.index_cast %squeeze3A_248 : i32 to index
          %swap3A_322 = arith.constant 48 : index
          %swap3A_323 = tpu.vector_load %arg8[%swap3A_321, %swap3A_322] {strides = array<i32>} : memref<128x128xf32, #tpu.memory_space<vmem>>, vector<1x16xf32>,
          %swap3A_324 = vector.shape_cast %swap3A_323 : vector<1x16xf32> to vector<16xf32>
          %swap3A_325 = vector.shape_cast %add3A_320 : vector<16xf32> to vector<1x16xf32>
          tpu.vector_store %arg8[%swap3A_321, %swap3A_322], %swap3A_325 {strides = array<i32>} : memref<128x128xf32, #tpu.memory_space<vmem>>, vector<1x16xf32>,
          %get3A_326 = arith.index_cast %squeeze3A_248 : i32 to index
          %get3A_327 = arith.constant 64 : index
          %get3A_328 = tpu.vector_load %arg8[%get3A_326, %get3A_327] {strides = array<i32>} : memref<128x128xf32, #tpu.memory_space<vmem>>, vector<1x16xf32>,
          %get3A_329 = vector.shape_cast %get3A_328 : vector<1x16xf32> to vector<16xf32>
          %add3A_330 = arith.addf %get3A_329, %scan3A_284#4 : vector<16xf32>
          %swap3A_331 = arith.index_cast %squeeze3A_248 : i32 to index
          %swap3A_332 = arith.constant 64 : index
          %swap3A_333 = tpu.vector_load %arg8[%swap3A_331, %swap3A_332] {strides = array<i32>} : memref<128x128xf32, #tpu.memory_space<vmem>>, vector<1x16xf32>,
          %swap3A_334 = vector.shape_cast %swap3A_333 : vector<1x16xf32> to vector<16xf32>
          %swap3A_335 = vector.shape_cast %add3A_330 : vector<16xf32> to vector<1x16xf32>
          tpu.vector_store %arg8[%swap3A_331, %swap3A_332], %swap3A_335 {strides = array<i32>} : memref<128x128xf32, #tpu.memory_space<vmem>>, vector<1x16xf32>,
          %get3A_336 = arith.index_cast %squeeze3A_248 : i32 to index
          %get3A_337 = arith.constant 80 : index
          %get3A_338 = tpu.vector_load %arg8[%get3A_336, %get3A_337] {strides = array<i32>} : memref<128x128xf32, #tpu.memory_space<vmem>>, vector<1x16xf32>,
          %get3A_339 = vector.shape_cast %get3A_338 : vector<1x16xf32> to vector<16xf32>
          %add3A_340 = arith.addf %get3A_339, %scan3A_284#5 : vector<16xf32>
          %swap3A_341 = arith.index_cast %squeeze3A_248 : i32 to index
          %swap3A_342 = arith.constant 80 : index
          %swap3A_343 = tpu.vector_load %arg8[%swap3A_341, %swap3A_342] {strides = array<i32>} : memref<128x128xf32, #tpu.memory_space<vmem>>, vector<1x16xf32>,
          %swap3A_344 = vector.shape_cast %swap3A_343 : vector<1x16xf32> to vector<16xf32>
          %swap3A_345 = vector.shape_cast %add3A_340 : vector<16xf32> to vector<1x16xf32>
          tpu.vector_store %arg8[%swap3A_341, %swap3A_342], %swap3A_345 {strides = array<i32>} : memref<128x128xf32, #tpu.memory_space<vmem>>, vector<1x16xf32>,
          %get3A_346 = arith.index_cast %squeeze3A_248 : i32 to index
          %get3A_347 = arith.constant 96 : index
          %get3A_348 = tpu.vector_load %arg8[%get3A_346, %get3A_347] {strides = array<i32>} : memref<128x128xf32, #tpu.memory_space<vmem>>, vector<1x16xf32>,
          %get3A_349 = vector.shape_cast %get3A_348 : vector<1x16xf32> to vector<16xf32>
          %add3A_350 = arith.addf %get3A_349, %scan3A_284#6 : vector<16xf32>
          %swap3A_351 = arith.index_cast %squeeze3A_248 : i32 to index
          %swap3A_352 = arith.constant 96 : index
          %swap3A_353 = tpu.vector_load %arg8[%swap3A_351, %swap3A_352] {strides = array<i32>} : memref<128x128xf32, #tpu.memory_space<vmem>>, vector<1x16xf32>,
          %swap3A_354 = vector.shape_cast %swap3A_353 : vector<1x16xf32> to vector<16xf32>
          %swap3A_355 = vector.shape_cast %add3A_350 : vector<16xf32> to vector<1x16xf32>
          tpu.vector_store %arg8[%swap3A_351, %swap3A_352], %swap3A_355 {strides = array<i32>} : memref<128x128xf32, #tpu.memory_space<vmem>>, vector<1x16xf32>,
          %get3A_356 = arith.index_cast %squeeze3A_248 : i32 to index
          %get3A_357 = arith.constant 112 : index
          %get3A_358 = tpu.vector_load %arg8[%get3A_356, %get3A_357] {strides = array<i32>} : memref<128x128xf32, #tpu.memory_space<vmem>>, vector<1x16xf32>,
          %get3A_359 = vector.shape_cast %get3A_358 : vector<1x16xf32> to vector<16xf32>
          %add3A_360 = arith.addf %get3A_359, %scan3A_284#7 : vector<16xf32>
          %swap3A_361 = arith.index_cast %squeeze3A_248 : i32 to index
          %swap3A_362 = arith.constant 112 : index
          %swap3A_363 = tpu.vector_load %arg8[%swap3A_361, %swap3A_362] {strides = array<i32>} : memref<128x128xf32, #tpu.memory_space<vmem>>, vector<1x16xf32>,
          %swap3A_364 = vector.shape_cast %swap3A_363 : vector<1x16xf32> to vector<16xf32>
          %swap3A_365 = vector.shape_cast %add3A_360 : vector<16xf32> to vector<1x16xf32>
          tpu.vector_store %arg8[%swap3A_361, %swap3A_362], %swap3A_365 {strides = array<i32>} : memref<128x128xf32, #tpu.memory_space<vmem>>, vector<1x16xf32>,
        } else {
        }
        %ne3A_258 = arith.cmpi ne, %squeeze3A_248, %squeeze3A_253 : i32
        %convert_element_type3A_259 = arith.extui %ne3A_258 : i1 to i32
        %cond3A_260 = arith.constant 0 : i32
        %cond3A_261 = arith.cmpi ne, %convert_element_type3A_259, %cond3A_260 : i32
        scf.if %cond3A_261 {
          %get3A_280 = arith.constant 0 : i32
          %get3A_281 = arith.index_cast %get3A_280 : i32 to index
          %get3A_282 = memref.load %arg11[%get3A_281] : memref<40xi32, #tpu.memory_space<smem>>
          %mul3A_283 = arith.constant 384 : i32
          %mul3A_284 = arith.muli %add3A_184, %mul3A_283 : i32
          %add3A_285 = arith.constant 128 : i32
          %add3A_286 = arith.addi %mul3A_284, %add3A_285 : i32
          %add3A_287 = arith.constant 1 : i32
          %add3A_288 = arith.addi %get3A_282, %add3A_287 : i32
          %swap3A_289 = arith.index_cast %add3A_288 : i32 to index
          %swap3A_290 = memref.load %arg11[%swap3A_289] : memref<40xi32, #tpu.memory_space<smem>>
          memref.store %add3A_286, %arg11[%swap3A_289] : memref<40xi32, #tpu.memory_space<smem>>
          %add3A_291 = arith.constant 1 : i32
          %add3A_292 = arith.addi %get3A_282, %add3A_291 : i32
          %swap3A_293 = arith.constant 0 : i32
          %swap3A_294 = arith.index_cast %swap3A_293 : i32 to index
          %swap3A_295 = memref.load %arg11[%swap3A_294] : memref<40xi32, #tpu.memory_space<smem>>
          memref.store %add3A_292, %arg11[%swap3A_294] : memref<40xi32, #tpu.memory_space<smem>>
        } else {
        }
        %get3A_262 = arith.constant 256 : index
        %get3A_263 = tpu.vector_load %arg6[%get3A_262] {strides = array<i32>} : memref<384xi32, #tpu.memory_space<vmem>>, vector<16xi32>,
        %get3A_264 = vector.shape_cast %get3A_263 : vector<16xi32> to vector<16xi32>
        %slice3A_265 = vector.extract_strided_slice %get3A_264 {offsets = [0], sizes = [1], strides = [1]} : vector<16xi32> to vector<1xi32>
        %squeeze3A_266 = vector.extract %slice3A_265[0] : i32 from vector<1xi32>
        %get3A_267 = arith.constant 368 : index
        %get3A_268 = tpu.vector_load %arg6[%get3A_267] {strides = array<i32>} : memref<384xi32, #tpu.memory_space<vmem>>, vector<16xi32>,
        %get3A_269 = vector.shape_cast %get3A_268 : vector<16xi32> to vector<16xi32>
        %slice3A_270 = vector.extract_strided_slice %get3A_269 {offsets = [15], sizes = [1], strides = [1]} : vector<16xi32> to vector<1xi32>
        %squeeze3A_271 = vector.extract %slice3A_270[0] : i32 from vector<1xi32>
        %eq3A_272 = arith.cmpi eq, %squeeze3A_266, %squeeze3A_271 : i32
        %convert_element_type3A_273 = arith.extui %eq3A_272 : i1 to i32
        %cond3A_274 = arith.constant 0 : i32
        %cond3A_275 = arith.cmpi ne, %convert_element_type3A_273, %cond3A_274 : i32
        scf.if %cond3A_275 {
          %scan3A_280 = arith.constant 256 : i32
          %scan3A_281 = arith.constant 128 : i32
          %scan3A_282 = arith.addi %scan3A_280, %scan3A_281 : i32
          %scan3A_283 = arith.constant 4 : i32
          %scan3A_284:8 = scf.for %scan3A_366 = %scan3A_280 to %scan3A_282 step %scan3A_283 iter_args(%scan3A_367 = %broadcast_in_dim3A_1, %scan3A_368 = %broadcast_in_dim3A_1, %scan3A_369 = %broadcast_in_dim3A_1, %scan3A_370 = %broadcast_in_dim3A_1, %scan3A_371 = %broadcast_in_dim3A_1, %scan3A_372 = %broadcast_in_dim3A_1, %scan3A_373 = %broadcast_in_dim3A_1, %scan3A_374 = %broadcast_in_dim3A_1) -> (vector<16xf32>, vector<16xf32>, vector<16xf32>, vector<16xf32>, vector<16xf32>, vector<16xf32>, vector<16xf32>, vector<16xf32>)  : i32 {
            %get3A_375 = arith.constant 0 : i32
            %get3A_376 = arith.index_cast %get3A_375 : i32 to index
            %get3A_377 = arith.index_cast %scan3A_366 : i32 to index
            %get3A_378 = arith.constant 0 : index
            %get3A_379 = tpu.vector_load %arg5[%get3A_376, %get3A_377, %get3A_378] {strides = array<i32>} : memref<2x384x128xf32, #tpu.memory_space<vmem>>, vector<1x1x16xf32>,
            %get3A_380 = vector.shape_cast %get3A_379 : vector<1x1x16xf32> to vector<16xf32>
            %add3A_381 = arith.addf %scan3A_367, %get3A_380 : vector<16xf32>
            %get3A_382 = arith.constant 0 : i32
            %get3A_383 = arith.index_cast %get3A_382 : i32 to index
            %get3A_384 = arith.index_cast %scan3A_366 : i32 to index
            %get3A_385 = arith.constant 16 : index
            %get3A_386 = tpu.vector_load %arg5[%get3A_383, %get3A_384, %get3A_385] {strides = array<i32>} : memref<2x384x128xf32, #tpu.memory_space<vmem>>, vector<1x1x16xf32>,
            %get3A_387 = vector.shape_cast %get3A_386 : vector<1x1x16xf32> to vector<16xf32>
            %add3A_388 = arith.addf %scan3A_368, %get3A_387 : vector<16xf32>
            %get3A_389 = arith.constant 0 : i32
            %get3A_390 = arith.index_cast %get3A_389 : i32 to index
            %get3A_391 = arith.index_cast %scan3A_366 : i32 to index
            %get3A_392 = arith.constant 32 : index
            %get3A_393 = tpu.vector_load %arg5[%get3A_390, %get3A_391, %get3A_392] {strides = array<i32>} : memref<2x384x128xf32, #tpu.memory_space<vmem>>, vector<1x1x16xf32>,
            %get3A_394 = vector.shape_cast %get3A_393 : vector<1x1x16xf32> to vector<16xf32>
            %add3A_395 = arith.addf %scan3A_369, %get3A_394 : vector<16xf32>
            %get3A_396 = arith.constant 0 : i32
            %get3A_397 = arith.index_cast %get3A_396 : i32 to index
            %get3A_398 = arith.index_cast %scan3A_366 : i32 to index
            %get3A_399 = arith.constant 48 : index
            %get3A_400 = tpu.vector_load %arg5[%get3A_397, %get3A_398, %get3A_399] {strides = array<i32>} : memref<2x384x128xf32, #tpu.memory_space<vmem>>, vector<1x1x16xf32>,
            %get3A_401 = vector.shape_cast %get3A_400 : vector<1x1x16xf32> to vector<16xf32>
            %add3A_402 = arith.addf %scan3A_370, %get3A_401 : vector<16xf32>
            %get3A_403 = arith.constant 0 : i32
            %get3A_404 = arith.index_cast %get3A_403 : i32 to index
            %get3A_405 = arith.index_cast %scan3A_366 : i32 to index
            %get3A_406 = arith.constant 64 : index
            %get3A_407 = tpu.vector_load %arg5[%get3A_404, %get3A_405, %get3A_406] {strides = array<i32>} : memref<2x384x128xf32, #tpu.memory_space<vmem>>, vector<1x1x16xf32>,
            %get3A_408 = vector.shape_cast %get3A_407 : vector<1x1x16xf32> to vector<16xf32>
            %add3A_409 = arith.addf %scan3A_371, %get3A_408 : vector<16xf32>
            %get3A_410 = arith.constant 0 : i32
            %get3A_411 = arith.index_cast %get3A_410 : i32 to index
            %get3A_412 = arith.index_cast %scan3A_366 : i32 to index
            %get3A_413 = arith.constant 80 : index
            %get3A_414 = tpu.vector_load %arg5[%get3A_411, %get3A_412, %get3A_413] {strides = array<i32>} : memref<2x384x128xf32, #tpu.memory_space<vmem>>, vector<1x1x16xf32>,
            %get3A_415 = vector.shape_cast %get3A_414 : vector<1x1x16xf32> to vector<16xf32>
            %add3A_416 = arith.addf %scan3A_372, %get3A_415 : vector<16xf32>
            %get3A_417 = arith.constant 0 : i32
            %get3A_418 = arith.index_cast %get3A_417 : i32 to index
            %get3A_419 = arith.index_cast %scan3A_366 : i32 to index
            %get3A_420 = arith.constant 96 : index
            %get3A_421 = tpu.vector_load %arg5[%get3A_418, %get3A_419, %get3A_420] {strides = array<i32>} : memref<2x384x128xf32, #tpu.memory_space<vmem>>, vector<1x1x16xf32>,
            %get3A_422 = vector.shape_cast %get3A_421 : vector<1x1x16xf32> to vector<16xf32>
            %add3A_423 = arith.addf %scan3A_373, %get3A_422 : vector<16xf32>
            %get3A_424 = arith.constant 0 : i32
            %get3A_425 = arith.index_cast %get3A_424 : i32 to index
            %get3A_426 = arith.index_cast %scan3A_366 : i32 to index
            %get3A_427 = arith.constant 112 : index
            %get3A_428 = tpu.vector_load %arg5[%get3A_425, %get3A_426, %get3A_427] {strides = array<i32>} : memref<2x384x128xf32, #tpu.memory_space<vmem>>, vector<1x1x16xf32>,
            %get3A_429 = vector.shape_cast %get3A_428 : vector<1x1x16xf32> to vector<16xf32>
            %add3A_430 = arith.addf %scan3A_374, %get3A_429 : vector<16xf32>
            %scan3A_431 = arith.constant 1 : i32
            %scan3A_432 = arith.addi %scan3A_366, %scan3A_431 : i32
            %get3A_433 = arith.constant 0 : i32
            %get3A_434 = arith.index_cast %get3A_433 : i32 to index
            %get3A_435 = arith.index_cast %scan3A_432 : i32 to index
            %get3A_436 = arith.constant 0 : index
            %get3A_437 = tpu.vector_load %arg5[%get3A_434, %get3A_435, %get3A_436] {strides = array<i32>} : memref<2x384x128xf32, #tpu.memory_space<vmem>>, vector<1x1x16xf32>,
            %get3A_438 = vector.shape_cast %get3A_437 : vector<1x1x16xf32> to vector<16xf32>
            %add3A_439 = arith.addf %add3A_381, %get3A_438 : vector<16xf32>
            %get3A_440 = arith.constant 0 : i32
            %get3A_441 = arith.index_cast %get3A_440 : i32 to index
            %get3A_442 = arith.index_cast %scan3A_432 : i32 to index
            %get3A_443 = arith.constant 16 : index
            %get3A_444 = tpu.vector_load %arg5[%get3A_441, %get3A_442, %get3A_443] {strides = array<i32>} : memref<2x384x128xf32, #tpu.memory_space<vmem>>, vector<1x1x16xf32>,
            %get3A_445 = vector.shape_cast %get3A_444 : vector<1x1x16xf32> to vector<16xf32>
            %add3A_446 = arith.addf %add3A_388, %get3A_445 : vector<16xf32>
            %get3A_447 = arith.constant 0 : i32
            %get3A_448 = arith.index_cast %get3A_447 : i32 to index
            %get3A_449 = arith.index_cast %scan3A_432 : i32 to index
            %get3A_450 = arith.constant 32 : index
            %get3A_451 = tpu.vector_load %arg5[%get3A_448, %get3A_449, %get3A_450] {strides = array<i32>} : memref<2x384x128xf32, #tpu.memory_space<vmem>>, vector<1x1x16xf32>,
            %get3A_452 = vector.shape_cast %get3A_451 : vector<1x1x16xf32> to vector<16xf32>
            %add3A_453 = arith.addf %add3A_395, %get3A_452 : vector<16xf32>
            %get3A_454 = arith.constant 0 : i32
            %get3A_455 = arith.index_cast %get3A_454 : i32 to index
            %get3A_456 = arith.index_cast %scan3A_432 : i32 to index
            %get3A_457 = arith.constant 48 : index
            %get3A_458 = tpu.vector_load %arg5[%get3A_455, %get3A_456, %get3A_457] {strides = array<i32>} : memref<2x384x128xf32, #tpu.memory_space<vmem>>, vector<1x1x16xf32>,
            %get3A_459 = vector.shape_cast %get3A_458 : vector<1x1x16xf32> to vector<16xf32>
            %add3A_460 = arith.addf %add3A_402, %get3A_459 : vector<16xf32>
            %get3A_461 = arith.constant 0 : i32
            %get3A_462 = arith.index_cast %get3A_461 : i32 to index
            %get3A_463 = arith.index_cast %scan3A_432 : i32 to index
            %get3A_464 = arith.constant 64 : index
            %get3A_465 = tpu.vector_load %arg5[%get3A_462, %get3A_463, %get3A_464] {strides = array<i32>} : memref<2x384x128xf32, #tpu.memory_space<vmem>>, vector<1x1x16xf32>,
            %get3A_466 = vector.shape_cast %get3A_465 : vector<1x1x16xf32> to vector<16xf32>
            %add3A_467 = arith.addf %add3A_409, %get3A_466 : vector<16xf32>
            %get3A_468 = arith.constant 0 : i32
            %get3A_469 = arith.index_cast %get3A_468 : i32 to index
            %get3A_470 = arith.index_cast %scan3A_432 : i32 to index
            %get3A_471 = arith.constant 80 : index
            %get3A_472 = tpu.vector_load %arg5[%get3A_469, %get3A_470, %get3A_471] {strides = array<i32>} : memref<2x384x128xf32, #tpu.memory_space<vmem>>, vector<1x1x16xf32>,
            %get3A_473 = vector.shape_cast %get3A_472 : vector<1x1x16xf32> to vector<16xf32>
            %add3A_474 = arith.addf %add3A_416, %get3A_473 : vector<16xf32>
            %get3A_475 = arith.constant 0 : i32
            %get3A_476 = arith.index_cast %get3A_475 : i32 to index
            %get3A_477 = arith.index_cast %scan3A_432 : i32 to index
            %get3A_478 = arith.constant 96 : index
            %get3A_479 = tpu.vector_load %arg5[%get3A_476, %get3A_477, %get3A_478] {strides = array<i32>} : memref<2x384x128xf32, #tpu.memory_space<vmem>>, vector<1x1x16xf32>,
            %get3A_480 = vector.shape_cast %get3A_479 : vector<1x1x16xf32> to vector<16xf32>
            %add3A_481 = arith.addf %add3A_423, %get3A_480 : vector<16xf32>
            %get3A_482 = arith.constant 0 : i32
            %get3A_483 = arith.index_cast %get3A_482 : i32 to index
            %get3A_484 = arith.index_cast %scan3A_432 : i32 to index
            %get3A_485 = arith.constant 112 : index
            %get3A_486 = tpu.vector_load %arg5[%get3A_483, %get3A_484, %get3A_485] {strides = array<i32>} : memref<2x384x128xf32, #tpu.memory_space<vmem>>, vector<1x1x16xf32>,
            %get3A_487 = vector.shape_cast %get3A_486 : vector<1x1x16xf32> to vector<16xf32>
            %add3A_488 = arith.addf %add3A_430, %get3A_487 : vector<16xf32>
            %scan3A_489 = arith.constant 2 : i32
            %scan3A_490 = arith.addi %scan3A_366, %scan3A_489 : i32
            %get3A_491 = arith.constant 0 : i32
            %get3A_492 = arith.index_cast %get3A_491 : i32 to index
            %get3A_493 = arith.index_cast %scan3A_490 : i32 to index
            %get3A_494 = arith.constant 0 : index
            %get3A_495 = tpu.vector_load %arg5[%get3A_492, %get3A_493, %get3A_494] {strides = array<i32>} : memref<2x384x128xf32, #tpu.memory_space<vmem>>, vector<1x1x16xf32>,
            %get3A_496 = vector.shape_cast %get3A_495 : vector<1x1x16xf32> to vector<16xf32>
            %add3A_497 = arith.addf %add3A_439, %get3A_496 : vector<16xf32>
            %get3A_498 = arith.constant 0 : i32
            %get3A_499 = arith.index_cast %get3A_498 : i32 to index
            %get3A_500 = arith.index_cast %scan3A_490 : i32 to index
            %get3A_501 = arith.constant 16 : index
            %get3A_502 = tpu.vector_load %arg5[%get3A_499, %get3A_500, %get3A_501] {strides = array<i32>} : memref<2x384x128xf32, #tpu.memory_space<vmem>>, vector<1x1x16xf32>,
            %get3A_503 = vector.shape_cast %get3A_502 : vector<1x1x16xf32> to vector<16xf32>
            %add3A_504 = arith.addf %add3A_446, %get3A_503 : vector<16xf32>
            %get3A_505 = arith.constant 0 : i32
            %get3A_506 = arith.index_cast %get3A_505 : i32 to index
            %get3A_507 = arith.index_cast %scan3A_490 : i32 to index
            %get3A_508 = arith.constant 32 : index
            %get3A_509 = tpu.vector_load %arg5[%get3A_506, %get3A_507, %get3A_508] {strides = array<i32>} : memref<2x384x128xf32, #tpu.memory_space<vmem>>, vector<1x1x16xf32>,
            %get3A_510 = vector.shape_cast %get3A_509 : vector<1x1x16xf32> to vector<16xf32>
            %add3A_511 = arith.addf %add3A_453, %get3A_510 : vector<16xf32>
            %get3A_512 = arith.constant 0 : i32
            %get3A_513 = arith.index_cast %get3A_512 : i32 to index
            %get3A_514 = arith.index_cast %scan3A_490 : i32 to index
            %get3A_515 = arith.constant 48 : index
            %get3A_516 = tpu.vector_load %arg5[%get3A_513, %get3A_514, %get3A_515] {strides = array<i32>} : memref<2x384x128xf32, #tpu.memory_space<vmem>>, vector<1x1x16xf32>,
            %get3A_517 = vector.shape_cast %get3A_516 : vector<1x1x16xf32> to vector<16xf32>
            %add3A_518 = arith.addf %add3A_460, %get3A_517 : vector<16xf32>
            %get3A_519 = arith.constant 0 : i32
            %get3A_520 = arith.index_cast %get3A_519 : i32 to index
            %get3A_521 = arith.index_cast %scan3A_490 : i32 to index
            %get3A_522 = arith.constant 64 : index
            %get3A_523 = tpu.vector_load %arg5[%get3A_520, %get3A_521, %get3A_522] {strides = array<i32>} : memref<2x384x128xf32, #tpu.memory_space<vmem>>, vector<1x1x16xf32>,
            %get3A_524 = vector.shape_cast %get3A_523 : vector<1x1x16xf32> to vector<16xf32>
            %add3A_525 = arith.addf %add3A_467, %get3A_524 : vector<16xf32>
            %get3A_526 = arith.constant 0 : i32
            %get3A_527 = arith.index_cast %get3A_526 : i32 to index
            %get3A_528 = arith.index_cast %scan3A_490 : i32 to index
            %get3A_529 = arith.constant 80 : index
            %get3A_530 = tpu.vector_load %arg5[%get3A_527, %get3A_528, %get3A_529] {strides = array<i32>} : memref<2x384x128xf32, #tpu.memory_space<vmem>>, vector<1x1x16xf32>,
            %get3A_531 = vector.shape_cast %get3A_530 : vector<1x1x16xf32> to vector<16xf32>
            %add3A_532 = arith.addf %add3A_474, %get3A_531 : vector<16xf32>
            %get3A_533 = arith.constant 0 : i32
            %get3A_534 = arith.index_cast %get3A_533 : i32 to index
            %get3A_535 = arith.index_cast %scan3A_490 : i32 to index
            %get3A_536 = arith.constant 96 : index
            %get3A_537 = tpu.vector_load %arg5[%get3A_534, %get3A_535, %get3A_536] {strides = array<i32>} : memref<2x384x128xf32, #tpu.memory_space<vmem>>, vector<1x1x16xf32>,
            %get3A_538 = vector.shape_cast %get3A_537 : vector<1x1x16xf32> to vector<16xf32>
            %add3A_539 = arith.addf %add3A_481, %get3A_538 : vector<16xf32>
            %get3A_540 = arith.constant 0 : i32
            %get3A_541 = arith.index_cast %get3A_540 : i32 to index
            %get3A_542 = arith.index_cast %scan3A_490 : i32 to index
            %get3A_543 = arith.constant 112 : index
            %get3A_544 = tpu.vector_load %arg5[%get3A_541, %get3A_542, %get3A_543] {strides = array<i32>} : memref<2x384x128xf32, #tpu.memory_space<vmem>>, vector<1x1x16xf32>,
            %get3A_545 = vector.shape_cast %get3A_544 : vector<1x1x16xf32> to vector<16xf32>
            %add3A_546 = arith.addf %add3A_488, %get3A_545 : vector<16xf32>
            %scan3A_547 = arith.constant 3 : i32
            %scan3A_548 = arith.addi %scan3A_366, %scan3A_547 : i32
            %get3A_549 = arith.constant 0 : i32
            %get3A_550 = arith.index_cast %get3A_549 : i32 to index
            %get3A_551 = arith.index_cast %scan3A_548 : i32 to index
            %get3A_552 = arith.constant 0 : index
            %get3A_553 = tpu.vector_load %arg5[%get3A_550, %get3A_551, %get3A_552] {strides = array<i32>} : memref<2x384x128xf32, #tpu.memory_space<vmem>>, vector<1x1x16xf32>,
            %get3A_554 = vector.shape_cast %get3A_553 : vector<1x1x16xf32> to vector<16xf32>
            %add3A_555 = arith.addf %add3A_497, %get3A_554 : vector<16xf32>
            %get3A_556 = arith.constant 0 : i32
            %get3A_557 = arith.index_cast %get3A_556 : i32 to index
            %get3A_558 = arith.index_cast %scan3A_548 : i32 to index
            %get3A_559 = arith.constant 16 : index
            %get3A_560 = tpu.vector_load %arg5[%get3A_557, %get3A_558, %get3A_559] {strides = array<i32>} : memref<2x384x128xf32, #tpu.memory_space<vmem>>, vector<1x1x16xf32>,
            %get3A_561 = vector.shape_cast %get3A_560 : vector<1x1x16xf32> to vector<16xf32>
            %add3A_562 = arith.addf %add3A_504, %get3A_561 : vector<16xf32>
            %get3A_563 = arith.constant 0 : i32
            %get3A_564 = arith.index_cast %get3A_563 : i32 to index
            %get3A_565 = arith.index_cast %scan3A_548 : i32 to index
            %get3A_566 = arith.constant 32 : index
            %get3A_567 = tpu.vector_load %arg5[%get3A_564, %get3A_565, %get3A_566] {strides = array<i32>} : memref<2x384x128xf32, #tpu.memory_space<vmem>>, vector<1x1x16xf32>,
            %get3A_568 = vector.shape_cast %get3A_567 : vector<1x1x16xf32> to vector<16xf32>
            %add3A_569 = arith.addf %add3A_511, %get3A_568 : vector<16xf32>
            %get3A_570 = arith.constant 0 : i32
            %get3A_571 = arith.index_cast %get3A_570 : i32 to index
            %get3A_572 = arith.index_cast %scan3A_548 : i32 to index
            %get3A_573 = arith.constant 48 : index
            %get3A_574 = tpu.vector_load %arg5[%get3A_571, %get3A_572, %get3A_573] {strides = array<i32>} : memref<2x384x128xf32, #tpu.memory_space<vmem>>, vector<1x1x16xf32>,
            %get3A_575 = vector.shape_cast %get3A_574 : vector<1x1x16xf32> to vector<16xf32>
            %add3A_576 = arith.addf %add3A_518, %get3A_575 : vector<16xf32>
            %get3A_577 = arith.constant 0 : i32
            %get3A_578 = arith.index_cast %get3A_577 : i32 to index
            %get3A_579 = arith.index_cast %scan3A_548 : i32 to index
            %get3A_580 = arith.constant 64 : index
            %get3A_581 = tpu.vector_load %arg5[%get3A_578, %get3A_579, %get3A_580] {strides = array<i32>} : memref<2x384x128xf32, #tpu.memory_space<vmem>>, vector<1x1x16xf32>,
            %get3A_582 = vector.shape_cast %get3A_581 : vector<1x1x16xf32> to vector<16xf32>
            %add3A_583 = arith.addf %add3A_525, %get3A_582 : vector<16xf32>
            %get3A_584 = arith.constant 0 : i32
            %get3A_585 = arith.index_cast %get3A_584 : i32 to index
            %get3A_586 = arith.index_cast %scan3A_548 : i32 to index
            %get3A_587 = arith.constant 80 : index
            %get3A_588 = tpu.vector_load %arg5[%get3A_585, %get3A_586, %get3A_587] {strides = array<i32>} : memref<2x384x128xf32, #tpu.memory_space<vmem>>, vector<1x1x16xf32>,
            %get3A_589 = vector.shape_cast %get3A_588 : vector<1x1x16xf32> to vector<16xf32>
            %add3A_590 = arith.addf %add3A_532, %get3A_589 : vector<16xf32>
            %get3A_591 = arith.constant 0 : i32
            %get3A_592 = arith.index_cast %get3A_591 : i32 to index
            %get3A_593 = arith.index_cast %scan3A_548 : i32 to index
            %get3A_594 = arith.constant 96 : index
            %get3A_595 = tpu.vector_load %arg5[%get3A_592, %get3A_593, %get3A_594] {strides = array<i32>} : memref<2x384x128xf32, #tpu.memory_space<vmem>>, vector<1x1x16xf32>,
            %get3A_596 = vector.shape_cast %get3A_595 : vector<1x1x16xf32> to vector<16xf32>
            %add3A_597 = arith.addf %add3A_539, %get3A_596 : vector<16xf32>
            %get3A_598 = arith.constant 0 : i32
            %get3A_599 = arith.index_cast %get3A_598 : i32 to index
            %get3A_600 = arith.index_cast %scan3A_548 : i32 to index
            %get3A_601 = arith.constant 112 : index
            %get3A_602 = tpu.vector_load %arg5[%get3A_599, %get3A_600, %get3A_601] {strides = array<i32>} : memref<2x384x128xf32, #tpu.memory_space<vmem>>, vector<1x1x16xf32>,
            %get3A_603 = vector.shape_cast %get3A_602 : vector<1x1x16xf32> to vector<16xf32>
            %add3A_604 = arith.addf %add3A_546, %get3A_603 : vector<16xf32>
            scf.yield %add3A_555, %add3A_562, %add3A_569, %add3A_576, %add3A_583, %add3A_590, %add3A_597, %add3A_604 : vector<16xf32>, vector<16xf32>, vector<16xf32>, vector<16xf32>, vector<16xf32>, vector<16xf32>, vector<16xf32>, vector<16xf32>
          }
          %scan3A_285 = arith.constant 128 : i32
          %get3A_286 = arith.index_cast %squeeze3A_266 : i32 to index
          %get3A_287 = arith.constant 0 : index
          %get3A_288 = tpu.vector_load %arg8[%get3A_286, %get3A_287] {strides = array<i32>} : memref<128x128xf32, #tpu.memory_space<vmem>>, vector<1x16xf32>,
          %get3A_289 = vector.shape_cast %get3A_288 : vector<1x16xf32> to vector<16xf32>
          %add3A_290 = arith.addf %get3A_289, %scan3A_284#0 : vector<16xf32>
          %swap3A_291 = arith.index_cast %squeeze3A_266 : i32 to index
          %swap3A_292 = arith.constant 0 : index
          %swap3A_293 = tpu.vector_load %arg8[%swap3A_291, %swap3A_292] {strides = array<i32>} : memref<128x128xf32, #tpu.memory_space<vmem>>, vector<1x16xf32>,
          %swap3A_294 = vector.shape_cast %swap3A_293 : vector<1x16xf32> to vector<16xf32>
          %swap3A_295 = vector.shape_cast %add3A_290 : vector<16xf32> to vector<1x16xf32>
          tpu.vector_store %arg8[%swap3A_291, %swap3A_292], %swap3A_295 {strides = array<i32>} : memref<128x128xf32, #tpu.memory_space<vmem>>, vector<1x16xf32>,
          %get3A_296 = arith.index_cast %squeeze3A_266 : i32 to index
          %get3A_297 = arith.constant 16 : index
          %get3A_298 = tpu.vector_load %arg8[%get3A_296, %get3A_297] {strides = array<i32>} : memref<128x128xf32, #tpu.memory_space<vmem>>, vector<1x16xf32>,
          %get3A_299 = vector.shape_cast %get3A_298 : vector<1x16xf32> to vector<16xf32>
          %add3A_300 = arith.addf %get3A_299, %scan3A_284#1 : vector<16xf32>
          %swap3A_301 = arith.index_cast %squeeze3A_266 : i32 to index
          %swap3A_302 = arith.constant 16 : index
          %swap3A_303 = tpu.vector_load %arg8[%swap3A_301, %swap3A_302] {strides = array<i32>} : memref<128x128xf32, #tpu.memory_space<vmem>>, vector<1x16xf32>,
          %swap3A_304 = vector.shape_cast %swap3A_303 : vector<1x16xf32> to vector<16xf32>
          %swap3A_305 = vector.shape_cast %add3A_300 : vector<16xf32> to vector<1x16xf32>
          tpu.vector_store %arg8[%swap3A_301, %swap3A_302], %swap3A_305 {strides = array<i32>} : memref<128x128xf32, #tpu.memory_space<vmem>>, vector<1x16xf32>,
          %get3A_306 = arith.index_cast %squeeze3A_266 : i32 to index
          %get3A_307 = arith.constant 32 : index
          %get3A_308 = tpu.vector_load %arg8[%get3A_306, %get3A_307] {strides = array<i32>} : memref<128x128xf32, #tpu.memory_space<vmem>>, vector<1x16xf32>,
          %get3A_309 = vector.shape_cast %get3A_308 : vector<1x16xf32> to vector<16xf32>
          %add3A_310 = arith.addf %get3A_309, %scan3A_284#2 : vector<16xf32>
          %swap3A_311 = arith.index_cast %squeeze3A_266 : i32 to index
          %swap3A_312 = arith.constant 32 : index
          %swap3A_313 = tpu.vector_load %arg8[%swap3A_311, %swap3A_312] {strides = array<i32>} : memref<128x128xf32, #tpu.memory_space<vmem>>, vector<1x16xf32>,
          %swap3A_314 = vector.shape_cast %swap3A_313 : vector<1x16xf32> to vector<16xf32>
          %swap3A_315 = vector.shape_cast %add3A_310 : vector<16xf32> to vector<1x16xf32>
          tpu.vector_store %arg8[%swap3A_311, %swap3A_312], %swap3A_315 {strides = array<i32>} : memref<128x128xf32, #tpu.memory_space<vmem>>, vector<1x16xf32>,
          %get3A_316 = arith.index_cast %squeeze3A_266 : i32 to index
          %get3A_317 = arith.constant 48 : index
          %get3A_318 = tpu.vector_load %arg8[%get3A_316, %get3A_317] {strides = array<i32>} : memref<128x128xf32, #tpu.memory_space<vmem>>, vector<1x16xf32>,
          %get3A_319 = vector.shape_cast %get3A_318 : vector<1x16xf32> to vector<16xf32>
          %add3A_320 = arith.addf %get3A_319, %scan3A_284#3 : vector<16xf32>
          %swap3A_321 = arith.index_cast %squeeze3A_266 : i32 to index
          %swap3A_322 = arith.constant 48 : index
          %swap3A_323 = tpu.vector_load %arg8[%swap3A_321, %swap3A_322] {strides = array<i32>} : memref<128x128xf32, #tpu.memory_space<vmem>>, vector<1x16xf32>,
          %swap3A_324 = vector.shape_cast %swap3A_323 : vector<1x16xf32> to vector<16xf32>
          %swap3A_325 = vector.shape_cast %add3A_320 : vector<16xf32> to vector<1x16xf32>
          tpu.vector_store %arg8[%swap3A_321, %swap3A_322], %swap3A_325 {strides = array<i32>} : memref<128x128xf32, #tpu.memory_space<vmem>>, vector<1x16xf32>,
          %get3A_326 = arith.index_cast %squeeze3A_266 : i32 to index
          %get3A_327 = arith.constant 64 : index
          %get3A_328 = tpu.vector_load %arg8[%get3A_326, %get3A_327] {strides = array<i32>} : memref<128x128xf32, #tpu.memory_space<vmem>>, vector<1x16xf32>,
          %get3A_329 = vector.shape_cast %get3A_328 : vector<1x16xf32> to vector<16xf32>
          %add3A_330 = arith.addf %get3A_329, %scan3A_284#4 : vector<16xf32>
          %swap3A_331 = arith.index_cast %squeeze3A_266 : i32 to index
          %swap3A_332 = arith.constant 64 : index
          %swap3A_333 = tpu.vector_load %arg8[%swap3A_331, %swap3A_332] {strides = array<i32>} : memref<128x128xf32, #tpu.memory_space<vmem>>, vector<1x16xf32>,
          %swap3A_334 = vector.shape_cast %swap3A_333 : vector<1x16xf32> to vector<16xf32>
          %swap3A_335 = vector.shape_cast %add3A_330 : vector<16xf32> to vector<1x16xf32>
          tpu.vector_store %arg8[%swap3A_331, %swap3A_332], %swap3A_335 {strides = array<i32>} : memref<128x128xf32, #tpu.memory_space<vmem>>, vector<1x16xf32>,
          %get3A_336 = arith.index_cast %squeeze3A_266 : i32 to index
          %get3A_337 = arith.constant 80 : index
          %get3A_338 = tpu.vector_load %arg8[%get3A_336, %get3A_337] {strides = array<i32>} : memref<128x128xf32, #tpu.memory_space<vmem>>, vector<1x16xf32>,
          %get3A_339 = vector.shape_cast %get3A_338 : vector<1x16xf32> to vector<16xf32>
          %add3A_340 = arith.addf %get3A_339, %scan3A_284#5 : vector<16xf32>
          %swap3A_341 = arith.index_cast %squeeze3A_266 : i32 to index
          %swap3A_342 = arith.constant 80 : index
          %swap3A_343 = tpu.vector_load %arg8[%swap3A_341, %swap3A_342] {strides = array<i32>} : memref<128x128xf32, #tpu.memory_space<vmem>>, vector<1x16xf32>,
          %swap3A_344 = vector.shape_cast %swap3A_343 : vector<1x16xf32> to vector<16xf32>
          %swap3A_345 = vector.shape_cast %add3A_340 : vector<16xf32> to vector<1x16xf32>
          tpu.vector_store %arg8[%swap3A_341, %swap3A_342], %swap3A_345 {strides = array<i32>} : memref<128x128xf32, #tpu.memory_space<vmem>>, vector<1x16xf32>,
          %get3A_346 = arith.index_cast %squeeze3A_266 : i32 to index
          %get3A_347 = arith.constant 96 : index
          %get3A_348 = tpu.vector_load %arg8[%get3A_346, %get3A_347] {strides = array<i32>} : memref<128x128xf32, #tpu.memory_space<vmem>>, vector<1x16xf32>,
          %get3A_349 = vector.shape_cast %get3A_348 : vector<1x16xf32> to vector<16xf32>
          %add3A_350 = arith.addf %get3A_349, %scan3A_284#6 : vector<16xf32>
          %swap3A_351 = arith.index_cast %squeeze3A_266 : i32 to index
          %swap3A_352 = arith.constant 96 : index
          %swap3A_353 = tpu.vector_load %arg8[%swap3A_351, %swap3A_352] {strides = array<i32>} : memref<128x128xf32, #tpu.memory_space<vmem>>, vector<1x16xf32>,
          %swap3A_354 = vector.shape_cast %swap3A_353 : vector<1x16xf32> to vector<16xf32>
          %swap3A_355 = vector.shape_cast %add3A_350 : vector<16xf32> to vector<1x16xf32>
          tpu.vector_store %arg8[%swap3A_351, %swap3A_352], %swap3A_355 {strides = array<i32>} : memref<128x128xf32, #tpu.memory_space<vmem>>, vector<1x16xf32>,
          %get3A_356 = arith.index_cast %squeeze3A_266 : i32 to index
          %get3A_357 = arith.constant 112 : index
          %get3A_358 = tpu.vector_load %arg8[%get3A_356, %get3A_357] {strides = array<i32>} : memref<128x128xf32, #tpu.memory_space<vmem>>, vector<1x16xf32>,
          %get3A_359 = vector.shape_cast %get3A_358 : vector<1x16xf32> to vector<16xf32>
          %add3A_360 = arith.addf %get3A_359, %scan3A_284#7 : vector<16xf32>
          %swap3A_361 = arith.index_cast %squeeze3A_266 : i32 to index
          %swap3A_362 = arith.constant 112 : index
          %swap3A_363 = tpu.vector_load %arg8[%swap3A_361, %swap3A_362] {strides = array<i32>} : memref<128x128xf32, #tpu.memory_space<vmem>>, vector<1x16xf32>,
          %swap3A_364 = vector.shape_cast %swap3A_363 : vector<1x16xf32> to vector<16xf32>
          %swap3A_365 = vector.shape_cast %add3A_360 : vector<16xf32> to vector<1x16xf32>
          tpu.vector_store %arg8[%swap3A_361, %swap3A_362], %swap3A_365 {strides = array<i32>} : memref<128x128xf32, #tpu.memory_space<vmem>>, vector<1x16xf32>,
        } else {
        }
        %ne3A_276 = arith.cmpi ne, %squeeze3A_266, %squeeze3A_271 : i32
        %convert_element_type3A_277 = arith.extui %ne3A_276 : i1 to i32
        %cond3A_278 = arith.constant 0 : i32
        %cond3A_279 = arith.cmpi ne, %convert_element_type3A_277, %cond3A_278 : i32
        scf.if %cond3A_279 {
          %get3A_280 = arith.constant 0 : i32
          %get3A_281 = arith.index_cast %get3A_280 : i32 to index
          %get3A_282 = memref.load %arg11[%get3A_281] : memref<40xi32, #tpu.memory_space<smem>>
          %mul3A_283 = arith.constant 384 : i32
          %mul3A_284 = arith.muli %add3A_184, %mul3A_283 : i32
          %add3A_285 = arith.constant 256 : i32
          %add3A_286 = arith.addi %mul3A_284, %add3A_285 : i32
          %add3A_287 = arith.constant 1 : i32
          %add3A_288 = arith.addi %get3A_282, %add3A_287 : i32
          %swap3A_289 = arith.index_cast %add3A_288 : i32 to index
          %swap3A_290 = memref.load %arg11[%swap3A_289] : memref<40xi32, #tpu.memory_space<smem>>
          memref.store %add3A_286, %arg11[%swap3A_289] : memref<40xi32, #tpu.memory_space<smem>>
          %add3A_291 = arith.constant 1 : i32
          %add3A_292 = arith.addi %get3A_282, %add3A_291 : i32
          %swap3A_293 = arith.constant 0 : i32
          %swap3A_294 = arith.index_cast %swap3A_293 : i32 to index
          %swap3A_295 = memref.load %arg11[%swap3A_294] : memref<40xi32, #tpu.memory_space<smem>>
          memref.store %add3A_292, %arg11[%swap3A_294] : memref<40xi32, #tpu.memory_space<smem>>
        } else {
        }
      } else {
      }
      %add3A_190 = arith.constant 2 : i32
      %add3A_191 = arith.addi %mul3A_171, %add3A_190 : i32
      %mul3A_192 = arith.constant 32 : i32
      %mul3A_193 = arith.muli %mul3A_192, %add3A_191 : i32
      %add3A_194 = arith.addi %add3A, %mul3A_193 : i32
      %lt3A_195 = arith.constant 260 : i32
      %lt3A_196 = arith.cmpi slt, %add3A_194, %lt3A_195 : i32
      %convert_element_type3A_197 = arith.extui %lt3A_196 : i1 to i32
      %cond3A_198 = arith.constant 0 : i32
      %cond3A_199 = arith.cmpi ne, %convert_element_type3A_197, %cond3A_198 : i32
      scf.if %cond3A_199 {
        %mul3A_211 = arith.constant 384 : i32
        %mul3A_212 = arith.muli %add3A_194, %mul3A_211 : i32
        %dma_start3A = arith.constant 0 : i32
        %dma_start3A_213 = arith.constant 0 : i32
        %dma_start3A_214 = arith.constant 0 : i32
        %dma_start3A_215 = tpu.memref_slice %arg5[%dma_start3A, %dma_start3A_213, %dma_start3A_214] : memref<2x384x128xf32, #tpu.memory_space<vmem>> -> memref<1x384x128xf32, #tpu.memory_space<vmem>>
        %dma_start3A_216 = tpu.memref_squeeze %dma_start3A_215 : memref<1x384x128xf32, #tpu.memory_space<vmem>> -> memref<384x128xf32, #tpu.memory_space<vmem>>
        %dma_start3A_217 = arith.constant 0 : i32
        %dma_start3A_218 = tpu.memref_slice %arg2[%mul3A_212, %dma_start3A_217] : memref<100000x128xf32, #tpu.memory_space<hbm>> -> memref<384x128xf32, #tpu.memory_space<hbm>>
        %dma_start3A_219 = arith.constant 0 : i32
        %dma_start3A_220 = arith.constant 0 : i32
        %dma_start3A_221 = tpu.memref_slice %arg5[%dma_start3A, %dma_start3A_219, %dma_start3A_220] : memref<2x384x128xf32, #tpu.memory_space<vmem>> -> memref<1x384x128xf32, #tpu.memory_space<vmem>>
        %dma_start3A_222 = tpu.memref_squeeze %dma_start3A_221 : memref<1x384x128xf32, #tpu.memory_space<vmem>> -> memref<384x128xf32, #tpu.memory_space<vmem>>
        %dma_start3A_223 = arith.constant 0 : i32
        %dma_start3A_224 = tpu.memref_slice %arg2[%mul3A_212, %dma_start3A_223] : memref<100000x128xf32, #tpu.memory_space<hbm>> -> memref<384x128xf32, #tpu.memory_space<hbm>>
        tpu.enqueue_dma source(%dma_start3A_224 : memref<384x128xf32, #tpu.memory_space<hbm>>) target(%dma_start3A_222 : memref<384x128xf32, #tpu.memory_space<vmem>>) target_semaphore(%arg13 : memref<!tpu.dma_semaphore, #tpu.memory_space<semaphore_mem>>)
        %dma_start3A_225 = tpu.memref_slice %arg3[%mul3A_212] : memref<100000xi32, #tpu.memory_space<hbm>> -> memref<384xi32, #tpu.memory_space<hbm>>
        %dma_start3A_226 = tpu.memref_slice %arg3[%mul3A_212] : memref<100000xi32, #tpu.memory_space<hbm>> -> memref<384xi32, #tpu.memory_space<hbm>>
        tpu.enqueue_dma source(%dma_start3A_226 : memref<384xi32, #tpu.memory_space<hbm>>) target(%arg6 : memref<384xi32, #tpu.memory_space<vmem>>) target_semaphore(%arg15 : memref<!tpu.dma_semaphore, #tpu.memory_space<semaphore_mem>>)
      } else {
      }
      %add3A_200 = arith.constant 1 : i32
      %add3A_201 = arith.addi %mul3A_171, %add3A_200 : i32
      %mul3A_202 = arith.constant 32 : i32
      %mul3A_203 = arith.muli %mul3A_202, %add3A_201 : i32
      %add3A_204 = arith.addi %add3A, %mul3A_203 : i32
      %lt3A_205 = arith.constant 260 : i32
      %lt3A_206 = arith.cmpi slt, %add3A_204, %lt3A_205 : i32
      %convert_element_type3A_207 = arith.extui %lt3A_206 : i1 to i32
      %cond3A_208 = arith.constant 0 : i32
      %cond3A_209 = arith.cmpi ne, %convert_element_type3A_207, %cond3A_208 : i32
      scf.if %cond3A_209 {
        %dma_wait3A = arith.constant 1 : i32
        %dma_wait3A_211 = arith.constant 0 : i32
        %dma_wait3A_212 = arith.constant 0 : i32
        %dma_wait3A_213 = tpu.memref_slice %arg5[%dma_wait3A, %dma_wait3A_211, %dma_wait3A_212] : memref<2x384x128xf32, #tpu.memory_space<vmem>> -> memref<1x384x128xf32, #tpu.memory_space<vmem>>
        %dma_wait3A_214 = tpu.memref_squeeze %dma_wait3A_213 : memref<1x384x128xf32, #tpu.memory_space<vmem>> -> memref<384x128xf32, #tpu.memory_space<vmem>>
        %dma_wait3A_215 = arith.constant 0 : i32
        %dma_wait3A_216 = arith.constant 0 : i32
        %dma_wait3A_217 = tpu.memref_slice %arg2[%dma_wait3A_215, %dma_wait3A_216] : memref<100000x128xf32, #tpu.memory_space<hbm>> -> memref<384x128xf32, #tpu.memory_space<hbm>>
        %dma_wait3A_218 = arith.constant 0 : i32
        %dma_wait3A_219 = arith.constant 0 : i32
        %dma_wait3A_220 = tpu.memref_slice %arg5[%dma_wait3A, %dma_wait3A_218, %dma_wait3A_219] : memref<2x384x128xf32, #tpu.memory_space<vmem>> -> memref<1x384x128xf32, #tpu.memory_space<vmem>>
        %dma_wait3A_221 = tpu.memref_squeeze %dma_wait3A_220 : memref<1x384x128xf32, #tpu.memory_space<vmem>> -> memref<384x128xf32, #tpu.memory_space<vmem>>
        %dma_wait3A_222 = arith.constant 0 : i32
        %dma_wait3A_223 = arith.constant 0 : i32
        %dma_wait3A_224 = tpu.memref_slice %arg2[%dma_wait3A_222, %dma_wait3A_223] : memref<100000x128xf32, #tpu.memory_space<hbm>> -> memref<384x128xf32, #tpu.memory_space<hbm>>
        tpu.wait_dma2 semaphore(%arg14 : memref<!tpu.dma_semaphore, #tpu.memory_space<semaphore_mem>>) src(%dma_wait3A_224 : memref<384x128xf32, #tpu.memory_space<hbm>>) dst(%dma_wait3A_221 : memref<384x128xf32, #tpu.memory_space<vmem>>)
        %dma_wait3A_225 = arith.constant 0 : i32
        %dma_wait3A_226 = tpu.memref_slice %arg3[%dma_wait3A_225] : memref<100000xi32, #tpu.memory_space<hbm>> -> memref<384xi32, #tpu.memory_space<hbm>>
        %dma_wait3A_227 = arith.constant 0 : i32
        %dma_wait3A_228 = tpu.memref_slice %arg3[%dma_wait3A_227] : memref<100000xi32, #tpu.memory_space<hbm>> -> memref<384xi32, #tpu.memory_space<hbm>>
        tpu.wait_dma2 semaphore(%arg16 : memref<!tpu.dma_semaphore, #tpu.memory_space<semaphore_mem>>) src(%dma_wait3A_228 : memref<384xi32, #tpu.memory_space<hbm>>) dst(%arg7 : memref<384xi32, #tpu.memory_space<vmem>>)
        %get3A_229 = arith.constant 0 : index
        %get3A_230 = tpu.vector_load %arg7[%get3A_229] {strides = array<i32>} : memref<384xi32, #tpu.memory_space<vmem>>, vector<16xi32>,
        %get3A_231 = vector.shape_cast %get3A_230 : vector<16xi32> to vector<16xi32>
        %slice3A = vector.extract_strided_slice %get3A_231 {offsets = [0], sizes = [1], strides = [1]} : vector<16xi32> to vector<1xi32>
        %squeeze3A = vector.extract %slice3A[0] : i32 from vector<1xi32>
        %get3A_232 = arith.constant 112 : index
        %get3A_233 = tpu.vector_load %arg7[%get3A_232] {strides = array<i32>} : memref<384xi32, #tpu.memory_space<vmem>>, vector<16xi32>,
        %get3A_234 = vector.shape_cast %get3A_233 : vector<16xi32> to vector<16xi32>
        %slice3A_235 = vector.extract_strided_slice %get3A_234 {offsets = [15], sizes = [1], strides = [1]} : vector<16xi32> to vector<1xi32>
        %squeeze3A_236 = vector.extract %slice3A_235[0] : i32 from vector<1xi32>
        %eq3A_237 = arith.cmpi eq, %squeeze3A, %squeeze3A_236 : i32
        %convert_element_type3A_238 = arith.extui %eq3A_237 : i1 to i32
        %cond3A_239 = arith.constant 0 : i32
        %cond3A_240 = arith.cmpi ne, %convert_element_type3A_238, %cond3A_239 : i32
        scf.if %cond3A_240 {
          %scan3A_280 = arith.constant 0 : i32
          %scan3A_281 = arith.constant 128 : i32
          %scan3A_282 = arith.addi %scan3A_280, %scan3A_281 : i32
          %scan3A_283 = arith.constant 4 : i32
          %scan3A_284:8 = scf.for %scan3A_366 = %scan3A_280 to %scan3A_282 step %scan3A_283 iter_args(%scan3A_367 = %broadcast_in_dim3A_1, %scan3A_368 = %broadcast_in_dim3A_1, %scan3A_369 = %broadcast_in_dim3A_1, %scan3A_370 = %broadcast_in_dim3A_1, %scan3A_371 = %broadcast_in_dim3A_1, %scan3A_372 = %broadcast_in_dim3A_1, %scan3A_373 = %broadcast_in_dim3A_1, %scan3A_374 = %broadcast_in_dim3A_1) -> (vector<16xf32>, vector<16xf32>, vector<16xf32>, vector<16xf32>, vector<16xf32>, vector<16xf32>, vector<16xf32>, vector<16xf32>)  : i32 {
            %get3A_375 = arith.constant 1 : i32
            %get3A_376 = arith.index_cast %get3A_375 : i32 to index
            %get3A_377 = arith.index_cast %scan3A_366 : i32 to index
            %get3A_378 = arith.constant 0 : index
            %get3A_379 = tpu.vector_load %arg5[%get3A_376, %get3A_377, %get3A_378] {strides = array<i32>} : memref<2x384x128xf32, #tpu.memory_space<vmem>>, vector<1x1x16xf32>,
            %get3A_380 = vector.shape_cast %get3A_379 : vector<1x1x16xf32> to vector<16xf32>
            %add3A_381 = arith.addf %scan3A_367, %get3A_380 : vector<16xf32>
            %get3A_382 = arith.constant 1 : i32
            %get3A_383 = arith.index_cast %get3A_382 : i32 to index
            %get3A_384 = arith.index_cast %scan3A_366 : i32 to index
            %get3A_385 = arith.constant 16 : index
            %get3A_386 = tpu.vector_load %arg5[%get3A_383, %get3A_384, %get3A_385] {strides = array<i32>} : memref<2x384x128xf32, #tpu.memory_space<vmem>>, vector<1x1x16xf32>,
            %get3A_387 = vector.shape_cast %get3A_386 : vector<1x1x16xf32> to vector<16xf32>
            %add3A_388 = arith.addf %scan3A_368, %get3A_387 : vector<16xf32>
            %get3A_389 = arith.constant 1 : i32
            %get3A_390 = arith.index_cast %get3A_389 : i32 to index
            %get3A_391 = arith.index_cast %scan3A_366 : i32 to index
            %get3A_392 = arith.constant 32 : index
            %get3A_393 = tpu.vector_load %arg5[%get3A_390, %get3A_391, %get3A_392] {strides = array<i32>} : memref<2x384x128xf32, #tpu.memory_space<vmem>>, vector<1x1x16xf32>,
            %get3A_394 = vector.shape_cast %get3A_393 : vector<1x1x16xf32> to vector<16xf32>
            %add3A_395 = arith.addf %scan3A_369, %get3A_394 : vector<16xf32>
            %get3A_396 = arith.constant 1 : i32
            %get3A_397 = arith.index_cast %get3A_396 : i32 to index
            %get3A_398 = arith.index_cast %scan3A_366 : i32 to index
            %get3A_399 = arith.constant 48 : index
            %get3A_400 = tpu.vector_load %arg5[%get3A_397, %get3A_398, %get3A_399] {strides = array<i32>} : memref<2x384x128xf32, #tpu.memory_space<vmem>>, vector<1x1x16xf32>,
            %get3A_401 = vector.shape_cast %get3A_400 : vector<1x1x16xf32> to vector<16xf32>
            %add3A_402 = arith.addf %scan3A_370, %get3A_401 : vector<16xf32>
            %get3A_403 = arith.constant 1 : i32
            %get3A_404 = arith.index_cast %get3A_403 : i32 to index
            %get3A_405 = arith.index_cast %scan3A_366 : i32 to index
            %get3A_406 = arith.constant 64 : index
            %get3A_407 = tpu.vector_load %arg5[%get3A_404, %get3A_405, %get3A_406] {strides = array<i32>} : memref<2x384x128xf32, #tpu.memory_space<vmem>>, vector<1x1x16xf32>,
            %get3A_408 = vector.shape_cast %get3A_407 : vector<1x1x16xf32> to vector<16xf32>
            %add3A_409 = arith.addf %scan3A_371, %get3A_408 : vector<16xf32>
            %get3A_410 = arith.constant 1 : i32
            %get3A_411 = arith.index_cast %get3A_410 : i32 to index
            %get3A_412 = arith.index_cast %scan3A_366 : i32 to index
            %get3A_413 = arith.constant 80 : index
            %get3A_414 = tpu.vector_load %arg5[%get3A_411, %get3A_412, %get3A_413] {strides = array<i32>} : memref<2x384x128xf32, #tpu.memory_space<vmem>>, vector<1x1x16xf32>,
            %get3A_415 = vector.shape_cast %get3A_414 : vector<1x1x16xf32> to vector<16xf32>
            %add3A_416 = arith.addf %scan3A_372, %get3A_415 : vector<16xf32>
            %get3A_417 = arith.constant 1 : i32
            %get3A_418 = arith.index_cast %get3A_417 : i32 to index
            %get3A_419 = arith.index_cast %scan3A_366 : i32 to index
            %get3A_420 = arith.constant 96 : index
            %get3A_421 = tpu.vector_load %arg5[%get3A_418, %get3A_419, %get3A_420] {strides = array<i32>} : memref<2x384x128xf32, #tpu.memory_space<vmem>>, vector<1x1x16xf32>,
            %get3A_422 = vector.shape_cast %get3A_421 : vector<1x1x16xf32> to vector<16xf32>
            %add3A_423 = arith.addf %scan3A_373, %get3A_422 : vector<16xf32>
            %get3A_424 = arith.constant 1 : i32
            %get3A_425 = arith.index_cast %get3A_424 : i32 to index
            %get3A_426 = arith.index_cast %scan3A_366 : i32 to index
            %get3A_427 = arith.constant 112 : index
            %get3A_428 = tpu.vector_load %arg5[%get3A_425, %get3A_426, %get3A_427] {strides = array<i32>} : memref<2x384x128xf32, #tpu.memory_space<vmem>>, vector<1x1x16xf32>,
            %get3A_429 = vector.shape_cast %get3A_428 : vector<1x1x16xf32> to vector<16xf32>
            %add3A_430 = arith.addf %scan3A_374, %get3A_429 : vector<16xf32>
            %scan3A_431 = arith.constant 1 : i32
            %scan3A_432 = arith.addi %scan3A_366, %scan3A_431 : i32
            %get3A_433 = arith.constant 1 : i32
            %get3A_434 = arith.index_cast %get3A_433 : i32 to index
            %get3A_435 = arith.index_cast %scan3A_432 : i32 to index
            %get3A_436 = arith.constant 0 : index
            %get3A_437 = tpu.vector_load %arg5[%get3A_434, %get3A_435, %get3A_436] {strides = array<i32>} : memref<2x384x128xf32, #tpu.memory_space<vmem>>, vector<1x1x16xf32>,
            %get3A_438 = vector.shape_cast %get3A_437 : vector<1x1x16xf32> to vector<16xf32>
            %add3A_439 = arith.addf %add3A_381, %get3A_438 : vector<16xf32>
            %get3A_440 = arith.constant 1 : i32
            %get3A_441 = arith.index_cast %get3A_440 : i32 to index
            %get3A_442 = arith.index_cast %scan3A_432 : i32 to index
            %get3A_443 = arith.constant 16 : index
            %get3A_444 = tpu.vector_load %arg5[%get3A_441, %get3A_442, %get3A_443] {strides = array<i32>} : memref<2x384x128xf32, #tpu.memory_space<vmem>>, vector<1x1x16xf32>,
            %get3A_445 = vector.shape_cast %get3A_444 : vector<1x1x16xf32> to vector<16xf32>
            %add3A_446 = arith.addf %add3A_388, %get3A_445 : vector<16xf32>
            %get3A_447 = arith.constant 1 : i32
            %get3A_448 = arith.index_cast %get3A_447 : i32 to index
            %get3A_449 = arith.index_cast %scan3A_432 : i32 to index
            %get3A_450 = arith.constant 32 : index
            %get3A_451 = tpu.vector_load %arg5[%get3A_448, %get3A_449, %get3A_450] {strides = array<i32>} : memref<2x384x128xf32, #tpu.memory_space<vmem>>, vector<1x1x16xf32>,
            %get3A_452 = vector.shape_cast %get3A_451 : vector<1x1x16xf32> to vector<16xf32>
            %add3A_453 = arith.addf %add3A_395, %get3A_452 : vector<16xf32>
            %get3A_454 = arith.constant 1 : i32
            %get3A_455 = arith.index_cast %get3A_454 : i32 to index
            %get3A_456 = arith.index_cast %scan3A_432 : i32 to index
            %get3A_457 = arith.constant 48 : index
            %get3A_458 = tpu.vector_load %arg5[%get3A_455, %get3A_456, %get3A_457] {strides = array<i32>} : memref<2x384x128xf32, #tpu.memory_space<vmem>>, vector<1x1x16xf32>,
            %get3A_459 = vector.shape_cast %get3A_458 : vector<1x1x16xf32> to vector<16xf32>
            %add3A_460 = arith.addf %add3A_402, %get3A_459 : vector<16xf32>
            %get3A_461 = arith.constant 1 : i32
            %get3A_462 = arith.index_cast %get3A_461 : i32 to index
            %get3A_463 = arith.index_cast %scan3A_432 : i32 to index
            %get3A_464 = arith.constant 64 : index
            %get3A_465 = tpu.vector_load %arg5[%get3A_462, %get3A_463, %get3A_464] {strides = array<i32>} : memref<2x384x128xf32, #tpu.memory_space<vmem>>, vector<1x1x16xf32>,
            %get3A_466 = vector.shape_cast %get3A_465 : vector<1x1x16xf32> to vector<16xf32>
            %add3A_467 = arith.addf %add3A_409, %get3A_466 : vector<16xf32>
            %get3A_468 = arith.constant 1 : i32
            %get3A_469 = arith.index_cast %get3A_468 : i32 to index
            %get3A_470 = arith.index_cast %scan3A_432 : i32 to index
            %get3A_471 = arith.constant 80 : index
            %get3A_472 = tpu.vector_load %arg5[%get3A_469, %get3A_470, %get3A_471] {strides = array<i32>} : memref<2x384x128xf32, #tpu.memory_space<vmem>>, vector<1x1x16xf32>,
            %get3A_473 = vector.shape_cast %get3A_472 : vector<1x1x16xf32> to vector<16xf32>
            %add3A_474 = arith.addf %add3A_416, %get3A_473 : vector<16xf32>
            %get3A_475 = arith.constant 1 : i32
            %get3A_476 = arith.index_cast %get3A_475 : i32 to index
            %get3A_477 = arith.index_cast %scan3A_432 : i32 to index
            %get3A_478 = arith.constant 96 : index
            %get3A_479 = tpu.vector_load %arg5[%get3A_476, %get3A_477, %get3A_478] {strides = array<i32>} : memref<2x384x128xf32, #tpu.memory_space<vmem>>, vector<1x1x16xf32>,
            %get3A_480 = vector.shape_cast %get3A_479 : vector<1x1x16xf32> to vector<16xf32>
            %add3A_481 = arith.addf %add3A_423, %get3A_480 : vector<16xf32>
            %get3A_482 = arith.constant 1 : i32
            %get3A_483 = arith.index_cast %get3A_482 : i32 to index
            %get3A_484 = arith.index_cast %scan3A_432 : i32 to index
            %get3A_485 = arith.constant 112 : index
            %get3A_486 = tpu.vector_load %arg5[%get3A_483, %get3A_484, %get3A_485] {strides = array<i32>} : memref<2x384x128xf32, #tpu.memory_space<vmem>>, vector<1x1x16xf32>,
            %get3A_487 = vector.shape_cast %get3A_486 : vector<1x1x16xf32> to vector<16xf32>
            %add3A_488 = arith.addf %add3A_430, %get3A_487 : vector<16xf32>
            %scan3A_489 = arith.constant 2 : i32
            %scan3A_490 = arith.addi %scan3A_366, %scan3A_489 : i32
            %get3A_491 = arith.constant 1 : i32
            %get3A_492 = arith.index_cast %get3A_491 : i32 to index
            %get3A_493 = arith.index_cast %scan3A_490 : i32 to index
            %get3A_494 = arith.constant 0 : index
            %get3A_495 = tpu.vector_load %arg5[%get3A_492, %get3A_493, %get3A_494] {strides = array<i32>} : memref<2x384x128xf32, #tpu.memory_space<vmem>>, vector<1x1x16xf32>,
            %get3A_496 = vector.shape_cast %get3A_495 : vector<1x1x16xf32> to vector<16xf32>
            %add3A_497 = arith.addf %add3A_439, %get3A_496 : vector<16xf32>
            %get3A_498 = arith.constant 1 : i32
            %get3A_499 = arith.index_cast %get3A_498 : i32 to index
            %get3A_500 = arith.index_cast %scan3A_490 : i32 to index
            %get3A_501 = arith.constant 16 : index
            %get3A_502 = tpu.vector_load %arg5[%get3A_499, %get3A_500, %get3A_501] {strides = array<i32>} : memref<2x384x128xf32, #tpu.memory_space<vmem>>, vector<1x1x16xf32>,
            %get3A_503 = vector.shape_cast %get3A_502 : vector<1x1x16xf32> to vector<16xf32>
            %add3A_504 = arith.addf %add3A_446, %get3A_503 : vector<16xf32>
            %get3A_505 = arith.constant 1 : i32
            %get3A_506 = arith.index_cast %get3A_505 : i32 to index
            %get3A_507 = arith.index_cast %scan3A_490 : i32 to index
            %get3A_508 = arith.constant 32 : index
            %get3A_509 = tpu.vector_load %arg5[%get3A_506, %get3A_507, %get3A_508] {strides = array<i32>} : memref<2x384x128xf32, #tpu.memory_space<vmem>>, vector<1x1x16xf32>,
            %get3A_510 = vector.shape_cast %get3A_509 : vector<1x1x16xf32> to vector<16xf32>
            %add3A_511 = arith.addf %add3A_453, %get3A_510 : vector<16xf32>
            %get3A_512 = arith.constant 1 : i32
            %get3A_513 = arith.index_cast %get3A_512 : i32 to index
            %get3A_514 = arith.index_cast %scan3A_490 : i32 to index
            %get3A_515 = arith.constant 48 : index
            %get3A_516 = tpu.vector_load %arg5[%get3A_513, %get3A_514, %get3A_515] {strides = array<i32>} : memref<2x384x128xf32, #tpu.memory_space<vmem>>, vector<1x1x16xf32>,
            %get3A_517 = vector.shape_cast %get3A_516 : vector<1x1x16xf32> to vector<16xf32>
            %add3A_518 = arith.addf %add3A_460, %get3A_517 : vector<16xf32>
            %get3A_519 = arith.constant 1 : i32
            %get3A_520 = arith.index_cast %get3A_519 : i32 to index
            %get3A_521 = arith.index_cast %scan3A_490 : i32 to index
            %get3A_522 = arith.constant 64 : index
            %get3A_523 = tpu.vector_load %arg5[%get3A_520, %get3A_521, %get3A_522] {strides = array<i32>} : memref<2x384x128xf32, #tpu.memory_space<vmem>>, vector<1x1x16xf32>,
            %get3A_524 = vector.shape_cast %get3A_523 : vector<1x1x16xf32> to vector<16xf32>
            %add3A_525 = arith.addf %add3A_467, %get3A_524 : vector<16xf32>
            %get3A_526 = arith.constant 1 : i32
            %get3A_527 = arith.index_cast %get3A_526 : i32 to index
            %get3A_528 = arith.index_cast %scan3A_490 : i32 to index
            %get3A_529 = arith.constant 80 : index
            %get3A_530 = tpu.vector_load %arg5[%get3A_527, %get3A_528, %get3A_529] {strides = array<i32>} : memref<2x384x128xf32, #tpu.memory_space<vmem>>, vector<1x1x16xf32>,
            %get3A_531 = vector.shape_cast %get3A_530 : vector<1x1x16xf32> to vector<16xf32>
            %add3A_532 = arith.addf %add3A_474, %get3A_531 : vector<16xf32>
            %get3A_533 = arith.constant 1 : i32
            %get3A_534 = arith.index_cast %get3A_533 : i32 to index
            %get3A_535 = arith.index_cast %scan3A_490 : i32 to index
            %get3A_536 = arith.constant 96 : index
            %get3A_537 = tpu.vector_load %arg5[%get3A_534, %get3A_535, %get3A_536] {strides = array<i32>} : memref<2x384x128xf32, #tpu.memory_space<vmem>>, vector<1x1x16xf32>,
            %get3A_538 = vector.shape_cast %get3A_537 : vector<1x1x16xf32> to vector<16xf32>
            %add3A_539 = arith.addf %add3A_481, %get3A_538 : vector<16xf32>
            %get3A_540 = arith.constant 1 : i32
            %get3A_541 = arith.index_cast %get3A_540 : i32 to index
            %get3A_542 = arith.index_cast %scan3A_490 : i32 to index
            %get3A_543 = arith.constant 112 : index
            %get3A_544 = tpu.vector_load %arg5[%get3A_541, %get3A_542, %get3A_543] {strides = array<i32>} : memref<2x384x128xf32, #tpu.memory_space<vmem>>, vector<1x1x16xf32>,
            %get3A_545 = vector.shape_cast %get3A_544 : vector<1x1x16xf32> to vector<16xf32>
            %add3A_546 = arith.addf %add3A_488, %get3A_545 : vector<16xf32>
            %scan3A_547 = arith.constant 3 : i32
            %scan3A_548 = arith.addi %scan3A_366, %scan3A_547 : i32
            %get3A_549 = arith.constant 1 : i32
            %get3A_550 = arith.index_cast %get3A_549 : i32 to index
            %get3A_551 = arith.index_cast %scan3A_548 : i32 to index
            %get3A_552 = arith.constant 0 : index
            %get3A_553 = tpu.vector_load %arg5[%get3A_550, %get3A_551, %get3A_552] {strides = array<i32>} : memref<2x384x128xf32, #tpu.memory_space<vmem>>, vector<1x1x16xf32>,
            %get3A_554 = vector.shape_cast %get3A_553 : vector<1x1x16xf32> to vector<16xf32>
            %add3A_555 = arith.addf %add3A_497, %get3A_554 : vector<16xf32>
            %get3A_556 = arith.constant 1 : i32
            %get3A_557 = arith.index_cast %get3A_556 : i32 to index
            %get3A_558 = arith.index_cast %scan3A_548 : i32 to index
            %get3A_559 = arith.constant 16 : index
            %get3A_560 = tpu.vector_load %arg5[%get3A_557, %get3A_558, %get3A_559] {strides = array<i32>} : memref<2x384x128xf32, #tpu.memory_space<vmem>>, vector<1x1x16xf32>,
            %get3A_561 = vector.shape_cast %get3A_560 : vector<1x1x16xf32> to vector<16xf32>
            %add3A_562 = arith.addf %add3A_504, %get3A_561 : vector<16xf32>
            %get3A_563 = arith.constant 1 : i32
            %get3A_564 = arith.index_cast %get3A_563 : i32 to index
            %get3A_565 = arith.index_cast %scan3A_548 : i32 to index
            %get3A_566 = arith.constant 32 : index
            %get3A_567 = tpu.vector_load %arg5[%get3A_564, %get3A_565, %get3A_566] {strides = array<i32>} : memref<2x384x128xf32, #tpu.memory_space<vmem>>, vector<1x1x16xf32>,
            %get3A_568 = vector.shape_cast %get3A_567 : vector<1x1x16xf32> to vector<16xf32>
            %add3A_569 = arith.addf %add3A_511, %get3A_568 : vector<16xf32>
            %get3A_570 = arith.constant 1 : i32
            %get3A_571 = arith.index_cast %get3A_570 : i32 to index
            %get3A_572 = arith.index_cast %scan3A_548 : i32 to index
            %get3A_573 = arith.constant 48 : index
            %get3A_574 = tpu.vector_load %arg5[%get3A_571, %get3A_572, %get3A_573] {strides = array<i32>} : memref<2x384x128xf32, #tpu.memory_space<vmem>>, vector<1x1x16xf32>,
            %get3A_575 = vector.shape_cast %get3A_574 : vector<1x1x16xf32> to vector<16xf32>
            %add3A_576 = arith.addf %add3A_518, %get3A_575 : vector<16xf32>
            %get3A_577 = arith.constant 1 : i32
            %get3A_578 = arith.index_cast %get3A_577 : i32 to index
            %get3A_579 = arith.index_cast %scan3A_548 : i32 to index
            %get3A_580 = arith.constant 64 : index
            %get3A_581 = tpu.vector_load %arg5[%get3A_578, %get3A_579, %get3A_580] {strides = array<i32>} : memref<2x384x128xf32, #tpu.memory_space<vmem>>, vector<1x1x16xf32>,
            %get3A_582 = vector.shape_cast %get3A_581 : vector<1x1x16xf32> to vector<16xf32>
            %add3A_583 = arith.addf %add3A_525, %get3A_582 : vector<16xf32>
            %get3A_584 = arith.constant 1 : i32
            %get3A_585 = arith.index_cast %get3A_584 : i32 to index
            %get3A_586 = arith.index_cast %scan3A_548 : i32 to index
            %get3A_587 = arith.constant 80 : index
            %get3A_588 = tpu.vector_load %arg5[%get3A_585, %get3A_586, %get3A_587] {strides = array<i32>} : memref<2x384x128xf32, #tpu.memory_space<vmem>>, vector<1x1x16xf32>,
            %get3A_589 = vector.shape_cast %get3A_588 : vector<1x1x16xf32> to vector<16xf32>
            %add3A_590 = arith.addf %add3A_532, %get3A_589 : vector<16xf32>
            %get3A_591 = arith.constant 1 : i32
            %get3A_592 = arith.index_cast %get3A_591 : i32 to index
            %get3A_593 = arith.index_cast %scan3A_548 : i32 to index
            %get3A_594 = arith.constant 96 : index
            %get3A_595 = tpu.vector_load %arg5[%get3A_592, %get3A_593, %get3A_594] {strides = array<i32>} : memref<2x384x128xf32, #tpu.memory_space<vmem>>, vector<1x1x16xf32>,
            %get3A_596 = vector.shape_cast %get3A_595 : vector<1x1x16xf32> to vector<16xf32>
            %add3A_597 = arith.addf %add3A_539, %get3A_596 : vector<16xf32>
            %get3A_598 = arith.constant 1 : i32
            %get3A_599 = arith.index_cast %get3A_598 : i32 to index
            %get3A_600 = arith.index_cast %scan3A_548 : i32 to index
            %get3A_601 = arith.constant 112 : index
            %get3A_602 = tpu.vector_load %arg5[%get3A_599, %get3A_600, %get3A_601] {strides = array<i32>} : memref<2x384x128xf32, #tpu.memory_space<vmem>>, vector<1x1x16xf32>,
            %get3A_603 = vector.shape_cast %get3A_602 : vector<1x1x16xf32> to vector<16xf32>
            %add3A_604 = arith.addf %add3A_546, %get3A_603 : vector<16xf32>
            scf.yield %add3A_555, %add3A_562, %add3A_569, %add3A_576, %add3A_583, %add3A_590, %add3A_597, %add3A_604 : vector<16xf32>, vector<16xf32>, vector<16xf32>, vector<16xf32>, vector<16xf32>, vector<16xf32>, vector<16xf32>, vector<16xf32>
          }
          %scan3A_285 = arith.constant 128 : i32
          %get3A_286 = arith.index_cast %squeeze3A : i32 to index
          %get3A_287 = arith.constant 0 : index
          %get3A_288 = tpu.vector_load %arg8[%get3A_286, %get3A_287] {strides = array<i32>} : memref<128x128xf32, #tpu.memory_space<vmem>>, vector<1x16xf32>,
          %get3A_289 = vector.shape_cast %get3A_288 : vector<1x16xf32> to vector<16xf32>
          %add3A_290 = arith.addf %get3A_289, %scan3A_284#0 : vector<16xf32>
          %swap3A_291 = arith.index_cast %squeeze3A : i32 to index
          %swap3A_292 = arith.constant 0 : index
          %swap3A_293 = tpu.vector_load %arg8[%swap3A_291, %swap3A_292] {strides = array<i32>} : memref<128x128xf32, #tpu.memory_space<vmem>>, vector<1x16xf32>,
          %swap3A_294 = vector.shape_cast %swap3A_293 : vector<1x16xf32> to vector<16xf32>
          %swap3A_295 = vector.shape_cast %add3A_290 : vector<16xf32> to vector<1x16xf32>
          tpu.vector_store %arg8[%swap3A_291, %swap3A_292], %swap3A_295 {strides = array<i32>} : memref<128x128xf32, #tpu.memory_space<vmem>>, vector<1x16xf32>,
          %get3A_296 = arith.index_cast %squeeze3A : i32 to index
          %get3A_297 = arith.constant 16 : index
          %get3A_298 = tpu.vector_load %arg8[%get3A_296, %get3A_297] {strides = array<i32>} : memref<128x128xf32, #tpu.memory_space<vmem>>, vector<1x16xf32>,
          %get3A_299 = vector.shape_cast %get3A_298 : vector<1x16xf32> to vector<16xf32>
          %add3A_300 = arith.addf %get3A_299, %scan3A_284#1 : vector<16xf32>
          %swap3A_301 = arith.index_cast %squeeze3A : i32 to index
          %swap3A_302 = arith.constant 16 : index
          %swap3A_303 = tpu.vector_load %arg8[%swap3A_301, %swap3A_302] {strides = array<i32>} : memref<128x128xf32, #tpu.memory_space<vmem>>, vector<1x16xf32>,
          %swap3A_304 = vector.shape_cast %swap3A_303 : vector<1x16xf32> to vector<16xf32>
          %swap3A_305 = vector.shape_cast %add3A_300 : vector<16xf32> to vector<1x16xf32>
          tpu.vector_store %arg8[%swap3A_301, %swap3A_302], %swap3A_305 {strides = array<i32>} : memref<128x128xf32, #tpu.memory_space<vmem>>, vector<1x16xf32>,
          %get3A_306 = arith.index_cast %squeeze3A : i32 to index
          %get3A_307 = arith.constant 32 : index
          %get3A_308 = tpu.vector_load %arg8[%get3A_306, %get3A_307] {strides = array<i32>} : memref<128x128xf32, #tpu.memory_space<vmem>>, vector<1x16xf32>,
          %get3A_309 = vector.shape_cast %get3A_308 : vector<1x16xf32> to vector<16xf32>
          %add3A_310 = arith.addf %get3A_309, %scan3A_284#2 : vector<16xf32>
          %swap3A_311 = arith.index_cast %squeeze3A : i32 to index
          %swap3A_312 = arith.constant 32 : index
          %swap3A_313 = tpu.vector_load %arg8[%swap3A_311, %swap3A_312] {strides = array<i32>} : memref<128x128xf32, #tpu.memory_space<vmem>>, vector<1x16xf32>,
          %swap3A_314 = vector.shape_cast %swap3A_313 : vector<1x16xf32> to vector<16xf32>
          %swap3A_315 = vector.shape_cast %add3A_310 : vector<16xf32> to vector<1x16xf32>
          tpu.vector_store %arg8[%swap3A_311, %swap3A_312], %swap3A_315 {strides = array<i32>} : memref<128x128xf32, #tpu.memory_space<vmem>>, vector<1x16xf32>,
          %get3A_316 = arith.index_cast %squeeze3A : i32 to index
          %get3A_317 = arith.constant 48 : index
          %get3A_318 = tpu.vector_load %arg8[%get3A_316, %get3A_317] {strides = array<i32>} : memref<128x128xf32, #tpu.memory_space<vmem>>, vector<1x16xf32>,
          %get3A_319 = vector.shape_cast %get3A_318 : vector<1x16xf32> to vector<16xf32>
          %add3A_320 = arith.addf %get3A_319, %scan3A_284#3 : vector<16xf32>
          %swap3A_321 = arith.index_cast %squeeze3A : i32 to index
          %swap3A_322 = arith.constant 48 : index
          %swap3A_323 = tpu.vector_load %arg8[%swap3A_321, %swap3A_322] {strides = array<i32>} : memref<128x128xf32, #tpu.memory_space<vmem>>, vector<1x16xf32>,
          %swap3A_324 = vector.shape_cast %swap3A_323 : vector<1x16xf32> to vector<16xf32>
          %swap3A_325 = vector.shape_cast %add3A_320 : vector<16xf32> to vector<1x16xf32>
          tpu.vector_store %arg8[%swap3A_321, %swap3A_322], %swap3A_325 {strides = array<i32>} : memref<128x128xf32, #tpu.memory_space<vmem>>, vector<1x16xf32>,
          %get3A_326 = arith.index_cast %squeeze3A : i32 to index
          %get3A_327 = arith.constant 64 : index
          %get3A_328 = tpu.vector_load %arg8[%get3A_326, %get3A_327] {strides = array<i32>} : memref<128x128xf32, #tpu.memory_space<vmem>>, vector<1x16xf32>,
          %get3A_329 = vector.shape_cast %get3A_328 : vector<1x16xf32> to vector<16xf32>
          %add3A_330 = arith.addf %get3A_329, %scan3A_284#4 : vector<16xf32>
          %swap3A_331 = arith.index_cast %squeeze3A : i32 to index
          %swap3A_332 = arith.constant 64 : index
          %swap3A_333 = tpu.vector_load %arg8[%swap3A_331, %swap3A_332] {strides = array<i32>} : memref<128x128xf32, #tpu.memory_space<vmem>>, vector<1x16xf32>,
          %swap3A_334 = vector.shape_cast %swap3A_333 : vector<1x16xf32> to vector<16xf32>
          %swap3A_335 = vector.shape_cast %add3A_330 : vector<16xf32> to vector<1x16xf32>
          tpu.vector_store %arg8[%swap3A_331, %swap3A_332], %swap3A_335 {strides = array<i32>} : memref<128x128xf32, #tpu.memory_space<vmem>>, vector<1x16xf32>,
          %get3A_336 = arith.index_cast %squeeze3A : i32 to index
          %get3A_337 = arith.constant 80 : index
          %get3A_338 = tpu.vector_load %arg8[%get3A_336, %get3A_337] {strides = array<i32>} : memref<128x128xf32, #tpu.memory_space<vmem>>, vector<1x16xf32>,
          %get3A_339 = vector.shape_cast %get3A_338 : vector<1x16xf32> to vector<16xf32>
          %add3A_340 = arith.addf %get3A_339, %scan3A_284#5 : vector<16xf32>
          %swap3A_341 = arith.index_cast %squeeze3A : i32 to index
          %swap3A_342 = arith.constant 80 : index
          %swap3A_343 = tpu.vector_load %arg8[%swap3A_341, %swap3A_342] {strides = array<i32>} : memref<128x128xf32, #tpu.memory_space<vmem>>, vector<1x16xf32>,
          %swap3A_344 = vector.shape_cast %swap3A_343 : vector<1x16xf32> to vector<16xf32>
          %swap3A_345 = vector.shape_cast %add3A_340 : vector<16xf32> to vector<1x16xf32>
          tpu.vector_store %arg8[%swap3A_341, %swap3A_342], %swap3A_345 {strides = array<i32>} : memref<128x128xf32, #tpu.memory_space<vmem>>, vector<1x16xf32>,
          %get3A_346 = arith.index_cast %squeeze3A : i32 to index
          %get3A_347 = arith.constant 96 : index
          %get3A_348 = tpu.vector_load %arg8[%get3A_346, %get3A_347] {strides = array<i32>} : memref<128x128xf32, #tpu.memory_space<vmem>>, vector<1x16xf32>,
          %get3A_349 = vector.shape_cast %get3A_348 : vector<1x16xf32> to vector<16xf32>
          %add3A_350 = arith.addf %get3A_349, %scan3A_284#6 : vector<16xf32>
          %swap3A_351 = arith.index_cast %squeeze3A : i32 to index
          %swap3A_352 = arith.constant 96 : index
          %swap3A_353 = tpu.vector_load %arg8[%swap3A_351, %swap3A_352] {strides = array<i32>} : memref<128x128xf32, #tpu.memory_space<vmem>>, vector<1x16xf32>,
          %swap3A_354 = vector.shape_cast %swap3A_353 : vector<1x16xf32> to vector<16xf32>
          %swap3A_355 = vector.shape_cast %add3A_350 : vector<16xf32> to vector<1x16xf32>
          tpu.vector_store %arg8[%swap3A_351, %swap3A_352], %swap3A_355 {strides = array<i32>} : memref<128x128xf32, #tpu.memory_space<vmem>>, vector<1x16xf32>,
          %get3A_356 = arith.index_cast %squeeze3A : i32 to index
          %get3A_357 = arith.constant 112 : index
          %get3A_358 = tpu.vector_load %arg8[%get3A_356, %get3A_357] {strides = array<i32>} : memref<128x128xf32, #tpu.memory_space<vmem>>, vector<1x16xf32>,
          %get3A_359 = vector.shape_cast %get3A_358 : vector<1x16xf32> to vector<16xf32>
          %add3A_360 = arith.addf %get3A_359, %scan3A_284#7 : vector<16xf32>
          %swap3A_361 = arith.index_cast %squeeze3A : i32 to index
          %swap3A_362 = arith.constant 112 : index
          %swap3A_363 = tpu.vector_load %arg8[%swap3A_361, %swap3A_362] {strides = array<i32>} : memref<128x128xf32, #tpu.memory_space<vmem>>, vector<1x16xf32>,
          %swap3A_364 = vector.shape_cast %swap3A_363 : vector<1x16xf32> to vector<16xf32>
          %swap3A_365 = vector.shape_cast %add3A_360 : vector<16xf32> to vector<1x16xf32>
          tpu.vector_store %arg8[%swap3A_361, %swap3A_362], %swap3A_365 {strides = array<i32>} : memref<128x128xf32, #tpu.memory_space<vmem>>, vector<1x16xf32>,
        } else {
        }
        %ne3A = arith.cmpi ne, %squeeze3A, %squeeze3A_236 : i32
        %convert_element_type3A_241 = arith.extui %ne3A : i1 to i32
        %cond3A_242 = arith.constant 0 : i32
        %cond3A_243 = arith.cmpi ne, %convert_element_type3A_241, %cond3A_242 : i32
        scf.if %cond3A_243 {
          %get3A_280 = arith.constant 0 : i32
          %get3A_281 = arith.index_cast %get3A_280 : i32 to index
          %get3A_282 = memref.load %arg11[%get3A_281] : memref<40xi32, #tpu.memory_space<smem>>
          %mul3A_283 = arith.constant 384 : i32
          %mul3A_284 = arith.muli %add3A_204, %mul3A_283 : i32
          %add3A_285 = arith.constant 0 : i32
          %add3A_286 = arith.addi %mul3A_284, %add3A_285 : i32
          %add3A_287 = arith.constant 1 : i32
          %add3A_288 = arith.addi %get3A_282, %add3A_287 : i32
          %swap3A_289 = arith.index_cast %add3A_288 : i32 to index
          %swap3A_290 = memref.load %arg11[%swap3A_289] : memref<40xi32, #tpu.memory_space<smem>>
          memref.store %add3A_286, %arg11[%swap3A_289] : memref<40xi32, #tpu.memory_space<smem>>
          %add3A_291 = arith.constant 1 : i32
          %add3A_292 = arith.addi %get3A_282, %add3A_291 : i32
          %swap3A_293 = arith.constant 0 : i32
          %swap3A_294 = arith.index_cast %swap3A_293 : i32 to index
          %swap3A_295 = memref.load %arg11[%swap3A_294] : memref<40xi32, #tpu.memory_space<smem>>
          memref.store %add3A_292, %arg11[%swap3A_294] : memref<40xi32, #tpu.memory_space<smem>>
        } else {
        }
        %get3A_244 = arith.constant 128 : index
        %get3A_245 = tpu.vector_load %arg7[%get3A_244] {strides = array<i32>} : memref<384xi32, #tpu.memory_space<vmem>>, vector<16xi32>,
        %get3A_246 = vector.shape_cast %get3A_245 : vector<16xi32> to vector<16xi32>
        %slice3A_247 = vector.extract_strided_slice %get3A_246 {offsets = [0], sizes = [1], strides = [1]} : vector<16xi32> to vector<1xi32>
        %squeeze3A_248 = vector.extract %slice3A_247[0] : i32 from vector<1xi32>
        %get3A_249 = arith.constant 240 : index
        %get3A_250 = tpu.vector_load %arg7[%get3A_249] {strides = array<i32>} : memref<384xi32, #tpu.memory_space<vmem>>, vector<16xi32>,
        %get3A_251 = vector.shape_cast %get3A_250 : vector<16xi32> to vector<16xi32>
        %slice3A_252 = vector.extract_strided_slice %get3A_251 {offsets = [15], sizes = [1], strides = [1]} : vector<16xi32> to vector<1xi32>
        %squeeze3A_253 = vector.extract %slice3A_252[0] : i32 from vector<1xi32>
        %eq3A_254 = arith.cmpi eq, %squeeze3A_248, %squeeze3A_253 : i32
        %convert_element_type3A_255 = arith.extui %eq3A_254 : i1 to i32
        %cond3A_256 = arith.constant 0 : i32
        %cond3A_257 = arith.cmpi ne, %convert_element_type3A_255, %cond3A_256 : i32
        scf.if %cond3A_257 {
          %scan3A_280 = arith.constant 128 : i32
          %scan3A_281 = arith.constant 128 : i32
          %scan3A_282 = arith.addi %scan3A_280, %scan3A_281 : i32
          %scan3A_283 = arith.constant 4 : i32
          %scan3A_284:8 = scf.for %scan3A_366 = %scan3A_280 to %scan3A_282 step %scan3A_283 iter_args(%scan3A_367 = %broadcast_in_dim3A_1, %scan3A_368 = %broadcast_in_dim3A_1, %scan3A_369 = %broadcast_in_dim3A_1, %scan3A_370 = %broadcast_in_dim3A_1, %scan3A_371 = %broadcast_in_dim3A_1, %scan3A_372 = %broadcast_in_dim3A_1, %scan3A_373 = %broadcast_in_dim3A_1, %scan3A_374 = %broadcast_in_dim3A_1) -> (vector<16xf32>, vector<16xf32>, vector<16xf32>, vector<16xf32>, vector<16xf32>, vector<16xf32>, vector<16xf32>, vector<16xf32>)  : i32 {
            %get3A_375 = arith.constant 1 : i32
            %get3A_376 = arith.index_cast %get3A_375 : i32 to index
            %get3A_377 = arith.index_cast %scan3A_366 : i32 to index
            %get3A_378 = arith.constant 0 : index
            %get3A_379 = tpu.vector_load %arg5[%get3A_376, %get3A_377, %get3A_378] {strides = array<i32>} : memref<2x384x128xf32, #tpu.memory_space<vmem>>, vector<1x1x16xf32>,
            %get3A_380 = vector.shape_cast %get3A_379 : vector<1x1x16xf32> to vector<16xf32>
            %add3A_381 = arith.addf %scan3A_367, %get3A_380 : vector<16xf32>
            %get3A_382 = arith.constant 1 : i32
            %get3A_383 = arith.index_cast %get3A_382 : i32 to index
            %get3A_384 = arith.index_cast %scan3A_366 : i32 to index
            %get3A_385 = arith.constant 16 : index
            %get3A_386 = tpu.vector_load %arg5[%get3A_383, %get3A_384, %get3A_385] {strides = array<i32>} : memref<2x384x128xf32, #tpu.memory_space<vmem>>, vector<1x1x16xf32>,
            %get3A_387 = vector.shape_cast %get3A_386 : vector<1x1x16xf32> to vector<16xf32>
            %add3A_388 = arith.addf %scan3A_368, %get3A_387 : vector<16xf32>
            %get3A_389 = arith.constant 1 : i32
            %get3A_390 = arith.index_cast %get3A_389 : i32 to index
            %get3A_391 = arith.index_cast %scan3A_366 : i32 to index
            %get3A_392 = arith.constant 32 : index
            %get3A_393 = tpu.vector_load %arg5[%get3A_390, %get3A_391, %get3A_392] {strides = array<i32>} : memref<2x384x128xf32, #tpu.memory_space<vmem>>, vector<1x1x16xf32>,
            %get3A_394 = vector.shape_cast %get3A_393 : vector<1x1x16xf32> to vector<16xf32>
            %add3A_395 = arith.addf %scan3A_369, %get3A_394 : vector<16xf32>
            %get3A_396 = arith.constant 1 : i32
            %get3A_397 = arith.index_cast %get3A_396 : i32 to index
            %get3A_398 = arith.index_cast %scan3A_366 : i32 to index
            %get3A_399 = arith.constant 48 : index
            %get3A_400 = tpu.vector_load %arg5[%get3A_397, %get3A_398, %get3A_399] {strides = array<i32>} : memref<2x384x128xf32, #tpu.memory_space<vmem>>, vector<1x1x16xf32>,
            %get3A_401 = vector.shape_cast %get3A_400 : vector<1x1x16xf32> to vector<16xf32>
            %add3A_402 = arith.addf %scan3A_370, %get3A_401 : vector<16xf32>
            %get3A_403 = arith.constant 1 : i32
            %get3A_404 = arith.index_cast %get3A_403 : i32 to index
            %get3A_405 = arith.index_cast %scan3A_366 : i32 to index
            %get3A_406 = arith.constant 64 : index
            %get3A_407 = tpu.vector_load %arg5[%get3A_404, %get3A_405, %get3A_406] {strides = array<i32>} : memref<2x384x128xf32, #tpu.memory_space<vmem>>, vector<1x1x16xf32>,
            %get3A_408 = vector.shape_cast %get3A_407 : vector<1x1x16xf32> to vector<16xf32>
            %add3A_409 = arith.addf %scan3A_371, %get3A_408 : vector<16xf32>
            %get3A_410 = arith.constant 1 : i32
            %get3A_411 = arith.index_cast %get3A_410 : i32 to index
            %get3A_412 = arith.index_cast %scan3A_366 : i32 to index
            %get3A_413 = arith.constant 80 : index
            %get3A_414 = tpu.vector_load %arg5[%get3A_411, %get3A_412, %get3A_413] {strides = array<i32>} : memref<2x384x128xf32, #tpu.memory_space<vmem>>, vector<1x1x16xf32>,
            %get3A_415 = vector.shape_cast %get3A_414 : vector<1x1x16xf32> to vector<16xf32>
            %add3A_416 = arith.addf %scan3A_372, %get3A_415 : vector<16xf32>
            %get3A_417 = arith.constant 1 : i32
            %get3A_418 = arith.index_cast %get3A_417 : i32 to index
            %get3A_419 = arith.index_cast %scan3A_366 : i32 to index
            %get3A_420 = arith.constant 96 : index
            %get3A_421 = tpu.vector_load %arg5[%get3A_418, %get3A_419, %get3A_420] {strides = array<i32>} : memref<2x384x128xf32, #tpu.memory_space<vmem>>, vector<1x1x16xf32>,
            %get3A_422 = vector.shape_cast %get3A_421 : vector<1x1x16xf32> to vector<16xf32>
            %add3A_423 = arith.addf %scan3A_373, %get3A_422 : vector<16xf32>
            %get3A_424 = arith.constant 1 : i32
            %get3A_425 = arith.index_cast %get3A_424 : i32 to index
            %get3A_426 = arith.index_cast %scan3A_366 : i32 to index
            %get3A_427 = arith.constant 112 : index
            %get3A_428 = tpu.vector_load %arg5[%get3A_425, %get3A_426, %get3A_427] {strides = array<i32>} : memref<2x384x128xf32, #tpu.memory_space<vmem>>, vector<1x1x16xf32>,
            %get3A_429 = vector.shape_cast %get3A_428 : vector<1x1x16xf32> to vector<16xf32>
            %add3A_430 = arith.addf %scan3A_374, %get3A_429 : vector<16xf32>
            %scan3A_431 = arith.constant 1 : i32
            %scan3A_432 = arith.addi %scan3A_366, %scan3A_431 : i32
            %get3A_433 = arith.constant 1 : i32
            %get3A_434 = arith.index_cast %get3A_433 : i32 to index
            %get3A_435 = arith.index_cast %scan3A_432 : i32 to index
            %get3A_436 = arith.constant 0 : index
            %get3A_437 = tpu.vector_load %arg5[%get3A_434, %get3A_435, %get3A_436] {strides = array<i32>} : memref<2x384x128xf32, #tpu.memory_space<vmem>>, vector<1x1x16xf32>,
            %get3A_438 = vector.shape_cast %get3A_437 : vector<1x1x16xf32> to vector<16xf32>
            %add3A_439 = arith.addf %add3A_381, %get3A_438 : vector<16xf32>
            %get3A_440 = arith.constant 1 : i32
            %get3A_441 = arith.index_cast %get3A_440 : i32 to index
            %get3A_442 = arith.index_cast %scan3A_432 : i32 to index
            %get3A_443 = arith.constant 16 : index
            %get3A_444 = tpu.vector_load %arg5[%get3A_441, %get3A_442, %get3A_443] {strides = array<i32>} : memref<2x384x128xf32, #tpu.memory_space<vmem>>, vector<1x1x16xf32>,
            %get3A_445 = vector.shape_cast %get3A_444 : vector<1x1x16xf32> to vector<16xf32>
            %add3A_446 = arith.addf %add3A_388, %get3A_445 : vector<16xf32>
            %get3A_447 = arith.constant 1 : i32
            %get3A_448 = arith.index_cast %get3A_447 : i32 to index
            %get3A_449 = arith.index_cast %scan3A_432 : i32 to index
            %get3A_450 = arith.constant 32 : index
            %get3A_451 = tpu.vector_load %arg5[%get3A_448, %get3A_449, %get3A_450] {strides = array<i32>} : memref<2x384x128xf32, #tpu.memory_space<vmem>>, vector<1x1x16xf32>,
            %get3A_452 = vector.shape_cast %get3A_451 : vector<1x1x16xf32> to vector<16xf32>
            %add3A_453 = arith.addf %add3A_395, %get3A_452 : vector<16xf32>
            %get3A_454 = arith.constant 1 : i32
            %get3A_455 = arith.index_cast %get3A_454 : i32 to index
            %get3A_456 = arith.index_cast %scan3A_432 : i32 to index
            %get3A_457 = arith.constant 48 : index
            %get3A_458 = tpu.vector_load %arg5[%get3A_455, %get3A_456, %get3A_457] {strides = array<i32>} : memref<2x384x128xf32, #tpu.memory_space<vmem>>, vector<1x1x16xf32>,
            %get3A_459 = vector.shape_cast %get3A_458 : vector<1x1x16xf32> to vector<16xf32>
            %add3A_460 = arith.addf %add3A_402, %get3A_459 : vector<16xf32>
            %get3A_461 = arith.constant 1 : i32
            %get3A_462 = arith.index_cast %get3A_461 : i32 to index
            %get3A_463 = arith.index_cast %scan3A_432 : i32 to index
            %get3A_464 = arith.constant 64 : index
            %get3A_465 = tpu.vector_load %arg5[%get3A_462, %get3A_463, %get3A_464] {strides = array<i32>} : memref<2x384x128xf32, #tpu.memory_space<vmem>>, vector<1x1x16xf32>,
            %get3A_466 = vector.shape_cast %get3A_465 : vector<1x1x16xf32> to vector<16xf32>
            %add3A_467 = arith.addf %add3A_409, %get3A_466 : vector<16xf32>
            %get3A_468 = arith.constant 1 : i32
            %get3A_469 = arith.index_cast %get3A_468 : i32 to index
            %get3A_470 = arith.index_cast %scan3A_432 : i32 to index
            %get3A_471 = arith.constant 80 : index
            %get3A_472 = tpu.vector_load %arg5[%get3A_469, %get3A_470, %get3A_471] {strides = array<i32>} : memref<2x384x128xf32, #tpu.memory_space<vmem>>, vector<1x1x16xf32>,
            %get3A_473 = vector.shape_cast %get3A_472 : vector<1x1x16xf32> to vector<16xf32>
            %add3A_474 = arith.addf %add3A_416, %get3A_473 : vector<16xf32>
            %get3A_475 = arith.constant 1 : i32
            %get3A_476 = arith.index_cast %get3A_475 : i32 to index
            %get3A_477 = arith.index_cast %scan3A_432 : i32 to index
            %get3A_478 = arith.constant 96 : index
            %get3A_479 = tpu.vector_load %arg5[%get3A_476, %get3A_477, %get3A_478] {strides = array<i32>} : memref<2x384x128xf32, #tpu.memory_space<vmem>>, vector<1x1x16xf32>,
            %get3A_480 = vector.shape_cast %get3A_479 : vector<1x1x16xf32> to vector<16xf32>
            %add3A_481 = arith.addf %add3A_423, %get3A_480 : vector<16xf32>
            %get3A_482 = arith.constant 1 : i32
            %get3A_483 = arith.index_cast %get3A_482 : i32 to index
            %get3A_484 = arith.index_cast %scan3A_432 : i32 to index
            %get3A_485 = arith.constant 112 : index
            %get3A_486 = tpu.vector_load %arg5[%get3A_483, %get3A_484, %get3A_485] {strides = array<i32>} : memref<2x384x128xf32, #tpu.memory_space<vmem>>, vector<1x1x16xf32>,
            %get3A_487 = vector.shape_cast %get3A_486 : vector<1x1x16xf32> to vector<16xf32>
            %add3A_488 = arith.addf %add3A_430, %get3A_487 : vector<16xf32>
            %scan3A_489 = arith.constant 2 : i32
            %scan3A_490 = arith.addi %scan3A_366, %scan3A_489 : i32
            %get3A_491 = arith.constant 1 : i32
            %get3A_492 = arith.index_cast %get3A_491 : i32 to index
            %get3A_493 = arith.index_cast %scan3A_490 : i32 to index
            %get3A_494 = arith.constant 0 : index
            %get3A_495 = tpu.vector_load %arg5[%get3A_492, %get3A_493, %get3A_494] {strides = array<i32>} : memref<2x384x128xf32, #tpu.memory_space<vmem>>, vector<1x1x16xf32>,
            %get3A_496 = vector.shape_cast %get3A_495 : vector<1x1x16xf32> to vector<16xf32>
            %add3A_497 = arith.addf %add3A_439, %get3A_496 : vector<16xf32>
            %get3A_498 = arith.constant 1 : i32
            %get3A_499 = arith.index_cast %get3A_498 : i32 to index
            %get3A_500 = arith.index_cast %scan3A_490 : i32 to index
            %get3A_501 = arith.constant 16 : index
            %get3A_502 = tpu.vector_load %arg5[%get3A_499, %get3A_500, %get3A_501] {strides = array<i32>} : memref<2x384x128xf32, #tpu.memory_space<vmem>>, vector<1x1x16xf32>,
            %get3A_503 = vector.shape_cast %get3A_502 : vector<1x1x16xf32> to vector<16xf32>
            %add3A_504 = arith.addf %add3A_446, %get3A_503 : vector<16xf32>
            %get3A_505 = arith.constant 1 : i32
            %get3A_506 = arith.index_cast %get3A_505 : i32 to index
            %get3A_507 = arith.index_cast %scan3A_490 : i32 to index
            %get3A_508 = arith.constant 32 : index
            %get3A_509 = tpu.vector_load %arg5[%get3A_506, %get3A_507, %get3A_508] {strides = array<i32>} : memref<2x384x128xf32, #tpu.memory_space<vmem>>, vector<1x1x16xf32>,
            %get3A_510 = vector.shape_cast %get3A_509 : vector<1x1x16xf32> to vector<16xf32>
            %add3A_511 = arith.addf %add3A_453, %get3A_510 : vector<16xf32>
            %get3A_512 = arith.constant 1 : i32
            %get3A_513 = arith.index_cast %get3A_512 : i32 to index
            %get3A_514 = arith.index_cast %scan3A_490 : i32 to index
            %get3A_515 = arith.constant 48 : index
            %get3A_516 = tpu.vector_load %arg5[%get3A_513, %get3A_514, %get3A_515] {strides = array<i32>} : memref<2x384x128xf32, #tpu.memory_space<vmem>>, vector<1x1x16xf32>,
            %get3A_517 = vector.shape_cast %get3A_516 : vector<1x1x16xf32> to vector<16xf32>
            %add3A_518 = arith.addf %add3A_460, %get3A_517 : vector<16xf32>
            %get3A_519 = arith.constant 1 : i32
            %get3A_520 = arith.index_cast %get3A_519 : i32 to index
            %get3A_521 = arith.index_cast %scan3A_490 : i32 to index
            %get3A_522 = arith.constant 64 : index
            %get3A_523 = tpu.vector_load %arg5[%get3A_520, %get3A_521, %get3A_522] {strides = array<i32>} : memref<2x384x128xf32, #tpu.memory_space<vmem>>, vector<1x1x16xf32>,
            %get3A_524 = vector.shape_cast %get3A_523 : vector<1x1x16xf32> to vector<16xf32>
            %add3A_525 = arith.addf %add3A_467, %get3A_524 : vector<16xf32>
            %get3A_526 = arith.constant 1 : i32
            %get3A_527 = arith.index_cast %get3A_526 : i32 to index
            %get3A_528 = arith.index_cast %scan3A_490 : i32 to index
            %get3A_529 = arith.constant 80 : index
            %get3A_530 = tpu.vector_load %arg5[%get3A_527, %get3A_528, %get3A_529] {strides = array<i32>} : memref<2x384x128xf32, #tpu.memory_space<vmem>>, vector<1x1x16xf32>,
            %get3A_531 = vector.shape_cast %get3A_530 : vector<1x1x16xf32> to vector<16xf32>
            %add3A_532 = arith.addf %add3A_474, %get3A_531 : vector<16xf32>
            %get3A_533 = arith.constant 1 : i32
            %get3A_534 = arith.index_cast %get3A_533 : i32 to index
            %get3A_535 = arith.index_cast %scan3A_490 : i32 to index
            %get3A_536 = arith.constant 96 : index
            %get3A_537 = tpu.vector_load %arg5[%get3A_534, %get3A_535, %get3A_536] {strides = array<i32>} : memref<2x384x128xf32, #tpu.memory_space<vmem>>, vector<1x1x16xf32>,
            %get3A_538 = vector.shape_cast %get3A_537 : vector<1x1x16xf32> to vector<16xf32>
            %add3A_539 = arith.addf %add3A_481, %get3A_538 : vector<16xf32>
            %get3A_540 = arith.constant 1 : i32
            %get3A_541 = arith.index_cast %get3A_540 : i32 to index
            %get3A_542 = arith.index_cast %scan3A_490 : i32 to index
            %get3A_543 = arith.constant 112 : index
            %get3A_544 = tpu.vector_load %arg5[%get3A_541, %get3A_542, %get3A_543] {strides = array<i32>} : memref<2x384x128xf32, #tpu.memory_space<vmem>>, vector<1x1x16xf32>,
            %get3A_545 = vector.shape_cast %get3A_544 : vector<1x1x16xf32> to vector<16xf32>
            %add3A_546 = arith.addf %add3A_488, %get3A_545 : vector<16xf32>
            %scan3A_547 = arith.constant 3 : i32
            %scan3A_548 = arith.addi %scan3A_366, %scan3A_547 : i32
            %get3A_549 = arith.constant 1 : i32
            %get3A_550 = arith.index_cast %get3A_549 : i32 to index
            %get3A_551 = arith.index_cast %scan3A_548 : i32 to index
            %get3A_552 = arith.constant 0 : index
            %get3A_553 = tpu.vector_load %arg5[%get3A_550, %get3A_551, %get3A_552] {strides = array<i32>} : memref<2x384x128xf32, #tpu.memory_space<vmem>>, vector<1x1x16xf32>,
            %get3A_554 = vector.shape_cast %get3A_553 : vector<1x1x16xf32> to vector<16xf32>
            %add3A_555 = arith.addf %add3A_497, %get3A_554 : vector<16xf32>
            %get3A_556 = arith.constant 1 : i32
            %get3A_557 = arith.index_cast %get3A_556 : i32 to index
            %get3A_558 = arith.index_cast %scan3A_548 : i32 to index
            %get3A_559 = arith.constant 16 : index
            %get3A_560 = tpu.vector_load %arg5[%get3A_557, %get3A_558, %get3A_559] {strides = array<i32>} : memref<2x384x128xf32, #tpu.memory_space<vmem>>, vector<1x1x16xf32>,
            %get3A_561 = vector.shape_cast %get3A_560 : vector<1x1x16xf32> to vector<16xf32>
            %add3A_562 = arith.addf %add3A_504, %get3A_561 : vector<16xf32>
            %get3A_563 = arith.constant 1 : i32
            %get3A_564 = arith.index_cast %get3A_563 : i32 to index
            %get3A_565 = arith.index_cast %scan3A_548 : i32 to index
            %get3A_566 = arith.constant 32 : index
            %get3A_567 = tpu.vector_load %arg5[%get3A_564, %get3A_565, %get3A_566] {strides = array<i32>} : memref<2x384x128xf32, #tpu.memory_space<vmem>>, vector<1x1x16xf32>,
            %get3A_568 = vector.shape_cast %get3A_567 : vector<1x1x16xf32> to vector<16xf32>
            %add3A_569 = arith.addf %add3A_511, %get3A_568 : vector<16xf32>
            %get3A_570 = arith.constant 1 : i32
            %get3A_571 = arith.index_cast %get3A_570 : i32 to index
            %get3A_572 = arith.index_cast %scan3A_548 : i32 to index
            %get3A_573 = arith.constant 48 : index
            %get3A_574 = tpu.vector_load %arg5[%get3A_571, %get3A_572, %get3A_573] {strides = array<i32>} : memref<2x384x128xf32, #tpu.memory_space<vmem>>, vector<1x1x16xf32>,
            %get3A_575 = vector.shape_cast %get3A_574 : vector<1x1x16xf32> to vector<16xf32>
            %add3A_576 = arith.addf %add3A_518, %get3A_575 : vector<16xf32>
            %get3A_577 = arith.constant 1 : i32
            %get3A_578 = arith.index_cast %get3A_577 : i32 to index
            %get3A_579 = arith.index_cast %scan3A_548 : i32 to index
            %get3A_580 = arith.constant 64 : index
            %get3A_581 = tpu.vector_load %arg5[%get3A_578, %get3A_579, %get3A_580] {strides = array<i32>} : memref<2x384x128xf32, #tpu.memory_space<vmem>>, vector<1x1x16xf32>,
            %get3A_582 = vector.shape_cast %get3A_581 : vector<1x1x16xf32> to vector<16xf32>
            %add3A_583 = arith.addf %add3A_525, %get3A_582 : vector<16xf32>
            %get3A_584 = arith.constant 1 : i32
            %get3A_585 = arith.index_cast %get3A_584 : i32 to index
            %get3A_586 = arith.index_cast %scan3A_548 : i32 to index
            %get3A_587 = arith.constant 80 : index
            %get3A_588 = tpu.vector_load %arg5[%get3A_585, %get3A_586, %get3A_587] {strides = array<i32>} : memref<2x384x128xf32, #tpu.memory_space<vmem>>, vector<1x1x16xf32>,
            %get3A_589 = vector.shape_cast %get3A_588 : vector<1x1x16xf32> to vector<16xf32>
            %add3A_590 = arith.addf %add3A_532, %get3A_589 : vector<16xf32>
            %get3A_591 = arith.constant 1 : i32
            %get3A_592 = arith.index_cast %get3A_591 : i32 to index
            %get3A_593 = arith.index_cast %scan3A_548 : i32 to index
            %get3A_594 = arith.constant 96 : index
            %get3A_595 = tpu.vector_load %arg5[%get3A_592, %get3A_593, %get3A_594] {strides = array<i32>} : memref<2x384x128xf32, #tpu.memory_space<vmem>>, vector<1x1x16xf32>,
            %get3A_596 = vector.shape_cast %get3A_595 : vector<1x1x16xf32> to vector<16xf32>
            %add3A_597 = arith.addf %add3A_539, %get3A_596 : vector<16xf32>
            %get3A_598 = arith.constant 1 : i32
            %get3A_599 = arith.index_cast %get3A_598 : i32 to index
            %get3A_600 = arith.index_cast %scan3A_548 : i32 to index
            %get3A_601 = arith.constant 112 : index
            %get3A_602 = tpu.vector_load %arg5[%get3A_599, %get3A_600, %get3A_601] {strides = array<i32>} : memref<2x384x128xf32, #tpu.memory_space<vmem>>, vector<1x1x16xf32>,
            %get3A_603 = vector.shape_cast %get3A_602 : vector<1x1x16xf32> to vector<16xf32>
            %add3A_604 = arith.addf %add3A_546, %get3A_603 : vector<16xf32>
            scf.yield %add3A_555, %add3A_562, %add3A_569, %add3A_576, %add3A_583, %add3A_590, %add3A_597, %add3A_604 : vector<16xf32>, vector<16xf32>, vector<16xf32>, vector<16xf32>, vector<16xf32>, vector<16xf32>, vector<16xf32>, vector<16xf32>
          }
          %scan3A_285 = arith.constant 128 : i32
          %get3A_286 = arith.index_cast %squeeze3A_248 : i32 to index
          %get3A_287 = arith.constant 0 : index
          %get3A_288 = tpu.vector_load %arg8[%get3A_286, %get3A_287] {strides = array<i32>} : memref<128x128xf32, #tpu.memory_space<vmem>>, vector<1x16xf32>,
          %get3A_289 = vector.shape_cast %get3A_288 : vector<1x16xf32> to vector<16xf32>
          %add3A_290 = arith.addf %get3A_289, %scan3A_284#0 : vector<16xf32>
          %swap3A_291 = arith.index_cast %squeeze3A_248 : i32 to index
          %swap3A_292 = arith.constant 0 : index
          %swap3A_293 = tpu.vector_load %arg8[%swap3A_291, %swap3A_292] {strides = array<i32>} : memref<128x128xf32, #tpu.memory_space<vmem>>, vector<1x16xf32>,
          %swap3A_294 = vector.shape_cast %swap3A_293 : vector<1x16xf32> to vector<16xf32>
          %swap3A_295 = vector.shape_cast %add3A_290 : vector<16xf32> to vector<1x16xf32>
          tpu.vector_store %arg8[%swap3A_291, %swap3A_292], %swap3A_295 {strides = array<i32>} : memref<128x128xf32, #tpu.memory_space<vmem>>, vector<1x16xf32>,
          %get3A_296 = arith.index_cast %squeeze3A_248 : i32 to index
          %get3A_297 = arith.constant 16 : index
          %get3A_298 = tpu.vector_load %arg8[%get3A_296, %get3A_297] {strides = array<i32>} : memref<128x128xf32, #tpu.memory_space<vmem>>, vector<1x16xf32>,
          %get3A_299 = vector.shape_cast %get3A_298 : vector<1x16xf32> to vector<16xf32>
          %add3A_300 = arith.addf %get3A_299, %scan3A_284#1 : vector<16xf32>
          %swap3A_301 = arith.index_cast %squeeze3A_248 : i32 to index
          %swap3A_302 = arith.constant 16 : index
          %swap3A_303 = tpu.vector_load %arg8[%swap3A_301, %swap3A_302] {strides = array<i32>} : memref<128x128xf32, #tpu.memory_space<vmem>>, vector<1x16xf32>,
          %swap3A_304 = vector.shape_cast %swap3A_303 : vector<1x16xf32> to vector<16xf32>
          %swap3A_305 = vector.shape_cast %add3A_300 : vector<16xf32> to vector<1x16xf32>
          tpu.vector_store %arg8[%swap3A_301, %swap3A_302], %swap3A_305 {strides = array<i32>} : memref<128x128xf32, #tpu.memory_space<vmem>>, vector<1x16xf32>,
          %get3A_306 = arith.index_cast %squeeze3A_248 : i32 to index
          %get3A_307 = arith.constant 32 : index
          %get3A_308 = tpu.vector_load %arg8[%get3A_306, %get3A_307] {strides = array<i32>} : memref<128x128xf32, #tpu.memory_space<vmem>>, vector<1x16xf32>,
          %get3A_309 = vector.shape_cast %get3A_308 : vector<1x16xf32> to vector<16xf32>
          %add3A_310 = arith.addf %get3A_309, %scan3A_284#2 : vector<16xf32>
          %swap3A_311 = arith.index_cast %squeeze3A_248 : i32 to index
          %swap3A_312 = arith.constant 32 : index
          %swap3A_313 = tpu.vector_load %arg8[%swap3A_311, %swap3A_312] {strides = array<i32>} : memref<128x128xf32, #tpu.memory_space<vmem>>, vector<1x16xf32>,
          %swap3A_314 = vector.shape_cast %swap3A_313 : vector<1x16xf32> to vector<16xf32>
          %swap3A_315 = vector.shape_cast %add3A_310 : vector<16xf32> to vector<1x16xf32>
          tpu.vector_store %arg8[%swap3A_311, %swap3A_312], %swap3A_315 {strides = array<i32>} : memref<128x128xf32, #tpu.memory_space<vmem>>, vector<1x16xf32>,
          %get3A_316 = arith.index_cast %squeeze3A_248 : i32 to index
          %get3A_317 = arith.constant 48 : index
          %get3A_318 = tpu.vector_load %arg8[%get3A_316, %get3A_317] {strides = array<i32>} : memref<128x128xf32, #tpu.memory_space<vmem>>, vector<1x16xf32>,
          %get3A_319 = vector.shape_cast %get3A_318 : vector<1x16xf32> to vector<16xf32>
          %add3A_320 = arith.addf %get3A_319, %scan3A_284#3 : vector<16xf32>
          %swap3A_321 = arith.index_cast %squeeze3A_248 : i32 to index
          %swap3A_322 = arith.constant 48 : index
          %swap3A_323 = tpu.vector_load %arg8[%swap3A_321, %swap3A_322] {strides = array<i32>} : memref<128x128xf32, #tpu.memory_space<vmem>>, vector<1x16xf32>,
          %swap3A_324 = vector.shape_cast %swap3A_323 : vector<1x16xf32> to vector<16xf32>
          %swap3A_325 = vector.shape_cast %add3A_320 : vector<16xf32> to vector<1x16xf32>
          tpu.vector_store %arg8[%swap3A_321, %swap3A_322], %swap3A_325 {strides = array<i32>} : memref<128x128xf32, #tpu.memory_space<vmem>>, vector<1x16xf32>,
          %get3A_326 = arith.index_cast %squeeze3A_248 : i32 to index
          %get3A_327 = arith.constant 64 : index
          %get3A_328 = tpu.vector_load %arg8[%get3A_326, %get3A_327] {strides = array<i32>} : memref<128x128xf32, #tpu.memory_space<vmem>>, vector<1x16xf32>,
          %get3A_329 = vector.shape_cast %get3A_328 : vector<1x16xf32> to vector<16xf32>
          %add3A_330 = arith.addf %get3A_329, %scan3A_284#4 : vector<16xf32>
          %swap3A_331 = arith.index_cast %squeeze3A_248 : i32 to index
          %swap3A_332 = arith.constant 64 : index
          %swap3A_333 = tpu.vector_load %arg8[%swap3A_331, %swap3A_332] {strides = array<i32>} : memref<128x128xf32, #tpu.memory_space<vmem>>, vector<1x16xf32>,
          %swap3A_334 = vector.shape_cast %swap3A_333 : vector<1x16xf32> to vector<16xf32>
          %swap3A_335 = vector.shape_cast %add3A_330 : vector<16xf32> to vector<1x16xf32>
          tpu.vector_store %arg8[%swap3A_331, %swap3A_332], %swap3A_335 {strides = array<i32>} : memref<128x128xf32, #tpu.memory_space<vmem>>, vector<1x16xf32>,
          %get3A_336 = arith.index_cast %squeeze3A_248 : i32 to index
          %get3A_337 = arith.constant 80 : index
          %get3A_338 = tpu.vector_load %arg8[%get3A_336, %get3A_337] {strides = array<i32>} : memref<128x128xf32, #tpu.memory_space<vmem>>, vector<1x16xf32>,
          %get3A_339 = vector.shape_cast %get3A_338 : vector<1x16xf32> to vector<16xf32>
          %add3A_340 = arith.addf %get3A_339, %scan3A_284#5 : vector<16xf32>
          %swap3A_341 = arith.index_cast %squeeze3A_248 : i32 to index
          %swap3A_342 = arith.constant 80 : index
          %swap3A_343 = tpu.vector_load %arg8[%swap3A_341, %swap3A_342] {strides = array<i32>} : memref<128x128xf32, #tpu.memory_space<vmem>>, vector<1x16xf32>,
          %swap3A_344 = vector.shape_cast %swap3A_343 : vector<1x16xf32> to vector<16xf32>
          %swap3A_345 = vector.shape_cast %add3A_340 : vector<16xf32> to vector<1x16xf32>
          tpu.vector_store %arg8[%swap3A_341, %swap3A_342], %swap3A_345 {strides = array<i32>} : memref<128x128xf32, #tpu.memory_space<vmem>>, vector<1x16xf32>,
          %get3A_346 = arith.index_cast %squeeze3A_248 : i32 to index
          %get3A_347 = arith.constant 96 : index
          %get3A_348 = tpu.vector_load %arg8[%get3A_346, %get3A_347] {strides = array<i32>} : memref<128x128xf32, #tpu.memory_space<vmem>>, vector<1x16xf32>,
          %get3A_349 = vector.shape_cast %get3A_348 : vector<1x16xf32> to vector<16xf32>
          %add3A_350 = arith.addf %get3A_349, %scan3A_284#6 : vector<16xf32>
          %swap3A_351 = arith.index_cast %squeeze3A_248 : i32 to index
          %swap3A_352 = arith.constant 96 : index
          %swap3A_353 = tpu.vector_load %arg8[%swap3A_351, %swap3A_352] {strides = array<i32>} : memref<128x128xf32, #tpu.memory_space<vmem>>, vector<1x16xf32>,
          %swap3A_354 = vector.shape_cast %swap3A_353 : vector<1x16xf32> to vector<16xf32>
          %swap3A_355 = vector.shape_cast %add3A_350 : vector<16xf32> to vector<1x16xf32>
          tpu.vector_store %arg8[%swap3A_351, %swap3A_352], %swap3A_355 {strides = array<i32>} : memref<128x128xf32, #tpu.memory_space<vmem>>, vector<1x16xf32>,
          %get3A_356 = arith.index_cast %squeeze3A_248 : i32 to index
          %get3A_357 = arith.constant 112 : index
          %get3A_358 = tpu.vector_load %arg8[%get3A_356, %get3A_357] {strides = array<i32>} : memref<128x128xf32, #tpu.memory_space<vmem>>, vector<1x16xf32>,
          %get3A_359 = vector.shape_cast %get3A_358 : vector<1x16xf32> to vector<16xf32>
          %add3A_360 = arith.addf %get3A_359, %scan3A_284#7 : vector<16xf32>
          %swap3A_361 = arith.index_cast %squeeze3A_248 : i32 to index
          %swap3A_362 = arith.constant 112 : index
          %swap3A_363 = tpu.vector_load %arg8[%swap3A_361, %swap3A_362] {strides = array<i32>} : memref<128x128xf32, #tpu.memory_space<vmem>>, vector<1x16xf32>,
          %swap3A_364 = vector.shape_cast %swap3A_363 : vector<1x16xf32> to vector<16xf32>
          %swap3A_365 = vector.shape_cast %add3A_360 : vector<16xf32> to vector<1x16xf32>
          tpu.vector_store %arg8[%swap3A_361, %swap3A_362], %swap3A_365 {strides = array<i32>} : memref<128x128xf32, #tpu.memory_space<vmem>>, vector<1x16xf32>,
        } else {
        }
        %ne3A_258 = arith.cmpi ne, %squeeze3A_248, %squeeze3A_253 : i32
        %convert_element_type3A_259 = arith.extui %ne3A_258 : i1 to i32
        %cond3A_260 = arith.constant 0 : i32
        %cond3A_261 = arith.cmpi ne, %convert_element_type3A_259, %cond3A_260 : i32
        scf.if %cond3A_261 {
          %get3A_280 = arith.constant 0 : i32
          %get3A_281 = arith.index_cast %get3A_280 : i32 to index
          %get3A_282 = memref.load %arg11[%get3A_281] : memref<40xi32, #tpu.memory_space<smem>>
          %mul3A_283 = arith.constant 384 : i32
          %mul3A_284 = arith.muli %add3A_204, %mul3A_283 : i32
          %add3A_285 = arith.constant 128 : i32
          %add3A_286 = arith.addi %mul3A_284, %add3A_285 : i32
          %add3A_287 = arith.constant 1 : i32
          %add3A_288 = arith.addi %get3A_282, %add3A_287 : i32
          %swap3A_289 = arith.index_cast %add3A_288 : i32 to index
          %swap3A_290 = memref.load %arg11[%swap3A_289] : memref<40xi32, #tpu.memory_space<smem>>
          memref.store %add3A_286, %arg11[%swap3A_289] : memref<40xi32, #tpu.memory_space<smem>>
          %add3A_291 = arith.constant 1 : i32
          %add3A_292 = arith.addi %get3A_282, %add3A_291 : i32
          %swap3A_293 = arith.constant 0 : i32
          %swap3A_294 = arith.index_cast %swap3A_293 : i32 to index
          %swap3A_295 = memref.load %arg11[%swap3A_294] : memref<40xi32, #tpu.memory_space<smem>>
          memref.store %add3A_292, %arg11[%swap3A_294] : memref<40xi32, #tpu.memory_space<smem>>
        } else {
        }
        %get3A_262 = arith.constant 256 : index
        %get3A_263 = tpu.vector_load %arg7[%get3A_262] {strides = array<i32>} : memref<384xi32, #tpu.memory_space<vmem>>, vector<16xi32>,
        %get3A_264 = vector.shape_cast %get3A_263 : vector<16xi32> to vector<16xi32>
        %slice3A_265 = vector.extract_strided_slice %get3A_264 {offsets = [0], sizes = [1], strides = [1]} : vector<16xi32> to vector<1xi32>
        %squeeze3A_266 = vector.extract %slice3A_265[0] : i32 from vector<1xi32>
        %get3A_267 = arith.constant 368 : index
        %get3A_268 = tpu.vector_load %arg7[%get3A_267] {strides = array<i32>} : memref<384xi32, #tpu.memory_space<vmem>>, vector<16xi32>,
        %get3A_269 = vector.shape_cast %get3A_268 : vector<16xi32> to vector<16xi32>
        %slice3A_270 = vector.extract_strided_slice %get3A_269 {offsets = [15], sizes = [1], strides = [1]} : vector<16xi32> to vector<1xi32>
        %squeeze3A_271 = vector.extract %slice3A_270[0] : i32 from vector<1xi32>
        %eq3A_272 = arith.cmpi eq, %squeeze3A_266, %squeeze3A_271 : i32
        %convert_element_type3A_273 = arith.extui %eq3A_272 : i1 to i32
        %cond3A_274 = arith.constant 0 : i32
        %cond3A_275 = arith.cmpi ne, %convert_element_type3A_273, %cond3A_274 : i32
        scf.if %cond3A_275 {
          %scan3A_280 = arith.constant 256 : i32
          %scan3A_281 = arith.constant 128 : i32
          %scan3A_282 = arith.addi %scan3A_280, %scan3A_281 : i32
          %scan3A_283 = arith.constant 4 : i32
          %scan3A_284:8 = scf.for %scan3A_366 = %scan3A_280 to %scan3A_282 step %scan3A_283 iter_args(%scan3A_367 = %broadcast_in_dim3A_1, %scan3A_368 = %broadcast_in_dim3A_1, %scan3A_369 = %broadcast_in_dim3A_1, %scan3A_370 = %broadcast_in_dim3A_1, %scan3A_371 = %broadcast_in_dim3A_1, %scan3A_372 = %broadcast_in_dim3A_1, %scan3A_373 = %broadcast_in_dim3A_1, %scan3A_374 = %broadcast_in_dim3A_1) -> (vector<16xf32>, vector<16xf32>, vector<16xf32>, vector<16xf32>, vector<16xf32>, vector<16xf32>, vector<16xf32>, vector<16xf32>)  : i32 {
            %get3A_375 = arith.constant 1 : i32
            %get3A_376 = arith.index_cast %get3A_375 : i32 to index
            %get3A_377 = arith.index_cast %scan3A_366 : i32 to index
            %get3A_378 = arith.constant 0 : index
            %get3A_379 = tpu.vector_load %arg5[%get3A_376, %get3A_377, %get3A_378] {strides = array<i32>} : memref<2x384x128xf32, #tpu.memory_space<vmem>>, vector<1x1x16xf32>,
            %get3A_380 = vector.shape_cast %get3A_379 : vector<1x1x16xf32> to vector<16xf32>
            %add3A_381 = arith.addf %scan3A_367, %get3A_380 : vector<16xf32>
            %get3A_382 = arith.constant 1 : i32
            %get3A_383 = arith.index_cast %get3A_382 : i32 to index
            %get3A_384 = arith.index_cast %scan3A_366 : i32 to index
            %get3A_385 = arith.constant 16 : index
            %get3A_386 = tpu.vector_load %arg5[%get3A_383, %get3A_384, %get3A_385] {strides = array<i32>} : memref<2x384x128xf32, #tpu.memory_space<vmem>>, vector<1x1x16xf32>,
            %get3A_387 = vector.shape_cast %get3A_386 : vector<1x1x16xf32> to vector<16xf32>
            %add3A_388 = arith.addf %scan3A_368, %get3A_387 : vector<16xf32>
            %get3A_389 = arith.constant 1 : i32
            %get3A_390 = arith.index_cast %get3A_389 : i32 to index
            %get3A_391 = arith.index_cast %scan3A_366 : i32 to index
            %get3A_392 = arith.constant 32 : index
            %get3A_393 = tpu.vector_load %arg5[%get3A_390, %get3A_391, %get3A_392] {strides = array<i32>} : memref<2x384x128xf32, #tpu.memory_space<vmem>>, vector<1x1x16xf32>,
            %get3A_394 = vector.shape_cast %get3A_393 : vector<1x1x16xf32> to vector<16xf32>
            %add3A_395 = arith.addf %scan3A_369, %get3A_394 : vector<16xf32>
            %get3A_396 = arith.constant 1 : i32
            %get3A_397 = arith.index_cast %get3A_396 : i32 to index
            %get3A_398 = arith.index_cast %scan3A_366 : i32 to index
            %get3A_399 = arith.constant 48 : index
            %get3A_400 = tpu.vector_load %arg5[%get3A_397, %get3A_398, %get3A_399] {strides = array<i32>} : memref<2x384x128xf32, #tpu.memory_space<vmem>>, vector<1x1x16xf32>,
            %get3A_401 = vector.shape_cast %get3A_400 : vector<1x1x16xf32> to vector<16xf32>
            %add3A_402 = arith.addf %scan3A_370, %get3A_401 : vector<16xf32>
            %get3A_403 = arith.constant 1 : i32
            %get3A_404 = arith.index_cast %get3A_403 : i32 to index
            %get3A_405 = arith.index_cast %scan3A_366 : i32 to index
            %get3A_406 = arith.constant 64 : index
            %get3A_407 = tpu.vector_load %arg5[%get3A_404, %get3A_405, %get3A_406] {strides = array<i32>} : memref<2x384x128xf32, #tpu.memory_space<vmem>>, vector<1x1x16xf32>,
            %get3A_408 = vector.shape_cast %get3A_407 : vector<1x1x16xf32> to vector<16xf32>
            %add3A_409 = arith.addf %scan3A_371, %get3A_408 : vector<16xf32>
            %get3A_410 = arith.constant 1 : i32
            %get3A_411 = arith.index_cast %get3A_410 : i32 to index
            %get3A_412 = arith.index_cast %scan3A_366 : i32 to index
            %get3A_413 = arith.constant 80 : index
            %get3A_414 = tpu.vector_load %arg5[%get3A_411, %get3A_412, %get3A_413] {strides = array<i32>} : memref<2x384x128xf32, #tpu.memory_space<vmem>>, vector<1x1x16xf32>,
            %get3A_415 = vector.shape_cast %get3A_414 : vector<1x1x16xf32> to vector<16xf32>
            %add3A_416 = arith.addf %scan3A_372, %get3A_415 : vector<16xf32>
            %get3A_417 = arith.constant 1 : i32
            %get3A_418 = arith.index_cast %get3A_417 : i32 to index
            %get3A_419 = arith.index_cast %scan3A_366 : i32 to index
            %get3A_420 = arith.constant 96 : index
            %get3A_421 = tpu.vector_load %arg5[%get3A_418, %get3A_419, %get3A_420] {strides = array<i32>} : memref<2x384x128xf32, #tpu.memory_space<vmem>>, vector<1x1x16xf32>,
            %get3A_422 = vector.shape_cast %get3A_421 : vector<1x1x16xf32> to vector<16xf32>
            %add3A_423 = arith.addf %scan3A_373, %get3A_422 : vector<16xf32>
            %get3A_424 = arith.constant 1 : i32
            %get3A_425 = arith.index_cast %get3A_424 : i32 to index
            %get3A_426 = arith.index_cast %scan3A_366 : i32 to index
            %get3A_427 = arith.constant 112 : index
            %get3A_428 = tpu.vector_load %arg5[%get3A_425, %get3A_426, %get3A_427] {strides = array<i32>} : memref<2x384x128xf32, #tpu.memory_space<vmem>>, vector<1x1x16xf32>,
            %get3A_429 = vector.shape_cast %get3A_428 : vector<1x1x16xf32> to vector<16xf32>
            %add3A_430 = arith.addf %scan3A_374, %get3A_429 : vector<16xf32>
            %scan3A_431 = arith.constant 1 : i32
            %scan3A_432 = arith.addi %scan3A_366, %scan3A_431 : i32
            %get3A_433 = arith.constant 1 : i32
            %get3A_434 = arith.index_cast %get3A_433 : i32 to index
            %get3A_435 = arith.index_cast %scan3A_432 : i32 to index
            %get3A_436 = arith.constant 0 : index
            %get3A_437 = tpu.vector_load %arg5[%get3A_434, %get3A_435, %get3A_436] {strides = array<i32>} : memref<2x384x128xf32, #tpu.memory_space<vmem>>, vector<1x1x16xf32>,
            %get3A_438 = vector.shape_cast %get3A_437 : vector<1x1x16xf32> to vector<16xf32>
            %add3A_439 = arith.addf %add3A_381, %get3A_438 : vector<16xf32>
            %get3A_440 = arith.constant 1 : i32
            %get3A_441 = arith.index_cast %get3A_440 : i32 to index
            %get3A_442 = arith.index_cast %scan3A_432 : i32 to index
            %get3A_443 = arith.constant 16 : index
            %get3A_444 = tpu.vector_load %arg5[%get3A_441, %get3A_442, %get3A_443] {strides = array<i32>} : memref<2x384x128xf32, #tpu.memory_space<vmem>>, vector<1x1x16xf32>,
            %get3A_445 = vector.shape_cast %get3A_444 : vector<1x1x16xf32> to vector<16xf32>
            %add3A_446 = arith.addf %add3A_388, %get3A_445 : vector<16xf32>
            %get3A_447 = arith.constant 1 : i32
            %get3A_448 = arith.index_cast %get3A_447 : i32 to index
            %get3A_449 = arith.index_cast %scan3A_432 : i32 to index
            %get3A_450 = arith.constant 32 : index
            %get3A_451 = tpu.vector_load %arg5[%get3A_448, %get3A_449, %get3A_450] {strides = array<i32>} : memref<2x384x128xf32, #tpu.memory_space<vmem>>, vector<1x1x16xf32>,
            %get3A_452 = vector.shape_cast %get3A_451 : vector<1x1x16xf32> to vector<16xf32>
            %add3A_453 = arith.addf %add3A_395, %get3A_452 : vector<16xf32>
            %get3A_454 = arith.constant 1 : i32
            %get3A_455 = arith.index_cast %get3A_454 : i32 to index
            %get3A_456 = arith.index_cast %scan3A_432 : i32 to index
            %get3A_457 = arith.constant 48 : index
            %get3A_458 = tpu.vector_load %arg5[%get3A_455, %get3A_456, %get3A_457] {strides = array<i32>} : memref<2x384x128xf32, #tpu.memory_space<vmem>>, vector<1x1x16xf32>,
            %get3A_459 = vector.shape_cast %get3A_458 : vector<1x1x16xf32> to vector<16xf32>
            %add3A_460 = arith.addf %add3A_402, %get3A_459 : vector<16xf32>
            %get3A_461 = arith.constant 1 : i32
            %get3A_462 = arith.index_cast %get3A_461 : i32 to index
            %get3A_463 = arith.index_cast %scan3A_432 : i32 to index
            %get3A_464 = arith.constant 64 : index
            %get3A_465 = tpu.vector_load %arg5[%get3A_462, %get3A_463, %get3A_464] {strides = array<i32>} : memref<2x384x128xf32, #tpu.memory_space<vmem>>, vector<1x1x16xf32>,
            %get3A_466 = vector.shape_cast %get3A_465 : vector<1x1x16xf32> to vector<16xf32>
            %add3A_467 = arith.addf %add3A_409, %get3A_466 : vector<16xf32>
            %get3A_468 = arith.constant 1 : i32
            %get3A_469 = arith.index_cast %get3A_468 : i32 to index
            %get3A_470 = arith.index_cast %scan3A_432 : i32 to index
            %get3A_471 = arith.constant 80 : index
            %get3A_472 = tpu.vector_load %arg5[%get3A_469, %get3A_470, %get3A_471] {strides = array<i32>} : memref<2x384x128xf32, #tpu.memory_space<vmem>>, vector<1x1x16xf32>,
            %get3A_473 = vector.shape_cast %get3A_472 : vector<1x1x16xf32> to vector<16xf32>
            %add3A_474 = arith.addf %add3A_416, %get3A_473 : vector<16xf32>
            %get3A_475 = arith.constant 1 : i32
            %get3A_476 = arith.index_cast %get3A_475 : i32 to index
            %get3A_477 = arith.index_cast %scan3A_432 : i32 to index
            %get3A_478 = arith.constant 96 : index
            %get3A_479 = tpu.vector_load %arg5[%get3A_476, %get3A_477, %get3A_478] {strides = array<i32>} : memref<2x384x128xf32, #tpu.memory_space<vmem>>, vector<1x1x16xf32>,
            %get3A_480 = vector.shape_cast %get3A_479 : vector<1x1x16xf32> to vector<16xf32>
            %add3A_481 = arith.addf %add3A_423, %get3A_480 : vector<16xf32>
            %get3A_482 = arith.constant 1 : i32
            %get3A_483 = arith.index_cast %get3A_482 : i32 to index
            %get3A_484 = arith.index_cast %scan3A_432 : i32 to index
            %get3A_485 = arith.constant 112 : index
            %get3A_486 = tpu.vector_load %arg5[%get3A_483, %get3A_484, %get3A_485] {strides = array<i32>} : memref<2x384x128xf32, #tpu.memory_space<vmem>>, vector<1x1x16xf32>,
            %get3A_487 = vector.shape_cast %get3A_486 : vector<1x1x16xf32> to vector<16xf32>
            %add3A_488 = arith.addf %add3A_430, %get3A_487 : vector<16xf32>
            %scan3A_489 = arith.constant 2 : i32
            %scan3A_490 = arith.addi %scan3A_366, %scan3A_489 : i32
            %get3A_491 = arith.constant 1 : i32
            %get3A_492 = arith.index_cast %get3A_491 : i32 to index
            %get3A_493 = arith.index_cast %scan3A_490 : i32 to index
            %get3A_494 = arith.constant 0 : index
            %get3A_495 = tpu.vector_load %arg5[%get3A_492, %get3A_493, %get3A_494] {strides = array<i32>} : memref<2x384x128xf32, #tpu.memory_space<vmem>>, vector<1x1x16xf32>,
            %get3A_496 = vector.shape_cast %get3A_495 : vector<1x1x16xf32> to vector<16xf32>
            %add3A_497 = arith.addf %add3A_439, %get3A_496 : vector<16xf32>
            %get3A_498 = arith.constant 1 : i32
            %get3A_499 = arith.index_cast %get3A_498 : i32 to index
            %get3A_500 = arith.index_cast %scan3A_490 : i32 to index
            %get3A_501 = arith.constant 16 : index
            %get3A_502 = tpu.vector_load %arg5[%get3A_499, %get3A_500, %get3A_501] {strides = array<i32>} : memref<2x384x128xf32, #tpu.memory_space<vmem>>, vector<1x1x16xf32>,
            %get3A_503 = vector.shape_cast %get3A_502 : vector<1x1x16xf32> to vector<16xf32>
            %add3A_504 = arith.addf %add3A_446, %get3A_503 : vector<16xf32>
            %get3A_505 = arith.constant 1 : i32
            %get3A_506 = arith.index_cast %get3A_505 : i32 to index
            %get3A_507 = arith.index_cast %scan3A_490 : i32 to index
            %get3A_508 = arith.constant 32 : index
            %get3A_509 = tpu.vector_load %arg5[%get3A_506, %get3A_507, %get3A_508] {strides = array<i32>} : memref<2x384x128xf32, #tpu.memory_space<vmem>>, vector<1x1x16xf32>,
            %get3A_510 = vector.shape_cast %get3A_509 : vector<1x1x16xf32> to vector<16xf32>
            %add3A_511 = arith.addf %add3A_453, %get3A_510 : vector<16xf32>
            %get3A_512 = arith.constant 1 : i32
            %get3A_513 = arith.index_cast %get3A_512 : i32 to index
            %get3A_514 = arith.index_cast %scan3A_490 : i32 to index
            %get3A_515 = arith.constant 48 : index
            %get3A_516 = tpu.vector_load %arg5[%get3A_513, %get3A_514, %get3A_515] {strides = array<i32>} : memref<2x384x128xf32, #tpu.memory_space<vmem>>, vector<1x1x16xf32>,
            %get3A_517 = vector.shape_cast %get3A_516 : vector<1x1x16xf32> to vector<16xf32>
            %add3A_518 = arith.addf %add3A_460, %get3A_517 : vector<16xf32>
            %get3A_519 = arith.constant 1 : i32
            %get3A_520 = arith.index_cast %get3A_519 : i32 to index
            %get3A_521 = arith.index_cast %scan3A_490 : i32 to index
            %get3A_522 = arith.constant 64 : index
            %get3A_523 = tpu.vector_load %arg5[%get3A_520, %get3A_521, %get3A_522] {strides = array<i32>} : memref<2x384x128xf32, #tpu.memory_space<vmem>>, vector<1x1x16xf32>,
            %get3A_524 = vector.shape_cast %get3A_523 : vector<1x1x16xf32> to vector<16xf32>
            %add3A_525 = arith.addf %add3A_467, %get3A_524 : vector<16xf32>
            %get3A_526 = arith.constant 1 : i32
            %get3A_527 = arith.index_cast %get3A_526 : i32 to index
            %get3A_528 = arith.index_cast %scan3A_490 : i32 to index
            %get3A_529 = arith.constant 80 : index
            %get3A_530 = tpu.vector_load %arg5[%get3A_527, %get3A_528, %get3A_529] {strides = array<i32>} : memref<2x384x128xf32, #tpu.memory_space<vmem>>, vector<1x1x16xf32>,
            %get3A_531 = vector.shape_cast %get3A_530 : vector<1x1x16xf32> to vector<16xf32>
            %add3A_532 = arith.addf %add3A_474, %get3A_531 : vector<16xf32>
            %get3A_533 = arith.constant 1 : i32
            %get3A_534 = arith.index_cast %get3A_533 : i32 to index
            %get3A_535 = arith.index_cast %scan3A_490 : i32 to index
            %get3A_536 = arith.constant 96 : index
            %get3A_537 = tpu.vector_load %arg5[%get3A_534, %get3A_535, %get3A_536] {strides = array<i32>} : memref<2x384x128xf32, #tpu.memory_space<vmem>>, vector<1x1x16xf32>,
            %get3A_538 = vector.shape_cast %get3A_537 : vector<1x1x16xf32> to vector<16xf32>
            %add3A_539 = arith.addf %add3A_481, %get3A_538 : vector<16xf32>
            %get3A_540 = arith.constant 1 : i32
            %get3A_541 = arith.index_cast %get3A_540 : i32 to index
            %get3A_542 = arith.index_cast %scan3A_490 : i32 to index
            %get3A_543 = arith.constant 112 : index
            %get3A_544 = tpu.vector_load %arg5[%get3A_541, %get3A_542, %get3A_543] {strides = array<i32>} : memref<2x384x128xf32, #tpu.memory_space<vmem>>, vector<1x1x16xf32>,
            %get3A_545 = vector.shape_cast %get3A_544 : vector<1x1x16xf32> to vector<16xf32>
            %add3A_546 = arith.addf %add3A_488, %get3A_545 : vector<16xf32>
            %scan3A_547 = arith.constant 3 : i32
            %scan3A_548 = arith.addi %scan3A_366, %scan3A_547 : i32
            %get3A_549 = arith.constant 1 : i32
            %get3A_550 = arith.index_cast %get3A_549 : i32 to index
            %get3A_551 = arith.index_cast %scan3A_548 : i32 to index
            %get3A_552 = arith.constant 0 : index
            %get3A_553 = tpu.vector_load %arg5[%get3A_550, %get3A_551, %get3A_552] {strides = array<i32>} : memref<2x384x128xf32, #tpu.memory_space<vmem>>, vector<1x1x16xf32>,
            %get3A_554 = vector.shape_cast %get3A_553 : vector<1x1x16xf32> to vector<16xf32>
            %add3A_555 = arith.addf %add3A_497, %get3A_554 : vector<16xf32>
            %get3A_556 = arith.constant 1 : i32
            %get3A_557 = arith.index_cast %get3A_556 : i32 to index
            %get3A_558 = arith.index_cast %scan3A_548 : i32 to index
            %get3A_559 = arith.constant 16 : index
            %get3A_560 = tpu.vector_load %arg5[%get3A_557, %get3A_558, %get3A_559] {strides = array<i32>} : memref<2x384x128xf32, #tpu.memory_space<vmem>>, vector<1x1x16xf32>,
            %get3A_561 = vector.shape_cast %get3A_560 : vector<1x1x16xf32> to vector<16xf32>
            %add3A_562 = arith.addf %add3A_504, %get3A_561 : vector<16xf32>
            %get3A_563 = arith.constant 1 : i32
            %get3A_564 = arith.index_cast %get3A_563 : i32 to index
            %get3A_565 = arith.index_cast %scan3A_548 : i32 to index
            %get3A_566 = arith.constant 32 : index
            %get3A_567 = tpu.vector_load %arg5[%get3A_564, %get3A_565, %get3A_566] {strides = array<i32>} : memref<2x384x128xf32, #tpu.memory_space<vmem>>, vector<1x1x16xf32>,
            %get3A_568 = vector.shape_cast %get3A_567 : vector<1x1x16xf32> to vector<16xf32>
            %add3A_569 = arith.addf %add3A_511, %get3A_568 : vector<16xf32>
            %get3A_570 = arith.constant 1 : i32
            %get3A_571 = arith.index_cast %get3A_570 : i32 to index
            %get3A_572 = arith.index_cast %scan3A_548 : i32 to index
            %get3A_573 = arith.constant 48 : index
            %get3A_574 = tpu.vector_load %arg5[%get3A_571, %get3A_572, %get3A_573] {strides = array<i32>} : memref<2x384x128xf32, #tpu.memory_space<vmem>>, vector<1x1x16xf32>,
            %get3A_575 = vector.shape_cast %get3A_574 : vector<1x1x16xf32> to vector<16xf32>
            %add3A_576 = arith.addf %add3A_518, %get3A_575 : vector<16xf32>
            %get3A_577 = arith.constant 1 : i32
            %get3A_578 = arith.index_cast %get3A_577 : i32 to index
            %get3A_579 = arith.index_cast %scan3A_548 : i32 to index
            %get3A_580 = arith.constant 64 : index
            %get3A_581 = tpu.vector_load %arg5[%get3A_578, %get3A_579, %get3A_580] {strides = array<i32>} : memref<2x384x128xf32, #tpu.memory_space<vmem>>, vector<1x1x16xf32>,
            %get3A_582 = vector.shape_cast %get3A_581 : vector<1x1x16xf32> to vector<16xf32>
            %add3A_583 = arith.addf %add3A_525, %get3A_582 : vector<16xf32>
            %get3A_584 = arith.constant 1 : i32
            %get3A_585 = arith.index_cast %get3A_584 : i32 to index
            %get3A_586 = arith.index_cast %scan3A_548 : i32 to index
            %get3A_587 = arith.constant 80 : index
            %get3A_588 = tpu.vector_load %arg5[%get3A_585, %get3A_586, %get3A_587] {strides = array<i32>} : memref<2x384x128xf32, #tpu.memory_space<vmem>>, vector<1x1x16xf32>,
            %get3A_589 = vector.shape_cast %get3A_588 : vector<1x1x16xf32> to vector<16xf32>
            %add3A_590 = arith.addf %add3A_532, %get3A_589 : vector<16xf32>
            %get3A_591 = arith.constant 1 : i32
            %get3A_592 = arith.index_cast %get3A_591 : i32 to index
            %get3A_593 = arith.index_cast %scan3A_548 : i32 to index
            %get3A_594 = arith.constant 96 : index
            %get3A_595 = tpu.vector_load %arg5[%get3A_592, %get3A_593, %get3A_594] {strides = array<i32>} : memref<2x384x128xf32, #tpu.memory_space<vmem>>, vector<1x1x16xf32>,
            %get3A_596 = vector.shape_cast %get3A_595 : vector<1x1x16xf32> to vector<16xf32>
            %add3A_597 = arith.addf %add3A_539, %get3A_596 : vector<16xf32>
            %get3A_598 = arith.constant 1 : i32
            %get3A_599 = arith.index_cast %get3A_598 : i32 to index
            %get3A_600 = arith.index_cast %scan3A_548 : i32 to index
            %get3A_601 = arith.constant 112 : index
            %get3A_602 = tpu.vector_load %arg5[%get3A_599, %get3A_600, %get3A_601] {strides = array<i32>} : memref<2x384x128xf32, #tpu.memory_space<vmem>>, vector<1x1x16xf32>,
            %get3A_603 = vector.shape_cast %get3A_602 : vector<1x1x16xf32> to vector<16xf32>
            %add3A_604 = arith.addf %add3A_546, %get3A_603 : vector<16xf32>
            scf.yield %add3A_555, %add3A_562, %add3A_569, %add3A_576, %add3A_583, %add3A_590, %add3A_597, %add3A_604 : vector<16xf32>, vector<16xf32>, vector<16xf32>, vector<16xf32>, vector<16xf32>, vector<16xf32>, vector<16xf32>, vector<16xf32>
          }
          %scan3A_285 = arith.constant 128 : i32
          %get3A_286 = arith.index_cast %squeeze3A_266 : i32 to index
          %get3A_287 = arith.constant 0 : index
          %get3A_288 = tpu.vector_load %arg8[%get3A_286, %get3A_287] {strides = array<i32>} : memref<128x128xf32, #tpu.memory_space<vmem>>, vector<1x16xf32>,
          %get3A_289 = vector.shape_cast %get3A_288 : vector<1x16xf32> to vector<16xf32>
          %add3A_290 = arith.addf %get3A_289, %scan3A_284#0 : vector<16xf32>
          %swap3A_291 = arith.index_cast %squeeze3A_266 : i32 to index
          %swap3A_292 = arith.constant 0 : index
          %swap3A_293 = tpu.vector_load %arg8[%swap3A_291, %swap3A_292] {strides = array<i32>} : memref<128x128xf32, #tpu.memory_space<vmem>>, vector<1x16xf32>,
          %swap3A_294 = vector.shape_cast %swap3A_293 : vector<1x16xf32> to vector<16xf32>
          %swap3A_295 = vector.shape_cast %add3A_290 : vector<16xf32> to vector<1x16xf32>
          tpu.vector_store %arg8[%swap3A_291, %swap3A_292], %swap3A_295 {strides = array<i32>} : memref<128x128xf32, #tpu.memory_space<vmem>>, vector<1x16xf32>,
          %get3A_296 = arith.index_cast %squeeze3A_266 : i32 to index
          %get3A_297 = arith.constant 16 : index
          %get3A_298 = tpu.vector_load %arg8[%get3A_296, %get3A_297] {strides = array<i32>} : memref<128x128xf32, #tpu.memory_space<vmem>>, vector<1x16xf32>,
          %get3A_299 = vector.shape_cast %get3A_298 : vector<1x16xf32> to vector<16xf32>
          %add3A_300 = arith.addf %get3A_299, %scan3A_284#1 : vector<16xf32>
          %swap3A_301 = arith.index_cast %squeeze3A_266 : i32 to index
          %swap3A_302 = arith.constant 16 : index
          %swap3A_303 = tpu.vector_load %arg8[%swap3A_301, %swap3A_302] {strides = array<i32>} : memref<128x128xf32, #tpu.memory_space<vmem>>, vector<1x16xf32>,
          %swap3A_304 = vector.shape_cast %swap3A_303 : vector<1x16xf32> to vector<16xf32>
          %swap3A_305 = vector.shape_cast %add3A_300 : vector<16xf32> to vector<1x16xf32>
          tpu.vector_store %arg8[%swap3A_301, %swap3A_302], %swap3A_305 {strides = array<i32>} : memref<128x128xf32, #tpu.memory_space<vmem>>, vector<1x16xf32>,
          %get3A_306 = arith.index_cast %squeeze3A_266 : i32 to index
          %get3A_307 = arith.constant 32 : index
          %get3A_308 = tpu.vector_load %arg8[%get3A_306, %get3A_307] {strides = array<i32>} : memref<128x128xf32, #tpu.memory_space<vmem>>, vector<1x16xf32>,
          %get3A_309 = vector.shape_cast %get3A_308 : vector<1x16xf32> to vector<16xf32>
          %add3A_310 = arith.addf %get3A_309, %scan3A_284#2 : vector<16xf32>
          %swap3A_311 = arith.index_cast %squeeze3A_266 : i32 to index
          %swap3A_312 = arith.constant 32 : index
          %swap3A_313 = tpu.vector_load %arg8[%swap3A_311, %swap3A_312] {strides = array<i32>} : memref<128x128xf32, #tpu.memory_space<vmem>>, vector<1x16xf32>,
          %swap3A_314 = vector.shape_cast %swap3A_313 : vector<1x16xf32> to vector<16xf32>
          %swap3A_315 = vector.shape_cast %add3A_310 : vector<16xf32> to vector<1x16xf32>
          tpu.vector_store %arg8[%swap3A_311, %swap3A_312], %swap3A_315 {strides = array<i32>} : memref<128x128xf32, #tpu.memory_space<vmem>>, vector<1x16xf32>,
          %get3A_316 = arith.index_cast %squeeze3A_266 : i32 to index
          %get3A_317 = arith.constant 48 : index
          %get3A_318 = tpu.vector_load %arg8[%get3A_316, %get3A_317] {strides = array<i32>} : memref<128x128xf32, #tpu.memory_space<vmem>>, vector<1x16xf32>,
          %get3A_319 = vector.shape_cast %get3A_318 : vector<1x16xf32> to vector<16xf32>
          %add3A_320 = arith.addf %get3A_319, %scan3A_284#3 : vector<16xf32>
          %swap3A_321 = arith.index_cast %squeeze3A_266 : i32 to index
          %swap3A_322 = arith.constant 48 : index
          %swap3A_323 = tpu.vector_load %arg8[%swap3A_321, %swap3A_322] {strides = array<i32>} : memref<128x128xf32, #tpu.memory_space<vmem>>, vector<1x16xf32>,
          %swap3A_324 = vector.shape_cast %swap3A_323 : vector<1x16xf32> to vector<16xf32>
          %swap3A_325 = vector.shape_cast %add3A_320 : vector<16xf32> to vector<1x16xf32>
          tpu.vector_store %arg8[%swap3A_321, %swap3A_322], %swap3A_325 {strides = array<i32>} : memref<128x128xf32, #tpu.memory_space<vmem>>, vector<1x16xf32>,
          %get3A_326 = arith.index_cast %squeeze3A_266 : i32 to index
          %get3A_327 = arith.constant 64 : index
          %get3A_328 = tpu.vector_load %arg8[%get3A_326, %get3A_327] {strides = array<i32>} : memref<128x128xf32, #tpu.memory_space<vmem>>, vector<1x16xf32>,
          %get3A_329 = vector.shape_cast %get3A_328 : vector<1x16xf32> to vector<16xf32>
          %add3A_330 = arith.addf %get3A_329, %scan3A_284#4 : vector<16xf32>
          %swap3A_331 = arith.index_cast %squeeze3A_266 : i32 to index
          %swap3A_332 = arith.constant 64 : index
          %swap3A_333 = tpu.vector_load %arg8[%swap3A_331, %swap3A_332] {strides = array<i32>} : memref<128x128xf32, #tpu.memory_space<vmem>>, vector<1x16xf32>,
          %swap3A_334 = vector.shape_cast %swap3A_333 : vector<1x16xf32> to vector<16xf32>
          %swap3A_335 = vector.shape_cast %add3A_330 : vector<16xf32> to vector<1x16xf32>
          tpu.vector_store %arg8[%swap3A_331, %swap3A_332], %swap3A_335 {strides = array<i32>} : memref<128x128xf32, #tpu.memory_space<vmem>>, vector<1x16xf32>,
          %get3A_336 = arith.index_cast %squeeze3A_266 : i32 to index
          %get3A_337 = arith.constant 80 : index
          %get3A_338 = tpu.vector_load %arg8[%get3A_336, %get3A_337] {strides = array<i32>} : memref<128x128xf32, #tpu.memory_space<vmem>>, vector<1x16xf32>,
          %get3A_339 = vector.shape_cast %get3A_338 : vector<1x16xf32> to vector<16xf32>
          %add3A_340 = arith.addf %get3A_339, %scan3A_284#5 : vector<16xf32>
          %swap3A_341 = arith.index_cast %squeeze3A_266 : i32 to index
          %swap3A_342 = arith.constant 80 : index
          %swap3A_343 = tpu.vector_load %arg8[%swap3A_341, %swap3A_342] {strides = array<i32>} : memref<128x128xf32, #tpu.memory_space<vmem>>, vector<1x16xf32>,
          %swap3A_344 = vector.shape_cast %swap3A_343 : vector<1x16xf32> to vector<16xf32>
          %swap3A_345 = vector.shape_cast %add3A_340 : vector<16xf32> to vector<1x16xf32>
          tpu.vector_store %arg8[%swap3A_341, %swap3A_342], %swap3A_345 {strides = array<i32>} : memref<128x128xf32, #tpu.memory_space<vmem>>, vector<1x16xf32>,
          %get3A_346 = arith.index_cast %squeeze3A_266 : i32 to index
          %get3A_347 = arith.constant 96 : index
          %get3A_348 = tpu.vector_load %arg8[%get3A_346, %get3A_347] {strides = array<i32>} : memref<128x128xf32, #tpu.memory_space<vmem>>, vector<1x16xf32>,
          %get3A_349 = vector.shape_cast %get3A_348 : vector<1x16xf32> to vector<16xf32>
          %add3A_350 = arith.addf %get3A_349, %scan3A_284#6 : vector<16xf32>
          %swap3A_351 = arith.index_cast %squeeze3A_266 : i32 to index
          %swap3A_352 = arith.constant 96 : index
          %swap3A_353 = tpu.vector_load %arg8[%swap3A_351, %swap3A_352] {strides = array<i32>} : memref<128x128xf32, #tpu.memory_space<vmem>>, vector<1x16xf32>,
          %swap3A_354 = vector.shape_cast %swap3A_353 : vector<1x16xf32> to vector<16xf32>
          %swap3A_355 = vector.shape_cast %add3A_350 : vector<16xf32> to vector<1x16xf32>
          tpu.vector_store %arg8[%swap3A_351, %swap3A_352], %swap3A_355 {strides = array<i32>} : memref<128x128xf32, #tpu.memory_space<vmem>>, vector<1x16xf32>,
          %get3A_356 = arith.index_cast %squeeze3A_266 : i32 to index
          %get3A_357 = arith.constant 112 : index
          %get3A_358 = tpu.vector_load %arg8[%get3A_356, %get3A_357] {strides = array<i32>} : memref<128x128xf32, #tpu.memory_space<vmem>>, vector<1x16xf32>,
          %get3A_359 = vector.shape_cast %get3A_358 : vector<1x16xf32> to vector<16xf32>
          %add3A_360 = arith.addf %get3A_359, %scan3A_284#7 : vector<16xf32>
          %swap3A_361 = arith.index_cast %squeeze3A_266 : i32 to index
          %swap3A_362 = arith.constant 112 : index
          %swap3A_363 = tpu.vector_load %arg8[%swap3A_361, %swap3A_362] {strides = array<i32>} : memref<128x128xf32, #tpu.memory_space<vmem>>, vector<1x16xf32>,
          %swap3A_364 = vector.shape_cast %swap3A_363 : vector<1x16xf32> to vector<16xf32>
          %swap3A_365 = vector.shape_cast %add3A_360 : vector<16xf32> to vector<1x16xf32>
          tpu.vector_store %arg8[%swap3A_361, %swap3A_362], %swap3A_365 {strides = array<i32>} : memref<128x128xf32, #tpu.memory_space<vmem>>, vector<1x16xf32>,
        } else {
        }
        %ne3A_276 = arith.cmpi ne, %squeeze3A_266, %squeeze3A_271 : i32
        %convert_element_type3A_277 = arith.extui %ne3A_276 : i1 to i32
        %cond3A_278 = arith.constant 0 : i32
        %cond3A_279 = arith.cmpi ne, %convert_element_type3A_277, %cond3A_278 : i32
        scf.if %cond3A_279 {
          %get3A_280 = arith.constant 0 : i32
          %get3A_281 = arith.index_cast %get3A_280 : i32 to index
          %get3A_282 = memref.load %arg11[%get3A_281] : memref<40xi32, #tpu.memory_space<smem>>
          %mul3A_283 = arith.constant 384 : i32
          %mul3A_284 = arith.muli %add3A_204, %mul3A_283 : i32
          %add3A_285 = arith.constant 256 : i32
          %add3A_286 = arith.addi %mul3A_284, %add3A_285 : i32
          %add3A_287 = arith.constant 1 : i32
          %add3A_288 = arith.addi %get3A_282, %add3A_287 : i32
          %swap3A_289 = arith.index_cast %add3A_288 : i32 to index
          %swap3A_290 = memref.load %arg11[%swap3A_289] : memref<40xi32, #tpu.memory_space<smem>>
          memref.store %add3A_286, %arg11[%swap3A_289] : memref<40xi32, #tpu.memory_space<smem>>
          %add3A_291 = arith.constant 1 : i32
          %add3A_292 = arith.addi %get3A_282, %add3A_291 : i32
          %swap3A_293 = arith.constant 0 : i32
          %swap3A_294 = arith.index_cast %swap3A_293 : i32 to index
          %swap3A_295 = memref.load %arg11[%swap3A_294] : memref<40xi32, #tpu.memory_space<smem>>
          memref.store %add3A_292, %arg11[%swap3A_294] : memref<40xi32, #tpu.memory_space<smem>>
        } else {
        }
      } else {
      }
      %scan3A_210 = arith.constant 0 : i32
      scf.yield %scan3A_210 : i32
    }
    %scan3A_143 = arith.constant 5 : i32
    %get3A = arith.constant 0 : i32
    %get3A_144 = arith.index_cast %get3A : i32 to index
    %get3A_145 = memref.load %arg11[%get3A_144] : memref<40xi32, #tpu.memory_space<smem>>
    %while3A = arith.constant 0 : i32
    %while3A_146 = arith.constant 0 : i32
    %while3A_147 = arith.subi %get3A_145, %while3A : i32
    %while3A_148 = arith.addi %while3A, %while3A_147 : i32
    %while3A_149 = arith.constant 1 : i32
    %while3A_150 = arith.divsi %while3A_147, %while3A_149 : i32
    %while3A_151 = arith.muli %while3A_150, %while3A_149 : i32
    %while3A_152 = arith.addi %while3A, %while3A_151 : i32
    %while3A_153 = arith.constant 1 : i32
    %while3A_154 = scf.for %while3A_168 = %while3A to %while3A_152 step %while3A_153 iter_args(%while3A_169 = %while3A_146) -> (i32)  : i32 {
      %add3A_170 = arith.constant 1 : i32
      %add3A_171 = arith.addi %while3A_168, %add3A_170 : i32
      %get3A_172 = arith.index_cast %add3A_171 : i32 to index
      %get3A_173 = memref.load %arg11[%get3A_172] : memref<40xi32, #tpu.memory_space<smem>>
      %multiple_of3A = tpu.assume_multiple %get3A_173, 128 : i32
      %run_scoped3A_174 = arith.constant 0 : i32
      "tpu.region"() ({
        %run_scoped3A_179 = tpu.sem_alloc : memref<!tpu.dma_semaphore, #tpu.memory_space<semaphore_mem>>
        %dma_start3A = arith.constant 0 : i32
        %dma_start3A_180 = arith.constant 0 : i32
        %dma_start3A_181 = tpu.memref_slice %arg5[%run_scoped3A_174, %dma_start3A, %dma_start3A_180] : memref<2x384x128xf32, #tpu.memory_space<vmem>> -> memref<1x128x128xf32, #tpu.memory_space<vmem>>
        %dma_start3A_182 = tpu.memref_squeeze %dma_start3A_181 : memref<1x128x128xf32, #tpu.memory_space<vmem>> -> memref<128x128xf32, #tpu.memory_space<vmem>>
        %dma_start3A_183 = arith.constant 0 : i32
        %dma_start3A_184 = tpu.memref_slice %arg2[%multiple_of3A, %dma_start3A_183] : memref<100000x128xf32, #tpu.memory_space<hbm>> -> memref<128x128xf32, #tpu.memory_space<hbm>>
        %dma_start3A_185 = arith.constant 0 : i32
        %dma_start3A_186 = arith.constant 0 : i32
        %dma_start3A_187 = tpu.memref_slice %arg5[%run_scoped3A_174, %dma_start3A_185, %dma_start3A_186] : memref<2x384x128xf32, #tpu.memory_space<vmem>> -> memref<1x128x128xf32, #tpu.memory_space<vmem>>
        %dma_start3A_188 = tpu.memref_squeeze %dma_start3A_187 : memref<1x128x128xf32, #tpu.memory_space<vmem>> -> memref<128x128xf32, #tpu.memory_space<vmem>>
        %dma_start3A_189 = arith.constant 0 : i32
        %dma_start3A_190 = tpu.memref_slice %arg2[%multiple_of3A, %dma_start3A_189] : memref<100000x128xf32, #tpu.memory_space<hbm>> -> memref<128x128xf32, #tpu.memory_space<hbm>>
        tpu.enqueue_dma source(%dma_start3A_190 : memref<128x128xf32, #tpu.memory_space<hbm>>) target(%dma_start3A_188 : memref<128x128xf32, #tpu.memory_space<vmem>>) target_semaphore(%run_scoped3A_179 : memref<!tpu.dma_semaphore, #tpu.memory_space<semaphore_mem>>)
        %dma_wait3A = arith.constant 0 : i32
        %dma_wait3A_191 = arith.constant 0 : i32
        %dma_wait3A_192 = tpu.memref_slice %arg5[%run_scoped3A_174, %dma_wait3A, %dma_wait3A_191] : memref<2x384x128xf32, #tpu.memory_space<vmem>> -> memref<1x128x128xf32, #tpu.memory_space<vmem>>
        %dma_wait3A_193 = tpu.memref_squeeze %dma_wait3A_192 : memref<1x128x128xf32, #tpu.memory_space<vmem>> -> memref<128x128xf32, #tpu.memory_space<vmem>>
        %dma_wait3A_194 = arith.constant 0 : i32
        %dma_wait3A_195 = tpu.memref_slice %arg2[%multiple_of3A, %dma_wait3A_194] : memref<100000x128xf32, #tpu.memory_space<hbm>> -> memref<128x128xf32, #tpu.memory_space<hbm>>
        %dma_wait3A_196 = arith.constant 0 : i32
        %dma_wait3A_197 = arith.constant 0 : i32
        %dma_wait3A_198 = tpu.memref_slice %arg5[%run_scoped3A_174, %dma_wait3A_196, %dma_wait3A_197] : memref<2x384x128xf32, #tpu.memory_space<vmem>> -> memref<1x128x128xf32, #tpu.memory_space<vmem>>
        %dma_wait3A_199 = tpu.memref_squeeze %dma_wait3A_198 : memref<1x128x128xf32, #tpu.memory_space<vmem>> -> memref<128x128xf32, #tpu.memory_space<vmem>>
        %dma_wait3A_200 = arith.constant 0 : i32
        %dma_wait3A_201 = tpu.memref_slice %arg2[%multiple_of3A, %dma_wait3A_200] : memref<100000x128xf32, #tpu.memory_space<hbm>> -> memref<128x128xf32, #tpu.memory_space<hbm>>
        tpu.wait_dma2 semaphore(%run_scoped3A_179 : memref<!tpu.dma_semaphore, #tpu.memory_space<semaphore_mem>>) src(%dma_wait3A_201 : memref<128x128xf32, #tpu.memory_space<hbm>>) dst(%dma_wait3A_199 : memref<128x128xf32, #tpu.memory_space<vmem>>)
        tpu.yield
      }) : () -> ()
      %run_scoped3A_175 = arith.constant 0 : i32
      "tpu.region"() ({
        %run_scoped3A_179 = tpu.sem_alloc : memref<!tpu.dma_semaphore, #tpu.memory_space<semaphore_mem>>
        %dma_start3A = arith.constant 0 : i32
        %dma_start3A_180 = tpu.memref_slice %arg10[%run_scoped3A_175, %dma_start3A] : memref<8x128xi32, #tpu.memory_space<vmem>> -> memref<1x128xi32, #tpu.memory_space<vmem>>
        %dma_start3A_181 = tpu.memref_squeeze %dma_start3A_180 : memref<1x128xi32, #tpu.memory_space<vmem>> -> memref<128xi32, #tpu.memory_space<vmem>>
        %dma_start3A_182 = tpu.memref_slice %arg3[%multiple_of3A] : memref<100000xi32, #tpu.memory_space<hbm>> -> memref<128xi32, #tpu.memory_space<hbm>>
        %dma_start3A_183 = arith.constant 0 : i32
        %dma_start3A_184 = tpu.memref_slice %arg10[%run_scoped3A_175, %dma_start3A_183] : memref<8x128xi32, #tpu.memory_space<vmem>> -> memref<1x128xi32, #tpu.memory_space<vmem>>
        %dma_start3A_185 = tpu.memref_squeeze %dma_start3A_184 : memref<1x128xi32, #tpu.memory_space<vmem>> -> memref<128xi32, #tpu.memory_space<vmem>>
        %dma_start3A_186 = tpu.memref_slice %arg3[%multiple_of3A] : memref<100000xi32, #tpu.memory_space<hbm>> -> memref<128xi32, #tpu.memory_space<hbm>>
        tpu.enqueue_dma source(%dma_start3A_186 : memref<128xi32, #tpu.memory_space<hbm>>) target(%dma_start3A_185 : memref<128xi32, #tpu.memory_space<vmem>>) target_semaphore(%run_scoped3A_179 : memref<!tpu.dma_semaphore, #tpu.memory_space<semaphore_mem>>)
        %dma_wait3A = arith.constant 0 : i32
        %dma_wait3A_187 = tpu.memref_slice %arg10[%run_scoped3A_175, %dma_wait3A] : memref<8x128xi32, #tpu.memory_space<vmem>> -> memref<1x128xi32, #tpu.memory_space<vmem>>
        %dma_wait3A_188 = tpu.memref_squeeze %dma_wait3A_187 : memref<1x128xi32, #tpu.memory_space<vmem>> -> memref<128xi32, #tpu.memory_space<vmem>>
        %dma_wait3A_189 = tpu.memref_slice %arg3[%multiple_of3A] : memref<100000xi32, #tpu.memory_space<hbm>> -> memref<128xi32, #tpu.memory_space<hbm>>
        %dma_wait3A_190 = arith.constant 0 : i32
        %dma_wait3A_191 = tpu.memref_slice %arg10[%run_scoped3A_175, %dma_wait3A_190] : memref<8x128xi32, #tpu.memory_space<vmem>> -> memref<1x128xi32, #tpu.memory_space<vmem>>
        %dma_wait3A_192 = tpu.memref_squeeze %dma_wait3A_191 : memref<1x128xi32, #tpu.memory_space<vmem>> -> memref<128xi32, #tpu.memory_space<vmem>>
        %dma_wait3A_193 = tpu.memref_slice %arg3[%multiple_of3A] : memref<100000xi32, #tpu.memory_space<hbm>> -> memref<128xi32, #tpu.memory_space<hbm>>
        tpu.wait_dma2 semaphore(%run_scoped3A_179 : memref<!tpu.dma_semaphore, #tpu.memory_space<semaphore_mem>>) src(%dma_wait3A_193 : memref<128xi32, #tpu.memory_space<hbm>>) dst(%dma_wait3A_192 : memref<128xi32, #tpu.memory_space<vmem>>)
        tpu.yield
      }) : () -> ()
      %run_scoped3A_176 = arith.constant 0 : i32
      %run_scoped3A_177 = arith.constant 0 : i32
      "tpu.region"() ({
        %run_scoped3A_179 = tpu.sem_alloc : memref<!tpu.dma_semaphore, #tpu.memory_space<semaphore_mem>>
        %dma_start3A = arith.constant 0 : i32
        %dma_start3A_180 = arith.constant 0 : i32
        %dma_start3A_181 = tpu.memref_slice %arg5[%run_scoped3A_176, %dma_start3A, %dma_start3A_180] : memref<2x384x128xf32, #tpu.memory_space<vmem>> -> memref<1x128x128xf32, #tpu.memory_space<vmem>>
        %dma_start3A_182 = tpu.memref_squeeze %dma_start3A_181 : memref<1x128x128xf32, #tpu.memory_space<vmem>> -> memref<128x128xf32, #tpu.memory_space<vmem>>
        %dma_start3A_183 = arith.constant 0 : i32
        %dma_start3A_184 = tpu.memref_slice %arg10[%run_scoped3A_177, %dma_start3A_183] : memref<8x128xi32, #tpu.memory_space<vmem>> -> memref<1x128xi32, #tpu.memory_space<vmem>>
        %dma_start3A_185 = tpu.memref_squeeze %dma_start3A_184 : memref<1x128xi32, #tpu.memory_space<vmem>> -> memref<128xi32, #tpu.memory_space<vmem>>
        %dma_start3A_186 = arith.constant 0 : i32
        %dma_start3A_187 = arith.constant 0 : i32
        %dma_start3A_188 = tpu.memref_slice %arg12[%dma_start3A_186, %dma_start3A_187] : memref<72x128xf32, #tpu.memory_space<vmem_shared>> -> memref<72x128xf32, #tpu.memory_space<vmem_shared>>
        tpu.enqueue_indirect_dma source(%dma_start3A_182 : memref<128x128xf32, #tpu.memory_space<vmem>>) target(%dma_start3A_188 : memref<72x128xf32, #tpu.memory_space<vmem_shared>>) offsets(%dma_start3A_185 : memref<128xi32, #tpu.memory_space<vmem>>) semaphore(%run_scoped3A_179 : memref<!tpu.dma_semaphore, #tpu.memory_space<semaphore_mem>>) {add = true}
        %dma_wait3A = arith.constant 0 : i32
        %dma_wait3A_189 = arith.constant 0 : i32
        %dma_wait3A_190 = tpu.memref_slice %arg5[%run_scoped3A_176, %dma_wait3A, %dma_wait3A_189] : memref<2x384x128xf32, #tpu.memory_space<vmem>> -> memref<1x128x128xf32, #tpu.memory_space<vmem>>
        %dma_wait3A_191 = tpu.memref_squeeze %dma_wait3A_190 : memref<1x128x128xf32, #tpu.memory_space<vmem>> -> memref<128x128xf32, #tpu.memory_space<vmem>>
        %dma_wait3A_192 = arith.constant 0 : i32
        %dma_wait3A_193 = tpu.memref_slice %arg10[%run_scoped3A_177, %dma_wait3A_192] : memref<8x128xi32, #tpu.memory_space<vmem>> -> memref<1x128xi32, #tpu.memory_space<vmem>>
        %dma_wait3A_194 = tpu.memref_squeeze %dma_wait3A_193 : memref<1x128xi32, #tpu.memory_space<vmem>> -> memref<128xi32, #tpu.memory_space<vmem>>
        %dma_wait3A_195 = arith.constant 0 : i32
        %dma_wait3A_196 = arith.constant 0 : i32
        %dma_wait3A_197 = tpu.memref_slice %arg12[%dma_wait3A_195, %dma_wait3A_196] : memref<72x128xf32, #tpu.memory_space<vmem_shared>> -> memref<72x128xf32, #tpu.memory_space<vmem_shared>>
        tpu.wait_indirect_dma semaphore(%run_scoped3A_179 : memref<!tpu.dma_semaphore, #tpu.memory_space<semaphore_mem>>) src(%dma_wait3A_191 : memref<128x128xf32, #tpu.memory_space<vmem>>) dst(%dma_wait3A_197 : memref<72x128xf32, #tpu.memory_space<vmem_shared>>)
        tpu.yield
      }) : () -> ()
      %while3A_178 = arith.constant 0 : i32
      scf.yield %while3A_178 : i32
    }
    %while3A_155 = arith.constant 1 : i32
    %while3A_156 = scf.for %while3A_168 = %while3A_152 to %while3A_148 step %while3A_155 iter_args(%while3A_169 = %while3A_154) -> (i32)  : i32 {
      %add3A_170 = arith.constant 1 : i32
      %add3A_171 = arith.addi %while3A_168, %add3A_170 : i32
      %get3A_172 = arith.index_cast %add3A_171 : i32 to index
      %get3A_173 = memref.load %arg11[%get3A_172] : memref<40xi32, #tpu.memory_space<smem>>
      %multiple_of3A = tpu.assume_multiple %get3A_173, 128 : i32
      %run_scoped3A_174 = arith.constant 0 : i32
      "tpu.region"() ({
        %run_scoped3A_179 = tpu.sem_alloc : memref<!tpu.dma_semaphore, #tpu.memory_space<semaphore_mem>>
        %dma_start3A = arith.constant 0 : i32
        %dma_start3A_180 = arith.constant 0 : i32
        %dma_start3A_181 = tpu.memref_slice %arg5[%run_scoped3A_174, %dma_start3A, %dma_start3A_180] : memref<2x384x128xf32, #tpu.memory_space<vmem>> -> memref<1x128x128xf32, #tpu.memory_space<vmem>>
        %dma_start3A_182 = tpu.memref_squeeze %dma_start3A_181 : memref<1x128x128xf32, #tpu.memory_space<vmem>> -> memref<128x128xf32, #tpu.memory_space<vmem>>
        %dma_start3A_183 = arith.constant 0 : i32
        %dma_start3A_184 = tpu.memref_slice %arg2[%multiple_of3A, %dma_start3A_183] : memref<100000x128xf32, #tpu.memory_space<hbm>> -> memref<128x128xf32, #tpu.memory_space<hbm>>
        %dma_start3A_185 = arith.constant 0 : i32
        %dma_start3A_186 = arith.constant 0 : i32
        %dma_start3A_187 = tpu.memref_slice %arg5[%run_scoped3A_174, %dma_start3A_185, %dma_start3A_186] : memref<2x384x128xf32, #tpu.memory_space<vmem>> -> memref<1x128x128xf32, #tpu.memory_space<vmem>>
        %dma_start3A_188 = tpu.memref_squeeze %dma_start3A_187 : memref<1x128x128xf32, #tpu.memory_space<vmem>> -> memref<128x128xf32, #tpu.memory_space<vmem>>
        %dma_start3A_189 = arith.constant 0 : i32
        %dma_start3A_190 = tpu.memref_slice %arg2[%multiple_of3A, %dma_start3A_189] : memref<100000x128xf32, #tpu.memory_space<hbm>> -> memref<128x128xf32, #tpu.memory_space<hbm>>
        tpu.enqueue_dma source(%dma_start3A_190 : memref<128x128xf32, #tpu.memory_space<hbm>>) target(%dma_start3A_188 : memref<128x128xf32, #tpu.memory_space<vmem>>) target_semaphore(%run_scoped3A_179 : memref<!tpu.dma_semaphore, #tpu.memory_space<semaphore_mem>>)
        %dma_wait3A = arith.constant 0 : i32
        %dma_wait3A_191 = arith.constant 0 : i32
        %dma_wait3A_192 = tpu.memref_slice %arg5[%run_scoped3A_174, %dma_wait3A, %dma_wait3A_191] : memref<2x384x128xf32, #tpu.memory_space<vmem>> -> memref<1x128x128xf32, #tpu.memory_space<vmem>>
        %dma_wait3A_193 = tpu.memref_squeeze %dma_wait3A_192 : memref<1x128x128xf32, #tpu.memory_space<vmem>> -> memref<128x128xf32, #tpu.memory_space<vmem>>
        %dma_wait3A_194 = arith.constant 0 : i32
        %dma_wait3A_195 = tpu.memref_slice %arg2[%multiple_of3A, %dma_wait3A_194] : memref<100000x128xf32, #tpu.memory_space<hbm>> -> memref<128x128xf32, #tpu.memory_space<hbm>>
        %dma_wait3A_196 = arith.constant 0 : i32
        %dma_wait3A_197 = arith.constant 0 : i32
        %dma_wait3A_198 = tpu.memref_slice %arg5[%run_scoped3A_174, %dma_wait3A_196, %dma_wait3A_197] : memref<2x384x128xf32, #tpu.memory_space<vmem>> -> memref<1x128x128xf32, #tpu.memory_space<vmem>>
        %dma_wait3A_199 = tpu.memref_squeeze %dma_wait3A_198 : memref<1x128x128xf32, #tpu.memory_space<vmem>> -> memref<128x128xf32, #tpu.memory_space<vmem>>
        %dma_wait3A_200 = arith.constant 0 : i32
        %dma_wait3A_201 = tpu.memref_slice %arg2[%multiple_of3A, %dma_wait3A_200] : memref<100000x128xf32, #tpu.memory_space<hbm>> -> memref<128x128xf32, #tpu.memory_space<hbm>>
        tpu.wait_dma2 semaphore(%run_scoped3A_179 : memref<!tpu.dma_semaphore, #tpu.memory_space<semaphore_mem>>) src(%dma_wait3A_201 : memref<128x128xf32, #tpu.memory_space<hbm>>) dst(%dma_wait3A_199 : memref<128x128xf32, #tpu.memory_space<vmem>>)
        tpu.yield
      }) : () -> ()
      %run_scoped3A_175 = arith.constant 0 : i32
      "tpu.region"() ({
        %run_scoped3A_179 = tpu.sem_alloc : memref<!tpu.dma_semaphore, #tpu.memory_space<semaphore_mem>>
        %dma_start3A = arith.constant 0 : i32
        %dma_start3A_180 = tpu.memref_slice %arg10[%run_scoped3A_175, %dma_start3A] : memref<8x128xi32, #tpu.memory_space<vmem>> -> memref<1x128xi32, #tpu.memory_space<vmem>>
        %dma_start3A_181 = tpu.memref_squeeze %dma_start3A_180 : memref<1x128xi32, #tpu.memory_space<vmem>> -> memref<128xi32, #tpu.memory_space<vmem>>
        %dma_start3A_182 = tpu.memref_slice %arg3[%multiple_of3A] : memref<100000xi32, #tpu.memory_space<hbm>> -> memref<128xi32, #tpu.memory_space<hbm>>
        %dma_start3A_183 = arith.constant 0 : i32
        %dma_start3A_184 = tpu.memref_slice %arg10[%run_scoped3A_175, %dma_start3A_183] : memref<8x128xi32, #tpu.memory_space<vmem>> -> memref<1x128xi32, #tpu.memory_space<vmem>>
        %dma_start3A_185 = tpu.memref_squeeze %dma_start3A_184 : memref<1x128xi32, #tpu.memory_space<vmem>> -> memref<128xi32, #tpu.memory_space<vmem>>
        %dma_start3A_186 = tpu.memref_slice %arg3[%multiple_of3A] : memref<100000xi32, #tpu.memory_space<hbm>> -> memref<128xi32, #tpu.memory_space<hbm>>
        tpu.enqueue_dma source(%dma_start3A_186 : memref<128xi32, #tpu.memory_space<hbm>>) target(%dma_start3A_185 : memref<128xi32, #tpu.memory_space<vmem>>) target_semaphore(%run_scoped3A_179 : memref<!tpu.dma_semaphore, #tpu.memory_space<semaphore_mem>>)
        %dma_wait3A = arith.constant 0 : i32
        %dma_wait3A_187 = tpu.memref_slice %arg10[%run_scoped3A_175, %dma_wait3A] : memref<8x128xi32, #tpu.memory_space<vmem>> -> memref<1x128xi32, #tpu.memory_space<vmem>>
        %dma_wait3A_188 = tpu.memref_squeeze %dma_wait3A_187 : memref<1x128xi32, #tpu.memory_space<vmem>> -> memref<128xi32, #tpu.memory_space<vmem>>
        %dma_wait3A_189 = tpu.memref_slice %arg3[%multiple_of3A] : memref<100000xi32, #tpu.memory_space<hbm>> -> memref<128xi32, #tpu.memory_space<hbm>>
        %dma_wait3A_190 = arith.constant 0 : i32
        %dma_wait3A_191 = tpu.memref_slice %arg10[%run_scoped3A_175, %dma_wait3A_190] : memref<8x128xi32, #tpu.memory_space<vmem>> -> memref<1x128xi32, #tpu.memory_space<vmem>>
        %dma_wait3A_192 = tpu.memref_squeeze %dma_wait3A_191 : memref<1x128xi32, #tpu.memory_space<vmem>> -> memref<128xi32, #tpu.memory_space<vmem>>
        %dma_wait3A_193 = tpu.memref_slice %arg3[%multiple_of3A] : memref<100000xi32, #tpu.memory_space<hbm>> -> memref<128xi32, #tpu.memory_space<hbm>>
        tpu.wait_dma2 semaphore(%run_scoped3A_179 : memref<!tpu.dma_semaphore, #tpu.memory_space<semaphore_mem>>) src(%dma_wait3A_193 : memref<128xi32, #tpu.memory_space<hbm>>) dst(%dma_wait3A_192 : memref<128xi32, #tpu.memory_space<vmem>>)
        tpu.yield
      }) : () -> ()
      %run_scoped3A_176 = arith.constant 0 : i32
      %run_scoped3A_177 = arith.constant 0 : i32
      "tpu.region"() ({
        %run_scoped3A_179 = tpu.sem_alloc : memref<!tpu.dma_semaphore, #tpu.memory_space<semaphore_mem>>
        %dma_start3A = arith.constant 0 : i32
        %dma_start3A_180 = arith.constant 0 : i32
        %dma_start3A_181 = tpu.memref_slice %arg5[%run_scoped3A_176, %dma_start3A, %dma_start3A_180] : memref<2x384x128xf32, #tpu.memory_space<vmem>> -> memref<1x128x128xf32, #tpu.memory_space<vmem>>
        %dma_start3A_182 = tpu.memref_squeeze %dma_start3A_181 : memref<1x128x128xf32, #tpu.memory_space<vmem>> -> memref<128x128xf32, #tpu.memory_space<vmem>>
        %dma_start3A_183 = arith.constant 0 : i32
        %dma_start3A_184 = tpu.memref_slice %arg10[%run_scoped3A_177, %dma_start3A_183] : memref<8x128xi32, #tpu.memory_space<vmem>> -> memref<1x128xi32, #tpu.memory_space<vmem>>
        %dma_start3A_185 = tpu.memref_squeeze %dma_start3A_184 : memref<1x128xi32, #tpu.memory_space<vmem>> -> memref<128xi32, #tpu.memory_space<vmem>>
        %dma_start3A_186 = arith.constant 0 : i32
        %dma_start3A_187 = arith.constant 0 : i32
        %dma_start3A_188 = tpu.memref_slice %arg12[%dma_start3A_186, %dma_start3A_187] : memref<72x128xf32, #tpu.memory_space<vmem_shared>> -> memref<72x128xf32, #tpu.memory_space<vmem_shared>>
        tpu.enqueue_indirect_dma source(%dma_start3A_182 : memref<128x128xf32, #tpu.memory_space<vmem>>) target(%dma_start3A_188 : memref<72x128xf32, #tpu.memory_space<vmem_shared>>) offsets(%dma_start3A_185 : memref<128xi32, #tpu.memory_space<vmem>>) semaphore(%run_scoped3A_179 : memref<!tpu.dma_semaphore, #tpu.memory_space<semaphore_mem>>) {add = true}
        %dma_wait3A = arith.constant 0 : i32
        %dma_wait3A_189 = arith.constant 0 : i32
        %dma_wait3A_190 = tpu.memref_slice %arg5[%run_scoped3A_176, %dma_wait3A, %dma_wait3A_189] : memref<2x384x128xf32, #tpu.memory_space<vmem>> -> memref<1x128x128xf32, #tpu.memory_space<vmem>>
        %dma_wait3A_191 = tpu.memref_squeeze %dma_wait3A_190 : memref<1x128x128xf32, #tpu.memory_space<vmem>> -> memref<128x128xf32, #tpu.memory_space<vmem>>
        %dma_wait3A_192 = arith.constant 0 : i32
        %dma_wait3A_193 = tpu.memref_slice %arg10[%run_scoped3A_177, %dma_wait3A_192] : memref<8x128xi32, #tpu.memory_space<vmem>> -> memref<1x128xi32, #tpu.memory_space<vmem>>
        %dma_wait3A_194 = tpu.memref_squeeze %dma_wait3A_193 : memref<1x128xi32, #tpu.memory_space<vmem>> -> memref<128xi32, #tpu.memory_space<vmem>>
        %dma_wait3A_195 = arith.constant 0 : i32
        %dma_wait3A_196 = arith.constant 0 : i32
        %dma_wait3A_197 = tpu.memref_slice %arg12[%dma_wait3A_195, %dma_wait3A_196] : memref<72x128xf32, #tpu.memory_space<vmem_shared>> -> memref<72x128xf32, #tpu.memory_space<vmem_shared>>
        tpu.wait_indirect_dma semaphore(%run_scoped3A_179 : memref<!tpu.dma_semaphore, #tpu.memory_space<semaphore_mem>>) src(%dma_wait3A_191 : memref<128x128xf32, #tpu.memory_space<vmem>>) dst(%dma_wait3A_197 : memref<72x128xf32, #tpu.memory_space<vmem_shared>>)
        tpu.yield
      }) : () -> ()
      %while3A_178 = arith.constant 0 : i32
      scf.yield %while3A_178 : i32
    }
    %eq3A_157 = arith.constant 31 : i32
    %eq3A_158 = arith.cmpi eq, %add3A, %eq3A_157 : i32
    %convert_element_type3A_159 = arith.extui %eq3A_158 : i1 to i32
    %cond3A_160 = arith.constant 0 : i32
    %cond3A_161 = arith.cmpi ne, %convert_element_type3A_159, %cond3A_160 : i32
    scf.if %cond3A_161 {
      %run_scoped3A_168 = arith.constant 0 : i32
      "tpu.region"() ({
        %run_scoped3A_214 = tpu.sem_alloc : memref<!tpu.dma_semaphore, #tpu.memory_space<semaphore_mem>>
        %dma_start3A = arith.constant 0 : i32
        %dma_start3A_215 = arith.constant 0 : i32
        %dma_start3A_216 = tpu.memref_slice %arg5[%run_scoped3A_168, %dma_start3A, %dma_start3A_215] : memref<2x384x128xf32, #tpu.memory_space<vmem>> -> memref<1x128x128xf32, #tpu.memory_space<vmem>>
        %dma_start3A_217 = tpu.memref_squeeze %dma_start3A_216 : memref<1x128x128xf32, #tpu.memory_space<vmem>> -> memref<128x128xf32, #tpu.memory_space<vmem>>
        %dma_start3A_218 = arith.constant 99840 : i32
        %dma_start3A_219 = arith.constant 0 : i32
        %dma_start3A_220 = tpu.memref_slice %arg2[%dma_start3A_218, %dma_start3A_219] : memref<100000x128xf32, #tpu.memory_space<hbm>> -> memref<128x128xf32, #tpu.memory_space<hbm>>
        %dma_start3A_221 = arith.constant 0 : i32
        %dma_start3A_222 = arith.constant 0 : i32
        %dma_start3A_223 = tpu.memref_slice %arg5[%run_scoped3A_168, %dma_start3A_221, %dma_start3A_222] : memref<2x384x128xf32, #tpu.memory_space<vmem>> -> memref<1x128x128xf32, #tpu.memory_space<vmem>>
        %dma_start3A_224 = tpu.memref_squeeze %dma_start3A_223 : memref<1x128x128xf32, #tpu.memory_space<vmem>> -> memref<128x128xf32, #tpu.memory_space<vmem>>
        %dma_start3A_225 = arith.constant 99840 : i32
        %dma_start3A_226 = arith.constant 0 : i32
        %dma_start3A_227 = tpu.memref_slice %arg2[%dma_start3A_225, %dma_start3A_226] : memref<100000x128xf32, #tpu.memory_space<hbm>> -> memref<128x128xf32, #tpu.memory_space<hbm>>
        tpu.enqueue_dma source(%dma_start3A_227 : memref<128x128xf32, #tpu.memory_space<hbm>>) target(%dma_start3A_224 : memref<128x128xf32, #tpu.memory_space<vmem>>) target_semaphore(%run_scoped3A_214 : memref<!tpu.dma_semaphore, #tpu.memory_space<semaphore_mem>>)
        %dma_wait3A = arith.constant 0 : i32
        %dma_wait3A_228 = arith.constant 0 : i32
        %dma_wait3A_229 = tpu.memref_slice %arg5[%run_scoped3A_168, %dma_wait3A, %dma_wait3A_228] : memref<2x384x128xf32, #tpu.memory_space<vmem>> -> memref<1x128x128xf32, #tpu.memory_space<vmem>>
        %dma_wait3A_230 = tpu.memref_squeeze %dma_wait3A_229 : memref<1x128x128xf32, #tpu.memory_space<vmem>> -> memref<128x128xf32, #tpu.memory_space<vmem>>
        %dma_wait3A_231 = arith.constant 99840 : i32
        %dma_wait3A_232 = arith.constant 0 : i32
        %dma_wait3A_233 = tpu.memref_slice %arg2[%dma_wait3A_231, %dma_wait3A_232] : memref<100000x128xf32, #tpu.memory_space<hbm>> -> memref<128x128xf32, #tpu.memory_space<hbm>>
        %dma_wait3A_234 = arith.constant 0 : i32
        %dma_wait3A_235 = arith.constant 0 : i32
        %dma_wait3A_236 = tpu.memref_slice %arg5[%run_scoped3A_168, %dma_wait3A_234, %dma_wait3A_235] : memref<2x384x128xf32, #tpu.memory_space<vmem>> -> memref<1x128x128xf32, #tpu.memory_space<vmem>>
        %dma_wait3A_237 = tpu.memref_squeeze %dma_wait3A_236 : memref<1x128x128xf32, #tpu.memory_space<vmem>> -> memref<128x128xf32, #tpu.memory_space<vmem>>
        %dma_wait3A_238 = arith.constant 99840 : i32
        %dma_wait3A_239 = arith.constant 0 : i32
        %dma_wait3A_240 = tpu.memref_slice %arg2[%dma_wait3A_238, %dma_wait3A_239] : memref<100000x128xf32, #tpu.memory_space<hbm>> -> memref<128x128xf32, #tpu.memory_space<hbm>>
        tpu.wait_dma2 semaphore(%run_scoped3A_214 : memref<!tpu.dma_semaphore, #tpu.memory_space<semaphore_mem>>) src(%dma_wait3A_240 : memref<128x128xf32, #tpu.memory_space<hbm>>) dst(%dma_wait3A_237 : memref<128x128xf32, #tpu.memory_space<vmem>>)
        tpu.yield
      }) : () -> ()
      %run_scoped3A_169 = arith.constant 0 : i32
      "tpu.region"() ({
        %run_scoped3A_214 = tpu.sem_alloc : memref<!tpu.dma_semaphore, #tpu.memory_space<semaphore_mem>>
        %dma_start3A = arith.constant 0 : i32
        %dma_start3A_215 = tpu.memref_slice %arg10[%run_scoped3A_169, %dma_start3A] : memref<8x128xi32, #tpu.memory_space<vmem>> -> memref<1x128xi32, #tpu.memory_space<vmem>>
        %dma_start3A_216 = tpu.memref_squeeze %dma_start3A_215 : memref<1x128xi32, #tpu.memory_space<vmem>> -> memref<128xi32, #tpu.memory_space<vmem>>
        %dma_start3A_217 = arith.constant 99840 : i32
        %dma_start3A_218 = tpu.memref_slice %arg3[%dma_start3A_217] : memref<100000xi32, #tpu.memory_space<hbm>> -> memref<128xi32, #tpu.memory_space<hbm>>
        %dma_start3A_219 = arith.constant 0 : i32
        %dma_start3A_220 = tpu.memref_slice %arg10[%run_scoped3A_169, %dma_start3A_219] : memref<8x128xi32, #tpu.memory_space<vmem>> -> memref<1x128xi32, #tpu.memory_space<vmem>>
        %dma_start3A_221 = tpu.memref_squeeze %dma_start3A_220 : memref<1x128xi32, #tpu.memory_space<vmem>> -> memref<128xi32, #tpu.memory_space<vmem>>
        %dma_start3A_222 = arith.constant 99840 : i32
        %dma_start3A_223 = tpu.memref_slice %arg3[%dma_start3A_222] : memref<100000xi32, #tpu.memory_space<hbm>> -> memref<128xi32, #tpu.memory_space<hbm>>
        tpu.enqueue_dma source(%dma_start3A_223 : memref<128xi32, #tpu.memory_space<hbm>>) target(%dma_start3A_221 : memref<128xi32, #tpu.memory_space<vmem>>) target_semaphore(%run_scoped3A_214 : memref<!tpu.dma_semaphore, #tpu.memory_space<semaphore_mem>>)
        %dma_wait3A = arith.constant 0 : i32
        %dma_wait3A_224 = tpu.memref_slice %arg10[%run_scoped3A_169, %dma_wait3A] : memref<8x128xi32, #tpu.memory_space<vmem>> -> memref<1x128xi32, #tpu.memory_space<vmem>>
        %dma_wait3A_225 = tpu.memref_squeeze %dma_wait3A_224 : memref<1x128xi32, #tpu.memory_space<vmem>> -> memref<128xi32, #tpu.memory_space<vmem>>
        %dma_wait3A_226 = arith.constant 99840 : i32
        %dma_wait3A_227 = tpu.memref_slice %arg3[%dma_wait3A_226] : memref<100000xi32, #tpu.memory_space<hbm>> -> memref<128xi32, #tpu.memory_space<hbm>>
        %dma_wait3A_228 = arith.constant 0 : i32
        %dma_wait3A_229 = tpu.memref_slice %arg10[%run_scoped3A_169, %dma_wait3A_228] : memref<8x128xi32, #tpu.memory_space<vmem>> -> memref<1x128xi32, #tpu.memory_space<vmem>>
        %dma_wait3A_230 = tpu.memref_squeeze %dma_wait3A_229 : memref<1x128xi32, #tpu.memory_space<vmem>> -> memref<128xi32, #tpu.memory_space<vmem>>
        %dma_wait3A_231 = arith.constant 99840 : i32
        %dma_wait3A_232 = tpu.memref_slice %arg3[%dma_wait3A_231] : memref<100000xi32, #tpu.memory_space<hbm>> -> memref<128xi32, #tpu.memory_space<hbm>>
        tpu.wait_dma2 semaphore(%run_scoped3A_214 : memref<!tpu.dma_semaphore, #tpu.memory_space<semaphore_mem>>) src(%dma_wait3A_232 : memref<128xi32, #tpu.memory_space<hbm>>) dst(%dma_wait3A_230 : memref<128xi32, #tpu.memory_space<vmem>>)
        tpu.yield
      }) : () -> ()
      %run_scoped3A_170 = arith.constant 0 : i32
      %run_scoped3A_171 = arith.constant 0 : i32
      "tpu.region"() ({
        %run_scoped3A_214 = tpu.sem_alloc : memref<!tpu.dma_semaphore, #tpu.memory_space<semaphore_mem>>
        %dma_start3A = arith.constant 0 : i32
        %dma_start3A_215 = arith.constant 0 : i32
        %dma_start3A_216 = tpu.memref_slice %arg5[%run_scoped3A_170, %dma_start3A, %dma_start3A_215] : memref<2x384x128xf32, #tpu.memory_space<vmem>> -> memref<1x128x128xf32, #tpu.memory_space<vmem>>
        %dma_start3A_217 = tpu.memref_squeeze %dma_start3A_216 : memref<1x128x128xf32, #tpu.memory_space<vmem>> -> memref<128x128xf32, #tpu.memory_space<vmem>>
        %dma_start3A_218 = arith.constant 0 : i32
        %dma_start3A_219 = tpu.memref_slice %arg10[%run_scoped3A_171, %dma_start3A_218] : memref<8x128xi32, #tpu.memory_space<vmem>> -> memref<1x128xi32, #tpu.memory_space<vmem>>
        %dma_start3A_220 = tpu.memref_squeeze %dma_start3A_219 : memref<1x128xi32, #tpu.memory_space<vmem>> -> memref<128xi32, #tpu.memory_space<vmem>>
        %dma_start3A_221 = arith.constant 0 : i32
        %dma_start3A_222 = arith.constant 0 : i32
        %dma_start3A_223 = tpu.memref_slice %arg12[%dma_start3A_221, %dma_start3A_222] : memref<72x128xf32, #tpu.memory_space<vmem_shared>> -> memref<72x128xf32, #tpu.memory_space<vmem_shared>>
        tpu.enqueue_indirect_dma source(%dma_start3A_217 : memref<128x128xf32, #tpu.memory_space<vmem>>) target(%dma_start3A_223 : memref<72x128xf32, #tpu.memory_space<vmem_shared>>) offsets(%dma_start3A_220 : memref<128xi32, #tpu.memory_space<vmem>>) semaphore(%run_scoped3A_214 : memref<!tpu.dma_semaphore, #tpu.memory_space<semaphore_mem>>) {add = true}
        %dma_wait3A = arith.constant 0 : i32
        %dma_wait3A_224 = arith.constant 0 : i32
        %dma_wait3A_225 = tpu.memref_slice %arg5[%run_scoped3A_170, %dma_wait3A, %dma_wait3A_224] : memref<2x384x128xf32, #tpu.memory_space<vmem>> -> memref<1x128x128xf32, #tpu.memory_space<vmem>>
        %dma_wait3A_226 = tpu.memref_squeeze %dma_wait3A_225 : memref<1x128x128xf32, #tpu.memory_space<vmem>> -> memref<128x128xf32, #tpu.memory_space<vmem>>
        %dma_wait3A_227 = arith.constant 0 : i32
        %dma_wait3A_228 = tpu.memref_slice %arg10[%run_scoped3A_171, %dma_wait3A_227] : memref<8x128xi32, #tpu.memory_space<vmem>> -> memref<1x128xi32, #tpu.memory_space<vmem>>
        %dma_wait3A_229 = tpu.memref_squeeze %dma_wait3A_228 : memref<1x128xi32, #tpu.memory_space<vmem>> -> memref<128xi32, #tpu.memory_space<vmem>>
        %dma_wait3A_230 = arith.constant 0 : i32
        %dma_wait3A_231 = arith.constant 0 : i32
        %dma_wait3A_232 = tpu.memref_slice %arg12[%dma_wait3A_230, %dma_wait3A_231] : memref<72x128xf32, #tpu.memory_space<vmem_shared>> -> memref<72x128xf32, #tpu.memory_space<vmem_shared>>
        tpu.wait_indirect_dma semaphore(%run_scoped3A_214 : memref<!tpu.dma_semaphore, #tpu.memory_space<semaphore_mem>>) src(%dma_wait3A_226 : memref<128x128xf32, #tpu.memory_space<vmem>>) dst(%dma_wait3A_232 : memref<72x128xf32, #tpu.memory_space<vmem_shared>>)
        tpu.yield
      }) : () -> ()
      %run_scoped3A_172 = arith.constant 0 : i32
      "tpu.region"() ({
        %run_scoped3A_214 = tpu.sem_alloc : memref<!tpu.dma_semaphore, #tpu.memory_space<semaphore_mem>>
        %dma_start3A = arith.constant 0 : i32
        %dma_start3A_215 = arith.constant 0 : i32
        %dma_start3A_216 = tpu.memref_slice %arg5[%run_scoped3A_172, %dma_start3A, %dma_start3A_215] : memref<2x384x128xf32, #tpu.memory_space<vmem>> -> memref<1x32x128xf32, #tpu.memory_space<vmem>>
        %dma_start3A_217 = tpu.memref_squeeze %dma_start3A_216 : memref<1x32x128xf32, #tpu.memory_space<vmem>> -> memref<32x128xf32, #tpu.memory_space<vmem>>
        %dma_start3A_218 = arith.constant 99968 : i32
        %dma_start3A_219 = arith.constant 0 : i32
        %dma_start3A_220 = tpu.memref_slice %arg2[%dma_start3A_218, %dma_start3A_219] : memref<100000x128xf32, #tpu.memory_space<hbm>> -> memref<32x128xf32, #tpu.memory_space<hbm>>
        %dma_start3A_221 = arith.constant 0 : i32
        %dma_start3A_222 = arith.constant 0 : i32
        %dma_start3A_223 = tpu.memref_slice %arg5[%run_scoped3A_172, %dma_start3A_221, %dma_start3A_222] : memref<2x384x128xf32, #tpu.memory_space<vmem>> -> memref<1x32x128xf32, #tpu.memory_space<vmem>>
        %dma_start3A_224 = tpu.memref_squeeze %dma_start3A_223 : memref<1x32x128xf32, #tpu.memory_space<vmem>> -> memref<32x128xf32, #tpu.memory_space<vmem>>
        %dma_start3A_225 = arith.constant 99968 : i32
        %dma_start3A_226 = arith.constant 0 : i32
        %dma_start3A_227 = tpu.memref_slice %arg2[%dma_start3A_225, %dma_start3A_226] : memref<100000x128xf32, #tpu.memory_space<hbm>> -> memref<32x128xf32, #tpu.memory_space<hbm>>
        tpu.enqueue_dma source(%dma_start3A_227 : memref<32x128xf32, #tpu.memory_space<hbm>>) target(%dma_start3A_224 : memref<32x128xf32, #tpu.memory_space<vmem>>) target_semaphore(%run_scoped3A_214 : memref<!tpu.dma_semaphore, #tpu.memory_space<semaphore_mem>>)
        %dma_wait3A = arith.constant 0 : i32
        %dma_wait3A_228 = arith.constant 0 : i32
        %dma_wait3A_229 = tpu.memref_slice %arg5[%run_scoped3A_172, %dma_wait3A, %dma_wait3A_228] : memref<2x384x128xf32, #tpu.memory_space<vmem>> -> memref<1x32x128xf32, #tpu.memory_space<vmem>>
        %dma_wait3A_230 = tpu.memref_squeeze %dma_wait3A_229 : memref<1x32x128xf32, #tpu.memory_space<vmem>> -> memref<32x128xf32, #tpu.memory_space<vmem>>
        %dma_wait3A_231 = arith.constant 99968 : i32
        %dma_wait3A_232 = arith.constant 0 : i32
        %dma_wait3A_233 = tpu.memref_slice %arg2[%dma_wait3A_231, %dma_wait3A_232] : memref<100000x128xf32, #tpu.memory_space<hbm>> -> memref<32x128xf32, #tpu.memory_space<hbm>>
        %dma_wait3A_234 = arith.constant 0 : i32
        %dma_wait3A_235 = arith.constant 0 : i32
        %dma_wait3A_236 = tpu.memref_slice %arg5[%run_scoped3A_172, %dma_wait3A_234, %dma_wait3A_235] : memref<2x384x128xf32, #tpu.memory_space<vmem>> -> memref<1x32x128xf32, #tpu.memory_space<vmem>>
        %dma_wait3A_237 = tpu.memref_squeeze %dma_wait3A_236 : memref<1x32x128xf32, #tpu.memory_space<vmem>> -> memref<32x128xf32, #tpu.memory_space<vmem>>
        %dma_wait3A_238 = arith.constant 99968 : i32
        %dma_wait3A_239 = arith.constant 0 : i32
        %dma_wait3A_240 = tpu.memref_slice %arg2[%dma_wait3A_238, %dma_wait3A_239] : memref<100000x128xf32, #tpu.memory_space<hbm>> -> memref<32x128xf32, #tpu.memory_space<hbm>>
        tpu.wait_dma2 semaphore(%run_scoped3A_214 : memref<!tpu.dma_semaphore, #tpu.memory_space<semaphore_mem>>) src(%dma_wait3A_240 : memref<32x128xf32, #tpu.memory_space<hbm>>) dst(%dma_wait3A_237 : memref<32x128xf32, #tpu.memory_space<vmem>>)
        tpu.yield
      }) : () -> ()
      %run_scoped3A_173 = arith.constant 0 : i32
      "tpu.region"() ({
        %run_scoped3A_214 = tpu.sem_alloc : memref<!tpu.dma_semaphore, #tpu.memory_space<semaphore_mem>>
        %dma_start3A = arith.constant 0 : i32
        %dma_start3A_215 = tpu.memref_slice %arg10[%run_scoped3A_173, %dma_start3A] : memref<8x128xi32, #tpu.memory_space<vmem>> -> memref<1x32xi32, #tpu.memory_space<vmem>>
        %dma_start3A_216 = tpu.memref_squeeze %dma_start3A_215 : memref<1x32xi32, #tpu.memory_space<vmem>> -> memref<32xi32, #tpu.memory_space<vmem>>
        %dma_start3A_217 = arith.constant 99968 : i32
        %dma_start3A_218 = tpu.memref_slice %arg3[%dma_start3A_217] : memref<100000xi32, #tpu.memory_space<hbm>> -> memref<32xi32, #tpu.memory_space<hbm>>
        %dma_start3A_219 = arith.constant 0 : i32
        %dma_start3A_220 = tpu.memref_slice %arg10[%run_scoped3A_173, %dma_start3A_219] : memref<8x128xi32, #tpu.memory_space<vmem>> -> memref<1x32xi32, #tpu.memory_space<vmem>>
        %dma_start3A_221 = tpu.memref_squeeze %dma_start3A_220 : memref<1x32xi32, #tpu.memory_space<vmem>> -> memref<32xi32, #tpu.memory_space<vmem>>
        %dma_start3A_222 = arith.constant 99968 : i32
        %dma_start3A_223 = tpu.memref_slice %arg3[%dma_start3A_222] : memref<100000xi32, #tpu.memory_space<hbm>> -> memref<32xi32, #tpu.memory_space<hbm>>
        tpu.enqueue_dma source(%dma_start3A_223 : memref<32xi32, #tpu.memory_space<hbm>>) target(%dma_start3A_221 : memref<32xi32, #tpu.memory_space<vmem>>) target_semaphore(%run_scoped3A_214 : memref<!tpu.dma_semaphore, #tpu.memory_space<semaphore_mem>>)
        %dma_wait3A = arith.constant 0 : i32
        %dma_wait3A_224 = tpu.memref_slice %arg10[%run_scoped3A_173, %dma_wait3A] : memref<8x128xi32, #tpu.memory_space<vmem>> -> memref<1x32xi32, #tpu.memory_space<vmem>>
        %dma_wait3A_225 = tpu.memref_squeeze %dma_wait3A_224 : memref<1x32xi32, #tpu.memory_space<vmem>> -> memref<32xi32, #tpu.memory_space<vmem>>
        %dma_wait3A_226 = arith.constant 99968 : i32
        %dma_wait3A_227 = tpu.memref_slice %arg3[%dma_wait3A_226] : memref<100000xi32, #tpu.memory_space<hbm>> -> memref<32xi32, #tpu.memory_space<hbm>>
        %dma_wait3A_228 = arith.constant 0 : i32
        %dma_wait3A_229 = tpu.memref_slice %arg10[%run_scoped3A_173, %dma_wait3A_228] : memref<8x128xi32, #tpu.memory_space<vmem>> -> memref<1x32xi32, #tpu.memory_space<vmem>>
        %dma_wait3A_230 = tpu.memref_squeeze %dma_wait3A_229 : memref<1x32xi32, #tpu.memory_space<vmem>> -> memref<32xi32, #tpu.memory_space<vmem>>
        %dma_wait3A_231 = arith.constant 99968 : i32
        %dma_wait3A_232 = tpu.memref_slice %arg3[%dma_wait3A_231] : memref<100000xi32, #tpu.memory_space<hbm>> -> memref<32xi32, #tpu.memory_space<hbm>>
        tpu.wait_dma2 semaphore(%run_scoped3A_214 : memref<!tpu.dma_semaphore, #tpu.memory_space<semaphore_mem>>) src(%dma_wait3A_232 : memref<32xi32, #tpu.memory_space<hbm>>) dst(%dma_wait3A_230 : memref<32xi32, #tpu.memory_space<vmem>>)
        tpu.yield
      }) : () -> ()
      %broadcast_in_dim3A_174 = arith.constant 64 : i32
      %broadcast_in_dim3A_175 = vector.broadcast %broadcast_in_dim3A_174 : i32 to vector<16xi32>
      %swap3A_176 = arith.constant 0 : i32
      %swap3A_177 = arith.index_cast %swap3A_176 : i32 to index
      %swap3A_178 = arith.constant 32 : index
      %swap3A_179 = tpu.vector_load %arg10[%swap3A_177, %swap3A_178] {strides = array<i32>} : memref<8x128xi32, #tpu.memory_space<vmem>>, vector<1x16xi32>,
      %swap3A_180 = vector.shape_cast %swap3A_179 : vector<1x16xi32> to vector<16xi32>
      %swap3A_181 = vector.shape_cast %broadcast_in_dim3A_175 : vector<16xi32> to vector<1x16xi32>
      tpu.vector_store %arg10[%swap3A_177, %swap3A_178], %swap3A_181 {strides = array<i32>} : memref<8x128xi32, #tpu.memory_space<vmem>>, vector<1x16xi32>,
      %swap3A_182 = arith.constant 0 : i32
      %swap3A_183 = arith.index_cast %swap3A_182 : i32 to index
      %swap3A_184 = arith.constant 48 : index
      %swap3A_185 = tpu.vector_load %arg10[%swap3A_183, %swap3A_184] {strides = array<i32>} : memref<8x128xi32, #tpu.memory_space<vmem>>, vector<1x16xi32>,
      %swap3A_186 = vector.shape_cast %swap3A_185 : vector<1x16xi32> to vector<16xi32>
      %swap3A_187 = vector.shape_cast %broadcast_in_dim3A_175 : vector<16xi32> to vector<1x16xi32>
      tpu.vector_store %arg10[%swap3A_183, %swap3A_184], %swap3A_187 {strides = array<i32>} : memref<8x128xi32, #tpu.memory_space<vmem>>, vector<1x16xi32>,
      %swap3A_188 = arith.constant 0 : i32
      %swap3A_189 = arith.index_cast %swap3A_188 : i32 to index
      %swap3A_190 = arith.constant 64 : index
      %swap3A_191 = tpu.vector_load %arg10[%swap3A_189, %swap3A_190] {strides = array<i32>} : memref<8x128xi32, #tpu.memory_space<vmem>>, vector<1x16xi32>,
      %swap3A_192 = vector.shape_cast %swap3A_191 : vector<1x16xi32> to vector<16xi32>
      %swap3A_193 = vector.shape_cast %broadcast_in_dim3A_175 : vector<16xi32> to vector<1x16xi32>
      tpu.vector_store %arg10[%swap3A_189, %swap3A_190], %swap3A_193 {strides = array<i32>} : memref<8x128xi32, #tpu.memory_space<vmem>>, vector<1x16xi32>,
      %swap3A_194 = arith.constant 0 : i32
      %swap3A_195 = arith.index_cast %swap3A_194 : i32 to index
      %swap3A_196 = arith.constant 80 : index
      %swap3A_197 = tpu.vector_load %arg10[%swap3A_195, %swap3A_196] {strides = array<i32>} : memref<8x128xi32, #tpu.memory_space<vmem>>, vector<1x16xi32>,
      %swap3A_198 = vector.shape_cast %swap3A_197 : vector<1x16xi32> to vector<16xi32>
      %swap3A_199 = vector.shape_cast %broadcast_in_dim3A_175 : vector<16xi32> to vector<1x16xi32>
      tpu.vector_store %arg10[%swap3A_195, %swap3A_196], %swap3A_199 {strides = array<i32>} : memref<8x128xi32, #tpu.memory_space<vmem>>, vector<1x16xi32>,
      %swap3A_200 = arith.constant 0 : i32
      %swap3A_201 = arith.index_cast %swap3A_200 : i32 to index
      %swap3A_202 = arith.constant 96 : index
      %swap3A_203 = tpu.vector_load %arg10[%swap3A_201, %swap3A_202] {strides = array<i32>} : memref<8x128xi32, #tpu.memory_space<vmem>>, vector<1x16xi32>,
      %swap3A_204 = vector.shape_cast %swap3A_203 : vector<1x16xi32> to vector<16xi32>
      %swap3A_205 = vector.shape_cast %broadcast_in_dim3A_175 : vector<16xi32> to vector<1x16xi32>
      tpu.vector_store %arg10[%swap3A_201, %swap3A_202], %swap3A_205 {strides = array<i32>} : memref<8x128xi32, #tpu.memory_space<vmem>>, vector<1x16xi32>,
      %swap3A_206 = arith.constant 0 : i32
      %swap3A_207 = arith.index_cast %swap3A_206 : i32 to index
      %swap3A_208 = arith.constant 112 : index
      %swap3A_209 = tpu.vector_load %arg10[%swap3A_207, %swap3A_208] {strides = array<i32>} : memref<8x128xi32, #tpu.memory_space<vmem>>, vector<1x16xi32>,
      %swap3A_210 = vector.shape_cast %swap3A_209 : vector<1x16xi32> to vector<16xi32>
      %swap3A_211 = vector.shape_cast %broadcast_in_dim3A_175 : vector<16xi32> to vector<1x16xi32>
      tpu.vector_store %arg10[%swap3A_207, %swap3A_208], %swap3A_211 {strides = array<i32>} : memref<8x128xi32, #tpu.memory_space<vmem>>, vector<1x16xi32>,
      %run_scoped3A_212 = arith.constant 0 : i32
      %run_scoped3A_213 = arith.constant 0 : i32
      "tpu.region"() ({
        %run_scoped3A_214 = tpu.sem_alloc : memref<!tpu.dma_semaphore, #tpu.memory_space<semaphore_mem>>
        %dma_start3A = arith.constant 0 : i32
        %dma_start3A_215 = arith.constant 0 : i32
        %dma_start3A_216 = tpu.memref_slice %arg5[%run_scoped3A_212, %dma_start3A, %dma_start3A_215] : memref<2x384x128xf32, #tpu.memory_space<vmem>> -> memref<1x128x128xf32, #tpu.memory_space<vmem>>
        %dma_start3A_217 = tpu.memref_squeeze %dma_start3A_216 : memref<1x128x128xf32, #tpu.memory_space<vmem>> -> memref<128x128xf32, #tpu.memory_space<vmem>>
        %dma_start3A_218 = arith.constant 0 : i32
        %dma_start3A_219 = tpu.memref_slice %arg10[%run_scoped3A_213, %dma_start3A_218] : memref<8x128xi32, #tpu.memory_space<vmem>> -> memref<1x128xi32, #tpu.memory_space<vmem>>
        %dma_start3A_220 = tpu.memref_squeeze %dma_start3A_219 : memref<1x128xi32, #tpu.memory_space<vmem>> -> memref<128xi32, #tpu.memory_space<vmem>>
        %dma_start3A_221 = arith.constant 0 : i32
        %dma_start3A_222 = arith.constant 0 : i32
        %dma_start3A_223 = tpu.memref_slice %arg12[%dma_start3A_221, %dma_start3A_222] : memref<72x128xf32, #tpu.memory_space<vmem_shared>> -> memref<72x128xf32, #tpu.memory_space<vmem_shared>>
        tpu.enqueue_indirect_dma source(%dma_start3A_217 : memref<128x128xf32, #tpu.memory_space<vmem>>) target(%dma_start3A_223 : memref<72x128xf32, #tpu.memory_space<vmem_shared>>) offsets(%dma_start3A_220 : memref<128xi32, #tpu.memory_space<vmem>>) semaphore(%run_scoped3A_214 : memref<!tpu.dma_semaphore, #tpu.memory_space<semaphore_mem>>) {add = true}
        %dma_wait3A = arith.constant 0 : i32
        %dma_wait3A_224 = arith.constant 0 : i32
        %dma_wait3A_225 = tpu.memref_slice %arg5[%run_scoped3A_212, %dma_wait3A, %dma_wait3A_224] : memref<2x384x128xf32, #tpu.memory_space<vmem>> -> memref<1x128x128xf32, #tpu.memory_space<vmem>>
        %dma_wait3A_226 = tpu.memref_squeeze %dma_wait3A_225 : memref<1x128x128xf32, #tpu.memory_space<vmem>> -> memref<128x128xf32, #tpu.memory_space<vmem>>
        %dma_wait3A_227 = arith.constant 0 : i32
        %dma_wait3A_228 = tpu.memref_slice %arg10[%run_scoped3A_213, %dma_wait3A_227] : memref<8x128xi32, #tpu.memory_space<vmem>> -> memref<1x128xi32, #tpu.memory_space<vmem>>
        %dma_wait3A_229 = tpu.memref_squeeze %dma_wait3A_228 : memref<1x128xi32, #tpu.memory_space<vmem>> -> memref<128xi32, #tpu.memory_space<vmem>>
        %dma_wait3A_230 = arith.constant 0 : i32
        %dma_wait3A_231 = arith.constant 0 : i32
        %dma_wait3A_232 = tpu.memref_slice %arg12[%dma_wait3A_230, %dma_wait3A_231] : memref<72x128xf32, #tpu.memory_space<vmem_shared>> -> memref<72x128xf32, #tpu.memory_space<vmem_shared>>
        tpu.wait_indirect_dma semaphore(%run_scoped3A_214 : memref<!tpu.dma_semaphore, #tpu.memory_space<semaphore_mem>>) src(%dma_wait3A_226 : memref<128x128xf32, #tpu.memory_space<vmem>>) dst(%dma_wait3A_232 : memref<72x128xf32, #tpu.memory_space<vmem_shared>>)
        tpu.yield
      }) : () -> ()
    } else {
    }
    %run_scoped3A = arith.constant 0 : i32
    "tpu.region"() ({
      %run_scoped3A_168 = tpu.sem_alloc : memref<!tpu.dma_semaphore, #tpu.memory_space<semaphore_mem>>
      %dma_start3A = arith.constant 0 : i32
      %dma_start3A_169 = arith.constant 0 : i32
      %dma_start3A_170 = tpu.memref_slice %arg8[%dma_start3A, %dma_start3A_169] : memref<128x128xf32, #tpu.memory_space<vmem>> -> memref<128x128xf32, #tpu.memory_space<vmem>>
      %dma_start3A_171 = arith.constant 0 : i32
      %dma_start3A_172 = tpu.memref_slice %arg9[%run_scoped3A, %dma_start3A_171] : memref<8x128xi32, #tpu.memory_space<vmem>> -> memref<1x128xi32, #tpu.memory_space<vmem>>
      %dma_start3A_173 = tpu.memref_squeeze %dma_start3A_172 : memref<1x128xi32, #tpu.memory_space<vmem>> -> memref<128xi32, #tpu.memory_space<vmem>>
      %dma_start3A_174 = arith.constant 0 : i32
      %dma_start3A_175 = arith.constant 0 : i32
      %dma_start3A_176 = tpu.memref_slice %arg12[%dma_start3A_174, %dma_start3A_175] : memref<72x128xf32, #tpu.memory_space<vmem_shared>> -> memref<72x128xf32, #tpu.memory_space<vmem_shared>>
      tpu.enqueue_indirect_dma source(%dma_start3A_170 : memref<128x128xf32, #tpu.memory_space<vmem>>) target(%dma_start3A_176 : memref<72x128xf32, #tpu.memory_space<vmem_shared>>) offsets(%dma_start3A_173 : memref<128xi32, #tpu.memory_space<vmem>>) semaphore(%run_scoped3A_168 : memref<!tpu.dma_semaphore, #tpu.memory_space<semaphore_mem>>) {add = true}
      %dma_wait3A = arith.constant 0 : i32
      %dma_wait3A_177 = arith.constant 0 : i32
      %dma_wait3A_178 = tpu.memref_slice %arg8[%dma_wait3A, %dma_wait3A_177] : memref<128x128xf32, #tpu.memory_space<vmem>> -> memref<128x128xf32, #tpu.memory_space<vmem>>
      %dma_wait3A_179 = arith.constant 0 : i32
      %dma_wait3A_180 = tpu.memref_slice %arg9[%run_scoped3A, %dma_wait3A_179] : memref<8x128xi32, #tpu.memory_space<vmem>> -> memref<1x128xi32, #tpu.memory_space<vmem>>
      %dma_wait3A_181 = tpu.memref_squeeze %dma_wait3A_180 : memref<1x128xi32, #tpu.memory_space<vmem>> -> memref<128xi32, #tpu.memory_space<vmem>>
      %dma_wait3A_182 = arith.constant 0 : i32
      %dma_wait3A_183 = arith.constant 0 : i32
      %dma_wait3A_184 = tpu.memref_slice %arg12[%dma_wait3A_182, %dma_wait3A_183] : memref<72x128xf32, #tpu.memory_space<vmem_shared>> -> memref<72x128xf32, #tpu.memory_space<vmem_shared>>
      tpu.wait_indirect_dma semaphore(%run_scoped3A_168 : memref<!tpu.dma_semaphore, #tpu.memory_space<semaphore_mem>>) src(%dma_wait3A_178 : memref<128x128xf32, #tpu.memory_space<vmem>>) dst(%dma_wait3A_184 : memref<72x128xf32, #tpu.memory_space<vmem_shared>>)
      tpu.yield
    }) : () -> ()
    %barrier3A_162 = arith.constant 0 : index
    tpu.barrier barrier_id(%barrier3A_162)
    %eq3A_163 = arith.constant 0 : i32
    %eq3A_164 = arith.cmpi eq, %arg1, %eq3A_163 : i32
    %convert_element_type3A_165 = arith.extui %eq3A_164 : i1 to i32
    %cond3A_166 = arith.constant 0 : i32
    %cond3A_167 = arith.cmpi ne, %convert_element_type3A_165, %cond3A_166 : i32
    scf.if %cond3A_167 {
      "tpu.region"() ({
        %run_scoped3A_168 = tpu.sem_alloc : memref<!tpu.dma_semaphore, #tpu.memory_space<semaphore_mem>>
        %dma_start3A = arith.constant 0 : i32
        %dma_start3A_169 = arith.constant 0 : i32
        %dma_start3A_170 = tpu.memref_slice %arg4[%arg0, %dma_start3A, %dma_start3A_169] : memref<2x72x128xf32, #tpu.memory_space<hbm>> -> memref<1x72x128xf32, #tpu.memory_space<hbm>>
        %dma_start3A_171 = tpu.memref_squeeze %dma_start3A_170 : memref<1x72x128xf32, #tpu.memory_space<hbm>> -> memref<72x128xf32, #tpu.memory_space<hbm>>
        tpu.enqueue_dma source(%arg12 : memref<72x128xf32, #tpu.memory_space<vmem_shared>>) target(%dma_start3A_171 : memref<72x128xf32, #tpu.memory_space<hbm>>) target_semaphore(%run_scoped3A_168 : memref<!tpu.dma_semaphore, #tpu.memory_space<semaphore_mem>>)
        %dma_wait3A = arith.constant 0 : i32
        %dma_wait3A_172 = arith.constant 0 : i32
        %dma_wait3A_173 = tpu.memref_slice %arg4[%arg0, %dma_wait3A, %dma_wait3A_172] : memref<2x72x128xf32, #tpu.memory_space<hbm>> -> memref<1x72x128xf32, #tpu.memory_space<hbm>>
        %dma_wait3A_174 = tpu.memref_squeeze %dma_wait3A_173 : memref<1x72x128xf32, #tpu.memory_space<hbm>> -> memref<72x128xf32, #tpu.memory_space<hbm>>
        tpu.wait_dma2 semaphore(%run_scoped3A_168 : memref<!tpu.dma_semaphore, #tpu.memory_space<semaphore_mem>>) src(%arg12 : memref<72x128xf32, #tpu.memory_space<vmem_shared>>) dst(%dma_wait3A_174 : memref<72x128xf32, #tpu.memory_space<hbm>>)
        tpu.yield
      }) : () -> ()
    } else {
    }
    return
  }
}

</mosaic_0001>

<sc_bundles>
// kernel: _sc_segment_sums.3.cloned.1.call-start
scs
__scs_entry_jumppad:
0x0: {  	(pc) =	sbr.rel $0x88, $3  }
0x1: {  	(tag) =	ssettag $0x0;
	lr =	simm.s32 $0x1  }
0x2: {  	[smem:$0x3F9F] =	sst lr;
	_ =	strace $0xD0000000  }
0x3: {  	_ = 	snop  }
0x4: {  	_ = 	snop  }
0x5: {  	_ = 	snop  }
0x6: {  	_ = 	snop  }
0x7: {  	_ = 	snop  }
__scs_overlays_trampoline_lowered:
0x8: {  	[smem:$0x3FAE] =	sst s0  }
0x9: {  	[smem:$0x3FAF] =	sst s1  }
0xa: {  	[smem:$0x3FB0] =	sst s2  }
0xb: {  	[smem:$0x3FB1] =	sst s3  }
0xc: {  	[smem:$0x3FB2] =	sst s4  }
0xd: {  	[smem:$0x3FB3] =	sst s5  }
0xe: {  	[smem:$0x3FB4] =	sst s6  }
0xf: {  	[smem:$0x3FB5] =	sst s7  }
0x10: {  	[smem:$0x3FB6] =	sst s8  }
0x11: {  	[smem:$0x3FB7] =	sst s9;
	s0 =	simm.s32 @!p0 $0x0  }
0x12: {  	s1 =	sld [smem:$0x3F9D];
	s0 =	simm.s32 @p0 $0x1  }
0x13: {  	[smem:$0x3FB8] =	sst s0;
	s0 =	simm.s32 @!p1 $0x0  }
0x14: {  	s2 =	sld [smem:$0x3F9C];
	s0 =	simm.s32 @p1 $0x1  }
0x15: {  	[smem:$0x3FB9] =	sst s0;
	s0 =	simm.s32 @!p2 $0x0  }
0x16: {  	s3 =	sld [smem:$0x3FDB];
	s0 =	simm.s32 @p2 $0x1  }
0x17: {  	s4 =	simm.s32 $0x1BF5;
	[smem:$0x3FBB] =	sst s0  }
0x18: {  	s0 =	sld [smem:$0x3F9E];
	_ =	swait.ge [sflag:s4], $0x0  }
0x19: {  	s7 =	sld [smem:$0x3F9F]  }
0x1a: {  	s8 =	sadd.s32 $0xFFFFE003, lr  }
0x1b: {  	s9 =	sadd.s32 $0xFFFFFEF7, lr;
	s5 =	simm.s32 $0xFFFFFFFF;
	p2 =	slt.u32 s8, $0xFFFFF086  }
0x1c: {  	p1 =	slt.u32 s9, $0xF7A;
	s5 =	simm.s32 @!p2 $0x0  }
0x1d: {  	s5 =	simm.s32 @p1 $0x1;
	p0 =	seq.s32 s7, s2  }
0x1e: {  	s7 =	smul.u32 @!p0 $0xF7A, s2;
	p2 =	seq.s32 @!p0 s5, $0x0  }
0x1f: {  	s9 =	smul.u32 $0xF7A, s1;
	s8 =	simm.s32 @!p0 $0x1BF5;
	p2 =	por !p2, p0  }
0x20: {  	[sflag:s8] =	ssyncset.s32 @!p0 $0xFFFFF086;
	s6 =	sadd.s32 @!p0 s3, s7;
	s7 =	simm.s32 @!p0 $0x108  }
0x21: {  	s3 =	sadd.s32 s3, s9;
	s6 =	sadd.s32 @!p0 $0x88, s6;
	s7 =	simm.s32 @p2 $0x1082  }
0x22: {  	[simem:s7], [sflag:s8] =	dma.local @!p0 [hbm:s6], $0xF7A  }
0x23: {  	s9 =	sor.u32 $0xD0000000, s2;
	s6 =	simm.s32 $0x108;
	_ =	swait.ge @!p0 [sflag:s8], $0x0  }
0x24: {  	s3 =	sadd.s32 $0x88, s3;
	s6 =	simm.s32 @!p1 $0x1082;
	[sflag:s4] =	ssyncset.s32 $0xFFFFF086  }
0x25: {  	[simem:s6], [sflag:s4] =	dma.local [hbm:s3], $0xF7A  }
0x26: {  	[smem:$0x3F9F] =	sst s1;
	(tag) =	ssettag s2;
	_ =	strace s9  }
0x27: {  	s1 =	sld [smem:$0x3FAF]  }
0x28: {  	s2 =	sld [smem:$0x3FB0]  }
0x29: {  	s4 =	sld [smem:$0x3FB2]  }
0x2a: {  	p0 =	seq.s32 s5, $0x0;
	s5 =	sld [smem:$0x3FB3]  }
0x2b: {  	s6 =	sld [smem:$0x3FB4]  }
0x2c: {  	s7 =	sld [smem:$0x3FB5]  }
0x2d: {  	s3 =	simm.s32 $0x108;
	s8 =	sld [smem:$0x3FB6]  }
0x2e: {  	s3 =	simm.s32 @!p0 $0x1082;
	s9 =	sld [smem:$0x3FB7]  }
0x2f: {  	lr =	sadd.s32 s0, s3;
	s0 =	sld [smem:$0x3FAE]  }
0x30: {  	s3 =	sld [smem:$0x3FB1]  }
0x31: {  	[smem:$0x3FBA] =	sst s10  }
0x32: {  	s10 =	sld [smem:$0x3FB8];
	_ =	sdelay $0x3  }
0x33: {  	p0 =	seq.s32 s10, $0x1;
	s10 =	sld [smem:$0x3FBA];
	_ =	sdelay $0x3  }
0x34: {  	[smem:$0x3FBA] =	sst s10  }
0x35: {  	s10 =	sld [smem:$0x3FB9];
	_ =	sdelay $0x3  }
0x36: {  	p1 =	seq.s32 s10, $0x1;
	s10 =	sld [smem:$0x3FBA];
	_ =	sdelay $0x3  }
0x37: {  	[smem:$0x3FBA] =	sst s10  }
0x38: {  	s10 =	sld [smem:$0x3FBB]  }
0x39: {  	_ = 	snop;
	(pc) =	sbr.ind lr, $3  }
0x3a: {  	_ = 	snop  }
0x3b: {  	_ = 	snop  }
0x3c: {  	p2 =	seq.s32 s10, $0x1;
	s10 =	sld [smem:$0x3FBA]  }
0x3d: {  	_ =	shalt  }
0x3e: {  	_ =	shalt  }
0x3f: {  	_ =	shalt  }
0x40: {  	_ =	shalt  }
0x41: {  	_ =	shalt  }
0x42: {  	_ =	shalt  }
0x43: {  	_ =	shalt  }
0x44: {  	_ =	shalt  }
0x45: {  	_ =	shalt  }
0x46: {  	_ =	shalt  }
0x47: {  	_ =	shalt  }
0x48: {  	_ =	shalt  }
0x49: {  	_ =	shalt  }
0x4a: {  	_ =	shalt  }
0x4b: {  	_ =	shalt  }
0x4c: {  	_ =	shalt  }
0x4d: {  	_ =	shalt  }
0x4e: {  	_ =	shalt  }
0x4f: {  	_ =	shalt  }
0x50: {  	_ =	shalt  }
0x51: {  	_ =	shalt  }
0x52: {  	_ =	shalt  }
0x53: {  	_ =	shalt  }
0x54: {  	_ =	shalt  }
0x55: {  	_ =	shalt  }
0x56: {  	_ =	shalt  }
0x57: {  	_ =	shalt  }
0x58: {  	_ =	shalt  }
0x59: {  	_ =	shalt  }
0x5a: {  	_ =	shalt  }
0x5b: {  	_ =	shalt  }
0x5c: {  	_ =	shalt  }
0x5d: {  	_ =	shalt  }
0x5e: {  	_ =	shalt  }
0x5f: {  	_ =	shalt  }
0x60: {  	_ =	shalt  }
0x61: {  	_ =	shalt  }
0x62: {  	_ =	shalt  }
0x63: {  	_ =	shalt  }
0x64: {  	_ =	shalt  }
0x65: {  	_ =	shalt  }
0x66: {  	_ =	shalt  }
0x67: {  	_ =	shalt  }
0x68: {  	_ =	shalt  }
0x69: {  	_ =	shalt  }
0x6a: {  	_ =	shalt  }
0x6b: {  	_ =	shalt  }
0x6c: {  	_ =	shalt  }
0x6d: {  	_ =	shalt  }
0x6e: {  	_ =	shalt  }
0x6f: {  	_ =	shalt  }
0x70: {  	_ =	shalt  }
0x71: {  	_ =	shalt  }
0x72: {  	_ =	shalt  }
0x73: {  	_ =	shalt  }
0x74: {  	_ =	shalt  }
0x75: {  	_ =	shalt  }
0x76: {  	_ =	shalt  }
0x77: {  	_ =	shalt  }
0x78: {  	_ =	shalt  }
0x79: {  	_ =	shalt  }
0x7a: {  	_ =	shalt  }
0x7b: {  	_ =	shalt  }
0x7c: {  	_ =	shalt  }
0x7d: {  	_ =	shalt  }
0x7e: {  	_ =	shalt  }
0x7f: {  	_ =	shalt  }
0x80: {  	_ =	shalt  }
0x81: {  	_ =	shalt  }
0x82: {  	_ =	shalt  }
0x83: {  	_ =	shalt  }
0x84: {  	_ =	shalt  }
0x85: {  	_ =	shalt  }
0x86: {  	_ =	shalt  }
0x87: {  	_ =	shalt  }
.Lfunc_end0:
.L_simem_size_0:
called_computation_lowered:
.L_overlay_start_0:
0x88: {  	s2 =	sld [smem:$0x3FD9]  }
0x89: {  	s3 =	sld [smem:$0x3FFE];
	_ =	sdelay $0x1  }
0x8a: {  	s1 =	srdreg.scid  }
0x8b: {  	s0 =	sand.u32 $0x1, s1  }
0x8c: {  	s18 =	sshll.u32 s0, $0xA;
	s2 =	sadd.s32 s3, s2  }
0x8d: {  	s2 =	sadd.s32 s2, s18  }
0x8e: {  	[smem:$0x3FC6] =	sst s2  }
0x8f: {  	_ = 	snop  }
0x90: {  	s2 =	sld [smem:$0x3FC9]  }
0x91: {  	s19 =	sld [smem:$0x3FC8]  }
0x92: {  	s4 =	sld [smem:$0x3FD0];
	(tm) =	ssettm $0x1  }
0x93: {  	s5 =	sld [smem:$0x3FFB];
	_ =	sdelay $0x3  }
0x94: {  	_ =	strace s5  }
0x95: {  	s5 =	sld [smem:$0x3FFC];
	_ =	sdelay $0x3  }
0x96: {  	_ =	strace s5  }
0x97: {  	s5 =	sld [smem:$0x3FFD];
	_ =	sdelay $0x3  }
0x98: {  	_ =	strace s5  }
0x99: {  	_ =	strace $0x8FFFFFFF  }
0x9a: {  	s20 =	sld [smem:$0x3FDB];
	_ =	sdelay $0x1  }
0x9b: {  	s6 =	simm.s32 $_scs_section_size  }
0x9c: {  	s7 =	simm.s32 $_size__tile_overlayer_lowered;
	s8 =	simm.s32 $_tile_overlayer_lowered  }
0x9d: {  	s23 =	simm.s32 $0x1BFF;
	s22 =	sshll.u32 s8, $0x1;
	s5 =	sadd.s32 s6, s20  }
0x9e: {  	s9 =	simm.s32 $0x0;
	s21 =	sshll.u32 s7, $0x1;
	s7 =	sadd.s32 s22, s5  }
0x9f: {  	[timem:s9], [sflag:s23] =	dma.local [hbm:s7], s21  }
0xa0: {  	_ =	swait.ge [sflag:s23], s21  }
0xa1: {  	s6 =	ssub.s32 $0x0, s21;
	[sflag:s23] =	ssyncset.done $0x0  }
0xa2: {  	[sflag:s23] =	ssyncadd.s32 s6;
	_ =	sdelay $0x1  }
0xa3: {  	s24 =	simm.s32 $0x1B8B  }
0xa4: {  	_ =	swait.ge [sflag:s24], $0x1  }
0xa5: {  	[sflag:s24] =	ssyncset.done $0x0  }
0xa6: {  	s25 =	simm.s32 $0x1B8E;
	[sflag:s24] =	ssyncadd.s32 $0xFFFFFFFF  }
0xa7: {  	s26 =	simm.s32 $execute0_lowered;
	[smem:$0x3FD2] =	sst s25  }
0xa8: {  	s6 =	sshll.u32 s26, $0x1;
	_ =	strace $0x80000046;
	[dreg:$0x1] =	wrdreg $0xFFFFFFFF  }
0xa9: {  	s28 =	simm.s32 $_size_execute0_lowered;
	s5 =	sadd.s32 s5, s6;
	[dreg:$0x0] =	wrdreg $0x0  }
0xaa: {  	s6 =	sshll.u32 s28, $0x1;
	[dreg:$0x2] =	wrdreg s5  }
0xab: {  	[dreg:$0x3] =	wrdreg s6  }
0xac: {  	[dreg:$0x4] =	wrdreg $0xC0  }
0xad: {  	_ =	task [dreg:s9], $0x5FFFF  }
0xae: {  	[dreg:$0x1] =	wrdreg $0xFFFFFFFF  }
0xaf: {  	[dreg:$0x0] =	wrdreg $0x60  }
0xb0: {  	[dreg:$0x2] =	wrdreg s2  }
0xb1: {  	[dreg:$0x3] =	wrdreg s19  }
0xb2: {  	[dreg:$0x4] =	wrdreg s4  }
0xb3: {  	[dreg:$0x5] =	wrdreg $0x1CB000  }
0xb4: {  	[dreg:$0x6] =	wrdreg $0x9  }
0xb5: {  	_ =	task.clear_ibuf [dreg:s9], $0x7FFFF;
	_ =	strace $0x90000046  }
0xb6: {  	s29 =	simm.s32 $0x9;
	_ =	strace $0x80000048  }
0xb7: {  	_ =	swait.ge [sflag:s29], $0x1  }
0xb8: {  	[sflag:s29] =	ssyncadd.s32 $0xFFFFFFFF  }
0xb9: {  	_ =	strace $0x90000048  }
0xba: {  	_ =	sfence  }
0xbb: {  	s30 =	sld [smem:$0x0];
	_ =	sdelay $0x2  }
0xbc: {  	s31 =	sshll.u32 s1, $0xD;
	s1 =	sshrl.u32 s1, $0x2  }
0xbd: {  	s3 =	sand.u32 $0x4000, s31;
	s1 =	sadd.s32 s1, s30  }
0xbe: {  	s0 =	sor.u32 s3, s0;
	s1 =	sshll.u32 s1, $0x11  }
0xbf: {  	s0 =	sor.u32 s1, s0  }
0xc0: {  	s0 =	sadd.s32 $0x8F2B, s0  }
0xc1: {  	[sflag:s0] =	ssyncadd.remote.s32 $0x1  }
0xc2: {  	_ =	sfence.sel $0xFFFF  }
0xc3: {  	[dreg:$0x0] =	wrdreg $0xFFFFFFFF;
	(pc) =	sbr.abs _section_cstart, $3  }
0xc4: {  	[dreg:$0x1] =	wrdreg $0xFFFFFFFF  }
0xc5: {  	_ =	task.clear_ibuf [dreg:s9], $0x2FFFF;
	_ =	strace $0x9FFFFFFF  }
0xc6: {  	(tm) =	ssettm $0x7FFFFFFF  }
0xc7: {  	_ =	shalt  }
tec
execute0_lowered:
.L_overlay_start_1:
0x0: {  	(tag) =	ssettag $0x1  }
0x1: {  	s0 =	rddreg [dreg:$0x0]  }
0x2: {  	s1 =	rddreg [dreg:$0x1]  }
0x3: {  	s2 =	srdreg.scid;
	s13 =	rddreg [dreg:$0x2]  }
0x4: {  	s15 =	stileid.u32;
	s3 =	rddreg [dreg:$0x3]  }
0x5: {  	s5 =	simm.s32 $0x0;
	s16 =	simm.s32 $0x1;
	s17 =	simm.s32 $0x3  }
0x6: {  	s18 =	simm.s32 $0x2;
	s19 =	simm.s32 $0x4;
	s20 =	simm.s32 $0x5  }
0x7: {  	s21 =	simm.s32 $0x1C700;
	s22 =	simm.s32 $0x80;
	s24 =	simm.s32 $0x18300  }
0x8: {  	s25 =	simm.s32 $0x0;
	s2 =	sand.u32 $0x1, s2;
	s4 =	sshll.u32 s15, $0x1  }
0x9: {  	[smem:$0x7FF] =	sst s5;
	s10 =	sadd.s32 $0x30C0, s1;
	s11 =	sadd.s32 $0x186800, s0  }
0xa: {  	s4 =	sor.u32 s2, s4;
	s7 =	ssub.s32 $0x2, s2;
	s2 =	smul.u32 $0x480, s2  }
.Ltmp0:
0xb: {  	v0 =	vimm.f32 $0.0e+00;
	v2 =	vimm.s32 $0x43424144;
	s12 =	sadd.s32 $0x30D0, s1;
	p0 =	sne.s32 s15, $0x0;
	(pc) =	sbr.rel .LBB2_1-.Ltmp0, $4  }
0xc: {  	v1 =	vlaneseq.u32;
	v3 =	vimm.s32 $0x47464540;
	v4 =	vunpack.c.0.s8.s32 v2;
	_ =	strace $0x80000047;
	s6 =	smul.u32 $0x1800, s4;
	s9 =	sshrl.u32 s7, $0x1  }
0xd: {  	vm0 =	vcmask $0x1304;
	vm15 =	vcmask $0x2314;
	v5 =	vunpack.c.0.s8.s32 v3;
	s8 =	smul.u32 $0x30, s4;
	p1 =	sne.s32 s4, $0x1F;
	s14 =	ssub.s32 s7, s9  }
0xe: {  	v2 =	vor.u32 $0x10, v1;
	v3 =	vor.u32 $0x20, v1;
	v6 =	vnsel vm0, $0x40, v4;
	s9 =	sadd.s32 $0x186000, s0;
	s13 =	sadd.s32 s13, s2;
	s6 =	sadd.s32 s0, s6  }
0xf: {  	v4 =	vor.u32 $0x30, v1;
	v5 =	vsel vm15, v5, v6;
	v6 =	vimm.s32 $0x40;
	s7 =	sadd.s32 s1, s8;
	s8 =	sor.u32 $0x40, s4;
	s14 =	smax.u32 s14, $0x1  }
.LBB2_40:
0x10: {  	[sflag:s20] =	ssyncadd.s32 $0xFFFFC000  }
.LBB2_41:
0x11: {  	s2 =	simm.s32 @!p1 $0x0;
	s15 =	simm.s32 @!p1 $0x5  }
0x12: {  	[tilespmem:s2], [sflag:$0x5] =	stream.linear.gather @!p1 [hbm4b:s9+s2], $0x4000, $0x38;
	[tilespmem:$0x1CD40] =	vst v63  }
0x13: {  	_ =	swait.ge @!p1 [sflag:s15], $0x4000  }
0x14: {  	[sflag:s15] =	ssyncset.done @!p1 $0x0  }
0x15: {  	s23 =	simm.s32 @!p1 $0x1C700;
	[sflag:s15] =	ssyncadd.s32 @!p1 $0xFFFFC000  }
0x16: {  	[tilespmem:s23], [sflag:$0x5] =	stream.linear.gather @!p1 [hbm4b:s10+s2], $0x80, $0x38;
	[tilespmem:$0x1CD40] =	vst v63  }
0x17: {  	_ =	swait.ge @!p1 [sflag:s15], $0x80  }
0x18: {  	[sflag:s15] =	ssyncset.done @!p1 $0x0  }
0x19: {  	s26 =	simm.s32 @!p1 $0x80;
	[sflag:s15] =	ssyncadd.s32 @!p1 $0xFFFFFF80  }
0x1a: {  	[spmem:s3] =	stream.indirect.scatter.add.f32 @!p1 [tilespmem:s2], [sflag:$0x5], $0x80, s23, s26, $0xb8;
	[tilespmem:$0x1CD40] =	vst v63  }
0x1b: {  	_ =	swait.ge @!p1 [sflag:s15], $0x4000  }
0x1c: {  	[sflag:s15] =	ssyncset.done @!p1 $0x0  }
0x1d: {  	[sflag:s15] =	ssyncadd.s32 @!p1 $0xFFFFC000  }
0x1e: {  	[tilespmem:s2], [sflag:$0x5] =	stream.linear.gather @!p1 [hbm4b:s11+s2], $0x1000, $0x38;
	[tilespmem:$0x1CD40] =	vst v63  }
0x1f: {  	_ =	swait.ge @!p1 [sflag:s15], $0x1000  }
0x20: {  	[sflag:s15] =	ssyncset.done @!p1 $0x0  }
0x21: {  	[sflag:s15] =	ssyncadd.s32 @!p1 $0xFFFFF000  }
0x22: {  	[tilespmem:s23], [sflag:$0x5] =	stream.linear.gather @!p1 [hbm4b:s12+s2], $0x20, $0x38;
	[tilespmem:$0x1CD40] =	vst v63  }
0x23: {  	_ =	swait.ge @!p1 [sflag:s15], $0x20  }
0x24: {  	[sflag:s15] =	ssyncset.done @!p1 $0x0  }
0x25: {  	v7 =	vimm.s32 @!p1 $0x40;
	[sflag:s15] =	ssyncadd.s32 @!p1 $0xFFFFFFE0  }
0x26: {  	[tilespmem:$0x1C720] =	vst @!p1 v7  }
0x27: {  	[tilespmem:$0x1C730] =	vst @!p1 v7  }
0x28: {  	[tilespmem:$0x1C740] =	vst @!p1 v7  }
0x29: {  	[tilespmem:$0x1C750] =	vst @!p1 v7  }
0x2a: {  	[tilespmem:$0x1C760] =	vst @!p1 v7  }
0x2b: {  	[tilespmem:$0x1C770] =	vst @!p1 v7  }
0x2c: {  	[spmem:s3] =	stream.indirect.scatter.add.f32 @!p1 [tilespmem:s2], [sflag:$0x5], $0x80, s23, s26, $0xb8;
	[tilespmem:$0x1CD40] =	vst v63  }
0x2d: {  	_ =	swait.ge @!p1 [sflag:s15], $0x4000  }
0x2e: {  	[sflag:s15] =	ssyncset.done @!p1 $0x0  }
0x2f: {  	s31 =	simm.s32 $0x1C300;
	[sflag:s15] =	ssyncadd.s32 @!p1 $0xFFFFC000  }
0x30: {  	[spmem:s3] =	stream.indirect.scatter.add.f32 [tilespmem:s24], [sflag:$0x5], $0x80, s31, s22, $0xb8;
	[tilespmem:$0x1CD40] =	vst v63  }
0x31: {  	_ =	swait.ge [sflag:s20], $0x4000  }
0x32: {  	s25 =	sadd.s32 $0x1, s25;
	[sflag:s20] =	ssyncset.done $0x0  }
0x33: {  	p2 =	sne.s32 s25, s14;
	[sflag:s20] =	ssyncadd.s32 $0xFFFFC000  }
0x34: {  	s2 =	sshrl.u32 @!p0 s3, $0x3;
	s15 =	simm.s32 @!p0 $0x1C05;
	[bflag:$0x0] =	sbarrier.arrive $0xFFFF  }
0x35: {  	[hbm:s13], [sflag:s15] =	dma.local @!p0 [spmem:s2], $0x480  }
.Ltmp1:
0x36: {  	_ = 	snop;
	(pc) =	sbr.rel @!p2 .LBB2_42-.Ltmp1, $4  }
0x37: {  	s2 =	simm.s32 @!p0 $0x5  }
0x38: {  	_ =	swait.ge @!p0 [sflag:s2], $0x480  }
0x39: {  	[sflag:s2] =	ssyncset.done @!p0 $0x0  }
0x3a: {  	[sflag:s2] =	ssyncadd.s32 @!p0 $0xFFFFFB80  }
.LBB2_1:
0x3b: {  	s2 =	simm.s32 $0x0;
	s15 =	simm.s32 $0x200  }
.LBB2_2:
0x3c: {  	p2 =	sne.s32 s15, $0xFE00;
	[tilespmem:s2+$0x18370] =	vst v0  }
0x3d: {  	[tilespmem:s2+$0x18300] =	vst v0  }
0x3e: {  	[tilespmem:s2+$0x18310] =	vst v0  }
.Ltmp2:
0x3f: {  	[tilespmem:s2+$0x18320] =	vst v0;
	(pc) =	sbr.rel @p2 .LBB2_2-.Ltmp2, $4  }
0x40: {  	[tilespmem:s2+$0x18330] =	vst v0  }
0x41: {  	[tilespmem:s2+$0x18340] =	vst v0  }
0x42: {  	[tilespmem:s2+$0x18350] =	vst v0  }
0x43: {  	[tilespmem:s2+$0x18360] =	vst v0;
	s2 =	sshra.s32 s15, $0x2;
	s15 =	sadd.s32 $0x200, s15  }
0x44: {  	[tilespmem:s2+$0x18370] =	vst v0  }
0x45: {  	[tilespmem:s2+$0x18300] =	vst v0  }
0x46: {  	[tilespmem:s2+$0x18310] =	vst v0  }
0x47: {  	[tilespmem:s2+$0x18320] =	vst v0  }
0x48: {  	[tilespmem:s2+$0x18330] =	vst v0  }
0x49: {  	[tilespmem:s2+$0x18340] =	vst v0  }
0x4a: {  	[tilespmem:s2+$0x18350] =	vst v0  }
0x4b: {  	[tilespmem:s2+$0x18360] =	vst v0  }
0x4c: {  	[tilespmem:$0x1C300] =	vst v1  }
0x4d: {  	[tilespmem:$0x1C310] =	vst v2  }
0x4e: {  	[tilespmem:$0x1C320] =	vst v3  }
0x4f: {  	[tilespmem:$0x1C330] =	vst v4  }
0x50: {  	[tilespmem:$0x1C340] =	vst v5  }
0x51: {  	[tilespmem:$0x1C350] =	vst v6  }
0x52: {  	[tilespmem:$0x1C360] =	vst v6  }
0x53: {  	s2 =	simm.s32 @!p0 $0x18300;
	[tilespmem:$0x1C370] =	vst v6  }
0x54: {  	[spmem:s3] =	stream.linear.scatter @!p0 [tilespmem:s2], [sflag:$0x5], $0x2400, $0x38;
	[tilespmem:$0x1CD40] =	vst v63  }
0x55: {  	[smem:$0x0] =	sst s5;
	s2 =	simm.s32 @!p0 $0x5  }
0x56: {  	_ =	swait.ge @!p0 [sflag:s2], $0x2400  }
0x57: {  	[sflag:s2] =	ssyncset.done @!p0 $0x0  }
.Ltmp3:
0x58: {  	[sflag:s2] =	ssyncadd.s32 @!p0 $0xFFFFDC00;
	(pc) =	sbr.rel .LBB2_4-.Ltmp3, $4  }
0x59: {  	s26 =	simm.s32 $0x0;
	[bflag:$0x0] =	sbarrier.arrive $0xFFFF  }
0x5a: {  	[tilespmem:s26], [sflag:$0x1] =	stream.linear.gather [hbm4b:s6+s26], $0xC000, $0x38;
	[tilespmem:$0x1CD40] =	vst v63  }
0x5b: {  	s31 =	simm.s32 $0x18000  }
0x5c: {  	[tilespmem:s31], [sflag:$0x3] =	stream.linear.gather [hbm4b:s7+s26], $0x180, $0x38;
	[tilespmem:$0x1CD40] =	vst v63  }
.LBB2_35:
0x5d: {  	s2 =	sld [smem:$0x0];
	s15 =	smul.u32 $0x180, s28  }
0x5e: {  	_ = 	snop  }
0x5f: {  	s15 =	sadd.s32 $0x100, s15  }
0x60: {  	s23 =	sadd.s32 $0x1, s2;
	[smem:s2+$0x1] =	sst s15  }
0x61: {  	[smem:$0x0] =	sst s23  }
.LBB2_36:
0x62: {  	s26 =	sadd.s32 $0x1, s26  }
0x63: {  	p2 =	sne.s32 s26, $0x5  }
.Ltmp4:
0x64: {  	_ = 	snop;
	(pc) =	sbr.rel @!p2 .LBB2_37-.Ltmp4, $1  }
0x65: {  	_ =	sdelay $0x3  }
.LBB2_4:
0x66: {  	s29 =	sshll.u32 s26, $0x6  }
0x67: {  	s30 =	sor.u32 s29, s4  }
0x68: {  	s28 =	sor.u32 $0x20, s30  }
0x69: {  	p2 =	sgt.u32 s28, $0x103  }
0x6a: {  	p3 =	sgt.u32 s30, $0x103;
	s2 =	smul.u32 @!p2 $0x1800, s28  }
.Ltmp5:
0x6b: {  	s15 =	simm.s32 @!p2 $0x0;
	(pc) =	sbr.rel @p3 .LBB2_20-.Ltmp5, $4  }
0x6c: {  	s31 =	simm.s32 @!p2 $0xC000;
	s23 =	smul.u32 @!p2 $0x30, s28;
	s2 =	sadd.s32 @!p2 s0, s2  }
0x6d: {  	[tilespmem:s31], [sflag:$0x2] =	stream.linear.gather @!p2 [hbm4b:s2+s15], $0xC000, $0x38;
	[tilespmem:$0x1CD40] =	vst v63  }
0x6e: {  	s2 =	sadd.s32 @!p2 s1, s23;
	s23 =	simm.s32 @!p2 $0x18180  }
0x6f: {  	[tilespmem:s23], [sflag:$0x4] =	stream.linear.gather @!p2 [hbm4b:s2+s15], $0x180, $0x38;
	[tilespmem:$0x1CD40] =	vst v63  }
0x70: {  	_ =	swait.ge [sflag:s16], $0xC000  }
0x71: {  	[sflag:s16] =	ssyncset.done $0x0  }
0x72: {  	[sflag:s16] =	ssyncadd.s32 $0xFFFF4000  }
0x73: {  	_ =	swait.ge [sflag:s17], $0x180  }
0x74: {  	[sflag:s17] =	ssyncset.done $0x0  }
0x75: {  	[sflag:s17] =	ssyncadd.s32 $0xFFFFFE80  }
0x76: {  	v7 =	vld [tilespmem:$0x18000]  }
0x77: {  	v8 =	vld [tilespmem:$0x18070];
	_ =	sdelay $0x3  }
0x78: {  	(v2sf) =	vpush v7, $0x0  }
0x79: {  	(v2sf) =	vpush v8, $0xF;
	_ =	sdelay $0xd  }
0x7a: {  	s31 =	spop (v2sf)  }
0x7b: {  	s2 =	spop (v2sf)  }
0x7c: {  	p3 =	sne.s32 s31, s2  }
.Ltmp6:
0x7d: {  	_ = 	snop;
	(pc) =	sbr.rel @p3 .LBB2_9-.Ltmp6, $1  }
0x7e: {  	_ =	sdelay $0x3  }
0x7f: {  	s15 =	simm.s32 $0x100  }
0x80: {  	v11 =	vld [tilespmem:s15+$0x80]  }
0x81: {  	v12 =	vld [tilespmem:s15+$0x90]  }
0x82: {  	v15 =	vld [tilespmem:s15+$0xA0]  }
0x83: {  	v18 =	vld [tilespmem:s15+$0xB0]  }
0x84: {  	v7 =	vld [tilespmem:s15+$0xC0]  }
0x85: {  	v8 =	vld [tilespmem:s15+$0xD0]  }
0x86: {  	v13 =	vld [tilespmem:s15+$0x0]  }
0x87: {  	v14 =	vld [tilespmem:s15+$0x10]  }
0x88: {  	v17 =	vld [tilespmem:s15+$0x20]  }
0x89: {  	v19 =	vld [tilespmem:s15+$0x30]  }
0x8a: {  	v9 =	vld [tilespmem:s15+$0x40]  }
0x8b: {  	v10 =	vld [tilespmem:s15+$0x50]  }
0x8c: {  	v16 =	vld [tilespmem:s15+$0xFFFFFF80]  }
0x8d: {  	v20 =	vld [tilespmem:s15+$0xFFFFFF90]  }
0x8e: {  	v21 =	vld [tilespmem:s15+$0xFFFFFF00]  }
0x8f: {  	v22 =	vld [tilespmem:s15+$0xFFFFFF10]  }
0x90: {  	v23 =	vld [tilespmem:s15+$0xFFFFFF20]  }
0x91: {  	v24 =	vld [tilespmem:s15+$0xFFFFFF30]  }
0x92: {  	v25 =	vld [tilespmem:s15+$0xFFFFFFA0]  }
0x93: {  	v26 =	vld [tilespmem:s15+$0xFFFFFFB0]  }
0x94: {  	v27 =	vimm.f32 $0.0e+00;
	v31 =	vld [tilespmem:s15+$0xFFFFFF50]  }
0x95: {  	v28 =	vld [tilespmem:s15+$0xFFFFFFC0];
	v21 =	vadd.f32 v21, v27;
	v22 =	vadd.f32 v22, v27  }
0x96: {  	v29 =	vld [tilespmem:s15+$0xFFFFFFD0];
	v23 =	vadd.f32 v23, v27;
	v24 =	vadd.f32 v24, v27  }
0x97: {  	v30 =	vld [tilespmem:s15+$0xFFFFFF40];
	v16 =	vadd.f32 v16, v21;
	v20 =	vadd.f32 v20, v22  }
0x98: {  	v21 =	vld [tilespmem:s15+$0xFFFFFF60];
	v22 =	vadd.f32 v25, v23;
	v23 =	vadd.f32 v26, v24  }
0x99: {  	v24 =	vld [tilespmem:s15+$0xFFFFFF70];
	v25 =	vadd.f32 v31, v27;
	v13 =	vadd.f32 v13, v16  }
0x9a: {  	v20 =	vadd.f32 v14, v20;
	v16 =	vld [tilespmem:s15+$0xFFFFFFE0];
	v22 =	vadd.f32 v17, v22  }
0x9b: {  	v23 =	vadd.f32 v19, v23;
	v19 =	vld [tilespmem:s15+$0xFFFFFFF0];
	v14 =	vadd.f32 v11, v13  }
0x9c: {  	v17 =	vld [tilespmem:s15+$0x60];
	v13 =	vadd.f32 v12, v20;
	v12 =	vadd.f32 v15, v22  }
0x9d: {  	v11 =	vadd.f32 v18, v23;
	v18 =	vadd.f32 v30, v27;
	v20 =	vld [tilespmem:s15+$0x70]  }
0x9e: {  	v15 =	vld [tilespmem:s15+$0xE0];
	v21 =	vadd.f32 v21, v27;
	v22 =	vadd.f32 v24, v27  }
0x9f: {  	s2 =	simm.s32 $0x0;
	v24 =	vadd.f32 v29, v25;
	v23 =	vadd.f32 v28, v18;
	v18 =	vld [tilespmem:s15+$0xF0];
	s15 =	simm.s32 $0x300  }
.LBB2_7:
0xa0: {  	v25 =	vld [tilespmem:s15+$0x80];
	v16 =	vadd.f32 v16, v21;
	v19 =	vadd.f32 v19, v22  }
0xa1: {  	v21 =	vld [tilespmem:s15+$0x90];
	v9 =	vadd.f32 v9, v23;
	v10 =	vadd.f32 v10, v24  }
0xa2: {  	v22 =	vld [tilespmem:s15+$0xA0];
	v16 =	vadd.f32 v17, v16;
	v17 =	vadd.f32 v20, v19  }
0xa3: {  	v20 =	vld [tilespmem:s15+$0xB0];
	v23 =	vadd.f32 v7, v9;
	v24 =	vadd.f32 v8, v10  }
0xa4: {  	v7 =	vld [tilespmem:s15+$0xC0];
	v15 =	vadd.f32 v15, v16;
	v18 =	vadd.f32 v18, v17  }
0xa5: {  	v8 =	vld [tilespmem:s15+$0xD0]  }
0xa6: {  	v16 =	vld [tilespmem:s15+$0x0]  }
0xa7: {  	v17 =	vld [tilespmem:s15+$0x10]  }
0xa8: {  	v19 =	vld [tilespmem:s15+$0x20]  }
0xa9: {  	v26 =	vld [tilespmem:s15+$0x30]  }
0xaa: {  	v9 =	vld [tilespmem:s15+$0x40]  }
0xab: {  	v10 =	vld [tilespmem:s15+$0x50]  }
0xac: {  	v27 =	vld [tilespmem:s15+$0xFFFFFF80]  }
0xad: {  	v28 =	vld [tilespmem:s15+$0xFFFFFF90]  }
0xae: {  	v29 =	vld [tilespmem:s15+$0xFFFFFF00]  }
0xaf: {  	v30 =	vld [tilespmem:s15+$0xFFFFFF10]  }
0xb0: {  	v31 =	vld [tilespmem:s15+$0xFFFFFF20]  }
0xb1: {  	v32 =	vld [tilespmem:s15+$0xFFFFFF30]  }
0xb2: {  	v33 =	vld [tilespmem:s15+$0xFFFFFFA0]  }
0xb3: {  	v34 =	vld [tilespmem:s15+$0xFFFFFFB0]  }
0xb4: {  	v35 =	vld [tilespmem:s15+$0xFFFFFFC0]  }
0xb5: {  	v14 =	vadd.f32 v29, v14;
	v13 =	vadd.f32 v30, v13;
	v29 =	vld [tilespmem:s15+$0xFFFFFFD0]  }
0xb6: {  	v12 =	vadd.f32 v31, v12;
	v11 =	vadd.f32 v32, v11;
	v30 =	vld [tilespmem:s15+$0xFFFFFF40]  }
0xb7: {  	v14 =	vadd.f32 v27, v14;
	v13 =	vadd.f32 v28, v13;
	v31 =	vld [tilespmem:s15+$0xFFFFFF50]  }
0xb8: {  	v12 =	vadd.f32 v33, v12;
	v27 =	vld [tilespmem:s15+$0xFFFFFF60];
	v11 =	vadd.f32 v34, v11  }
0xb9: {  	s2 =	sadd.s32 $0x4, s2;
	v14 =	vadd.f32 v16, v14;
	v13 =	vadd.f32 v17, v13;
	v28 =	vld [tilespmem:s15+$0xFFFFFF70]  }
0xba: {  	p3 =	slt.u32 s2, $0x7C;
	v12 =	vadd.f32 v19, v12;
	v16 =	vld [tilespmem:s15+$0xFFFFFFE0];
	v11 =	vadd.f32 v26, v11  }
.Ltmp7:
0xbb: {  	v14 =	vadd.f32 v25, v14;
	v13 =	vadd.f32 v21, v13;
	v19 =	vld [tilespmem:s15+$0xFFFFFFF0];
	(pc) =	sbr.rel @p3 .LBB2_7-.Ltmp7, $4  }
0xbc: {  	v12 =	vadd.f32 v22, v12;
	v17 =	vld [tilespmem:s15+$0x60];
	v11 =	vadd.f32 v20, v11  }
0xbd: {  	v23 =	vadd.f32 v30, v23;
	v24 =	vadd.f32 v31, v24;
	v20 =	vld [tilespmem:s15+$0x70]  }
0xbe: {  	v21 =	vadd.f32 v27, v15;
	v22 =	vadd.f32 v28, v18;
	v15 =	vld [tilespmem:s15+$0xE0]  }
0xbf: {  	v23 =	vadd.f32 v35, v23;
	v24 =	vadd.f32 v29, v24;
	v18 =	vld [tilespmem:s15+$0xF0];
	s15 =	sadd.s32 $0x200, s15  }
0xc0: {  	s2 =	sshll.u32 s31, $0x9  }
0xc1: {  	s2 =	sshra.s32 s2, $0x2  }
0xc2: {  	v25 =	vld [tilespmem:s2+$0x18300]  }
0xc3: {  	v26 =	vld [tilespmem:s2+$0x18310]  }
0xc4: {  	v27 =	vld [tilespmem:s2+$0x18320]  }
0xc5: {  	v16 =	vadd.f32 v16, v21;
	v19 =	vadd.f32 v19, v22;
	v55 =	vld [tilespmem:s2+$0x18330]  }
0xc6: {  	v9 =	vadd.f32 v9, v23;
	v10 =	vadd.f32 v10, v24;
	v56 =	vld [tilespmem:s2+$0x18340]  }
0xc7: {  	v16 =	vadd.f32 v17, v16;
	v57 =	vld [tilespmem:s2+$0x18350];
	v14 =	vadd.f32 v25, v14  }
0xc8: {  	v19 =	vadd.f32 v20, v19;
	v58 =	vld [tilespmem:s2+$0x18360];
	v13 =	vadd.f32 v26, v13  }
0xc9: {  	v60 =	vld [tilespmem:s2+$0x18370];
	v7 =	vadd.f32 v7, v9;
	v59 =	vadd.f32 v27, v12;
	[tilespmem:s2+$0x18300] =	vst v14  }
0xca: {  	v8 =	vadd.f32 v8, v10;
	v61 =	vadd.f32 v55, v11;
	[tilespmem:s2+$0x18310] =	vst v13  }
0xcb: {  	v62 =	vadd.f32 v15, v16;
	v7 =	vadd.f32 v56, v7;
	[tilespmem:s2+$0x18320] =	vst v59  }
.Ltmp8:
0xcc: {  	v63 =	vadd.f32 v18, v19;
	v8 =	vadd.f32 v57, v8;
	[tilespmem:s2+$0x18330] =	vst v61;
	(pc) =	sbr.rel .LBB2_10-.Ltmp8, $4  }
0xcd: {  	[tilespmem:s2+$0x18340] =	vst v7;
	v7 =	vadd.f32 v58, v62  }
0xce: {  	[tilespmem:s2+$0x18350] =	vst v8;
	v8 =	vadd.f32 v60, v63  }
0xcf: {  	[tilespmem:s2+$0x18360] =	vst v7  }
0xd0: {  	[tilespmem:s2+$0x18370] =	vst v8  }
.LBB2_9:
0xd1: {  	s2 =	sld [smem:$0x0]  }
0xd2: {  	s15 =	smul.u32 $0x180, s30;
	_ =	sdelay $0x1  }
0xd3: {  	s23 =	sadd.s32 $0x1, s2;
	[smem:s2+$0x1] =	sst s15  }
0xd4: {  	[smem:$0x0] =	sst s23  }
.LBB2_10:
0xd5: {  	v7 =	vld [tilespmem:$0x18080]  }
0xd6: {  	v8 =	vld [tilespmem:$0x180F0];
	_ =	sdelay $0x3  }
0xd7: {  	(v2sf) =	vpush v7, $0x0  }
0xd8: {  	(v2sf) =	vpush v8, $0xF;
	_ =	sdelay $0xd  }
0xd9: {  	s31 =	spop (v2sf)  }
0xda: {  	s2 =	spop (v2sf)  }
0xdb: {  	p3 =	sne.s32 s31, s2  }
.Ltmp9:
0xdc: {  	_ = 	snop;
	(pc) =	sbr.rel @p3 .LBB2_14-.Ltmp9, $1  }
0xdd: {  	_ =	sdelay $0x3  }
0xde: {  	s15 =	simm.s32 $0x4000  }
0xdf: {  	v11 =	vld [tilespmem:s15+$0x180]  }
0xe0: {  	v12 =	vld [tilespmem:s15+$0x190]  }
0xe1: {  	v15 =	vld [tilespmem:s15+$0x1A0]  }
0xe2: {  	v18 =	vld [tilespmem:s15+$0x1B0]  }
0xe3: {  	v7 =	vld [tilespmem:s15+$0x1C0]  }
0xe4: {  	v8 =	vld [tilespmem:s15+$0x1D0]  }
0xe5: {  	v13 =	vld [tilespmem:s15+$0x100]  }
0xe6: {  	v14 =	vld [tilespmem:s15+$0x110]  }
0xe7: {  	v17 =	vld [tilespmem:s15+$0x120]  }
0xe8: {  	v19 =	vld [tilespmem:s15+$0x130]  }
0xe9: {  	v9 =	vld [tilespmem:s15+$0x140]  }
0xea: {  	v10 =	vld [tilespmem:s15+$0x150]  }
0xeb: {  	v16 =	vld [tilespmem:s15+$0x80]  }
0xec: {  	v20 =	vld [tilespmem:s15+$0x90]  }
0xed: {  	v21 =	vld [tilespmem:s15+$0x0]  }
0xee: {  	v22 =	vld [tilespmem:s15+$0x10]  }
0xef: {  	v23 =	vld [tilespmem:s15+$0x20]  }
0xf0: {  	v24 =	vld [tilespmem:s15+$0x30]  }
0xf1: {  	v25 =	vld [tilespmem:s15+$0xA0]  }
0xf2: {  	v26 =	vld [tilespmem:s15+$0xB0]  }
0xf3: {  	v27 =	vimm.f32 $0.0e+00;
	v31 =	vld [tilespmem:s15+$0x50]  }
0xf4: {  	v28 =	vld [tilespmem:s15+$0xC0];
	v21 =	vadd.f32 v21, v27;
	v22 =	vadd.f32 v22, v27  }
0xf5: {  	v29 =	vld [tilespmem:s15+$0xD0];
	v23 =	vadd.f32 v23, v27;
	v24 =	vadd.f32 v24, v27  }
0xf6: {  	v30 =	vld [tilespmem:s15+$0x40];
	v16 =	vadd.f32 v16, v21;
	v20 =	vadd.f32 v20, v22  }
0xf7: {  	v21 =	vld [tilespmem:s15+$0x60];
	v22 =	vadd.f32 v25, v23;
	v23 =	vadd.f32 v26, v24  }
0xf8: {  	v24 =	vld [tilespmem:s15+$0x70];
	v25 =	vadd.f32 v31, v27;
	v13 =	vadd.f32 v13, v16  }
0xf9: {  	v20 =	vadd.f32 v14, v20;
	v16 =	vld [tilespmem:s15+$0xE0];
	v22 =	vadd.f32 v17, v22  }
0xfa: {  	v23 =	vadd.f32 v19, v23;
	v19 =	vld [tilespmem:s15+$0xF0];
	v14 =	vadd.f32 v11, v13  }
0xfb: {  	v17 =	vld [tilespmem:s15+$0x160];
	v13 =	vadd.f32 v12, v20;
	v12 =	vadd.f32 v15, v22  }
0xfc: {  	v11 =	vadd.f32 v18, v23;
	v18 =	vadd.f32 v30, v27;
	v20 =	vld [tilespmem:s15+$0x170]  }
0xfd: {  	v15 =	vld [tilespmem:s15+$0x1E0];
	v21 =	vadd.f32 v21, v27;
	v22 =	vadd.f32 v24, v27  }
0xfe: {  	s2 =	simm.s32 $0x80;
	v24 =	vadd.f32 v29, v25;
	v23 =	vadd.f32 v28, v18;
	v18 =	vld [tilespmem:s15+$0x1F0];
	s15 =	simm.s32 $0x4200  }
.LBB2_12:
0xff: {  	v25 =	vld [tilespmem:s15+$0x180];
	v16 =	vadd.f32 v16, v21;
	v19 =	vadd.f32 v19, v22  }
0x100: {  	v21 =	vld [tilespmem:s15+$0x190];
	v9 =	vadd.f32 v9, v23;
	v10 =	vadd.f32 v10, v24  }
0x101: {  	v22 =	vld [tilespmem:s15+$0x1A0];
	v16 =	vadd.f32 v17, v16;
	v17 =	vadd.f32 v20, v19  }
0x102: {  	v20 =	vld [tilespmem:s15+$0x1B0];
	v23 =	vadd.f32 v7, v9;
	v24 =	vadd.f32 v8, v10  }
0x103: {  	v7 =	vld [tilespmem:s15+$0x1C0];
	v15 =	vadd.f32 v15, v16;
	v18 =	vadd.f32 v18, v17  }
0x104: {  	v8 =	vld [tilespmem:s15+$0x1D0]  }
0x105: {  	v16 =	vld [tilespmem:s15+$0x100]  }
0x106: {  	v17 =	vld [tilespmem:s15+$0x110]  }
0x107: {  	v19 =	vld [tilespmem:s15+$0x120]  }
0x108: {  	v26 =	vld [tilespmem:s15+$0x130]  }
0x109: {  	v9 =	vld [tilespmem:s15+$0x140]  }
0x10a: {  	v10 =	vld [tilespmem:s15+$0x150]  }
0x10b: {  	v27 =	vld [tilespmem:s15+$0x80]  }
0x10c: {  	v28 =	vld [tilespmem:s15+$0x90]  }
0x10d: {  	v29 =	vld [tilespmem:s15+$0x0]  }
0x10e: {  	v30 =	vld [tilespmem:s15+$0x10]  }
0x10f: {  	v31 =	vld [tilespmem:s15+$0x20]  }
0x110: {  	v32 =	vld [tilespmem:s15+$0x30]  }
0x111: {  	v33 =	vld [tilespmem:s15+$0xA0]  }
0x112: {  	v34 =	vld [tilespmem:s15+$0xB0]  }
0x113: {  	v35 =	vld [tilespmem:s15+$0xC0]  }
0x114: {  	v14 =	vadd.f32 v29, v14;
	v13 =	vadd.f32 v30, v13;
	v29 =	vld [tilespmem:s15+$0xD0]  }
0x115: {  	v12 =	vadd.f32 v31, v12;
	v11 =	vadd.f32 v32, v11;
	v30 =	vld [tilespmem:s15+$0x40]  }
0x116: {  	v14 =	vadd.f32 v27, v14;
	v13 =	vadd.f32 v28, v13;
	v31 =	vld [tilespmem:s15+$0x50]  }
0x117: {  	v12 =	vadd.f32 v33, v12;
	v27 =	vld [tilespmem:s15+$0x60];
	v11 =	vadd.f32 v34, v11  }
0x118: {  	s2 =	sadd.s32 $0x4, s2;
	v14 =	vadd.f32 v16, v14;
	v13 =	vadd.f32 v17, v13;
	v28 =	vld [tilespmem:s15+$0x70]  }
0x119: {  	p3 =	slt.u32 s2, $0xFC;
	v12 =	vadd.f32 v19, v12;
	v16 =	vld [tilespmem:s15+$0xE0];
	v11 =	vadd.f32 v26, v11  }
.Ltmp10:
0x11a: {  	v14 =	vadd.f32 v25, v14;
	v13 =	vadd.f32 v21, v13;
	v19 =	vld [tilespmem:s15+$0xF0];
	(pc) =	sbr.rel @p3 .LBB2_12-.Ltmp10, $4  }
0x11b: {  	v12 =	vadd.f32 v22, v12;
	v17 =	vld [tilespmem:s15+$0x160];
	v11 =	vadd.f32 v20, v11  }
0x11c: {  	v23 =	vadd.f32 v30, v23;
	v24 =	vadd.f32 v31, v24;
	v20 =	vld [tilespmem:s15+$0x170]  }
0x11d: {  	v21 =	vadd.f32 v27, v15;
	v22 =	vadd.f32 v28, v18;
	v15 =	vld [tilespmem:s15+$0x1E0]  }
0x11e: {  	v23 =	vadd.f32 v35, v23;
	v24 =	vadd.f32 v29, v24;
	v18 =	vld [tilespmem:s15+$0x1F0];
	s15 =	sadd.s32 $0x200, s15  }
0x11f: {  	s2 =	sshll.u32 s31, $0x9  }
0x120: {  	s2 =	sshra.s32 s2, $0x2  }
0x121: {  	v25 =	vld [tilespmem:s2+$0x18300]  }
0x122: {  	v26 =	vld [tilespmem:s2+$0x18310]  }
0x123: {  	v27 =	vld [tilespmem:s2+$0x18320]  }
0x124: {  	v16 =	vadd.f32 v16, v21;
	v19 =	vadd.f32 v19, v22;
	v55 =	vld [tilespmem:s2+$0x18330]  }
0x125: {  	v9 =	vadd.f32 v9, v23;
	v10 =	vadd.f32 v10, v24;
	v56 =	vld [tilespmem:s2+$0x18340]  }
0x126: {  	v16 =	vadd.f32 v17, v16;
	v57 =	vld [tilespmem:s2+$0x18350];
	v14 =	vadd.f32 v25, v14  }
0x127: {  	v19 =	vadd.f32 v20, v19;
	v58 =	vld [tilespmem:s2+$0x18360];
	v13 =	vadd.f32 v26, v13  }
0x128: {  	v60 =	vld [tilespmem:s2+$0x18370];
	v7 =	vadd.f32 v7, v9;
	v59 =	vadd.f32 v27, v12;
	[tilespmem:s2+$0x18300] =	vst v14  }
0x129: {  	v8 =	vadd.f32 v8, v10;
	v61 =	vadd.f32 v55, v11;
	[tilespmem:s2+$0x18310] =	vst v13  }
0x12a: {  	v62 =	vadd.f32 v15, v16;
	v7 =	vadd.f32 v56, v7;
	[tilespmem:s2+$0x18320] =	vst v59  }
.Ltmp11:
0x12b: {  	v63 =	vadd.f32 v18, v19;
	v8 =	vadd.f32 v57, v8;
	[tilespmem:s2+$0x18330] =	vst v61;
	(pc) =	sbr.rel .LBB2_15-.Ltmp11, $4  }
0x12c: {  	[tilespmem:s2+$0x18340] =	vst v7;
	v7 =	vadd.f32 v58, v62  }
0x12d: {  	[tilespmem:s2+$0x18350] =	vst v8;
	v8 =	vadd.f32 v60, v63  }
0x12e: {  	[tilespmem:s2+$0x18360] =	vst v7  }
0x12f: {  	[tilespmem:s2+$0x18370] =	vst v8  }
.LBB2_14:
0x130: {  	s2 =	sld [smem:$0x0];
	s15 =	smul.u32 $0x180, s30  }
0x131: {  	_ = 	snop  }
0x132: {  	s15 =	sadd.s32 $0x80, s15  }
0x133: {  	s23 =	sadd.s32 $0x1, s2;
	[smem:s2+$0x1] =	sst s15  }
0x134: {  	[smem:$0x0] =	sst s23  }
.LBB2_15:
0x135: {  	v7 =	vld [tilespmem:$0x18100]  }
0x136: {  	v8 =	vld [tilespmem:$0x18170];
	_ =	sdelay $0x3  }
0x137: {  	(v2sf) =	vpush v7, $0x0  }
0x138: {  	(v2sf) =	vpush v8, $0xF;
	_ =	sdelay $0xd  }
0x139: {  	s31 =	spop (v2sf)  }
0x13a: {  	s2 =	spop (v2sf)  }
0x13b: {  	p3 =	sne.s32 s31, s2  }
.Ltmp12:
0x13c: {  	_ = 	snop;
	(pc) =	sbr.rel @p3 .LBB2_19-.Ltmp12, $1  }
0x13d: {  	_ =	sdelay $0x3  }
0x13e: {  	s15 =	simm.s32 $0x8000  }
0x13f: {  	v11 =	vld [tilespmem:s15+$0x180]  }
0x140: {  	v12 =	vld [tilespmem:s15+$0x190]  }
0x141: {  	v15 =	vld [tilespmem:s15+$0x1A0]  }
0x142: {  	v18 =	vld [tilespmem:s15+$0x1B0]  }
0x143: {  	v7 =	vld [tilespmem:s15+$0x1C0]  }
0x144: {  	v8 =	vld [tilespmem:s15+$0x1D0]  }
0x145: {  	v13 =	vld [tilespmem:s15+$0x100]  }
0x146: {  	v14 =	vld [tilespmem:s15+$0x110]  }
0x147: {  	v17 =	vld [tilespmem:s15+$0x120]  }
0x148: {  	v19 =	vld [tilespmem:s15+$0x130]  }
0x149: {  	v9 =	vld [tilespmem:s15+$0x140]  }
0x14a: {  	v10 =	vld [tilespmem:s15+$0x150]  }
0x14b: {  	v16 =	vld [tilespmem:s15+$0x80]  }
0x14c: {  	v20 =	vld [tilespmem:s15+$0x90]  }
0x14d: {  	v21 =	vld [tilespmem:s15+$0x0]  }
0x14e: {  	v22 =	vld [tilespmem:s15+$0x10]  }
0x14f: {  	v23 =	vld [tilespmem:s15+$0x20]  }
0x150: {  	v24 =	vld [tilespmem:s15+$0x30]  }
0x151: {  	v25 =	vld [tilespmem:s15+$0xA0]  }
0x152: {  	v26 =	vld [tilespmem:s15+$0xB0]  }
0x153: {  	v27 =	vimm.f32 $0.0e+00;
	v31 =	vld [tilespmem:s15+$0x50]  }
0x154: {  	v28 =	vld [tilespmem:s15+$0xC0];
	v21 =	vadd.f32 v21, v27;
	v22 =	vadd.f32 v22, v27  }
0x155: {  	v29 =	vld [tilespmem:s15+$0xD0];
	v23 =	vadd.f32 v23, v27;
	v24 =	vadd.f32 v24, v27  }
0x156: {  	v30 =	vld [tilespmem:s15+$0x40];
	v16 =	vadd.f32 v16, v21;
	v20 =	vadd.f32 v20, v22  }
0x157: {  	v21 =	vld [tilespmem:s15+$0x60];
	v22 =	vadd.f32 v25, v23;
	v23 =	vadd.f32 v26, v24  }
0x158: {  	v24 =	vld [tilespmem:s15+$0x70];
	v25 =	vadd.f32 v31, v27;
	v13 =	vadd.f32 v13, v16  }
0x159: {  	v20 =	vadd.f32 v14, v20;
	v16 =	vld [tilespmem:s15+$0xE0];
	v22 =	vadd.f32 v17, v22  }
0x15a: {  	v23 =	vadd.f32 v19, v23;
	v19 =	vld [tilespmem:s15+$0xF0];
	v14 =	vadd.f32 v11, v13  }
0x15b: {  	v17 =	vld [tilespmem:s15+$0x160];
	v13 =	vadd.f32 v12, v20;
	v12 =	vadd.f32 v15, v22  }
0x15c: {  	v11 =	vadd.f32 v18, v23;
	v18 =	vadd.f32 v30, v27;
	v20 =	vld [tilespmem:s15+$0x170]  }
0x15d: {  	v15 =	vld [tilespmem:s15+$0x1E0];
	v21 =	vadd.f32 v21, v27;
	v22 =	vadd.f32 v24, v27  }
0x15e: {  	s2 =	simm.s32 $0x100;
	v24 =	vadd.f32 v29, v25;
	v23 =	vadd.f32 v28, v18;
	v18 =	vld [tilespmem:s15+$0x1F0];
	s15 =	simm.s32 $0x8200  }
.LBB2_17:
0x15f: {  	v25 =	vld [tilespmem:s15+$0x180];
	v16 =	vadd.f32 v16, v21;
	v19 =	vadd.f32 v19, v22  }
0x160: {  	v21 =	vld [tilespmem:s15+$0x190];
	v9 =	vadd.f32 v9, v23;
	v10 =	vadd.f32 v10, v24  }
0x161: {  	v22 =	vld [tilespmem:s15+$0x1A0];
	v16 =	vadd.f32 v17, v16;
	v17 =	vadd.f32 v20, v19  }
0x162: {  	v20 =	vld [tilespmem:s15+$0x1B0];
	v23 =	vadd.f32 v7, v9;
	v24 =	vadd.f32 v8, v10  }
0x163: {  	v7 =	vld [tilespmem:s15+$0x1C0];
	v15 =	vadd.f32 v15, v16;
	v18 =	vadd.f32 v18, v17  }
0x164: {  	v8 =	vld [tilespmem:s15+$0x1D0]  }
0x165: {  	v16 =	vld [tilespmem:s15+$0x100]  }
0x166: {  	v17 =	vld [tilespmem:s15+$0x110]  }
0x167: {  	v19 =	vld [tilespmem:s15+$0x120]  }
0x168: {  	v26 =	vld [tilespmem:s15+$0x130]  }
0x169: {  	v9 =	vld [tilespmem:s15+$0x140]  }
0x16a: {  	v10 =	vld [tilespmem:s15+$0x150]  }
0x16b: {  	v27 =	vld [tilespmem:s15+$0x80]  }
0x16c: {  	v28 =	vld [tilespmem:s15+$0x90]  }
0x16d: {  	v29 =	vld [tilespmem:s15+$0x0]  }
0x16e: {  	v30 =	vld [tilespmem:s15+$0x10]  }
0x16f: {  	v31 =	vld [tilespmem:s15+$0x20]  }
0x170: {  	v32 =	vld [tilespmem:s15+$0x30]  }
0x171: {  	v33 =	vld [tilespmem:s15+$0xA0]  }
0x172: {  	v34 =	vld [tilespmem:s15+$0xB0]  }
0x173: {  	v35 =	vld [tilespmem:s15+$0xC0]  }
0x174: {  	v14 =	vadd.f32 v29, v14;
	v13 =	vadd.f32 v30, v13;
	v29 =	vld [tilespmem:s15+$0xD0]  }
0x175: {  	v12 =	vadd.f32 v31, v12;
	v11 =	vadd.f32 v32, v11;
	v30 =	vld [tilespmem:s15+$0x40]  }
0x176: {  	v14 =	vadd.f32 v27, v14;
	v13 =	vadd.f32 v28, v13;
	v31 =	vld [tilespmem:s15+$0x50]  }
0x177: {  	v12 =	vadd.f32 v33, v12;
	v27 =	vld [tilespmem:s15+$0x60];
	v11 =	vadd.f32 v34, v11  }
0x178: {  	s2 =	sadd.s32 $0x4, s2;
	v14 =	vadd.f32 v16, v14;
	v13 =	vadd.f32 v17, v13;
	v28 =	vld [tilespmem:s15+$0x70]  }
0x179: {  	p3 =	slt.u32 s2, $0x17C;
	v12 =	vadd.f32 v19, v12;
	v16 =	vld [tilespmem:s15+$0xE0];
	v11 =	vadd.f32 v26, v11  }
.Ltmp13:
0x17a: {  	v14 =	vadd.f32 v25, v14;
	v13 =	vadd.f32 v21, v13;
	v19 =	vld [tilespmem:s15+$0xF0];
	(pc) =	sbr.rel @p3 .LBB2_17-.Ltmp13, $4  }
0x17b: {  	v12 =	vadd.f32 v22, v12;
	v17 =	vld [tilespmem:s15+$0x160];
	v11 =	vadd.f32 v20, v11  }
0x17c: {  	v23 =	vadd.f32 v30, v23;
	v24 =	vadd.f32 v31, v24;
	v20 =	vld [tilespmem:s15+$0x170]  }
0x17d: {  	v21 =	vadd.f32 v27, v15;
	v22 =	vadd.f32 v28, v18;
	v15 =	vld [tilespmem:s15+$0x1E0]  }
0x17e: {  	v23 =	vadd.f32 v35, v23;
	v24 =	vadd.f32 v29, v24;
	v18 =	vld [tilespmem:s15+$0x1F0];
	s15 =	sadd.s32 $0x200, s15  }
0x17f: {  	s2 =	sshll.u32 s31, $0x9  }
0x180: {  	s2 =	sshra.s32 s2, $0x2  }
0x181: {  	v25 =	vld [tilespmem:s2+$0x18300]  }
0x182: {  	v26 =	vld [tilespmem:s2+$0x18310]  }
0x183: {  	v27 =	vld [tilespmem:s2+$0x18320]  }
0x184: {  	v16 =	vadd.f32 v16, v21;
	v19 =	vadd.f32 v19, v22;
	v55 =	vld [tilespmem:s2+$0x18330]  }
0x185: {  	v9 =	vadd.f32 v9, v23;
	v10 =	vadd.f32 v10, v24;
	v56 =	vld [tilespmem:s2+$0x18340]  }
0x186: {  	v16 =	vadd.f32 v17, v16;
	v57 =	vld [tilespmem:s2+$0x18350];
	v14 =	vadd.f32 v25, v14  }
0x187: {  	v19 =	vadd.f32 v20, v19;
	v58 =	vld [tilespmem:s2+$0x18360];
	v13 =	vadd.f32 v26, v13  }
0x188: {  	v60 =	vld [tilespmem:s2+$0x18370];
	v7 =	vadd.f32 v7, v9;
	v59 =	vadd.f32 v27, v12;
	[tilespmem:s2+$0x18300] =	vst v14  }
0x189: {  	v8 =	vadd.f32 v8, v10;
	v61 =	vadd.f32 v55, v11;
	[tilespmem:s2+$0x18310] =	vst v13  }
0x18a: {  	v62 =	vadd.f32 v15, v16;
	v7 =	vadd.f32 v56, v7;
	[tilespmem:s2+$0x18320] =	vst v59  }
.Ltmp14:
0x18b: {  	v63 =	vadd.f32 v18, v19;
	v8 =	vadd.f32 v57, v8;
	[tilespmem:s2+$0x18330] =	vst v61;
	(pc) =	sbr.rel .LBB2_20-.Ltmp14, $4  }
0x18c: {  	[tilespmem:s2+$0x18340] =	vst v7;
	v7 =	vadd.f32 v58, v62  }
0x18d: {  	[tilespmem:s2+$0x18350] =	vst v8;
	v8 =	vadd.f32 v60, v63  }
0x18e: {  	[tilespmem:s2+$0x18360] =	vst v7  }
0x18f: {  	[tilespmem:s2+$0x18370] =	vst v8  }
.LBB2_19:
0x190: {  	s2 =	sld [smem:$0x0];
	s15 =	smul.u32 $0x180, s30  }
0x191: {  	_ = 	snop  }
0x192: {  	s15 =	sadd.s32 $0x100, s15  }
0x193: {  	s23 =	sadd.s32 $0x1, s2;
	[smem:s2+$0x1] =	sst s15  }
0x194: {  	[smem:$0x0] =	sst s23  }
.LBB2_20:
0x195: {  	s2 =	sadd.s32 s8, s29  }
0x196: {  	p3 =	sgt.u32 s2, $0x103  }
0x197: {  	s15 =	smul.u32 @!p3 $0x1800, s2  }
.Ltmp15:
0x198: {  	_ = 	snop;
	(pc) =	sbr.rel @p2 .LBB2_36-.Ltmp15, $4  }
0x199: {  	s23 =	simm.s32 @!p3 $0x0;
	s2 =	smul.u32 @!p3 $0x30, s2;
	s15 =	sadd.s32 @!p3 s0, s15  }
0x19a: {  	[tilespmem:s23], [sflag:$0x1] =	stream.linear.gather @!p3 [hbm4b:s15+s23], $0xC000, $0x38;
	[tilespmem:$0x1CD40] =	vst v63  }
0x19b: {  	s2 =	sadd.s32 @!p3 s1, s2;
	s15 =	simm.s32 @!p3 $0x18000  }
0x19c: {  	[tilespmem:s15], [sflag:$0x3] =	stream.linear.gather @!p3 [hbm4b:s2+s23], $0x180, $0x38;
	[tilespmem:$0x1CD40] =	vst v63  }
0x19d: {  	_ =	swait.ge [sflag:s18], $0xC000  }
0x19e: {  	[sflag:s18] =	ssyncset.done $0x0  }
0x19f: {  	[sflag:s18] =	ssyncadd.s32 $0xFFFF4000  }
0x1a0: {  	_ =	swait.ge [sflag:s19], $0x180  }
0x1a1: {  	[sflag:s19] =	ssyncset.done $0x0  }
0x1a2: {  	[sflag:s19] =	ssyncadd.s32 $0xFFFFFE80  }
0x1a3: {  	v7 =	vld [tilespmem:$0x18180]  }
0x1a4: {  	v8 =	vld [tilespmem:$0x181F0];
	_ =	sdelay $0x3  }
0x1a5: {  	(v2sf) =	vpush v7, $0x0  }
0x1a6: {  	(v2sf) =	vpush v8, $0xF;
	_ =	sdelay $0xd  }
0x1a7: {  	s29 =	spop (v2sf)  }
0x1a8: {  	s2 =	spop (v2sf)  }
0x1a9: {  	p2 =	sne.s32 s29, s2  }
.Ltmp16:
0x1aa: {  	_ = 	snop;
	(pc) =	sbr.rel @p2 .LBB2_25-.Ltmp16, $1  }
0x1ab: {  	_ =	sdelay $0x3  }
0x1ac: {  	s15 =	simm.s32 $0xC000  }
0x1ad: {  	v11 =	vld [tilespmem:s15+$0x180]  }
0x1ae: {  	v12 =	vld [tilespmem:s15+$0x190]  }
0x1af: {  	v15 =	vld [tilespmem:s15+$0x1A0]  }
0x1b0: {  	v18 =	vld [tilespmem:s15+$0x1B0]  }
0x1b1: {  	v7 =	vld [tilespmem:s15+$0x1C0]  }
0x1b2: {  	v8 =	vld [tilespmem:s15+$0x1D0]  }
0x1b3: {  	v13 =	vld [tilespmem:s15+$0x100]  }
0x1b4: {  	v14 =	vld [tilespmem:s15+$0x110]  }
0x1b5: {  	v17 =	vld [tilespmem:s15+$0x120]  }
0x1b6: {  	v19 =	vld [tilespmem:s15+$0x130]  }
0x1b7: {  	v9 =	vld [tilespmem:s15+$0x140]  }
0x1b8: {  	v10 =	vld [tilespmem:s15+$0x150]  }
0x1b9: {  	v16 =	vld [tilespmem:s15+$0x80]  }
0x1ba: {  	v20 =	vld [tilespmem:s15+$0x90]  }
0x1bb: {  	v21 =	vld [tilespmem:s15+$0x0]  }
0x1bc: {  	v22 =	vld [tilespmem:s15+$0x10]  }
0x1bd: {  	v23 =	vld [tilespmem:s15+$0x20]  }
0x1be: {  	v24 =	vld [tilespmem:s15+$0x30]  }
0x1bf: {  	v25 =	vld [tilespmem:s15+$0xA0]  }
0x1c0: {  	v26 =	vld [tilespmem:s15+$0xB0]  }
0x1c1: {  	v27 =	vimm.f32 $0.0e+00;
	v31 =	vld [tilespmem:s15+$0x50]  }
0x1c2: {  	v28 =	vld [tilespmem:s15+$0xC0];
	v21 =	vadd.f32 v21, v27;
	v22 =	vadd.f32 v22, v27  }
0x1c3: {  	v29 =	vld [tilespmem:s15+$0xD0];
	v23 =	vadd.f32 v23, v27;
	v24 =	vadd.f32 v24, v27  }
0x1c4: {  	v30 =	vld [tilespmem:s15+$0x40];
	v16 =	vadd.f32 v16, v21;
	v20 =	vadd.f32 v20, v22  }
0x1c5: {  	v21 =	vld [tilespmem:s15+$0x60];
	v22 =	vadd.f32 v25, v23;
	v23 =	vadd.f32 v26, v24  }
0x1c6: {  	v24 =	vld [tilespmem:s15+$0x70];
	v25 =	vadd.f32 v31, v27;
	v13 =	vadd.f32 v13, v16  }
0x1c7: {  	v20 =	vadd.f32 v14, v20;
	v16 =	vld [tilespmem:s15+$0xE0];
	v22 =	vadd.f32 v17, v22  }
0x1c8: {  	v23 =	vadd.f32 v19, v23;
	v19 =	vld [tilespmem:s15+$0xF0];
	v14 =	vadd.f32 v11, v13  }
0x1c9: {  	v17 =	vld [tilespmem:s15+$0x160];
	v13 =	vadd.f32 v12, v20;
	v12 =	vadd.f32 v15, v22  }
0x1ca: {  	v11 =	vadd.f32 v18, v23;
	v18 =	vadd.f32 v30, v27;
	v20 =	vld [tilespmem:s15+$0x170]  }
0x1cb: {  	v15 =	vld [tilespmem:s15+$0x1E0];
	v21 =	vadd.f32 v21, v27;
	v22 =	vadd.f32 v24, v27  }
0x1cc: {  	s2 =	simm.s32 $0x0;
	v24 =	vadd.f32 v29, v25;
	v23 =	vadd.f32 v28, v18;
	v18 =	vld [tilespmem:s15+$0x1F0];
	s15 =	simm.s32 $0xC200  }
.LBB2_23:
0x1cd: {  	v25 =	vld [tilespmem:s15+$0x180];
	v16 =	vadd.f32 v16, v21;
	v19 =	vadd.f32 v19, v22  }
0x1ce: {  	v21 =	vld [tilespmem:s15+$0x190];
	v9 =	vadd.f32 v9, v23;
	v10 =	vadd.f32 v10, v24  }
0x1cf: {  	v22 =	vld [tilespmem:s15+$0x1A0];
	v16 =	vadd.f32 v17, v16;
	v17 =	vadd.f32 v20, v19  }
0x1d0: {  	v20 =	vld [tilespmem:s15+$0x1B0];
	v23 =	vadd.f32 v7, v9;
	v24 =	vadd.f32 v8, v10  }
0x1d1: {  	v7 =	vld [tilespmem:s15+$0x1C0];
	v15 =	vadd.f32 v15, v16;
	v18 =	vadd.f32 v18, v17  }
0x1d2: {  	v8 =	vld [tilespmem:s15+$0x1D0]  }
0x1d3: {  	v16 =	vld [tilespmem:s15+$0x100]  }
0x1d4: {  	v17 =	vld [tilespmem:s15+$0x110]  }
0x1d5: {  	v19 =	vld [tilespmem:s15+$0x120]  }
0x1d6: {  	v26 =	vld [tilespmem:s15+$0x130]  }
0x1d7: {  	v9 =	vld [tilespmem:s15+$0x140]  }
0x1d8: {  	v10 =	vld [tilespmem:s15+$0x150]  }
0x1d9: {  	v27 =	vld [tilespmem:s15+$0x80]  }
0x1da: {  	v28 =	vld [tilespmem:s15+$0x90]  }
0x1db: {  	v29 =	vld [tilespmem:s15+$0x0]  }
0x1dc: {  	v30 =	vld [tilespmem:s15+$0x10]  }
0x1dd: {  	v31 =	vld [tilespmem:s15+$0x20]  }
0x1de: {  	v32 =	vld [tilespmem:s15+$0x30]  }
0x1df: {  	v33 =	vld [tilespmem:s15+$0xA0]  }
0x1e0: {  	v34 =	vld [tilespmem:s15+$0xB0]  }
0x1e1: {  	v35 =	vld [tilespmem:s15+$0xC0]  }
0x1e2: {  	v14 =	vadd.f32 v29, v14;
	v13 =	vadd.f32 v30, v13;
	v29 =	vld [tilespmem:s15+$0xD0]  }
0x1e3: {  	v12 =	vadd.f32 v31, v12;
	v11 =	vadd.f32 v32, v11;
	v30 =	vld [tilespmem:s15+$0x40]  }
0x1e4: {  	v14 =	vadd.f32 v27, v14;
	v13 =	vadd.f32 v28, v13;
	v31 =	vld [tilespmem:s15+$0x50]  }
0x1e5: {  	v12 =	vadd.f32 v33, v12;
	v27 =	vld [tilespmem:s15+$0x60];
	v11 =	vadd.f32 v34, v11  }
0x1e6: {  	s2 =	sadd.s32 $0x4, s2;
	v14 =	vadd.f32 v16, v14;
	v13 =	vadd.f32 v17, v13;
	v28 =	vld [tilespmem:s15+$0x70]  }
0x1e7: {  	p2 =	slt.u32 s2, $0x7C;
	v12 =	vadd.f32 v19, v12;
	v16 =	vld [tilespmem:s15+$0xE0];
	v11 =	vadd.f32 v26, v11  }
.Ltmp17:
0x1e8: {  	v14 =	vadd.f32 v25, v14;
	v13 =	vadd.f32 v21, v13;
	v19 =	vld [tilespmem:s15+$0xF0];
	(pc) =	sbr.rel @p2 .LBB2_23-.Ltmp17, $4  }
0x1e9: {  	v12 =	vadd.f32 v22, v12;
	v17 =	vld [tilespmem:s15+$0x160];
	v11 =	vadd.f32 v20, v11  }
0x1ea: {  	v23 =	vadd.f32 v30, v23;
	v24 =	vadd.f32 v31, v24;
	v20 =	vld [tilespmem:s15+$0x170]  }
0x1eb: {  	v21 =	vadd.f32 v27, v15;
	v22 =	vadd.f32 v28, v18;
	v15 =	vld [tilespmem:s15+$0x1E0]  }
0x1ec: {  	v23 =	vadd.f32 v35, v23;
	v24 =	vadd.f32 v29, v24;
	v18 =	vld [tilespmem:s15+$0x1F0];
	s15 =	sadd.s32 $0x200, s15  }
0x1ed: {  	s2 =	sshll.u32 s29, $0x9  }
0x1ee: {  	s2 =	sshra.s32 s2, $0x2  }
0x1ef: {  	v25 =	vld [tilespmem:s2+$0x18300]  }
0x1f0: {  	v26 =	vld [tilespmem:s2+$0x18310]  }
0x1f1: {  	v27 =	vld [tilespmem:s2+$0x18320]  }
0x1f2: {  	v16 =	vadd.f32 v16, v21;
	v19 =	vadd.f32 v19, v22;
	v55 =	vld [tilespmem:s2+$0x18330]  }
0x1f3: {  	v9 =	vadd.f32 v9, v23;
	v10 =	vadd.f32 v10, v24;
	v56 =	vld [tilespmem:s2+$0x18340]  }
0x1f4: {  	v16 =	vadd.f32 v17, v16;
	v57 =	vld [tilespmem:s2+$0x18350];
	v14 =	vadd.f32 v25, v14  }
0x1f5: {  	v19 =	vadd.f32 v20, v19;
	v58 =	vld [tilespmem:s2+$0x18360];
	v13 =	vadd.f32 v26, v13  }
0x1f6: {  	v60 =	vld [tilespmem:s2+$0x18370];
	v7 =	vadd.f32 v7, v9;
	v59 =	vadd.f32 v27, v12;
	[tilespmem:s2+$0x18300] =	vst v14  }
0x1f7: {  	v8 =	vadd.f32 v8, v10;
	v61 =	vadd.f32 v55, v11;
	[tilespmem:s2+$0x18310] =	vst v13  }
0x1f8: {  	v62 =	vadd.f32 v15, v16;
	v7 =	vadd.f32 v56, v7;
	[tilespmem:s2+$0x18320] =	vst v59  }
.Ltmp18:
0x1f9: {  	v63 =	vadd.f32 v18, v19;
	v8 =	vadd.f32 v57, v8;
	[tilespmem:s2+$0x18330] =	vst v61;
	(pc) =	sbr.rel .LBB2_26-.Ltmp18, $4  }
0x1fa: {  	[tilespmem:s2+$0x18340] =	vst v7;
	v7 =	vadd.f32 v58, v62  }
0x1fb: {  	[tilespmem:s2+$0x18350] =	vst v8;
	v8 =	vadd.f32 v60, v63  }
0x1fc: {  	[tilespmem:s2+$0x18360] =	vst v7  }
0x1fd: {  	[tilespmem:s2+$0x18370] =	vst v8  }
.LBB2_25:
0x1fe: {  	s2 =	sld [smem:$0x0]  }
0x1ff: {  	s15 =	smul.u32 $0x180, s28;
	_ =	sdelay $0x1  }
0x200: {  	s23 =	sadd.s32 $0x1, s2;
	[smem:s2+$0x1] =	sst s15  }
0x201: {  	[smem:$0x0] =	sst s23  }
.LBB2_26:
0x202: {  	v7 =	vld [tilespmem:$0x18200]  }
0x203: {  	v8 =	vld [tilespmem:$0x18270];
	_ =	sdelay $0x3  }
0x204: {  	(v2sf) =	vpush v7, $0x0  }
0x205: {  	(v2sf) =	vpush v8, $0xF;
	_ =	sdelay $0xd  }
0x206: {  	s29 =	spop (v2sf)  }
0x207: {  	s2 =	spop (v2sf)  }
0x208: {  	p2 =	sne.s32 s29, s2  }
.Ltmp19:
0x209: {  	_ = 	snop;
	(pc) =	sbr.rel @p2 .LBB2_30-.Ltmp19, $1  }
0x20a: {  	_ =	sdelay $0x3  }
0x20b: {  	s15 =	simm.s32 $0x10000  }
0x20c: {  	v11 =	vld [tilespmem:s15+$0x180]  }
0x20d: {  	v12 =	vld [tilespmem:s15+$0x190]  }
0x20e: {  	v15 =	vld [tilespmem:s15+$0x1A0]  }
0x20f: {  	v18 =	vld [tilespmem:s15+$0x1B0]  }
0x210: {  	v7 =	vld [tilespmem:s15+$0x1C0]  }
0x211: {  	v8 =	vld [tilespmem:s15+$0x1D0]  }
0x212: {  	v13 =	vld [tilespmem:s15+$0x100]  }
0x213: {  	v14 =	vld [tilespmem:s15+$0x110]  }
0x214: {  	v17 =	vld [tilespmem:s15+$0x120]  }
0x215: {  	v19 =	vld [tilespmem:s15+$0x130]  }
0x216: {  	v9 =	vld [tilespmem:s15+$0x140]  }
0x217: {  	v10 =	vld [tilespmem:s15+$0x150]  }
0x218: {  	v16 =	vld [tilespmem:s15+$0x80]  }
0x219: {  	v20 =	vld [tilespmem:s15+$0x90]  }
0x21a: {  	v21 =	vld [tilespmem:s15+$0x0]  }
0x21b: {  	v22 =	vld [tilespmem:s15+$0x10]  }
0x21c: {  	v23 =	vld [tilespmem:s15+$0x20]  }
0x21d: {  	v24 =	vld [tilespmem:s15+$0x30]  }
0x21e: {  	v25 =	vld [tilespmem:s15+$0xA0]  }
0x21f: {  	v26 =	vld [tilespmem:s15+$0xB0]  }
0x220: {  	v27 =	vimm.f32 $0.0e+00;
	v31 =	vld [tilespmem:s15+$0x50]  }
0x221: {  	v28 =	vld [tilespmem:s15+$0xC0];
	v21 =	vadd.f32 v21, v27;
	v22 =	vadd.f32 v22, v27  }
0x222: {  	v29 =	vld [tilespmem:s15+$0xD0];
	v23 =	vadd.f32 v23, v27;
	v24 =	vadd.f32 v24, v27  }
0x223: {  	v30 =	vld [tilespmem:s15+$0x40];
	v16 =	vadd.f32 v16, v21;
	v20 =	vadd.f32 v20, v22  }
0x224: {  	v21 =	vld [tilespmem:s15+$0x60];
	v22 =	vadd.f32 v25, v23;
	v23 =	vadd.f32 v26, v24  }
0x225: {  	v24 =	vld [tilespmem:s15+$0x70];
	v25 =	vadd.f32 v31, v27;
	v13 =	vadd.f32 v13, v16  }
0x226: {  	v20 =	vadd.f32 v14, v20;
	v16 =	vld [tilespmem:s15+$0xE0];
	v22 =	vadd.f32 v17, v22  }
0x227: {  	v23 =	vadd.f32 v19, v23;
	v19 =	vld [tilespmem:s15+$0xF0];
	v14 =	vadd.f32 v11, v13  }
0x228: {  	v17 =	vld [tilespmem:s15+$0x160];
	v13 =	vadd.f32 v12, v20;
	v12 =	vadd.f32 v15, v22  }
0x229: {  	v11 =	vadd.f32 v18, v23;
	v18 =	vadd.f32 v30, v27;
	v20 =	vld [tilespmem:s15+$0x170]  }
0x22a: {  	v15 =	vld [tilespmem:s15+$0x1E0];
	v21 =	vadd.f32 v21, v27;
	v22 =	vadd.f32 v24, v27  }
0x22b: {  	s2 =	simm.s32 $0x80;
	v24 =	vadd.f32 v29, v25;
	v23 =	vadd.f32 v28, v18;
	v18 =	vld [tilespmem:s15+$0x1F0];
	s15 =	simm.s32 $0x10200  }
.LBB2_28:
0x22c: {  	v25 =	vld [tilespmem:s15+$0x180];
	v16 =	vadd.f32 v16, v21;
	v19 =	vadd.f32 v19, v22  }
0x22d: {  	v21 =	vld [tilespmem:s15+$0x190];
	v9 =	vadd.f32 v9, v23;
	v10 =	vadd.f32 v10, v24  }
0x22e: {  	v22 =	vld [tilespmem:s15+$0x1A0];
	v16 =	vadd.f32 v17, v16;
	v17 =	vadd.f32 v20, v19  }
0x22f: {  	v20 =	vld [tilespmem:s15+$0x1B0];
	v23 =	vadd.f32 v7, v9;
	v24 =	vadd.f32 v8, v10  }
0x230: {  	v7 =	vld [tilespmem:s15+$0x1C0];
	v15 =	vadd.f32 v15, v16;
	v18 =	vadd.f32 v18, v17  }
0x231: {  	v8 =	vld [tilespmem:s15+$0x1D0]  }
0x232: {  	v16 =	vld [tilespmem:s15+$0x100]  }
0x233: {  	v17 =	vld [tilespmem:s15+$0x110]  }
0x234: {  	v19 =	vld [tilespmem:s15+$0x120]  }
0x235: {  	v26 =	vld [tilespmem:s15+$0x130]  }
0x236: {  	v9 =	vld [tilespmem:s15+$0x140]  }
0x237: {  	v10 =	vld [tilespmem:s15+$0x150]  }
0x238: {  	v27 =	vld [tilespmem:s15+$0x80]  }
0x239: {  	v28 =	vld [tilespmem:s15+$0x90]  }
0x23a: {  	v29 =	vld [tilespmem:s15+$0x0]  }
0x23b: {  	v30 =	vld [tilespmem:s15+$0x10]  }
0x23c: {  	v31 =	vld [tilespmem:s15+$0x20]  }
0x23d: {  	v32 =	vld [tilespmem:s15+$0x30]  }
0x23e: {  	v33 =	vld [tilespmem:s15+$0xA0]  }
0x23f: {  	v34 =	vld [tilespmem:s15+$0xB0]  }
0x240: {  	v35 =	vld [tilespmem:s15+$0xC0]  }
0x241: {  	v14 =	vadd.f32 v29, v14;
	v13 =	vadd.f32 v30, v13;
	v29 =	vld [tilespmem:s15+$0xD0]  }
0x242: {  	v12 =	vadd.f32 v31, v12;
	v11 =	vadd.f32 v32, v11;
	v30 =	vld [tilespmem:s15+$0x40]  }
0x243: {  	v14 =	vadd.f32 v27, v14;
	v13 =	vadd.f32 v28, v13;
	v31 =	vld [tilespmem:s15+$0x50]  }
0x244: {  	v12 =	vadd.f32 v33, v12;
	v27 =	vld [tilespmem:s15+$0x60];
	v11 =	vadd.f32 v34, v11  }
0x245: {  	s2 =	sadd.s32 $0x4, s2;
	v14 =	vadd.f32 v16, v14;
	v13 =	vadd.f32 v17, v13;
	v28 =	vld [tilespmem:s15+$0x70]  }
0x246: {  	p2 =	slt.u32 s2, $0xFC;
	v12 =	vadd.f32 v19, v12;
	v16 =	vld [tilespmem:s15+$0xE0];
	v11 =	vadd.f32 v26, v11  }
.Ltmp20:
0x247: {  	v14 =	vadd.f32 v25, v14;
	v13 =	vadd.f32 v21, v13;
	v19 =	vld [tilespmem:s15+$0xF0];
	(pc) =	sbr.rel @p2 .LBB2_28-.Ltmp20, $4  }
0x248: {  	v12 =	vadd.f32 v22, v12;
	v17 =	vld [tilespmem:s15+$0x160];
	v11 =	vadd.f32 v20, v11  }
0x249: {  	v23 =	vadd.f32 v30, v23;
	v24 =	vadd.f32 v31, v24;
	v20 =	vld [tilespmem:s15+$0x170]  }
0x24a: {  	v21 =	vadd.f32 v27, v15;
	v22 =	vadd.f32 v28, v18;
	v15 =	vld [tilespmem:s15+$0x1E0]  }
0x24b: {  	v23 =	vadd.f32 v35, v23;
	v24 =	vadd.f32 v29, v24;
	v18 =	vld [tilespmem:s15+$0x1F0];
	s15 =	sadd.s32 $0x200, s15  }
0x24c: {  	s2 =	sshll.u32 s29, $0x9  }
0x24d: {  	s2 =	sshra.s32 s2, $0x2  }
0x24e: {  	v25 =	vld [tilespmem:s2+$0x18300]  }
0x24f: {  	v26 =	vld [tilespmem:s2+$0x18310]  }
0x250: {  	v27 =	vld [tilespmem:s2+$0x18320]  }
0x251: {  	v16 =	vadd.f32 v16, v21;
	v19 =	vadd.f32 v19, v22;
	v55 =	vld [tilespmem:s2+$0x18330]  }
0x252: {  	v9 =	vadd.f32 v9, v23;
	v10 =	vadd.f32 v10, v24;
	v56 =	vld [tilespmem:s2+$0x18340]  }
0x253: {  	v16 =	vadd.f32 v17, v16;
	v57 =	vld [tilespmem:s2+$0x18350];
	v14 =	vadd.f32 v25, v14  }
0x254: {  	v19 =	vadd.f32 v20, v19;
	v58 =	vld [tilespmem:s2+$0x18360];
	v13 =	vadd.f32 v26, v13  }
0x255: {  	v60 =	vld [tilespmem:s2+$0x18370];
	v7 =	vadd.f32 v7, v9;
	v59 =	vadd.f32 v27, v12;
	[tilespmem:s2+$0x18300] =	vst v14  }
0x256: {  	v8 =	vadd.f32 v8, v10;
	v61 =	vadd.f32 v55, v11;
	[tilespmem:s2+$0x18310] =	vst v13  }
0x257: {  	v62 =	vadd.f32 v15, v16;
	v7 =	vadd.f32 v56, v7;
	[tilespmem:s2+$0x18320] =	vst v59  }
.Ltmp21:
0x258: {  	v63 =	vadd.f32 v18, v19;
	v8 =	vadd.f32 v57, v8;
	[tilespmem:s2+$0x18330] =	vst v61;
	(pc) =	sbr.rel .LBB2_31-.Ltmp21, $4  }
0x259: {  	[tilespmem:s2+$0x18340] =	vst v7;
	v7 =	vadd.f32 v58, v62  }
0x25a: {  	[tilespmem:s2+$0x18350] =	vst v8;
	v8 =	vadd.f32 v60, v63  }
0x25b: {  	[tilespmem:s2+$0x18360] =	vst v7  }
0x25c: {  	[tilespmem:s2+$0x18370] =	vst v8  }
.LBB2_30:
0x25d: {  	s2 =	sld [smem:$0x0];
	s15 =	smul.u32 $0x180, s28  }
0x25e: {  	_ = 	snop  }
0x25f: {  	s15 =	sadd.s32 $0x80, s15  }
0x260: {  	s23 =	sadd.s32 $0x1, s2;
	[smem:s2+$0x1] =	sst s15  }
0x261: {  	[smem:$0x0] =	sst s23  }
.LBB2_31:
0x262: {  	v7 =	vld [tilespmem:$0x18280]  }
0x263: {  	v8 =	vld [tilespmem:$0x182F0];
	_ =	sdelay $0x3  }
0x264: {  	(v2sf) =	vpush v7, $0x0  }
0x265: {  	(v2sf) =	vpush v8, $0xF;
	_ =	sdelay $0xd  }
0x266: {  	s29 =	spop (v2sf)  }
0x267: {  	s2 =	spop (v2sf)  }
0x268: {  	p2 =	sne.s32 s29, s2  }
.Ltmp22:
0x269: {  	_ = 	snop;
	(pc) =	sbr.rel @p2 .LBB2_35-.Ltmp22, $1  }
0x26a: {  	_ =	sdelay $0x3  }
0x26b: {  	s15 =	simm.s32 $0x14000  }
0x26c: {  	v11 =	vld [tilespmem:s15+$0x180]  }
0x26d: {  	v12 =	vld [tilespmem:s15+$0x190]  }
0x26e: {  	v15 =	vld [tilespmem:s15+$0x1A0]  }
0x26f: {  	v18 =	vld [tilespmem:s15+$0x1B0]  }
0x270: {  	v7 =	vld [tilespmem:s15+$0x1C0]  }
0x271: {  	v8 =	vld [tilespmem:s15+$0x1D0]  }
0x272: {  	v13 =	vld [tilespmem:s15+$0x100]  }
0x273: {  	v14 =	vld [tilespmem:s15+$0x110]  }
0x274: {  	v17 =	vld [tilespmem:s15+$0x120]  }
0x275: {  	v19 =	vld [tilespmem:s15+$0x130]  }
0x276: {  	v9 =	vld [tilespmem:s15+$0x140]  }
0x277: {  	v10 =	vld [tilespmem:s15+$0x150]  }
0x278: {  	v16 =	vld [tilespmem:s15+$0x80]  }
0x279: {  	v20 =	vld [tilespmem:s15+$0x90]  }
0x27a: {  	v21 =	vld [tilespmem:s15+$0x0]  }
0x27b: {  	v22 =	vld [tilespmem:s15+$0x10]  }
0x27c: {  	v23 =	vld [tilespmem:s15+$0x20]  }
0x27d: {  	v24 =	vld [tilespmem:s15+$0x30]  }
0x27e: {  	v25 =	vld [tilespmem:s15+$0xA0]  }
0x27f: {  	v26 =	vld [tilespmem:s15+$0xB0]  }
0x280: {  	v27 =	vimm.f32 $0.0e+00;
	v31 =	vld [tilespmem:s15+$0x50]  }
0x281: {  	v28 =	vld [tilespmem:s15+$0xC0];
	v21 =	vadd.f32 v21, v27;
	v22 =	vadd.f32 v22, v27  }
0x282: {  	v29 =	vld [tilespmem:s15+$0xD0];
	v23 =	vadd.f32 v23, v27;
	v24 =	vadd.f32 v24, v27  }
0x283: {  	v30 =	vld [tilespmem:s15+$0x40];
	v16 =	vadd.f32 v16, v21;
	v20 =	vadd.f32 v20, v22  }
0x284: {  	v21 =	vld [tilespmem:s15+$0x60];
	v22 =	vadd.f32 v25, v23;
	v23 =	vadd.f32 v26, v24  }
0x285: {  	v24 =	vld [tilespmem:s15+$0x70];
	v25 =	vadd.f32 v31, v27;
	v13 =	vadd.f32 v13, v16  }
0x286: {  	v20 =	vadd.f32 v14, v20;
	v16 =	vld [tilespmem:s15+$0xE0];
	v22 =	vadd.f32 v17, v22  }
0x287: {  	v23 =	vadd.f32 v19, v23;
	v19 =	vld [tilespmem:s15+$0xF0];
	v14 =	vadd.f32 v11, v13  }
0x288: {  	v17 =	vld [tilespmem:s15+$0x160];
	v13 =	vadd.f32 v12, v20;
	v12 =	vadd.f32 v15, v22  }
0x289: {  	v11 =	vadd.f32 v18, v23;
	v18 =	vadd.f32 v30, v27;
	v20 =	vld [tilespmem:s15+$0x170]  }
0x28a: {  	v15 =	vld [tilespmem:s15+$0x1E0];
	v21 =	vadd.f32 v21, v27;
	v22 =	vadd.f32 v24, v27  }
0x28b: {  	s2 =	simm.s32 $0x100;
	v24 =	vadd.f32 v29, v25;
	v23 =	vadd.f32 v28, v18;
	v18 =	vld [tilespmem:s15+$0x1F0];
	s15 =	simm.s32 $0x14200  }
.LBB2_33:
0x28c: {  	v25 =	vld [tilespmem:s15+$0x180];
	v16 =	vadd.f32 v16, v21;
	v19 =	vadd.f32 v19, v22  }
0x28d: {  	v21 =	vld [tilespmem:s15+$0x190];
	v9 =	vadd.f32 v9, v23;
	v10 =	vadd.f32 v10, v24  }
0x28e: {  	v22 =	vld [tilespmem:s15+$0x1A0];
	v16 =	vadd.f32 v17, v16;
	v17 =	vadd.f32 v20, v19  }
0x28f: {  	v20 =	vld [tilespmem:s15+$0x1B0];
	v23 =	vadd.f32 v7, v9;
	v24 =	vadd.f32 v8, v10  }
0x290: {  	v7 =	vld [tilespmem:s15+$0x1C0];
	v15 =	vadd.f32 v15, v16;
	v18 =	vadd.f32 v18, v17  }
0x291: {  	v8 =	vld [tilespmem:s15+$0x1D0]  }
0x292: {  	v16 =	vld [tilespmem:s15+$0x100]  }
0x293: {  	v17 =	vld [tilespmem:s15+$0x110]  }
0x294: {  	v19 =	vld [tilespmem:s15+$0x120]  }
0x295: {  	v26 =	vld [tilespmem:s15+$0x130]  }
0x296: {  	v9 =	vld [tilespmem:s15+$0x140]  }
0x297: {  	v10 =	vld [tilespmem:s15+$0x150]  }
0x298: {  	v27 =	vld [tilespmem:s15+$0x80]  }
0x299: {  	v28 =	vld [tilespmem:s15+$0x90]  }
0x29a: {  	v29 =	vld [tilespmem:s15+$0x0]  }
0x29b: {  	v30 =	vld [tilespmem:s15+$0x10]  }
0x29c: {  	v31 =	vld [tilespmem:s15+$0x20]  }
0x29d: {  	v32 =	vld [tilespmem:s15+$0x30]  }
0x29e: {  	v33 =	vld [tilespmem:s15+$0xA0]  }
0x29f: {  	v34 =	vld [tilespmem:s15+$0xB0]  }
0x2a0: {  	v35 =	vld [tilespmem:s15+$0xC0]  }
0x2a1: {  	v14 =	vadd.f32 v29, v14;
	v13 =	vadd.f32 v30, v13;
	v29 =	vld [tilespmem:s15+$0xD0]  }
0x2a2: {  	v12 =	vadd.f32 v31, v12;
	v11 =	vadd.f32 v32, v11;
	v30 =	vld [tilespmem:s15+$0x40]  }
0x2a3: {  	v14 =	vadd.f32 v27, v14;
	v13 =	vadd.f32 v28, v13;
	v31 =	vld [tilespmem:s15+$0x50]  }
0x2a4: {  	v12 =	vadd.f32 v33, v12;
	v27 =	vld [tilespmem:s15+$0x60];
	v11 =	vadd.f32 v34, v11  }
0x2a5: {  	s2 =	sadd.s32 $0x4, s2;
	v14 =	vadd.f32 v16, v14;
	v13 =	vadd.f32 v17, v13;
	v28 =	vld [tilespmem:s15+$0x70]  }
0x2a6: {  	p2 =	slt.u32 s2, $0x17C;
	v12 =	vadd.f32 v19, v12;
	v16 =	vld [tilespmem:s15+$0xE0];
	v11 =	vadd.f32 v26, v11  }
.Ltmp23:
0x2a7: {  	v14 =	vadd.f32 v25, v14;
	v13 =	vadd.f32 v21, v13;
	v19 =	vld [tilespmem:s15+$0xF0];
	(pc) =	sbr.rel @p2 .LBB2_33-.Ltmp23, $4  }
0x2a8: {  	v12 =	vadd.f32 v22, v12;
	v17 =	vld [tilespmem:s15+$0x160];
	v11 =	vadd.f32 v20, v11  }
0x2a9: {  	v23 =	vadd.f32 v30, v23;
	v24 =	vadd.f32 v31, v24;
	v20 =	vld [tilespmem:s15+$0x170]  }
0x2aa: {  	v21 =	vadd.f32 v27, v15;
	v22 =	vadd.f32 v28, v18;
	v15 =	vld [tilespmem:s15+$0x1E0]  }
0x2ab: {  	v23 =	vadd.f32 v35, v23;
	v24 =	vadd.f32 v29, v24;
	v18 =	vld [tilespmem:s15+$0x1F0];
	s15 =	sadd.s32 $0x200, s15  }
0x2ac: {  	s2 =	sshll.u32 s29, $0x9  }
0x2ad: {  	s2 =	sshra.s32 s2, $0x2  }
0x2ae: {  	v25 =	vld [tilespmem:s2+$0x18300]  }
0x2af: {  	v26 =	vld [tilespmem:s2+$0x18310]  }
0x2b0: {  	v27 =	vld [tilespmem:s2+$0x18320]  }
0x2b1: {  	v16 =	vadd.f32 v16, v21;
	v19 =	vadd.f32 v19, v22;
	v55 =	vld [tilespmem:s2+$0x18330]  }
0x2b2: {  	v9 =	vadd.f32 v9, v23;
	v10 =	vadd.f32 v10, v24;
	v56 =	vld [tilespmem:s2+$0x18340]  }
0x2b3: {  	v16 =	vadd.f32 v17, v16;
	v57 =	vld [tilespmem:s2+$0x18350];
	v14 =	vadd.f32 v25, v14  }
0x2b4: {  	v19 =	vadd.f32 v20, v19;
	v58 =	vld [tilespmem:s2+$0x18360];
	v13 =	vadd.f32 v26, v13  }
0x2b5: {  	v60 =	vld [tilespmem:s2+$0x18370];
	v7 =	vadd.f32 v7, v9;
	v59 =	vadd.f32 v27, v12;
	[tilespmem:s2+$0x18300] =	vst v14  }
0x2b6: {  	v8 =	vadd.f32 v8, v10;
	v61 =	vadd.f32 v55, v11;
	[tilespmem:s2+$0x18310] =	vst v13  }
0x2b7: {  	v62 =	vadd.f32 v15, v16;
	v7 =	vadd.f32 v56, v7;
	[tilespmem:s2+$0x18320] =	vst v59  }
.Ltmp24:
0x2b8: {  	v63 =	vadd.f32 v18, v19;
	v8 =	vadd.f32 v57, v8;
	[tilespmem:s2+$0x18330] =	vst v61;
	(pc) =	sbr.rel .LBB2_36-.Ltmp24, $4  }
0x2b9: {  	[tilespmem:s2+$0x18340] =	vst v7;
	v7 =	vadd.f32 v58, v62  }
0x2ba: {  	[tilespmem:s2+$0x18350] =	vst v8;
	v8 =	vadd.f32 v60, v63  }
0x2bb: {  	[tilespmem:s2+$0x18360] =	vst v7  }
0x2bc: {  	[tilespmem:s2+$0x18370] =	vst v8  }
.LBB2_37:
0x2bd: {  	s15 =	sld [smem:$0x0];
	_ =	sdelay $0x2  }
0x2be: {  	p2 =	slt.s32 s15, $0x1  }
.Ltmp25:
0x2bf: {  	_ = 	snop;
	(pc) =	sbr.rel @p2 .LBB2_41-.Ltmp25, $1  }
0x2c0: {  	_ =	sdelay $0x3  }
0x2c1: {  	s2 =	sld [smem:$0x1];
	_ =	sdelay $0x2  }
0x2c2: {  	s23 =	sshll.u32 s2, $0x4  }
0x2c3: {  	s23 =	sand.u32 $0xFFFFFF0, s23  }
0x2c4: {  	s23 =	sadd.s32 s0, s23  }
0x2c5: {  	[tilespmem:s5], [sflag:$0x5] =	stream.linear.gather [hbm4b:s23+s5], $0x4000, $0x38;
	[tilespmem:$0x1CD40] =	vst v63  }
0x2c6: {  	s2 =	sshrl.u32 s2, $0x3;
	_ =	swait.ge [sflag:s20], $0x4000  }
0x2c7: {  	s2 =	sand.u32 $0x1FFFFFF0, s2;
	[sflag:s20] =	ssyncset.done $0x0  }
0x2c8: {  	s2 =	sadd.s32 s1, s2;
	[sflag:s20] =	ssyncadd.s32 $0xFFFFC000  }
0x2c9: {  	[tilespmem:s21], [sflag:$0x5] =	stream.linear.gather [hbm4b:s2+s5], $0x80, $0x38;
	[tilespmem:$0x1CD40] =	vst v63  }
0x2ca: {  	p2 =	sne.s32 s15, $0x1;
	_ =	swait.ge [sflag:s20], $0x80  }
.Ltmp26:
0x2cb: {  	[sflag:s20] =	ssyncset.done $0x0;
	(pc) =	sbr.rel @!p2 .LBB2_40-.Ltmp26, $4  }
0x2cc: {  	[sflag:s20] =	ssyncadd.s32 $0xFFFFFF80  }
0x2cd: {  	[spmem:s3] =	stream.indirect.scatter.add.f32 [tilespmem:s5], [sflag:$0x5], $0x80, s21, s22, $0xb8;
	[tilespmem:$0x1CD40] =	vst v63  }
0x2ce: {  	_ =	swait.ge [sflag:s20], $0x4000  }
0x2cf: {  	s15 =	sadd.s32 $0xFFFFFFFF, s15;
	s2 =	simm.s32 $0x1;
	[sflag:s20] =	ssyncset.done $0x0  }
.LBB2_39:
0x2d0: {  	p2 =	sne.s32 s15, $0x1;
	[sflag:s20] =	ssyncadd.s32 $0xFFFFC000;
	s2 =	sadd.s32 $0x1, s2  }
0x2d1: {  	s15 =	sadd.s32 $0xFFFFFFFF, s15;
	s23 =	sld [smem:s2+$0x0];
	_ =	sdelay $0x2  }
0x2d2: {  	s26 =	sshll.u32 s23, $0x4;
	s23 =	sshrl.u32 s23, $0x3  }
0x2d3: {  	s26 =	sand.u32 $0xFFFFFF0, s26;
	s23 =	sand.u32 $0x1FFFFFF0, s23  }
0x2d4: {  	s26 =	sadd.s32 s0, s26  }
0x2d5: {  	[tilespmem:s5], [sflag:$0x5] =	stream.linear.gather [hbm4b:s26+s5], $0x4000, $0x38;
	[tilespmem:$0x1CD40] =	vst v63  }
0x2d6: {  	_ =	swait.ge [sflag:s20], $0x4000  }
0x2d7: {  	[sflag:s20] =	ssyncset.done $0x0  }
0x2d8: {  	s23 =	sadd.s32 s1, s23;
	[sflag:s20] =	ssyncadd.s32 $0xFFFFC000  }
0x2d9: {  	[tilespmem:s21], [sflag:$0x5] =	stream.linear.gather [hbm4b:s23+s5], $0x80, $0x38;
	[tilespmem:$0x1CD40] =	vst v63  }
0x2da: {  	_ =	swait.ge [sflag:s20], $0x80  }
.Ltmp27:
0x2db: {  	[sflag:s20] =	ssyncset.done $0x0;
	(pc) =	sbr.rel @p2 .LBB2_39-.Ltmp27, $4  }
0x2dc: {  	[sflag:s20] =	ssyncadd.s32 $0xFFFFFF80  }
0x2dd: {  	[spmem:s3] =	stream.indirect.scatter.add.f32 [tilespmem:s5], [sflag:$0x5], $0x80, s21, s22, $0xb8;
	[tilespmem:$0x1CD40] =	vst v63  }
0x2de: {  	_ =	swait.ge [sflag:s20], $0x4000  }
0x2df: {  	[sflag:s20] =	ssyncset.done $0x0  }
.Ltmp28:
0x2e0: {  	_ = 	snop;
	(pc) =	sbr.rel .LBB2_40-.Ltmp28, $1  }
0x2e1: {  	_ =	sdelay $0x3  }
.LBB2_42:
0x2e2: {  	_ =	sfence.sel $0x180000  }
0x2e3: {  	[bflag:$0x0] =	sbarrier.arrive $0xFFFF  }
0x2e4: {  	_ =	strace $0x90000047  }
0x2e5: {  	[bflag:$0x2] =	sbarrier.arrive $0xFFFF  }
0x2e6: {  	s0 =	rddreg [dreg:$0x4]  }
0x2e7: {  	s0 =	sadd.s32 @!p0 $0x100000, s0  }
0x2e8: {  	[sflag:s0] =	ssyncadd.tile.s32 @!p0 $0x1;
	_ =	shalt  }
.Lfunc_end2:
_tile_overlayer_lowered:
.L_overlay_start_2:
0x2e9: {  	(tag) =	ssettag $0x2  }
0x2ea: {  	s0 =	rddreg [dreg:$0x0];
	s2 =	stileid.u32  }
0x2eb: {  	s1 =	rddreg [dreg:$0x1];
	p0 =	sne.s32 s2, $0x0  }
0x2ec: {  	s3 =	rddreg [dreg:$0x2];
	[bflag:$0x3] =	sbarrier.arrive $0xFFFF;
	s2 =	simm.s32 @!p0 $0x1C05  }
0x2ed: {  	[timem:s3], [sflag:s2] =	dma.local @!p0 [hbm:s0], s1  }
0x2ee: {  	s0 =	simm.s32 @!p0 $0x5  }
0x2ef: {  	_ =	swait.ge @!p0 [sflag:s0], s1  }
0x2f0: {  	s1 =	ssub.s32 @!p0 $0x0, s1;
	[sflag:s0] =	ssyncset.done @!p0 $0x0  }
0x2f1: {  	[sflag:s0] =	ssyncadd.s32 @!p0 s1  }
0x2f2: {  	[bflag:$0x3] =	sbarrier.arrive $0xFFFF  }
0x2f3: {  	_ =	shalt  }

</sc_bundles>
